<compile_context>
chip_gen: v7x
topology: tpu7x:2x2x1
jax: 0.10.2.dev20260603
libtpu: 0.0.44.dev20260713+nightly
codegen_flags: <defaults>
</compile_context>

<pallas_src>
import dataclasses

import jax
import jax.numpy as jnp
from jax import lax
from jax.experimental import pallas as pl
from jax.experimental.pallas import tpu as pltpu
from jax.experimental.pallas import tpu_sc as plsc

N = 10000
E = 320000
H = 128
HH = H // 2
G = 64
NS = 16
EPT = E // NS
K = 80
NCH = EPT // K
NST = 5
SCH = NCH // NST
AGR = 10240
RPT = AGR // NS
ZB = RPT // K
NB = 5
BR = N // NB
F4 = HH // 16


def _fold_body(wn, bn, we, be, we1, be1, we2, be2, p_ref):
    v1 = jnp.dot(we[...], we1[...], preferred_element_type=jnp.float32)
    c1 = jnp.dot(be[...], we1[...], preferred_element_type=jnp.float32) + be1[...]
    v2 = jnp.dot(we[...], we2[...], preferred_element_type=jnp.float32)
    c2 = jnp.dot(be[...], we2[...], preferred_element_type=jnp.float32) + be2[...]
    z = jnp.zeros((2, H), jnp.float32)
    p_ref[...] = jnp.concatenate(
        [wn[...], v1, c1 + bn[...], bn[...], v2, c2, z], axis=0)


def _fold(wn, bn, we, be, we1, be1, we2, be2):
    return pl.pallas_call(
        _fold_body,
        out_shape=jax.ShapeDtypeStruct((8, H), jnp.float32),
    )(wn, bn, we, be, we1, be1, we2, be2)


_SC_MESH = plsc.VectorSubcoreMesh(core_axis_name="c", subcore_axis_name="s")
_SC_PARAMS = pltpu.CompilerParams()
if "needs_layout_passes" in pltpu.CompilerParams.__dataclass_fields__:
    _SC_PARAMS = dataclasses.replace(_SC_PARAMS, needs_layout_passes=False)
if "use_tc_tiling_on_sc" in pltpu.CompilerParams.__dataclass_fields__:
    _SC_PARAMS = dataclasses.replace(_SC_PARAMS, use_tc_tiling_on_sc=False)


def _zero_init(s, msg_v, aggr_sh):
    def zrow(r):
        for f in range(F4):
            msg_v[r, pl.ds(16 * f, 16)] = jnp.zeros((16,), jnp.float32)
    pl.loop(0, K)(zrow)

    def blk(i):
        pltpu.sync_copy(msg_v, aggr_sh.at[pl.ds(s * RPT + i * K, K), :])
    pl.loop(0, ZB)(blk)


def _copy_out(c, s, aggr_sh, out0, out1):
    @pl.when(c == 0)
    def _():
        pltpu.sync_copy(aggr_sh.at[pl.ds(s * RPT, RPT), :],
                        out0.at[pl.ds(s * RPT, RPT), :])

    @pl.when(c == 1)
    def _():
        pltpu.sync_copy(aggr_sh.at[pl.ds(s * RPT, RPT), :],
                        out1.at[pl.ds(s * RPT, RPT), :])


def _sc1_body(x_hbm, src_hbm, dst_hbm, ea_hbm, p_hbm,
              out0, out1,
              x_v, src_v, dst_v, ea_v, xs_v, msg0_v, msg1_v, w_v,
              aggr_sh, sem0, sem1):
    c = lax.axis_index("c")
    s = lax.axis_index("s")
    pltpu.sync_copy(x_hbm, x_v)
    pltpu.sync_copy(p_hbm, w_v)

    cb = c * HH
    wn = [w_v[0, pl.ds(cb + 16 * f, 16)] for f in range(F4)]
    v1 = [w_v[1, pl.ds(cb + 16 * f, 16)] for f in range(F4)]
    d1 = [w_v[2, pl.ds(cb + 16 * f, 16)] for f in range(F4)]

    _zero_init(s, msg0_v, aggr_sh)
    plsc.subcore_barrier()

    def compute_chunk(ch, mv):
        chv = jnp.full((16,), ch, jnp.int32)
        for j in range(K // 16):
            idx16 = src_v[ch, pl.ds(j * 16, 16)]
            xs_v[pl.ds(j * 16, 16)] = plsc.load_gather(x_v, [idx16])

        def edge(jj):
            jv = jnp.full((16,), jj, jnp.int32)
            xj = plsc.load_gather(xs_v, [jv])
            tj = plsc.load_gather(ea_v, [chv, jv])
            for f in range(F4):
                mv[jj, pl.ds(16 * f, 16)] = jnp.maximum(
                    xj * wn[f] + tj * v1[f] + d1[f], 0.0)
        plsc.parallel_loop(0, K, unroll=2)(edge)

    bufs = ((msg0_v, sem0), (msg1_v, sem1))

    def stage(t):
        pltpu.sync_copy(src_hbm.at[s, t], src_v)
        pltpu.sync_copy(dst_hbm.at[s, t], dst_v)
        pltpu.sync_copy(ea_hbm.at[s, t], ea_v)
        for ch in range(2):
            mv, sem = bufs[ch]
            compute_chunk(ch, mv)
            pltpu.async_copy(mv, aggr_sh.at[dst_v.at[ch]], sem, add=True)

        def body(chb):
            for b in range(2):
                ch = chb + b
                mv, sem = bufs[b]
                pltpu.make_async_copy(
                    mv, aggr_sh.at[dst_v.at[ch]], sem).wait()
                compute_chunk(ch, mv)
                pltpu.async_copy(mv, aggr_sh.at[dst_v.at[ch]], sem, add=True)
        pl.loop(2, SCH, step=2)(body)
        for b in range(2):
            mv, sem = bufs[b]
            pltpu.make_async_copy(mv, aggr_sh.at[dst_v.at[b]], sem).wait()
    pl.loop(0, NST)(stage)

    plsc.subcore_barrier()
    _copy_out(c, s, aggr_sh, out0, out1)


def _sc_layer1(x, src3, dst3, ea3, p):
    kern = pl.kernel(
        _sc1_body,
        out_type=[pltpu.HBM((AGR, HH), jnp.float32),
                  pltpu.HBM((AGR, HH), jnp.float32)],
        mesh=_SC_MESH,
        compiler_params=_SC_PARAMS,
        scratch_types=[
            pltpu.VMEM((N,), jnp.float32),
            pltpu.VMEM((SCH, K), jnp.int32),
            pltpu.VMEM((SCH, K), jnp.int32),
            pltpu.VMEM((SCH, K), jnp.float32),
            pltpu.VMEM((K,), jnp.float32),
            pltpu.VMEM((K, HH), jnp.float32),
            pltpu.VMEM((K, HH), jnp.float32),
            pltpu.VMEM((8, H), jnp.float32),
            pltpu.VMEM_SHARED((AGR, HH), jnp.float32),
            pltpu.SemaphoreType.DMA,
            pltpu.SemaphoreType.DMA,
        ],
    )
    return kern(x, src3, dst3, ea3, p)


def _sc2_body(ha_hbm, hb_hbm, src_hbm, dst_hbm, ea_hbm, p_hbm,
              out0, out1,
              src_v, dst_v, ea_v, rows0_v, rows1_v, msg0_v, msg1_v, w_v,
              aggr_sh, gsem0, gsem1, ssem0, ssem1):
    c = lax.axis_index("c")
    s = lax.axis_index("s")
    pltpu.sync_copy(p_hbm, w_v)

    cb = c * HH
    v2 = [w_v[4, pl.ds(cb + 16 * f, 16)] for f in range(F4)]
    d2 = [w_v[5, pl.ds(cb + 16 * f, 16)] for f in range(F4)]

    _zero_init(s, msg0_v, aggr_sh)
    plsc.subcore_barrier()

    def issue_gather(ch, rv, gsem):
        @pl.when(c == 0)
        def _():
            pltpu.async_copy(ha_hbm.at[src_v.at[ch]], rv, gsem)

        @pl.when(c == 1)
        def _():
            pltpu.async_copy(hb_hbm.at[src_v.at[ch]], rv, gsem)

    def wait_gather(ch, rv, gsem):
        @pl.when(c == 0)
        def _():
            pltpu.make_async_copy(ha_hbm.at[src_v.at[ch]], rv, gsem).wait()

        @pl.when(c == 1)
        def _():
            pltpu.make_async_copy(hb_hbm.at[src_v.at[ch]], rv, gsem).wait()

    def compute_chunk(ch, rv, mv):
        chv = jnp.full((16,), ch, jnp.int32)

        def edge(jj):
            jv = jnp.full((16,), jj, jnp.int32)
            tj = plsc.load_gather(ea_v, [chv, jv])
            for f in range(F4):
                sl = pl.ds(16 * f, 16)
                mv[jj, sl] = jnp.maximum(
                    rv[jj, sl] + tj * v2[f] + d2[f], 0.0)
        plsc.parallel_loop(0, K, unroll=2)(edge)

    bufs = ((rows0_v, msg0_v, gsem0, ssem0), (rows1_v, msg1_v, gsem1, ssem1))

    def stage(t):
        pltpu.sync_copy(src_hbm.at[s, t], src_v)
        pltpu.sync_copy(dst_hbm.at[s, t], dst_v)
        pltpu.sync_copy(ea_hbm.at[s, t], ea_v)
        issue_gather(0, rows0_v, gsem0)
        issue_gather(1, rows1_v, gsem1)
        for ch in range(2):
            rv, mv, gsem, ssem = bufs[ch]
            wait_gather(ch, rv, gsem)
            compute_chunk(ch, rv, mv)
            issue_gather(ch + 2, rv, gsem)
            pltpu.async_copy(mv, aggr_sh.at[dst_v.at[ch]], ssem, add=True)

        def body(chb):
            for b in range(2):
                ch = chb + b
                rv, mv, gsem, ssem = bufs[b]
                wait_gather(ch, rv, gsem)
                pltpu.make_async_copy(
                    mv, aggr_sh.at[dst_v.at[ch]], ssem).wait()
                compute_chunk(ch, rv, mv)

                @pl.when(ch + 2 < SCH)
                def _():
                    issue_gather(ch + 2, rv, gsem)
                pltpu.async_copy(mv, aggr_sh.at[dst_v.at[ch]], ssem, add=True)
        pl.loop(2, SCH, step=2)(body)
        for b in range(2):
            rv, mv, gsem, ssem = bufs[b]
            pltpu.make_async_copy(mv, aggr_sh.at[dst_v.at[b]], ssem).wait()
    pl.loop(0, NST)(stage)

    plsc.subcore_barrier()
    _copy_out(c, s, aggr_sh, out0, out1)


def _sc_layer2(h1a, h1b, src3, dst3, ea3, p):
    kern = pl.kernel(
        _sc2_body,
        out_type=[pltpu.HBM((AGR, HH), jnp.float32),
                  pltpu.HBM((AGR, HH), jnp.float32)],
        mesh=_SC_MESH,
        compiler_params=_SC_PARAMS,
        scratch_types=[
            pltpu.VMEM((SCH, K), jnp.int32),
            pltpu.VMEM((SCH, K), jnp.int32),
            pltpu.VMEM((SCH, K), jnp.float32),
            pltpu.VMEM((K, HH), jnp.float32),
            pltpu.VMEM((K, HH), jnp.float32),
            pltpu.VMEM((K, HH), jnp.float32),
            pltpu.VMEM((K, HH), jnp.float32),
            pltpu.VMEM((8, H), jnp.float32),
            pltpu.VMEM_SHARED((AGR, HH), jnp.float32),
            pltpu.SemaphoreType.DMA,
            pltpu.SemaphoreType.DMA,
            pltpu.SemaphoreType.DMA,
            pltpu.SemaphoreType.DMA,
        ],
    )
    return kern(h1a, h1b, src3, dst3, ea3, p)


def _mlp_body(x2, p0, p1, pw, wa, ba, wb, bb, outa, outb):
    h0 = x2[...] * pw[0:1, :] + pw[3:4, :]
    z = h0 + jnp.concatenate([p0[...], p1[...]], axis=1)
    t = jnp.maximum(
        jnp.dot(z, wa[...], preferred_element_type=jnp.float32) + ba[...], 0.0)
    h1 = jnp.maximum(
        jnp.dot(t, wb[...], preferred_element_type=jnp.float32) + bb[...], 0.0)
    outa[...] = h1[:, :HH]
    outb[...] = h1[:, HH:]


def _mlp(x2, p0, p1, pw, wa, ba, wb, bb):
    full = lambda i: (0, 0)
    return pl.pallas_call(
        _mlp_body,
        grid=(NB,),
        in_specs=[
            pl.BlockSpec((BR, 1), lambda i: (i, 0)),
            pl.BlockSpec((BR, HH), lambda i: (i, 0)),
            pl.BlockSpec((BR, HH), lambda i: (i, 0)),
            pl.BlockSpec((8, H), full),
            pl.BlockSpec((H, H), full),
            pl.BlockSpec((1, H), full),
            pl.BlockSpec((H, H), full),
            pl.BlockSpec((1, H), full),
        ],
        out_specs=[pl.BlockSpec((BR, HH), lambda i: (i, 0)),
                   pl.BlockSpec((BR, HH), lambda i: (i, 0))],
        out_shape=[jax.ShapeDtypeStruct((N, HH), jnp.float32),
                   jax.ShapeDtypeStruct((N, HH), jnp.float32)],
    )(x2, p0, p1, pw, wa, ba, wb, bb)


def _mlp_pool_body(ha, hb, q0, q1, batch, wa, ba, wb, bb, out, sums, cnts):
    i = pl.program_id(0)

    @pl.when(i == 0)
    def _():
        sums[...] = jnp.zeros((G, H), jnp.float32)
        cnts[...] = jnp.zeros((G, H), jnp.float32)

    z = jnp.concatenate([ha[...] + q0[...], hb[...] + q1[...]], axis=1)
    t = jnp.maximum(
        jnp.dot(z, wa[...], preferred_element_type=jnp.float32) + ba[...], 0.0)
    h2 = jnp.maximum(
        jnp.dot(t, wb[...], preferred_element_type=jnp.float32) + bb[...], 0.0)
    brow = batch[0, 0, :]
    oh = (lax.broadcasted_iota(jnp.int32, (G, BR), 0)
          == brow[None, :]).astype(jnp.float32)
    sums[...] += jnp.dot(oh, h2, preferred_element_type=jnp.float32)
    cnts[...] += jnp.dot(oh, jnp.ones((BR, H), jnp.float32),
                         preferred_element_type=jnp.float32)

    @pl.when(i == NB - 1)
    def _():
        out[...] = sums[...] / jnp.maximum(cnts[...], 1.0)


def _mlp_pool(ha, hb, q0, q1, batch3, wa, ba, wb, bb):
    full = lambda i: (0, 0)
    return pl.pallas_call(
        _mlp_pool_body,
        grid=(NB,),
        in_specs=[
            pl.BlockSpec((BR, HH), lambda i: (i, 0)),
            pl.BlockSpec((BR, HH), lambda i: (i, 0)),
            pl.BlockSpec((BR, HH), lambda i: (i, 0)),
            pl.BlockSpec((BR, HH), lambda i: (i, 0)),
            pl.BlockSpec((1, 1, BR), lambda i: (i, 0, 0)),
            pl.BlockSpec((H, H), full),
            pl.BlockSpec((1, H), full),
            pl.BlockSpec((H, H), full),
            pl.BlockSpec((1, H), full),
        ],
        out_specs=pl.BlockSpec((G, H), full),
        out_shape=jax.ShapeDtypeStruct((G, H), jnp.float32),
        scratch_shapes=[
            pltpu.VMEM((G, H), jnp.float32),
            pltpu.VMEM((G, H), jnp.float32),
        ],
    )(ha, hb, q0, q1, batch3, wa, ba, wb, bb)


def kernel(x, edge_index, edge_attr, batch,
           W_node, b_node, W_edge, b_edge,
           W_e1, b_e1, W_m1a, b_m1a, W_m1b, b_m1b,
           W_e2, b_e2, W_m2a, b_m2a, W_m2b, b_m2b):
    x = x.astype(jnp.float32)
    src3 = edge_index[0].astype(jnp.int32).reshape(NS, NST, SCH, K)
    dst3 = edge_index[1].astype(jnp.int32).reshape(NS, NST, SCH, K)
    ea3 = edge_attr.astype(jnp.float32).reshape(NS, NST, SCH, K)
    batch3 = batch.astype(jnp.int32).reshape(NB, 1, BR)

    r = lambda b: b.reshape(1, H)
    p = _fold(W_node, r(b_node), W_edge, r(b_edge),
              W_e1, r(b_e1), W_e2, r(b_e2))
    p0, p1 = _sc_layer1(x, src3, dst3, ea3, p)
    h1a, h1b = _mlp(x.reshape(N, 1), p0, p1, p,
                    W_m1a, r(b_m1a), W_m1b, r(b_m1b))
    q0, q1 = _sc_layer2(h1a, h1b, src3, dst3, ea3, p)
    return _mlp_pool(h1a, h1b, q0, q1, batch3,
                     W_m2a, r(b_m2a), W_m2b, r(b_m2b))

# --- scband reference (transcript-rebuilt; emitter-appended) ---
"""Pipeline reference for scband-rna-feature-extraction-77713138253983 (READ-ONLY COPY).

The authoritative reference and input builder live on the scoring server;
editing this copy changes nothing except your own understanding.
"""

import jax, jax.numpy as jnp
import numpy as np

N = 10000
E = 320000
H = 128
G = 64


def _lin_init(k, fan_in, fan_out):
    return jax.random.normal(k, (fan_in, fan_out), dtype=jnp.float32) * (1.0 / np.sqrt(fan_in))


def setup_inputs(seed: int = 0) -> dict:
    key = jax.random.key(seed)
    ks = jax.random.split(key, 12)
    inp = {}
    inp["x"] = jax.random.normal(ks[0], (N,), dtype=jnp.float32)
    inp["edge_index"] = jax.random.randint(ks[1], (2, E), 0, N, dtype=jnp.int64)
    inp["edge_attr"] = jax.random.normal(ks[2], (E, 1), dtype=jnp.float32)
    inp["batch"] = jnp.sort(jax.random.randint(ks[3], (N,), 0, G, dtype=jnp.int64))
    # node/edge encoders: Linear(1, H)
    inp["W_node"] = _lin_init(ks[4], 1, H); inp["b_node"] = jnp.zeros((H,), jnp.float32)
    inp["W_edge"] = _lin_init(ks[5], 1, H); inp["b_edge"] = jnp.zeros((H,), jnp.float32)
    # GINEConv 1: edge lin (edge_dim=H -> H) + nn1 = Linear(H,H)+ReLU+Linear(H,H)
    inp["W_e1"] = _lin_init(ks[6], H, H); inp["b_e1"] = jnp.zeros((H,), jnp.float32)
    inp["W_m1a"] = _lin_init(ks[7], H, H); inp["b_m1a"] = jnp.zeros((H,), jnp.float32)
    inp["W_m1b"] = _lin_init(ks[8], H, H); inp["b_m1b"] = jnp.zeros((H,), jnp.float32)
    # GINEConv 2
    inp["W_e2"] = _lin_init(ks[9], H, H); inp["b_e2"] = jnp.zeros((H,), jnp.float32)
    inp["W_m2a"] = _lin_init(ks[10], H, H); inp["b_m2a"] = jnp.zeros((H,), jnp.float32)
    inp["W_m2b"] = _lin_init(ks[11], H, H); inp["b_m2b"] = jnp.zeros((H,), jnp.float32)
    return inp


def _gine_conv(h, src, dst, e, W_e, b_e, W_a, b_a, W_b, b_b):
    # message: relu(x_j + lin(edge_attr)); aggregate: sum at dst; update: nn((1+eps)*x_i + aggr), eps=0
    e_proj = e @ W_e + b_e
    m = jax.nn.relu(h[src] + e_proj)
    aggr = jax.ops.segment_sum(m, dst, num_segments=N)
    z = h + aggr
    z = jax.nn.relu(z @ W_a + b_a) @ W_b + b_b
    return z


def reference(x, edge_index, edge_attr, batch,
              W_node, b_node, W_edge, b_edge,
              W_e1, b_e1, W_m1a, b_m1a, W_m1b, b_m1b,
              W_e2, b_e2, W_m2a, b_m2a, W_m2b, b_m2b):
    x = x.astype(jnp.float32).reshape(-1, 1)
    edge_attr = edge_attr.astype(jnp.float32)
    h = x @ W_node + b_node
    e = edge_attr @ W_edge + b_edge
    src = edge_index[0]
    dst = edge_index[1]
    h = jax.nn.relu(_gine_conv(h, src, dst, e, W_e1, b_e1, W_m1a, b_m1a, W_m1b, b_m1b))
    h = jax.nn.relu(_gine_conv(h, src, dst, e, W_e2, b_e2, W_m2a, b_m2a, W_m2b, b_m2b))
    # global_mean_pool
    sums = jax.ops.segment_sum(h, batch, num_segments=G)
    counts = jnp.bincount(batch, length=G).astype(h.dtype)
    return sums / jnp.clip(counts, 1.0)[:, None]

if __name__ == "__main__":
    import jax
    _d = setup_inputs()
    print(jax.jit(kernel)(*tuple(_d.values())))

</pallas_src>

<mosaic_0001>
#map = affine_map<(d0, d1) -> (0, 0)>
#map1 = affine_map<(d0, d1) -> (0, 0, 0, 0)>
module attributes {stable_mosaic.version = 14 : i64} {
  func.func @_sc2_body(%arg0: i32, %arg1: i32, %arg2: memref<10000x64xf32, #tpu.memory_space<hbm>>, %arg3: memref<10000x64xf32, #tpu.memory_space<hbm>>, %arg4: memref<16x5x50x80xi32, #tpu.memory_space<hbm>>, %arg5: memref<16x5x50x80xi32, #tpu.memory_space<hbm>>, %arg6: memref<16x5x50x80xf32, #tpu.memory_space<hbm>>, %arg7: memref<8x128xf32, #tpu.memory_space<hbm>>, %arg8: memref<10240x64xf32, #tpu.memory_space<hbm>>, %arg9: memref<10240x64xf32, #tpu.memory_space<hbm>>, %arg10: memref<50x80xi32, #tpu.memory_space<vmem>>, %arg11: memref<50x80xi32, #tpu.memory_space<vmem>>, %arg12: memref<50x80xf32, #tpu.memory_space<vmem>>, %arg13: memref<80x64xf32, #tpu.memory_space<vmem>>, %arg14: memref<80x64xf32, #tpu.memory_space<vmem>>, %arg15: memref<80x64xf32, #tpu.memory_space<vmem>>, %arg16: memref<80x64xf32, #tpu.memory_space<vmem>>, %arg17: memref<8x128xf32, #tpu.memory_space<vmem>>, %arg18: memref<10240x64xf32, #tpu.memory_space<vmem_shared>>, %arg19: memref<!tpu.dma_semaphore, #tpu.memory_space<semaphore_mem>>, %arg20: memref<!tpu.dma_semaphore, #tpu.memory_space<semaphore_mem>>, %arg21: memref<!tpu.dma_semaphore, #tpu.memory_space<semaphore_mem>>, %arg22: memref<!tpu.dma_semaphore, #tpu.memory_space<semaphore_mem>>) attributes {dimension_semantics = [#tpu.dimension_semantics<core_parallel>, #tpu.dimension_semantics<subcore_parallel>], iteration_bounds = array<i64: 2, 16>, scalar_prefetch = 0 : i64, scratch_operands = 13 : i64, tpu.core_type = #tpu.core_type<sc_vector_subcore>, window_params = [{transform_indices = #map}, {transform_indices = #map}, {transform_indices = #map1}, {transform_indices = #map1}, {transform_indices = #map1}, {transform_indices = #map}, {transform_indices = #map}, {transform_indices = #map}]} {
    "tpu.region"() ({
      %run_scoped3A = tpu.sem_alloc : memref<!tpu.dma_semaphore, #tpu.memory_space<semaphore_mem>>
      tpu.enqueue_dma source(%arg7 : memref<8x128xf32, #tpu.memory_space<hbm>>) target(%arg17 : memref<8x128xf32, #tpu.memory_space<vmem>>) target_semaphore(%run_scoped3A : memref<!tpu.dma_semaphore, #tpu.memory_space<semaphore_mem>>)
      tpu.wait_dma2 semaphore(%run_scoped3A : memref<!tpu.dma_semaphore, #tpu.memory_space<semaphore_mem>>) src(%arg7 : memref<8x128xf32, #tpu.memory_space<hbm>>) dst(%arg17 : memref<8x128xf32, #tpu.memory_space<vmem>>)
      tpu.yield
    }) : () -> ()
    %mul3A = arith.constant 64 : i32
    %mul3A_0 = arith.muli %arg0, %mul3A : i32
    %add3A = arith.constant 0 : i32
    %add3A_1 = arith.addi %mul3A_0, %add3A : i32
    %get3A = arith.constant 4 : i32
    %get3A_2 = arith.index_cast %get3A : i32 to index
    %get3A_3 = arith.index_cast %add3A_1 : i32 to index
    %get3A_4 = tpu.vector_load %arg17[%get3A_2, %get3A_3] {strides = array<i32>} : memref<8x128xf32, #tpu.memory_space<vmem>>, vector<16xf32>,
    %add3A_5 = arith.constant 16 : i32
    %add3A_6 = arith.addi %mul3A_0, %add3A_5 : i32
    %get3A_7 = arith.constant 4 : i32
    %get3A_8 = arith.index_cast %get3A_7 : i32 to index
    %get3A_9 = arith.index_cast %add3A_6 : i32 to index
    %get3A_10 = tpu.vector_load %arg17[%get3A_8, %get3A_9] {strides = array<i32>} : memref<8x128xf32, #tpu.memory_space<vmem>>, vector<16xf32>,
    %add3A_11 = arith.constant 32 : i32
    %add3A_12 = arith.addi %mul3A_0, %add3A_11 : i32
    %get3A_13 = arith.constant 4 : i32
    %get3A_14 = arith.index_cast %get3A_13 : i32 to index
    %get3A_15 = arith.index_cast %add3A_12 : i32 to index
    %get3A_16 = tpu.vector_load %arg17[%get3A_14, %get3A_15] {strides = array<i32>} : memref<8x128xf32, #tpu.memory_space<vmem>>, vector<16xf32>,
    %add3A_17 = arith.constant 48 : i32
    %add3A_18 = arith.addi %mul3A_0, %add3A_17 : i32
    %get3A_19 = arith.constant 4 : i32
    %get3A_20 = arith.index_cast %get3A_19 : i32 to index
    %get3A_21 = arith.index_cast %add3A_18 : i32 to index
    %get3A_22 = tpu.vector_load %arg17[%get3A_20, %get3A_21] {strides = array<i32>} : memref<8x128xf32, #tpu.memory_space<vmem>>, vector<16xf32>,
    %add3A_23 = arith.constant 0 : i32
    %add3A_24 = arith.addi %mul3A_0, %add3A_23 : i32
    %get3A_25 = arith.constant 5 : i32
    %get3A_26 = arith.index_cast %get3A_25 : i32 to index
    %get3A_27 = arith.index_cast %add3A_24 : i32 to index
    %get3A_28 = tpu.vector_load %arg17[%get3A_26, %get3A_27] {strides = array<i32>} : memref<8x128xf32, #tpu.memory_space<vmem>>, vector<16xf32>,
    %add3A_29 = arith.constant 16 : i32
    %add3A_30 = arith.addi %mul3A_0, %add3A_29 : i32
    %get3A_31 = arith.constant 5 : i32
    %get3A_32 = arith.index_cast %get3A_31 : i32 to index
    %get3A_33 = arith.index_cast %add3A_30 : i32 to index
    %get3A_34 = tpu.vector_load %arg17[%get3A_32, %get3A_33] {strides = array<i32>} : memref<8x128xf32, #tpu.memory_space<vmem>>, vector<16xf32>,
    %add3A_35 = arith.constant 32 : i32
    %add3A_36 = arith.addi %mul3A_0, %add3A_35 : i32
    %get3A_37 = arith.constant 5 : i32
    %get3A_38 = arith.index_cast %get3A_37 : i32 to index
    %get3A_39 = arith.index_cast %add3A_36 : i32 to index
    %get3A_40 = tpu.vector_load %arg17[%get3A_38, %get3A_39] {strides = array<i32>} : memref<8x128xf32, #tpu.memory_space<vmem>>, vector<16xf32>,
    %add3A_41 = arith.constant 48 : i32
    %add3A_42 = arith.addi %mul3A_0, %add3A_41 : i32
    %get3A_43 = arith.constant 5 : i32
    %get3A_44 = arith.index_cast %get3A_43 : i32 to index
    %get3A_45 = arith.index_cast %add3A_42 : i32 to index
    %get3A_46 = tpu.vector_load %arg17[%get3A_44, %get3A_45] {strides = array<i32>} : memref<8x128xf32, #tpu.memory_space<vmem>>, vector<16xf32>,
    %scan3A = arith.constant 0 : i32
    %scan3A_47 = arith.constant 80 : i32
    %scan3A_48 = arith.addi %scan3A, %scan3A_47 : i32
    %scan3A_49 = arith.constant 1 : i32
    scf.for %scan3A_69 = %scan3A to %scan3A_48 step %scan3A_49  : i32 {
      %mul3A_70 = arith.constant 1 : i32
      %mul3A_71 = arith.muli %scan3A_69, %mul3A_70 : i32
      %add3A_72 = arith.constant 0 : i32
      %add3A_73 = arith.addi %add3A_72, %mul3A_71 : i32
      %broadcast_in_dim3A = arith.constant 0.000000e+00 : f32
      %broadcast_in_dim3A_74 = vector.broadcast %broadcast_in_dim3A : f32 to vector<16xf32>
      %swap3A = arith.index_cast %add3A_73 : i32 to index
      %swap3A_75 = arith.constant 0 : index
      %swap3A_76 = tpu.vector_load %arg15[%swap3A, %swap3A_75] {strides = array<i32>} : memref<80x64xf32, #tpu.memory_space<vmem>>, vector<16xf32>,
      tpu.vector_store %arg15[%swap3A, %swap3A_75], %broadcast_in_dim3A_74 {strides = array<i32>} : memref<80x64xf32, #tpu.memory_space<vmem>>, vector<16xf32>,
      %broadcast_in_dim3A_77 = arith.constant 0.000000e+00 : f32
      %broadcast_in_dim3A_78 = vector.broadcast %broadcast_in_dim3A_77 : f32 to vector<16xf32>
      %swap3A_79 = arith.index_cast %add3A_73 : i32 to index
      %swap3A_80 = arith.constant 16 : index
      %swap3A_81 = tpu.vector_load %arg15[%swap3A_79, %swap3A_80] {strides = array<i32>} : memref<80x64xf32, #tpu.memory_space<vmem>>, vector<16xf32>,
      tpu.vector_store %arg15[%swap3A_79, %swap3A_80], %broadcast_in_dim3A_78 {strides = array<i32>} : memref<80x64xf32, #tpu.memory_space<vmem>>, vector<16xf32>,
      %broadcast_in_dim3A_82 = arith.constant 0.000000e+00 : f32
      %broadcast_in_dim3A_83 = vector.broadcast %broadcast_in_dim3A_82 : f32 to vector<16xf32>
      %swap3A_84 = arith.index_cast %add3A_73 : i32 to index
      %swap3A_85 = arith.constant 32 : index
      %swap3A_86 = tpu.vector_load %arg15[%swap3A_84, %swap3A_85] {strides = array<i32>} : memref<80x64xf32, #tpu.memory_space<vmem>>, vector<16xf32>,
      tpu.vector_store %arg15[%swap3A_84, %swap3A_85], %broadcast_in_dim3A_83 {strides = array<i32>} : memref<80x64xf32, #tpu.memory_space<vmem>>, vector<16xf32>,
      %broadcast_in_dim3A_87 = arith.constant 0.000000e+00 : f32
      %broadcast_in_dim3A_88 = vector.broadcast %broadcast_in_dim3A_87 : f32 to vector<16xf32>
      %swap3A_89 = arith.index_cast %add3A_73 : i32 to index
      %swap3A_90 = arith.constant 48 : index
      %swap3A_91 = tpu.vector_load %arg15[%swap3A_89, %swap3A_90] {strides = array<i32>} : memref<80x64xf32, #tpu.memory_space<vmem>>, vector<16xf32>,
      tpu.vector_store %arg15[%swap3A_89, %swap3A_90], %broadcast_in_dim3A_88 {strides = array<i32>} : memref<80x64xf32, #tpu.memory_space<vmem>>, vector<16xf32>,
    }
    %scan3A_50 = arith.constant 80 : i32
    %scan3A_51 = arith.constant 0 : i32
    %scan3A_52 = arith.constant 8 : i32
    %scan3A_53 = arith.addi %scan3A_51, %scan3A_52 : i32
    %scan3A_54 = arith.constant 1 : i32
    scf.for %scan3A_69 = %scan3A_51 to %scan3A_53 step %scan3A_54  : i32 {
      %mul3A_70 = arith.constant 1 : i32
      %mul3A_71 = arith.muli %scan3A_69, %mul3A_70 : i32
      %add3A_72 = arith.constant 0 : i32
      %add3A_73 = arith.addi %add3A_72, %mul3A_71 : i32
      %mul3A_74 = arith.constant 640 : i32
      %mul3A_75 = arith.muli %arg1, %mul3A_74 : i32
      %mul3A_76 = arith.constant 80 : i32
      %mul3A_77 = arith.muli %add3A_73, %mul3A_76 : i32
      %add3A_78 = arith.addi %mul3A_75, %mul3A_77 : i32
      "tpu.region"() ({
        %run_scoped3A = tpu.sem_alloc : memref<!tpu.dma_semaphore, #tpu.memory_space<semaphore_mem>>
        %dma_start3A = arith.constant 0 : i32
        %dma_start3A_79 = tpu.memref_slice %arg18[%add3A_78, %dma_start3A] : memref<10240x64xf32, #tpu.memory_space<vmem_shared>> -> memref<80x64xf32, #tpu.memory_space<vmem_shared>>
        %dma_start3A_80 = arith.constant 0 : i32
        %dma_start3A_81 = tpu.memref_slice %arg18[%add3A_78, %dma_start3A_80] : memref<10240x64xf32, #tpu.memory_space<vmem_shared>> -> memref<80x64xf32, #tpu.memory_space<vmem_shared>>
        tpu.enqueue_dma source(%arg15 : memref<80x64xf32, #tpu.memory_space<vmem>>) target(%dma_start3A_81 : memref<80x64xf32, #tpu.memory_space<vmem_shared>>) target_semaphore(%run_scoped3A : memref<!tpu.dma_semaphore, #tpu.memory_space<semaphore_mem>>)
        %dma_wait3A = arith.constant 0 : i32
        %dma_wait3A_82 = tpu.memref_slice %arg18[%add3A_78, %dma_wait3A] : memref<10240x64xf32, #tpu.memory_space<vmem_shared>> -> memref<80x64xf32, #tpu.memory_space<vmem_shared>>
        %dma_wait3A_83 = arith.constant 0 : i32
        %dma_wait3A_84 = tpu.memref_slice %arg18[%add3A_78, %dma_wait3A_83] : memref<10240x64xf32, #tpu.memory_space<vmem_shared>> -> memref<80x64xf32, #tpu.memory_space<vmem_shared>>
        tpu.wait_dma2 semaphore(%run_scoped3A : memref<!tpu.dma_semaphore, #tpu.memory_space<semaphore_mem>>) src(%arg15 : memref<80x64xf32, #tpu.memory_space<vmem>>) dst(%dma_wait3A_84 : memref<80x64xf32, #tpu.memory_space<vmem_shared>>)
        tpu.yield
      }) : () -> ()
    }
    %scan3A_55 = arith.constant 8 : i32
    %barrier3A = arith.constant 0 : index
    tpu.barrier barrier_id(%barrier3A)
    %scan3A_56 = arith.constant 0 : i32
    %scan3A_57 = arith.constant 5 : i32
    %scan3A_58 = arith.addi %scan3A_56, %scan3A_57 : i32
    %scan3A_59 = arith.constant 1 : i32
    scf.for %scan3A_69 = %scan3A_56 to %scan3A_58 step %scan3A_59  : i32 {
      %mul3A_70 = arith.constant 1 : i32
      %mul3A_71 = arith.muli %scan3A_69, %mul3A_70 : i32
      %add3A_72 = arith.constant 0 : i32
      %add3A_73 = arith.addi %add3A_72, %mul3A_71 : i32
      "tpu.region"() ({
        %run_scoped3A = tpu.sem_alloc : memref<!tpu.dma_semaphore, #tpu.memory_space<semaphore_mem>>
        %dma_start3A_173 = arith.constant 0 : i32
        %dma_start3A_174 = arith.constant 0 : i32
        %dma_start3A_175 = tpu.memref_slice %arg4[%arg1, %add3A_73, %dma_start3A_173, %dma_start3A_174] : memref<16x5x50x80xi32, #tpu.memory_space<hbm>> -> memref<1x1x50x80xi32, #tpu.memory_space<hbm>>
        %dma_start3A_176 = tpu.memref_squeeze %dma_start3A_175 : memref<1x1x50x80xi32, #tpu.memory_space<hbm>> -> memref<50x80xi32, #tpu.memory_space<hbm>>
        %dma_start3A_177 = arith.constant 0 : i32
        %dma_start3A_178 = arith.constant 0 : i32
        %dma_start3A_179 = tpu.memref_slice %arg4[%arg1, %add3A_73, %dma_start3A_177, %dma_start3A_178] : memref<16x5x50x80xi32, #tpu.memory_space<hbm>> -> memref<1x1x50x80xi32, #tpu.memory_space<hbm>>
        %dma_start3A_180 = tpu.memref_squeeze %dma_start3A_179 : memref<1x1x50x80xi32, #tpu.memory_space<hbm>> -> memref<50x80xi32, #tpu.memory_space<hbm>>
        tpu.enqueue_dma source(%dma_start3A_180 : memref<50x80xi32, #tpu.memory_space<hbm>>) target(%arg10 : memref<50x80xi32, #tpu.memory_space<vmem>>) target_semaphore(%run_scoped3A : memref<!tpu.dma_semaphore, #tpu.memory_space<semaphore_mem>>)
        %dma_wait3A_181 = arith.constant 0 : i32
        %dma_wait3A_182 = arith.constant 0 : i32
        %dma_wait3A_183 = tpu.memref_slice %arg4[%arg1, %add3A_73, %dma_wait3A_181, %dma_wait3A_182] : memref<16x5x50x80xi32, #tpu.memory_space<hbm>> -> memref<1x1x50x80xi32, #tpu.memory_space<hbm>>
        %dma_wait3A_184 = tpu.memref_squeeze %dma_wait3A_183 : memref<1x1x50x80xi32, #tpu.memory_space<hbm>> -> memref<50x80xi32, #tpu.memory_space<hbm>>
        %dma_wait3A_185 = arith.constant 0 : i32
        %dma_wait3A_186 = arith.constant 0 : i32
        %dma_wait3A_187 = tpu.memref_slice %arg4[%arg1, %add3A_73, %dma_wait3A_185, %dma_wait3A_186] : memref<16x5x50x80xi32, #tpu.memory_space<hbm>> -> memref<1x1x50x80xi32, #tpu.memory_space<hbm>>
        %dma_wait3A_188 = tpu.memref_squeeze %dma_wait3A_187 : memref<1x1x50x80xi32, #tpu.memory_space<hbm>> -> memref<50x80xi32, #tpu.memory_space<hbm>>
        tpu.wait_dma2 semaphore(%run_scoped3A : memref<!tpu.dma_semaphore, #tpu.memory_space<semaphore_mem>>) src(%dma_wait3A_188 : memref<50x80xi32, #tpu.memory_space<hbm>>) dst(%arg10 : memref<50x80xi32, #tpu.memory_space<vmem>>)
        tpu.yield
      }) : () -> ()
      "tpu.region"() ({
        %run_scoped3A = tpu.sem_alloc : memref<!tpu.dma_semaphore, #tpu.memory_space<semaphore_mem>>
        %dma_start3A_173 = arith.constant 0 : i32
        %dma_start3A_174 = arith.constant 0 : i32
        %dma_start3A_175 = tpu.memref_slice %arg5[%arg1, %add3A_73, %dma_start3A_173, %dma_start3A_174] : memref<16x5x50x80xi32, #tpu.memory_space<hbm>> -> memref<1x1x50x80xi32, #tpu.memory_space<hbm>>
        %dma_start3A_176 = tpu.memref_squeeze %dma_start3A_175 : memref<1x1x50x80xi32, #tpu.memory_space<hbm>> -> memref<50x80xi32, #tpu.memory_space<hbm>>
        %dma_start3A_177 = arith.constant 0 : i32
        %dma_start3A_178 = arith.constant 0 : i32
        %dma_start3A_179 = tpu.memref_slice %arg5[%arg1, %add3A_73, %dma_start3A_177, %dma_start3A_178] : memref<16x5x50x80xi32, #tpu.memory_space<hbm>> -> memref<1x1x50x80xi32, #tpu.memory_space<hbm>>
        %dma_start3A_180 = tpu.memref_squeeze %dma_start3A_179 : memref<1x1x50x80xi32, #tpu.memory_space<hbm>> -> memref<50x80xi32, #tpu.memory_space<hbm>>
        tpu.enqueue_dma source(%dma_start3A_180 : memref<50x80xi32, #tpu.memory_space<hbm>>) target(%arg11 : memref<50x80xi32, #tpu.memory_space<vmem>>) target_semaphore(%run_scoped3A : memref<!tpu.dma_semaphore, #tpu.memory_space<semaphore_mem>>)
        %dma_wait3A_181 = arith.constant 0 : i32
        %dma_wait3A_182 = arith.constant 0 : i32
        %dma_wait3A_183 = tpu.memref_slice %arg5[%arg1, %add3A_73, %dma_wait3A_181, %dma_wait3A_182] : memref<16x5x50x80xi32, #tpu.memory_space<hbm>> -> memref<1x1x50x80xi32, #tpu.memory_space<hbm>>
        %dma_wait3A_184 = tpu.memref_squeeze %dma_wait3A_183 : memref<1x1x50x80xi32, #tpu.memory_space<hbm>> -> memref<50x80xi32, #tpu.memory_space<hbm>>
        %dma_wait3A_185 = arith.constant 0 : i32
        %dma_wait3A_186 = arith.constant 0 : i32
        %dma_wait3A_187 = tpu.memref_slice %arg5[%arg1, %add3A_73, %dma_wait3A_185, %dma_wait3A_186] : memref<16x5x50x80xi32, #tpu.memory_space<hbm>> -> memref<1x1x50x80xi32, #tpu.memory_space<hbm>>
        %dma_wait3A_188 = tpu.memref_squeeze %dma_wait3A_187 : memref<1x1x50x80xi32, #tpu.memory_space<hbm>> -> memref<50x80xi32, #tpu.memory_space<hbm>>
        tpu.wait_dma2 semaphore(%run_scoped3A : memref<!tpu.dma_semaphore, #tpu.memory_space<semaphore_mem>>) src(%dma_wait3A_188 : memref<50x80xi32, #tpu.memory_space<hbm>>) dst(%arg11 : memref<50x80xi32, #tpu.memory_space<vmem>>)
        tpu.yield
      }) : () -> ()
      "tpu.region"() ({
        %run_scoped3A = tpu.sem_alloc : memref<!tpu.dma_semaphore, #tpu.memory_space<semaphore_mem>>
        %dma_start3A_173 = arith.constant 0 : i32
        %dma_start3A_174 = arith.constant 0 : i32
        %dma_start3A_175 = tpu.memref_slice %arg6[%arg1, %add3A_73, %dma_start3A_173, %dma_start3A_174] : memref<16x5x50x80xf32, #tpu.memory_space<hbm>> -> memref<1x1x50x80xf32, #tpu.memory_space<hbm>>
        %dma_start3A_176 = tpu.memref_squeeze %dma_start3A_175 : memref<1x1x50x80xf32, #tpu.memory_space<hbm>> -> memref<50x80xf32, #tpu.memory_space<hbm>>
        %dma_start3A_177 = arith.constant 0 : i32
        %dma_start3A_178 = arith.constant 0 : i32
        %dma_start3A_179 = tpu.memref_slice %arg6[%arg1, %add3A_73, %dma_start3A_177, %dma_start3A_178] : memref<16x5x50x80xf32, #tpu.memory_space<hbm>> -> memref<1x1x50x80xf32, #tpu.memory_space<hbm>>
        %dma_start3A_180 = tpu.memref_squeeze %dma_start3A_179 : memref<1x1x50x80xf32, #tpu.memory_space<hbm>> -> memref<50x80xf32, #tpu.memory_space<hbm>>
        tpu.enqueue_dma source(%dma_start3A_180 : memref<50x80xf32, #tpu.memory_space<hbm>>) target(%arg12 : memref<50x80xf32, #tpu.memory_space<vmem>>) target_semaphore(%run_scoped3A : memref<!tpu.dma_semaphore, #tpu.memory_space<semaphore_mem>>)
        %dma_wait3A_181 = arith.constant 0 : i32
        %dma_wait3A_182 = arith.constant 0 : i32
        %dma_wait3A_183 = tpu.memref_slice %arg6[%arg1, %add3A_73, %dma_wait3A_181, %dma_wait3A_182] : memref<16x5x50x80xf32, #tpu.memory_space<hbm>> -> memref<1x1x50x80xf32, #tpu.memory_space<hbm>>
        %dma_wait3A_184 = tpu.memref_squeeze %dma_wait3A_183 : memref<1x1x50x80xf32, #tpu.memory_space<hbm>> -> memref<50x80xf32, #tpu.memory_space<hbm>>
        %dma_wait3A_185 = arith.constant 0 : i32
        %dma_wait3A_186 = arith.constant 0 : i32
        %dma_wait3A_187 = tpu.memref_slice %arg6[%arg1, %add3A_73, %dma_wait3A_185, %dma_wait3A_186] : memref<16x5x50x80xf32, #tpu.memory_space<hbm>> -> memref<1x1x50x80xf32, #tpu.memory_space<hbm>>
        %dma_wait3A_188 = tpu.memref_squeeze %dma_wait3A_187 : memref<1x1x50x80xf32, #tpu.memory_space<hbm>> -> memref<50x80xf32, #tpu.memory_space<hbm>>
        tpu.wait_dma2 semaphore(%run_scoped3A : memref<!tpu.dma_semaphore, #tpu.memory_space<semaphore_mem>>) src(%dma_wait3A_188 : memref<50x80xf32, #tpu.memory_space<hbm>>) dst(%arg12 : memref<50x80xf32, #tpu.memory_space<vmem>>)
        tpu.yield
      }) : () -> ()
      %eq3A_74 = arith.constant 0 : i32
      %eq3A_75 = arith.cmpi eq, %arg0, %eq3A_74 : i32
      %convert_element_type3A_76 = arith.extui %eq3A_75 : i1 to i32
      %cond3A_77 = arith.constant 0 : i32
      %cond3A_78 = arith.cmpi ne, %convert_element_type3A_76, %cond3A_77 : i32
      scf.if %cond3A_78 {
        %dma_start3A_173 = arith.constant 0 : i32
        %dma_start3A_174 = arith.constant 0 : i32
        %dma_start3A_175 = tpu.memref_slice %arg10[%dma_start3A_173, %dma_start3A_174] : memref<50x80xi32, #tpu.memory_space<vmem>> -> memref<1x80xi32, #tpu.memory_space<vmem>>
        %dma_start3A_176 = tpu.memref_squeeze %dma_start3A_175 : memref<1x80xi32, #tpu.memory_space<vmem>> -> memref<80xi32, #tpu.memory_space<vmem>>
        %dma_start3A_177 = arith.constant 0 : i32
        %dma_start3A_178 = arith.constant 0 : i32
        %dma_start3A_179 = tpu.memref_slice %arg2[%dma_start3A_177, %dma_start3A_178] : memref<10000x64xf32, #tpu.memory_space<hbm>> -> memref<10000x64xf32, #tpu.memory_space<hbm>>
        tpu.enqueue_indirect_dma source(%dma_start3A_179 : memref<10000x64xf32, #tpu.memory_space<hbm>>) target(%arg13 : memref<80x64xf32, #tpu.memory_space<vmem>>) offsets(%dma_start3A_176 : memref<80xi32, #tpu.memory_space<vmem>>) semaphore(%arg19 : memref<!tpu.dma_semaphore, #tpu.memory_space<semaphore_mem>>)
      } else {
      }
      %eq3A_79 = arith.constant 1 : i32
      %eq3A_80 = arith.cmpi eq, %arg0, %eq3A_79 : i32
      %convert_element_type3A_81 = arith.extui %eq3A_80 : i1 to i32
      %cond3A_82 = arith.constant 0 : i32
      %cond3A_83 = arith.cmpi ne, %convert_element_type3A_81, %cond3A_82 : i32
      scf.if %cond3A_83 {
        %dma_start3A_173 = arith.constant 0 : i32
        %dma_start3A_174 = arith.constant 0 : i32
        %dma_start3A_175 = tpu.memref_slice %arg10[%dma_start3A_173, %dma_start3A_174] : memref<50x80xi32, #tpu.memory_space<vmem>> -> memref<1x80xi32, #tpu.memory_space<vmem>>
        %dma_start3A_176 = tpu.memref_squeeze %dma_start3A_175 : memref<1x80xi32, #tpu.memory_space<vmem>> -> memref<80xi32, #tpu.memory_space<vmem>>
        %dma_start3A_177 = arith.constant 0 : i32
        %dma_start3A_178 = arith.constant 0 : i32
        %dma_start3A_179 = tpu.memref_slice %arg3[%dma_start3A_177, %dma_start3A_178] : memref<10000x64xf32, #tpu.memory_space<hbm>> -> memref<10000x64xf32, #tpu.memory_space<hbm>>
        tpu.enqueue_indirect_dma source(%dma_start3A_179 : memref<10000x64xf32, #tpu.memory_space<hbm>>) target(%arg13 : memref<80x64xf32, #tpu.memory_space<vmem>>) offsets(%dma_start3A_176 : memref<80xi32, #tpu.memory_space<vmem>>) semaphore(%arg19 : memref<!tpu.dma_semaphore, #tpu.memory_space<semaphore_mem>>)
      } else {
      }
      %eq3A_84 = arith.constant 0 : i32
      %eq3A_85 = arith.cmpi eq, %arg0, %eq3A_84 : i32
      %convert_element_type3A_86 = arith.extui %eq3A_85 : i1 to i32
      %cond3A_87 = arith.constant 0 : i32
      %cond3A_88 = arith.cmpi ne, %convert_element_type3A_86, %cond3A_87 : i32
      scf.if %cond3A_88 {
        %dma_start3A_173 = arith.constant 1 : i32
        %dma_start3A_174 = arith.constant 0 : i32
        %dma_start3A_175 = tpu.memref_slice %arg10[%dma_start3A_173, %dma_start3A_174] : memref<50x80xi32, #tpu.memory_space<vmem>> -> memref<1x80xi32, #tpu.memory_space<vmem>>
        %dma_start3A_176 = tpu.memref_squeeze %dma_start3A_175 : memref<1x80xi32, #tpu.memory_space<vmem>> -> memref<80xi32, #tpu.memory_space<vmem>>
        %dma_start3A_177 = arith.constant 0 : i32
        %dma_start3A_178 = arith.constant 0 : i32
        %dma_start3A_179 = tpu.memref_slice %arg2[%dma_start3A_177, %dma_start3A_178] : memref<10000x64xf32, #tpu.memory_space<hbm>> -> memref<10000x64xf32, #tpu.memory_space<hbm>>
        tpu.enqueue_indirect_dma source(%dma_start3A_179 : memref<10000x64xf32, #tpu.memory_space<hbm>>) target(%arg14 : memref<80x64xf32, #tpu.memory_space<vmem>>) offsets(%dma_start3A_176 : memref<80xi32, #tpu.memory_space<vmem>>) semaphore(%arg20 : memref<!tpu.dma_semaphore, #tpu.memory_space<semaphore_mem>>)
      } else {
      }
      %eq3A_89 = arith.constant 1 : i32
      %eq3A_90 = arith.cmpi eq, %arg0, %eq3A_89 : i32
      %convert_element_type3A_91 = arith.extui %eq3A_90 : i1 to i32
      %cond3A_92 = arith.constant 0 : i32
      %cond3A_93 = arith.cmpi ne, %convert_element_type3A_91, %cond3A_92 : i32
      scf.if %cond3A_93 {
        %dma_start3A_173 = arith.constant 1 : i32
        %dma_start3A_174 = arith.constant 0 : i32
        %dma_start3A_175 = tpu.memref_slice %arg10[%dma_start3A_173, %dma_start3A_174] : memref<50x80xi32, #tpu.memory_space<vmem>> -> memref<1x80xi32, #tpu.memory_space<vmem>>
        %dma_start3A_176 = tpu.memref_squeeze %dma_start3A_175 : memref<1x80xi32, #tpu.memory_space<vmem>> -> memref<80xi32, #tpu.memory_space<vmem>>
        %dma_start3A_177 = arith.constant 0 : i32
        %dma_start3A_178 = arith.constant 0 : i32
        %dma_start3A_179 = tpu.memref_slice %arg3[%dma_start3A_177, %dma_start3A_178] : memref<10000x64xf32, #tpu.memory_space<hbm>> -> memref<10000x64xf32, #tpu.memory_space<hbm>>
        tpu.enqueue_indirect_dma source(%dma_start3A_179 : memref<10000x64xf32, #tpu.memory_space<hbm>>) target(%arg14 : memref<80x64xf32, #tpu.memory_space<vmem>>) offsets(%dma_start3A_176 : memref<80xi32, #tpu.memory_space<vmem>>) semaphore(%arg20 : memref<!tpu.dma_semaphore, #tpu.memory_space<semaphore_mem>>)
      } else {
      }
      %eq3A_94 = arith.constant 0 : i32
      %eq3A_95 = arith.cmpi eq, %arg0, %eq3A_94 : i32
      %convert_element_type3A_96 = arith.extui %eq3A_95 : i1 to i32
      %cond3A_97 = arith.constant 0 : i32
      %cond3A_98 = arith.cmpi ne, %convert_element_type3A_96, %cond3A_97 : i32
      scf.if %cond3A_98 {
        %dma_wait3A_173 = arith.constant 0 : i32
        %dma_wait3A_174 = arith.constant 0 : i32
        %dma_wait3A_175 = tpu.memref_slice %arg10[%dma_wait3A_173, %dma_wait3A_174] : memref<50x80xi32, #tpu.memory_space<vmem>> -> memref<1x80xi32, #tpu.memory_space<vmem>>
        %dma_wait3A_176 = tpu.memref_squeeze %dma_wait3A_175 : memref<1x80xi32, #tpu.memory_space<vmem>> -> memref<80xi32, #tpu.memory_space<vmem>>
        %dma_wait3A_177 = arith.constant 0 : i32
        %dma_wait3A_178 = arith.constant 0 : i32
        %dma_wait3A_179 = tpu.memref_slice %arg2[%dma_wait3A_177, %dma_wait3A_178] : memref<10000x64xf32, #tpu.memory_space<hbm>> -> memref<10000x64xf32, #tpu.memory_space<hbm>>
        tpu.wait_indirect_dma semaphore(%arg19 : memref<!tpu.dma_semaphore, #tpu.memory_space<semaphore_mem>>) src(%dma_wait3A_179 : memref<10000x64xf32, #tpu.memory_space<hbm>>) dst(%arg13 : memref<80x64xf32, #tpu.memory_space<vmem>>)
      } else {
      }
      %eq3A_99 = arith.constant 1 : i32
      %eq3A_100 = arith.cmpi eq, %arg0, %eq3A_99 : i32
      %convert_element_type3A_101 = arith.extui %eq3A_100 : i1 to i32
      %cond3A_102 = arith.constant 0 : i32
      %cond3A_103 = arith.cmpi ne, %convert_element_type3A_101, %cond3A_102 : i32
      scf.if %cond3A_103 {
        %dma_wait3A_173 = arith.constant 0 : i32
        %dma_wait3A_174 = arith.constant 0 : i32
        %dma_wait3A_175 = tpu.memref_slice %arg10[%dma_wait3A_173, %dma_wait3A_174] : memref<50x80xi32, #tpu.memory_space<vmem>> -> memref<1x80xi32, #tpu.memory_space<vmem>>
        %dma_wait3A_176 = tpu.memref_squeeze %dma_wait3A_175 : memref<1x80xi32, #tpu.memory_space<vmem>> -> memref<80xi32, #tpu.memory_space<vmem>>
        %dma_wait3A_177 = arith.constant 0 : i32
        %dma_wait3A_178 = arith.constant 0 : i32
        %dma_wait3A_179 = tpu.memref_slice %arg3[%dma_wait3A_177, %dma_wait3A_178] : memref<10000x64xf32, #tpu.memory_space<hbm>> -> memref<10000x64xf32, #tpu.memory_space<hbm>>
        tpu.wait_indirect_dma semaphore(%arg19 : memref<!tpu.dma_semaphore, #tpu.memory_space<semaphore_mem>>) src(%dma_wait3A_179 : memref<10000x64xf32, #tpu.memory_space<hbm>>) dst(%arg13 : memref<80x64xf32, #tpu.memory_space<vmem>>)
      } else {
      }
      %broadcast_in_dim3A = arith.constant 0 : i32
      %broadcast_in_dim3A_104 = vector.broadcast %broadcast_in_dim3A : i32 to vector<16xi32>
      %parallel_loop3A = arith.constant 0 : i32
      %parallel_loop3A_105 = arith.constant 80 : i32
      %parallel_loop3A_106 = arith.constant 1 : i32
      scf.for %parallel_loop3A_173 = %parallel_loop3A to %parallel_loop3A_105 step %parallel_loop3A_106  : i32 {
        %parallel_loop3A_174 = vector.broadcast %parallel_loop3A_173 : i32 to vector<16xi32>
        %parallel_loop3A_175 = tpu.vector_load_idx %arg12[%broadcast_in_dim3A_104, %parallel_loop3A_174] : memref<50x80xf32, #tpu.memory_space<vmem>>[vector<16xi32>, vector<16xi32>], vector<16xf32>,
        %parallel_loop3A_176 = arith.index_cast %parallel_loop3A_173 : i32 to index
        %parallel_loop3A_177 = arith.constant 0 : index
        %parallel_loop3A_178 = tpu.vector_load %arg13[%parallel_loop3A_176, %parallel_loop3A_177] {strides = array<i32>} : memref<80x64xf32, #tpu.memory_space<vmem>>, vector<16xf32>,
        %parallel_loop3A_179 = arith.mulf %parallel_loop3A_175, %get3A_4 : vector<16xf32>
        %parallel_loop3A_180 = arith.addf %parallel_loop3A_178, %parallel_loop3A_179 : vector<16xf32>
        %parallel_loop3A_181 = arith.addf %parallel_loop3A_180, %get3A_28 : vector<16xf32>
        %parallel_loop3A_182 = arith.constant 0.000000e+00 : f32
        %parallel_loop3A_183 = vector.broadcast %parallel_loop3A_182 : f32 to vector<16xf32>
        %parallel_loop3A_184 = arith.maximumf %parallel_loop3A_181, %parallel_loop3A_183 : vector<16xf32>
        %parallel_loop3A_185 = arith.index_cast %parallel_loop3A_173 : i32 to index
        %parallel_loop3A_186 = arith.constant 0 : index
        %parallel_loop3A_187 = tpu.vector_load %arg15[%parallel_loop3A_185, %parallel_loop3A_186] {strides = array<i32>} : memref<80x64xf32, #tpu.memory_space<vmem>>, vector<16xf32>,
        tpu.vector_store %arg15[%parallel_loop3A_185, %parallel_loop3A_186], %parallel_loop3A_184 {strides = array<i32>} : memref<80x64xf32, #tpu.memory_space<vmem>>, vector<16xf32>,
        %parallel_loop3A_188 = arith.index_cast %parallel_loop3A_173 : i32 to index
        %parallel_loop3A_189 = arith.constant 16 : index
        %parallel_loop3A_190 = tpu.vector_load %arg13[%parallel_loop3A_188, %parallel_loop3A_189] {strides = array<i32>} : memref<80x64xf32, #tpu.memory_space<vmem>>, vector<16xf32>,
        %parallel_loop3A_191 = arith.mulf %parallel_loop3A_175, %get3A_10 : vector<16xf32>
        %parallel_loop3A_192 = arith.addf %parallel_loop3A_190, %parallel_loop3A_191 : vector<16xf32>
        %parallel_loop3A_193 = arith.addf %parallel_loop3A_192, %get3A_34 : vector<16xf32>
        %parallel_loop3A_194 = arith.constant 0.000000e+00 : f32
        %parallel_loop3A_195 = vector.broadcast %parallel_loop3A_194 : f32 to vector<16xf32>
        %parallel_loop3A_196 = arith.maximumf %parallel_loop3A_193, %parallel_loop3A_195 : vector<16xf32>
        %parallel_loop3A_197 = arith.index_cast %parallel_loop3A_173 : i32 to index
        %parallel_loop3A_198 = arith.constant 16 : index
        %parallel_loop3A_199 = tpu.vector_load %arg15[%parallel_loop3A_197, %parallel_loop3A_198] {strides = array<i32>} : memref<80x64xf32, #tpu.memory_space<vmem>>, vector<16xf32>,
        tpu.vector_store %arg15[%parallel_loop3A_197, %parallel_loop3A_198], %parallel_loop3A_196 {strides = array<i32>} : memref<80x64xf32, #tpu.memory_space<vmem>>, vector<16xf32>,
        %parallel_loop3A_200 = arith.index_cast %parallel_loop3A_173 : i32 to index
        %parallel_loop3A_201 = arith.constant 32 : index
        %parallel_loop3A_202 = tpu.vector_load %arg13[%parallel_loop3A_200, %parallel_loop3A_201] {strides = array<i32>} : memref<80x64xf32, #tpu.memory_space<vmem>>, vector<16xf32>,
        %parallel_loop3A_203 = arith.mulf %parallel_loop3A_175, %get3A_16 : vector<16xf32>
        %parallel_loop3A_204 = arith.addf %parallel_loop3A_202, %parallel_loop3A_203 : vector<16xf32>
        %parallel_loop3A_205 = arith.addf %parallel_loop3A_204, %get3A_40 : vector<16xf32>
        %parallel_loop3A_206 = arith.constant 0.000000e+00 : f32
        %parallel_loop3A_207 = vector.broadcast %parallel_loop3A_206 : f32 to vector<16xf32>
        %parallel_loop3A_208 = arith.maximumf %parallel_loop3A_205, %parallel_loop3A_207 : vector<16xf32>
        %parallel_loop3A_209 = arith.index_cast %parallel_loop3A_173 : i32 to index
        %parallel_loop3A_210 = arith.constant 32 : index
        %parallel_loop3A_211 = tpu.vector_load %arg15[%parallel_loop3A_209, %parallel_loop3A_210] {strides = array<i32>} : memref<80x64xf32, #tpu.memory_space<vmem>>, vector<16xf32>,
        tpu.vector_store %arg15[%parallel_loop3A_209, %parallel_loop3A_210], %parallel_loop3A_208 {strides = array<i32>} : memref<80x64xf32, #tpu.memory_space<vmem>>, vector<16xf32>,
        %parallel_loop3A_212 = arith.index_cast %parallel_loop3A_173 : i32 to index
        %parallel_loop3A_213 = arith.constant 48 : index
        %parallel_loop3A_214 = tpu.vector_load %arg13[%parallel_loop3A_212, %parallel_loop3A_213] {strides = array<i32>} : memref<80x64xf32, #tpu.memory_space<vmem>>, vector<16xf32>,
        %parallel_loop3A_215 = arith.mulf %parallel_loop3A_175, %get3A_22 : vector<16xf32>
        %parallel_loop3A_216 = arith.addf %parallel_loop3A_214, %parallel_loop3A_215 : vector<16xf32>
        %parallel_loop3A_217 = arith.addf %parallel_loop3A_216, %get3A_46 : vector<16xf32>
        %parallel_loop3A_218 = arith.constant 0.000000e+00 : f32
        %parallel_loop3A_219 = vector.broadcast %parallel_loop3A_218 : f32 to vector<16xf32>
        %parallel_loop3A_220 = arith.maximumf %parallel_loop3A_217, %parallel_loop3A_219 : vector<16xf32>
        %parallel_loop3A_221 = arith.index_cast %parallel_loop3A_173 : i32 to index
        %parallel_loop3A_222 = arith.constant 48 : index
        %parallel_loop3A_223 = tpu.vector_load %arg15[%parallel_loop3A_221, %parallel_loop3A_222] {strides = array<i32>} : memref<80x64xf32, #tpu.memory_space<vmem>>, vector<16xf32>,
        tpu.vector_store %arg15[%parallel_loop3A_221, %parallel_loop3A_222], %parallel_loop3A_220 {strides = array<i32>} : memref<80x64xf32, #tpu.memory_space<vmem>>, vector<16xf32>,
      } {sc.loop_unroll_factor = 2 : i64, sc.parallel_access}
      %eq3A_107 = arith.constant 0 : i32
      %eq3A_108 = arith.cmpi eq, %arg0, %eq3A_107 : i32
      %convert_element_type3A_109 = arith.extui %eq3A_108 : i1 to i32
      %cond3A_110 = arith.constant 0 : i32
      %cond3A_111 = arith.cmpi ne, %convert_element_type3A_109, %cond3A_110 : i32
      scf.if %cond3A_111 {
        %dma_start3A_173 = arith.constant 2 : i32
        %dma_start3A_174 = arith.constant 0 : i32
        %dma_start3A_175 = tpu.memref_slice %arg10[%dma_start3A_173, %dma_start3A_174] : memref<50x80xi32, #tpu.memory_space<vmem>> -> memref<1x80xi32, #tpu.memory_space<vmem>>
        %dma_start3A_176 = tpu.memref_squeeze %dma_start3A_175 : memref<1x80xi32, #tpu.memory_space<vmem>> -> memref<80xi32, #tpu.memory_space<vmem>>
        %dma_start3A_177 = arith.constant 0 : i32
        %dma_start3A_178 = arith.constant 0 : i32
        %dma_start3A_179 = tpu.memref_slice %arg2[%dma_start3A_177, %dma_start3A_178] : memref<10000x64xf32, #tpu.memory_space<hbm>> -> memref<10000x64xf32, #tpu.memory_space<hbm>>
        tpu.enqueue_indirect_dma source(%dma_start3A_179 : memref<10000x64xf32, #tpu.memory_space<hbm>>) target(%arg13 : memref<80x64xf32, #tpu.memory_space<vmem>>) offsets(%dma_start3A_176 : memref<80xi32, #tpu.memory_space<vmem>>) semaphore(%arg19 : memref<!tpu.dma_semaphore, #tpu.memory_space<semaphore_mem>>)
      } else {
      }
      %eq3A_112 = arith.constant 1 : i32
      %eq3A_113 = arith.cmpi eq, %arg0, %eq3A_112 : i32
      %convert_element_type3A_114 = arith.extui %eq3A_113 : i1 to i32
      %cond3A_115 = arith.constant 0 : i32
      %cond3A_116 = arith.cmpi ne, %convert_element_type3A_114, %cond3A_115 : i32
      scf.if %cond3A_116 {
        %dma_start3A_173 = arith.constant 2 : i32
        %dma_start3A_174 = arith.constant 0 : i32
        %dma_start3A_175 = tpu.memref_slice %arg10[%dma_start3A_173, %dma_start3A_174] : memref<50x80xi32, #tpu.memory_space<vmem>> -> memref<1x80xi32, #tpu.memory_space<vmem>>
        %dma_start3A_176 = tpu.memref_squeeze %dma_start3A_175 : memref<1x80xi32, #tpu.memory_space<vmem>> -> memref<80xi32, #tpu.memory_space<vmem>>
        %dma_start3A_177 = arith.constant 0 : i32
        %dma_start3A_178 = arith.constant 0 : i32
        %dma_start3A_179 = tpu.memref_slice %arg3[%dma_start3A_177, %dma_start3A_178] : memref<10000x64xf32, #tpu.memory_space<hbm>> -> memref<10000x64xf32, #tpu.memory_space<hbm>>
        tpu.enqueue_indirect_dma source(%dma_start3A_179 : memref<10000x64xf32, #tpu.memory_space<hbm>>) target(%arg13 : memref<80x64xf32, #tpu.memory_space<vmem>>) offsets(%dma_start3A_176 : memref<80xi32, #tpu.memory_space<vmem>>) semaphore(%arg19 : memref<!tpu.dma_semaphore, #tpu.memory_space<semaphore_mem>>)
      } else {
      }
      %dma_start3A = arith.constant 0 : i32
      %dma_start3A_117 = arith.constant 0 : i32
      %dma_start3A_118 = tpu.memref_slice %arg11[%dma_start3A, %dma_start3A_117] : memref<50x80xi32, #tpu.memory_space<vmem>> -> memref<1x80xi32, #tpu.memory_space<vmem>>
      %dma_start3A_119 = tpu.memref_squeeze %dma_start3A_118 : memref<1x80xi32, #tpu.memory_space<vmem>> -> memref<80xi32, #tpu.memory_space<vmem>>
      %dma_start3A_120 = arith.constant 0 : i32
      %dma_start3A_121 = arith.constant 0 : i32
      %dma_start3A_122 = tpu.memref_slice %arg18[%dma_start3A_120, %dma_start3A_121] : memref<10240x64xf32, #tpu.memory_space<vmem_shared>> -> memref<10240x64xf32, #tpu.memory_space<vmem_shared>>
      tpu.enqueue_indirect_dma source(%arg15 : memref<80x64xf32, #tpu.memory_space<vmem>>) target(%dma_start3A_122 : memref<10240x64xf32, #tpu.memory_space<vmem_shared>>) offsets(%dma_start3A_119 : memref<80xi32, #tpu.memory_space<vmem>>) semaphore(%arg21 : memref<!tpu.dma_semaphore, #tpu.memory_space<semaphore_mem>>) {add = true}
      %eq3A_123 = arith.constant 0 : i32
      %eq3A_124 = arith.cmpi eq, %arg0, %eq3A_123 : i32
      %convert_element_type3A_125 = arith.extui %eq3A_124 : i1 to i32
      %cond3A_126 = arith.constant 0 : i32
      %cond3A_127 = arith.cmpi ne, %convert_element_type3A_125, %cond3A_126 : i32
      scf.if %cond3A_127 {
        %dma_wait3A_173 = arith.constant 1 : i32
        %dma_wait3A_174 = arith.constant 0 : i32
        %dma_wait3A_175 = tpu.memref_slice %arg10[%dma_wait3A_173, %dma_wait3A_174] : memref<50x80xi32, #tpu.memory_space<vmem>> -> memref<1x80xi32, #tpu.memory_space<vmem>>
        %dma_wait3A_176 = tpu.memref_squeeze %dma_wait3A_175 : memref<1x80xi32, #tpu.memory_space<vmem>> -> memref<80xi32, #tpu.memory_space<vmem>>
        %dma_wait3A_177 = arith.constant 0 : i32
        %dma_wait3A_178 = arith.constant 0 : i32
        %dma_wait3A_179 = tpu.memref_slice %arg2[%dma_wait3A_177, %dma_wait3A_178] : memref<10000x64xf32, #tpu.memory_space<hbm>> -> memref<10000x64xf32, #tpu.memory_space<hbm>>
        tpu.wait_indirect_dma semaphore(%arg20 : memref<!tpu.dma_semaphore, #tpu.memory_space<semaphore_mem>>) src(%dma_wait3A_179 : memref<10000x64xf32, #tpu.memory_space<hbm>>) dst(%arg14 : memref<80x64xf32, #tpu.memory_space<vmem>>)
      } else {
      }
      %eq3A_128 = arith.constant 1 : i32
      %eq3A_129 = arith.cmpi eq, %arg0, %eq3A_128 : i32
      %convert_element_type3A_130 = arith.extui %eq3A_129 : i1 to i32
      %cond3A_131 = arith.constant 0 : i32
      %cond3A_132 = arith.cmpi ne, %convert_element_type3A_130, %cond3A_131 : i32
      scf.if %cond3A_132 {
        %dma_wait3A_173 = arith.constant 1 : i32
        %dma_wait3A_174 = arith.constant 0 : i32
        %dma_wait3A_175 = tpu.memref_slice %arg10[%dma_wait3A_173, %dma_wait3A_174] : memref<50x80xi32, #tpu.memory_space<vmem>> -> memref<1x80xi32, #tpu.memory_space<vmem>>
        %dma_wait3A_176 = tpu.memref_squeeze %dma_wait3A_175 : memref<1x80xi32, #tpu.memory_space<vmem>> -> memref<80xi32, #tpu.memory_space<vmem>>
        %dma_wait3A_177 = arith.constant 0 : i32
        %dma_wait3A_178 = arith.constant 0 : i32
        %dma_wait3A_179 = tpu.memref_slice %arg3[%dma_wait3A_177, %dma_wait3A_178] : memref<10000x64xf32, #tpu.memory_space<hbm>> -> memref<10000x64xf32, #tpu.memory_space<hbm>>
        tpu.wait_indirect_dma semaphore(%arg20 : memref<!tpu.dma_semaphore, #tpu.memory_space<semaphore_mem>>) src(%dma_wait3A_179 : memref<10000x64xf32, #tpu.memory_space<hbm>>) dst(%arg14 : memref<80x64xf32, #tpu.memory_space<vmem>>)
      } else {
      }
      %broadcast_in_dim3A_133 = arith.constant 1 : i32
      %broadcast_in_dim3A_134 = vector.broadcast %broadcast_in_dim3A_133 : i32 to vector<16xi32>
      %parallel_loop3A_135 = arith.constant 0 : i32
      %parallel_loop3A_136 = arith.constant 80 : i32
      %parallel_loop3A_137 = arith.constant 1 : i32
      scf.for %parallel_loop3A_173 = %parallel_loop3A_135 to %parallel_loop3A_136 step %parallel_loop3A_137  : i32 {
        %parallel_loop3A_174 = vector.broadcast %parallel_loop3A_173 : i32 to vector<16xi32>
        %parallel_loop3A_175 = tpu.vector_load_idx %arg12[%broadcast_in_dim3A_134, %parallel_loop3A_174] : memref<50x80xf32, #tpu.memory_space<vmem>>[vector<16xi32>, vector<16xi32>], vector<16xf32>,
        %parallel_loop3A_176 = arith.index_cast %parallel_loop3A_173 : i32 to index
        %parallel_loop3A_177 = arith.constant 0 : index
        %parallel_loop3A_178 = tpu.vector_load %arg14[%parallel_loop3A_176, %parallel_loop3A_177] {strides = array<i32>} : memref<80x64xf32, #tpu.memory_space<vmem>>, vector<16xf32>,
        %parallel_loop3A_179 = arith.mulf %parallel_loop3A_175, %get3A_4 : vector<16xf32>
        %parallel_loop3A_180 = arith.addf %parallel_loop3A_178, %parallel_loop3A_179 : vector<16xf32>
        %parallel_loop3A_181 = arith.addf %parallel_loop3A_180, %get3A_28 : vector<16xf32>
        %parallel_loop3A_182 = arith.constant 0.000000e+00 : f32
        %parallel_loop3A_183 = vector.broadcast %parallel_loop3A_182 : f32 to vector<16xf32>
        %parallel_loop3A_184 = arith.maximumf %parallel_loop3A_181, %parallel_loop3A_183 : vector<16xf32>
        %parallel_loop3A_185 = arith.index_cast %parallel_loop3A_173 : i32 to index
        %parallel_loop3A_186 = arith.constant 0 : index
        %parallel_loop3A_187 = tpu.vector_load %arg16[%parallel_loop3A_185, %parallel_loop3A_186] {strides = array<i32>} : memref<80x64xf32, #tpu.memory_space<vmem>>, vector<16xf32>,
        tpu.vector_store %arg16[%parallel_loop3A_185, %parallel_loop3A_186], %parallel_loop3A_184 {strides = array<i32>} : memref<80x64xf32, #tpu.memory_space<vmem>>, vector<16xf32>,
        %parallel_loop3A_188 = arith.index_cast %parallel_loop3A_173 : i32 to index
        %parallel_loop3A_189 = arith.constant 16 : index
        %parallel_loop3A_190 = tpu.vector_load %arg14[%parallel_loop3A_188, %parallel_loop3A_189] {strides = array<i32>} : memref<80x64xf32, #tpu.memory_space<vmem>>, vector<16xf32>,
        %parallel_loop3A_191 = arith.mulf %parallel_loop3A_175, %get3A_10 : vector<16xf32>
        %parallel_loop3A_192 = arith.addf %parallel_loop3A_190, %parallel_loop3A_191 : vector<16xf32>
        %parallel_loop3A_193 = arith.addf %parallel_loop3A_192, %get3A_34 : vector<16xf32>
        %parallel_loop3A_194 = arith.constant 0.000000e+00 : f32
        %parallel_loop3A_195 = vector.broadcast %parallel_loop3A_194 : f32 to vector<16xf32>
        %parallel_loop3A_196 = arith.maximumf %parallel_loop3A_193, %parallel_loop3A_195 : vector<16xf32>
        %parallel_loop3A_197 = arith.index_cast %parallel_loop3A_173 : i32 to index
        %parallel_loop3A_198 = arith.constant 16 : index
        %parallel_loop3A_199 = tpu.vector_load %arg16[%parallel_loop3A_197, %parallel_loop3A_198] {strides = array<i32>} : memref<80x64xf32, #tpu.memory_space<vmem>>, vector<16xf32>,
        tpu.vector_store %arg16[%parallel_loop3A_197, %parallel_loop3A_198], %parallel_loop3A_196 {strides = array<i32>} : memref<80x64xf32, #tpu.memory_space<vmem>>, vector<16xf32>,
        %parallel_loop3A_200 = arith.index_cast %parallel_loop3A_173 : i32 to index
        %parallel_loop3A_201 = arith.constant 32 : index
        %parallel_loop3A_202 = tpu.vector_load %arg14[%parallel_loop3A_200, %parallel_loop3A_201] {strides = array<i32>} : memref<80x64xf32, #tpu.memory_space<vmem>>, vector<16xf32>,
        %parallel_loop3A_203 = arith.mulf %parallel_loop3A_175, %get3A_16 : vector<16xf32>
        %parallel_loop3A_204 = arith.addf %parallel_loop3A_202, %parallel_loop3A_203 : vector<16xf32>
        %parallel_loop3A_205 = arith.addf %parallel_loop3A_204, %get3A_40 : vector<16xf32>
        %parallel_loop3A_206 = arith.constant 0.000000e+00 : f32
        %parallel_loop3A_207 = vector.broadcast %parallel_loop3A_206 : f32 to vector<16xf32>
        %parallel_loop3A_208 = arith.maximumf %parallel_loop3A_205, %parallel_loop3A_207 : vector<16xf32>
        %parallel_loop3A_209 = arith.index_cast %parallel_loop3A_173 : i32 to index
        %parallel_loop3A_210 = arith.constant 32 : index
        %parallel_loop3A_211 = tpu.vector_load %arg16[%parallel_loop3A_209, %parallel_loop3A_210] {strides = array<i32>} : memref<80x64xf32, #tpu.memory_space<vmem>>, vector<16xf32>,
        tpu.vector_store %arg16[%parallel_loop3A_209, %parallel_loop3A_210], %parallel_loop3A_208 {strides = array<i32>} : memref<80x64xf32, #tpu.memory_space<vmem>>, vector<16xf32>,
        %parallel_loop3A_212 = arith.index_cast %parallel_loop3A_173 : i32 to index
        %parallel_loop3A_213 = arith.constant 48 : index
        %parallel_loop3A_214 = tpu.vector_load %arg14[%parallel_loop3A_212, %parallel_loop3A_213] {strides = array<i32>} : memref<80x64xf32, #tpu.memory_space<vmem>>, vector<16xf32>,
        %parallel_loop3A_215 = arith.mulf %parallel_loop3A_175, %get3A_22 : vector<16xf32>
        %parallel_loop3A_216 = arith.addf %parallel_loop3A_214, %parallel_loop3A_215 : vector<16xf32>
        %parallel_loop3A_217 = arith.addf %parallel_loop3A_216, %get3A_46 : vector<16xf32>
        %parallel_loop3A_218 = arith.constant 0.000000e+00 : f32
        %parallel_loop3A_219 = vector.broadcast %parallel_loop3A_218 : f32 to vector<16xf32>
        %parallel_loop3A_220 = arith.maximumf %parallel_loop3A_217, %parallel_loop3A_219 : vector<16xf32>
        %parallel_loop3A_221 = arith.index_cast %parallel_loop3A_173 : i32 to index
        %parallel_loop3A_222 = arith.constant 48 : index
        %parallel_loop3A_223 = tpu.vector_load %arg16[%parallel_loop3A_221, %parallel_loop3A_222] {strides = array<i32>} : memref<80x64xf32, #tpu.memory_space<vmem>>, vector<16xf32>,
        tpu.vector_store %arg16[%parallel_loop3A_221, %parallel_loop3A_222], %parallel_loop3A_220 {strides = array<i32>} : memref<80x64xf32, #tpu.memory_space<vmem>>, vector<16xf32>,
      } {sc.loop_unroll_factor = 2 : i64, sc.parallel_access}
      %eq3A_138 = arith.constant 0 : i32
      %eq3A_139 = arith.cmpi eq, %arg0, %eq3A_138 : i32
      %convert_element_type3A_140 = arith.extui %eq3A_139 : i1 to i32
      %cond3A_141 = arith.constant 0 : i32
      %cond3A_142 = arith.cmpi ne, %convert_element_type3A_140, %cond3A_141 : i32
      scf.if %cond3A_142 {
        %dma_start3A_173 = arith.constant 3 : i32
        %dma_start3A_174 = arith.constant 0 : i32
        %dma_start3A_175 = tpu.memref_slice %arg10[%dma_start3A_173, %dma_start3A_174] : memref<50x80xi32, #tpu.memory_space<vmem>> -> memref<1x80xi32, #tpu.memory_space<vmem>>
        %dma_start3A_176 = tpu.memref_squeeze %dma_start3A_175 : memref<1x80xi32, #tpu.memory_space<vmem>> -> memref<80xi32, #tpu.memory_space<vmem>>
        %dma_start3A_177 = arith.constant 0 : i32
        %dma_start3A_178 = arith.constant 0 : i32
        %dma_start3A_179 = tpu.memref_slice %arg2[%dma_start3A_177, %dma_start3A_178] : memref<10000x64xf32, #tpu.memory_space<hbm>> -> memref<10000x64xf32, #tpu.memory_space<hbm>>
        tpu.enqueue_indirect_dma source(%dma_start3A_179 : memref<10000x64xf32, #tpu.memory_space<hbm>>) target(%arg14 : memref<80x64xf32, #tpu.memory_space<vmem>>) offsets(%dma_start3A_176 : memref<80xi32, #tpu.memory_space<vmem>>) semaphore(%arg20 : memref<!tpu.dma_semaphore, #tpu.memory_space<semaphore_mem>>)
      } else {
      }
      %eq3A_143 = arith.constant 1 : i32
      %eq3A_144 = arith.cmpi eq, %arg0, %eq3A_143 : i32
      %convert_element_type3A_145 = arith.extui %eq3A_144 : i1 to i32
      %cond3A_146 = arith.constant 0 : i32
      %cond3A_147 = arith.cmpi ne, %convert_element_type3A_145, %cond3A_146 : i32
      scf.if %cond3A_147 {
        %dma_start3A_173 = arith.constant 3 : i32
        %dma_start3A_174 = arith.constant 0 : i32
        %dma_start3A_175 = tpu.memref_slice %arg10[%dma_start3A_173, %dma_start3A_174] : memref<50x80xi32, #tpu.memory_space<vmem>> -> memref<1x80xi32, #tpu.memory_space<vmem>>
        %dma_start3A_176 = tpu.memref_squeeze %dma_start3A_175 : memref<1x80xi32, #tpu.memory_space<vmem>> -> memref<80xi32, #tpu.memory_space<vmem>>
        %dma_start3A_177 = arith.constant 0 : i32
        %dma_start3A_178 = arith.constant 0 : i32
        %dma_start3A_179 = tpu.memref_slice %arg3[%dma_start3A_177, %dma_start3A_178] : memref<10000x64xf32, #tpu.memory_space<hbm>> -> memref<10000x64xf32, #tpu.memory_space<hbm>>
        tpu.enqueue_indirect_dma source(%dma_start3A_179 : memref<10000x64xf32, #tpu.memory_space<hbm>>) target(%arg14 : memref<80x64xf32, #tpu.memory_space<vmem>>) offsets(%dma_start3A_176 : memref<80xi32, #tpu.memory_space<vmem>>) semaphore(%arg20 : memref<!tpu.dma_semaphore, #tpu.memory_space<semaphore_mem>>)
      } else {
      }
      %dma_start3A_148 = arith.constant 1 : i32
      %dma_start3A_149 = arith.constant 0 : i32
      %dma_start3A_150 = tpu.memref_slice %arg11[%dma_start3A_148, %dma_start3A_149] : memref<50x80xi32, #tpu.memory_space<vmem>> -> memref<1x80xi32, #tpu.memory_space<vmem>>
      %dma_start3A_151 = tpu.memref_squeeze %dma_start3A_150 : memref<1x80xi32, #tpu.memory_space<vmem>> -> memref<80xi32, #tpu.memory_space<vmem>>
      %dma_start3A_152 = arith.constant 0 : i32
      %dma_start3A_153 = arith.constant 0 : i32
      %dma_start3A_154 = tpu.memref_slice %arg18[%dma_start3A_152, %dma_start3A_153] : memref<10240x64xf32, #tpu.memory_space<vmem_shared>> -> memref<10240x64xf32, #tpu.memory_space<vmem_shared>>
      tpu.enqueue_indirect_dma source(%arg16 : memref<80x64xf32, #tpu.memory_space<vmem>>) target(%dma_start3A_154 : memref<10240x64xf32, #tpu.memory_space<vmem_shared>>) offsets(%dma_start3A_151 : memref<80xi32, #tpu.memory_space<vmem>>) semaphore(%arg22 : memref<!tpu.dma_semaphore, #tpu.memory_space<semaphore_mem>>) {add = true}
      %scan3A_155 = arith.constant 0 : i32
      %scan3A_156 = arith.constant 24 : i32
      %scan3A_157 = arith.addi %scan3A_155, %scan3A_156 : i32
      %scan3A_158 = arith.constant 1 : i32
      scf.for %scan3A_173 = %scan3A_155 to %scan3A_157 step %scan3A_158  : i32 {
        %mul3A_174 = arith.constant 2 : i32
        %mul3A_175 = arith.muli %scan3A_173, %mul3A_174 : i32
        %add3A_176 = arith.constant 2 : i32
        %add3A_177 = arith.addi %add3A_176, %mul3A_175 : i32
        %add3A_178 = arith.constant 0 : i32
        %add3A_179 = arith.addi %add3A_177, %add3A_178 : i32
        %eq3A_180 = arith.constant 0 : i32
        %eq3A_181 = arith.cmpi eq, %arg0, %eq3A_180 : i32
        %convert_element_type3A_182 = arith.extui %eq3A_181 : i1 to i32
        %cond3A_183 = arith.constant 0 : i32
        %cond3A_184 = arith.cmpi ne, %convert_element_type3A_182, %cond3A_183 : i32
        scf.if %cond3A_184 {
          %dma_wait3A_247 = arith.constant 0 : i32
          %dma_wait3A_248 = tpu.memref_slice %arg10[%add3A_179, %dma_wait3A_247] : memref<50x80xi32, #tpu.memory_space<vmem>> -> memref<1x80xi32, #tpu.memory_space<vmem>>
          %dma_wait3A_249 = tpu.memref_squeeze %dma_wait3A_248 : memref<1x80xi32, #tpu.memory_space<vmem>> -> memref<80xi32, #tpu.memory_space<vmem>>
          %dma_wait3A_250 = arith.constant 0 : i32
          %dma_wait3A_251 = arith.constant 0 : i32
          %dma_wait3A_252 = tpu.memref_slice %arg2[%dma_wait3A_250, %dma_wait3A_251] : memref<10000x64xf32, #tpu.memory_space<hbm>> -> memref<10000x64xf32, #tpu.memory_space<hbm>>
          tpu.wait_indirect_dma semaphore(%arg19 : memref<!tpu.dma_semaphore, #tpu.memory_space<semaphore_mem>>) src(%dma_wait3A_252 : memref<10000x64xf32, #tpu.memory_space<hbm>>) dst(%arg13 : memref<80x64xf32, #tpu.memory_space<vmem>>)
        } else {
        }
        %eq3A_185 = arith.constant 1 : i32
        %eq3A_186 = arith.cmpi eq, %arg0, %eq3A_185 : i32
        %convert_element_type3A_187 = arith.extui %eq3A_186 : i1 to i32
        %cond3A_188 = arith.constant 0 : i32
        %cond3A_189 = arith.cmpi ne, %convert_element_type3A_187, %cond3A_188 : i32
        scf.if %cond3A_189 {
          %dma_wait3A_247 = arith.constant 0 : i32
          %dma_wait3A_248 = tpu.memref_slice %arg10[%add3A_179, %dma_wait3A_247] : memref<50x80xi32, #tpu.memory_space<vmem>> -> memref<1x80xi32, #tpu.memory_space<vmem>>
          %dma_wait3A_249 = tpu.memref_squeeze %dma_wait3A_248 : memref<1x80xi32, #tpu.memory_space<vmem>> -> memref<80xi32, #tpu.memory_space<vmem>>
          %dma_wait3A_250 = arith.constant 0 : i32
          %dma_wait3A_251 = arith.constant 0 : i32
          %dma_wait3A_252 = tpu.memref_slice %arg3[%dma_wait3A_250, %dma_wait3A_251] : memref<10000x64xf32, #tpu.memory_space<hbm>> -> memref<10000x64xf32, #tpu.memory_space<hbm>>
          tpu.wait_indirect_dma semaphore(%arg19 : memref<!tpu.dma_semaphore, #tpu.memory_space<semaphore_mem>>) src(%dma_wait3A_252 : memref<10000x64xf32, #tpu.memory_space<hbm>>) dst(%arg13 : memref<80x64xf32, #tpu.memory_space<vmem>>)
        } else {
        }
        %dma_wait3A_190 = arith.constant 0 : i32
        %dma_wait3A_191 = tpu.memref_slice %arg11[%add3A_179, %dma_wait3A_190] : memref<50x80xi32, #tpu.memory_space<vmem>> -> memref<1x80xi32, #tpu.memory_space<vmem>>
        %dma_wait3A_192 = tpu.memref_squeeze %dma_wait3A_191 : memref<1x80xi32, #tpu.memory_space<vmem>> -> memref<80xi32, #tpu.memory_space<vmem>>
        %dma_wait3A_193 = arith.constant 0 : i32
        %dma_wait3A_194 = arith.constant 0 : i32
        %dma_wait3A_195 = tpu.memref_slice %arg18[%dma_wait3A_193, %dma_wait3A_194] : memref<10240x64xf32, #tpu.memory_space<vmem_shared>> -> memref<10240x64xf32, #tpu.memory_space<vmem_shared>>
        tpu.wait_indirect_dma semaphore(%arg21 : memref<!tpu.dma_semaphore, #tpu.memory_space<semaphore_mem>>) src(%arg15 : memref<80x64xf32, #tpu.memory_space<vmem>>) dst(%dma_wait3A_195 : memref<10240x64xf32, #tpu.memory_space<vmem_shared>>)
        %broadcast_in_dim3A_196 = vector.broadcast %add3A_179 : i32 to vector<16xi32>
        %parallel_loop3A_197 = arith.constant 0 : i32
        %parallel_loop3A_198 = arith.constant 80 : i32
        %parallel_loop3A_199 = arith.constant 1 : i32
        scf.for %parallel_loop3A_247 = %parallel_loop3A_197 to %parallel_loop3A_198 step %parallel_loop3A_199  : i32 {
          %parallel_loop3A_248 = vector.broadcast %parallel_loop3A_247 : i32 to vector<16xi32>
          %parallel_loop3A_249 = tpu.vector_load_idx %arg12[%broadcast_in_dim3A_196, %parallel_loop3A_248] : memref<50x80xf32, #tpu.memory_space<vmem>>[vector<16xi32>, vector<16xi32>], vector<16xf32>,
          %parallel_loop3A_250 = arith.index_cast %parallel_loop3A_247 : i32 to index
          %parallel_loop3A_251 = arith.constant 0 : index
          %parallel_loop3A_252 = tpu.vector_load %arg13[%parallel_loop3A_250, %parallel_loop3A_251] {strides = array<i32>} : memref<80x64xf32, #tpu.memory_space<vmem>>, vector<16xf32>,
          %parallel_loop3A_253 = arith.mulf %parallel_loop3A_249, %get3A_4 : vector<16xf32>
          %parallel_loop3A_254 = arith.addf %parallel_loop3A_252, %parallel_loop3A_253 : vector<16xf32>
          %parallel_loop3A_255 = arith.addf %parallel_loop3A_254, %get3A_28 : vector<16xf32>
          %parallel_loop3A_256 = arith.constant 0.000000e+00 : f32
          %parallel_loop3A_257 = vector.broadcast %parallel_loop3A_256 : f32 to vector<16xf32>
          %parallel_loop3A_258 = arith.maximumf %parallel_loop3A_255, %parallel_loop3A_257 : vector<16xf32>
          %parallel_loop3A_259 = arith.index_cast %parallel_loop3A_247 : i32 to index
          %parallel_loop3A_260 = arith.constant 0 : index
          %parallel_loop3A_261 = tpu.vector_load %arg15[%parallel_loop3A_259, %parallel_loop3A_260] {strides = array<i32>} : memref<80x64xf32, #tpu.memory_space<vmem>>, vector<16xf32>,
          tpu.vector_store %arg15[%parallel_loop3A_259, %parallel_loop3A_260], %parallel_loop3A_258 {strides = array<i32>} : memref<80x64xf32, #tpu.memory_space<vmem>>, vector<16xf32>,
          %parallel_loop3A_262 = arith.index_cast %parallel_loop3A_247 : i32 to index
          %parallel_loop3A_263 = arith.constant 16 : index
          %parallel_loop3A_264 = tpu.vector_load %arg13[%parallel_loop3A_262, %parallel_loop3A_263] {strides = array<i32>} : memref<80x64xf32, #tpu.memory_space<vmem>>, vector<16xf32>,
          %parallel_loop3A_265 = arith.mulf %parallel_loop3A_249, %get3A_10 : vector<16xf32>
          %parallel_loop3A_266 = arith.addf %parallel_loop3A_264, %parallel_loop3A_265 : vector<16xf32>
          %parallel_loop3A_267 = arith.addf %parallel_loop3A_266, %get3A_34 : vector<16xf32>
          %parallel_loop3A_268 = arith.constant 0.000000e+00 : f32
          %parallel_loop3A_269 = vector.broadcast %parallel_loop3A_268 : f32 to vector<16xf32>
          %parallel_loop3A_270 = arith.maximumf %parallel_loop3A_267, %parallel_loop3A_269 : vector<16xf32>
          %parallel_loop3A_271 = arith.index_cast %parallel_loop3A_247 : i32 to index
          %parallel_loop3A_272 = arith.constant 16 : index
          %parallel_loop3A_273 = tpu.vector_load %arg15[%parallel_loop3A_271, %parallel_loop3A_272] {strides = array<i32>} : memref<80x64xf32, #tpu.memory_space<vmem>>, vector<16xf32>,
          tpu.vector_store %arg15[%parallel_loop3A_271, %parallel_loop3A_272], %parallel_loop3A_270 {strides = array<i32>} : memref<80x64xf32, #tpu.memory_space<vmem>>, vector<16xf32>,
          %parallel_loop3A_274 = arith.index_cast %parallel_loop3A_247 : i32 to index
          %parallel_loop3A_275 = arith.constant 32 : index
          %parallel_loop3A_276 = tpu.vector_load %arg13[%parallel_loop3A_274, %parallel_loop3A_275] {strides = array<i32>} : memref<80x64xf32, #tpu.memory_space<vmem>>, vector<16xf32>,
          %parallel_loop3A_277 = arith.mulf %parallel_loop3A_249, %get3A_16 : vector<16xf32>
          %parallel_loop3A_278 = arith.addf %parallel_loop3A_276, %parallel_loop3A_277 : vector<16xf32>
          %parallel_loop3A_279 = arith.addf %parallel_loop3A_278, %get3A_40 : vector<16xf32>
          %parallel_loop3A_280 = arith.constant 0.000000e+00 : f32
          %parallel_loop3A_281 = vector.broadcast %parallel_loop3A_280 : f32 to vector<16xf32>
          %parallel_loop3A_282 = arith.maximumf %parallel_loop3A_279, %parallel_loop3A_281 : vector<16xf32>
          %parallel_loop3A_283 = arith.index_cast %parallel_loop3A_247 : i32 to index
          %parallel_loop3A_284 = arith.constant 32 : index
          %parallel_loop3A_285 = tpu.vector_load %arg15[%parallel_loop3A_283, %parallel_loop3A_284] {strides = array<i32>} : memref<80x64xf32, #tpu.memory_space<vmem>>, vector<16xf32>,
          tpu.vector_store %arg15[%parallel_loop3A_283, %parallel_loop3A_284], %parallel_loop3A_282 {strides = array<i32>} : memref<80x64xf32, #tpu.memory_space<vmem>>, vector<16xf32>,
          %parallel_loop3A_286 = arith.index_cast %parallel_loop3A_247 : i32 to index
          %parallel_loop3A_287 = arith.constant 48 : index
          %parallel_loop3A_288 = tpu.vector_load %arg13[%parallel_loop3A_286, %parallel_loop3A_287] {strides = array<i32>} : memref<80x64xf32, #tpu.memory_space<vmem>>, vector<16xf32>,
          %parallel_loop3A_289 = arith.mulf %parallel_loop3A_249, %get3A_22 : vector<16xf32>
          %parallel_loop3A_290 = arith.addf %parallel_loop3A_288, %parallel_loop3A_289 : vector<16xf32>
          %parallel_loop3A_291 = arith.addf %parallel_loop3A_290, %get3A_46 : vector<16xf32>
          %parallel_loop3A_292 = arith.constant 0.000000e+00 : f32
          %parallel_loop3A_293 = vector.broadcast %parallel_loop3A_292 : f32 to vector<16xf32>
          %parallel_loop3A_294 = arith.maximumf %parallel_loop3A_291, %parallel_loop3A_293 : vector<16xf32>
          %parallel_loop3A_295 = arith.index_cast %parallel_loop3A_247 : i32 to index
          %parallel_loop3A_296 = arith.constant 48 : index
          %parallel_loop3A_297 = tpu.vector_load %arg15[%parallel_loop3A_295, %parallel_loop3A_296] {strides = array<i32>} : memref<80x64xf32, #tpu.memory_space<vmem>>, vector<16xf32>,
          tpu.vector_store %arg15[%parallel_loop3A_295, %parallel_loop3A_296], %parallel_loop3A_294 {strides = array<i32>} : memref<80x64xf32, #tpu.memory_space<vmem>>, vector<16xf32>,
        } {sc.loop_unroll_factor = 2 : i64, sc.parallel_access}
        %add3A_200 = arith.constant 2 : i32
        %add3A_201 = arith.addi %add3A_179, %add3A_200 : i32
        %lt3A = arith.constant 50 : i32
        %lt3A_202 = arith.cmpi slt, %add3A_201, %lt3A : i32
        %convert_element_type3A_203 = arith.extui %lt3A_202 : i1 to i32
        %cond3A_204 = arith.constant 0 : i32
        %cond3A_205 = arith.cmpi ne, %convert_element_type3A_203, %cond3A_204 : i32
        scf.if %cond3A_205 {
          %add3A_247 = arith.constant 2 : i32
          %add3A_248 = arith.addi %add3A_179, %add3A_247 : i32
          %eq3A_249 = arith.constant 0 : i32
          %eq3A_250 = arith.cmpi eq, %arg0, %eq3A_249 : i32
          %convert_element_type3A_251 = arith.extui %eq3A_250 : i1 to i32
          %cond3A_252 = arith.constant 0 : i32
          %cond3A_253 = arith.cmpi ne, %convert_element_type3A_251, %cond3A_252 : i32
          scf.if %cond3A_253 {
            %dma_start3A_259 = arith.constant 0 : i32
            %dma_start3A_260 = tpu.memref_slice %arg10[%add3A_248, %dma_start3A_259] : memref<50x80xi32, #tpu.memory_space<vmem>> -> memref<1x80xi32, #tpu.memory_space<vmem>>
            %dma_start3A_261 = tpu.memref_squeeze %dma_start3A_260 : memref<1x80xi32, #tpu.memory_space<vmem>> -> memref<80xi32, #tpu.memory_space<vmem>>
            %dma_start3A_262 = arith.constant 0 : i32
            %dma_start3A_263 = arith.constant 0 : i32
            %dma_start3A_264 = tpu.memref_slice %arg2[%dma_start3A_262, %dma_start3A_263] : memref<10000x64xf32, #tpu.memory_space<hbm>> -> memref<10000x64xf32, #tpu.memory_space<hbm>>
            tpu.enqueue_indirect_dma source(%dma_start3A_264 : memref<10000x64xf32, #tpu.memory_space<hbm>>) target(%arg13 : memref<80x64xf32, #tpu.memory_space<vmem>>) offsets(%dma_start3A_261 : memref<80xi32, #tpu.memory_space<vmem>>) semaphore(%arg19 : memref<!tpu.dma_semaphore, #tpu.memory_space<semaphore_mem>>)
          } else {
          }
          %eq3A_254 = arith.constant 1 : i32
          %eq3A_255 = arith.cmpi eq, %arg0, %eq3A_254 : i32
          %convert_element_type3A_256 = arith.extui %eq3A_255 : i1 to i32
          %cond3A_257 = arith.constant 0 : i32
          %cond3A_258 = arith.cmpi ne, %convert_element_type3A_256, %cond3A_257 : i32
          scf.if %cond3A_258 {
            %dma_start3A_259 = arith.constant 0 : i32
            %dma_start3A_260 = tpu.memref_slice %arg10[%add3A_248, %dma_start3A_259] : memref<50x80xi32, #tpu.memory_space<vmem>> -> memref<1x80xi32, #tpu.memory_space<vmem>>
            %dma_start3A_261 = tpu.memref_squeeze %dma_start3A_260 : memref<1x80xi32, #tpu.memory_space<vmem>> -> memref<80xi32, #tpu.memory_space<vmem>>
            %dma_start3A_262 = arith.constant 0 : i32
            %dma_start3A_263 = arith.constant 0 : i32
            %dma_start3A_264 = tpu.memref_slice %arg3[%dma_start3A_262, %dma_start3A_263] : memref<10000x64xf32, #tpu.memory_space<hbm>> -> memref<10000x64xf32, #tpu.memory_space<hbm>>
            tpu.enqueue_indirect_dma source(%dma_start3A_264 : memref<10000x64xf32, #tpu.memory_space<hbm>>) target(%arg13 : memref<80x64xf32, #tpu.memory_space<vmem>>) offsets(%dma_start3A_261 : memref<80xi32, #tpu.memory_space<vmem>>) semaphore(%arg19 : memref<!tpu.dma_semaphore, #tpu.memory_space<semaphore_mem>>)
          } else {
          }
        } else {
        }
        %dma_start3A_206 = arith.constant 0 : i32
        %dma_start3A_207 = tpu.memref_slice %arg11[%add3A_179, %dma_start3A_206] : memref<50x80xi32, #tpu.memory_space<vmem>> -> memref<1x80xi32, #tpu.memory_space<vmem>>
        %dma_start3A_208 = tpu.memref_squeeze %dma_start3A_207 : memref<1x80xi32, #tpu.memory_space<vmem>> -> memref<80xi32, #tpu.memory_space<vmem>>
        %dma_start3A_209 = arith.constant 0 : i32
        %dma_start3A_210 = arith.constant 0 : i32
        %dma_start3A_211 = tpu.memref_slice %arg18[%dma_start3A_209, %dma_start3A_210] : memref<10240x64xf32, #tpu.memory_space<vmem_shared>> -> memref<10240x64xf32, #tpu.memory_space<vmem_shared>>
        tpu.enqueue_indirect_dma source(%arg15 : memref<80x64xf32, #tpu.memory_space<vmem>>) target(%dma_start3A_211 : memref<10240x64xf32, #tpu.memory_space<vmem_shared>>) offsets(%dma_start3A_208 : memref<80xi32, #tpu.memory_space<vmem>>) semaphore(%arg21 : memref<!tpu.dma_semaphore, #tpu.memory_space<semaphore_mem>>) {add = true}
        %add3A_212 = arith.constant 1 : i32
        %add3A_213 = arith.addi %add3A_177, %add3A_212 : i32
        %eq3A_214 = arith.constant 0 : i32
        %eq3A_215 = arith.cmpi eq, %arg0, %eq3A_214 : i32
        %convert_element_type3A_216 = arith.extui %eq3A_215 : i1 to i32
        %cond3A_217 = arith.constant 0 : i32
        %cond3A_218 = arith.cmpi ne, %convert_element_type3A_216, %cond3A_217 : i32
        scf.if %cond3A_218 {
          %dma_wait3A_247 = arith.constant 0 : i32
          %dma_wait3A_248 = tpu.memref_slice %arg10[%add3A_213, %dma_wait3A_247] : memref<50x80xi32, #tpu.memory_space<vmem>> -> memref<1x80xi32, #tpu.memory_space<vmem>>
          %dma_wait3A_249 = tpu.memref_squeeze %dma_wait3A_248 : memref<1x80xi32, #tpu.memory_space<vmem>> -> memref<80xi32, #tpu.memory_space<vmem>>
          %dma_wait3A_250 = arith.constant 0 : i32
          %dma_wait3A_251 = arith.constant 0 : i32
          %dma_wait3A_252 = tpu.memref_slice %arg2[%dma_wait3A_250, %dma_wait3A_251] : memref<10000x64xf32, #tpu.memory_space<hbm>> -> memref<10000x64xf32, #tpu.memory_space<hbm>>
          tpu.wait_indirect_dma semaphore(%arg20 : memref<!tpu.dma_semaphore, #tpu.memory_space<semaphore_mem>>) src(%dma_wait3A_252 : memref<10000x64xf32, #tpu.memory_space<hbm>>) dst(%arg14 : memref<80x64xf32, #tpu.memory_space<vmem>>)
        } else {
        }
        %eq3A_219 = arith.constant 1 : i32
        %eq3A_220 = arith.cmpi eq, %arg0, %eq3A_219 : i32
        %convert_element_type3A_221 = arith.extui %eq3A_220 : i1 to i32
        %cond3A_222 = arith.constant 0 : i32
        %cond3A_223 = arith.cmpi ne, %convert_element_type3A_221, %cond3A_222 : i32
        scf.if %cond3A_223 {
          %dma_wait3A_247 = arith.constant 0 : i32
          %dma_wait3A_248 = tpu.memref_slice %arg10[%add3A_213, %dma_wait3A_247] : memref<50x80xi32, #tpu.memory_space<vmem>> -> memref<1x80xi32, #tpu.memory_space<vmem>>
          %dma_wait3A_249 = tpu.memref_squeeze %dma_wait3A_248 : memref<1x80xi32, #tpu.memory_space<vmem>> -> memref<80xi32, #tpu.memory_space<vmem>>
          %dma_wait3A_250 = arith.constant 0 : i32
          %dma_wait3A_251 = arith.constant 0 : i32
          %dma_wait3A_252 = tpu.memref_slice %arg3[%dma_wait3A_250, %dma_wait3A_251] : memref<10000x64xf32, #tpu.memory_space<hbm>> -> memref<10000x64xf32, #tpu.memory_space<hbm>>
          tpu.wait_indirect_dma semaphore(%arg20 : memref<!tpu.dma_semaphore, #tpu.memory_space<semaphore_mem>>) src(%dma_wait3A_252 : memref<10000x64xf32, #tpu.memory_space<hbm>>) dst(%arg14 : memref<80x64xf32, #tpu.memory_space<vmem>>)
        } else {
        }
        %dma_wait3A_224 = arith.constant 0 : i32
        %dma_wait3A_225 = tpu.memref_slice %arg11[%add3A_213, %dma_wait3A_224] : memref<50x80xi32, #tpu.memory_space<vmem>> -> memref<1x80xi32, #tpu.memory_space<vmem>>
        %dma_wait3A_226 = tpu.memref_squeeze %dma_wait3A_225 : memref<1x80xi32, #tpu.memory_space<vmem>> -> memref<80xi32, #tpu.memory_space<vmem>>
        %dma_wait3A_227 = arith.constant 0 : i32
        %dma_wait3A_228 = arith.constant 0 : i32
        %dma_wait3A_229 = tpu.memref_slice %arg18[%dma_wait3A_227, %dma_wait3A_228] : memref<10240x64xf32, #tpu.memory_space<vmem_shared>> -> memref<10240x64xf32, #tpu.memory_space<vmem_shared>>
        tpu.wait_indirect_dma semaphore(%arg22 : memref<!tpu.dma_semaphore, #tpu.memory_space<semaphore_mem>>) src(%arg16 : memref<80x64xf32, #tpu.memory_space<vmem>>) dst(%dma_wait3A_229 : memref<10240x64xf32, #tpu.memory_space<vmem_shared>>)
        %broadcast_in_dim3A_230 = vector.broadcast %add3A_213 : i32 to vector<16xi32>
        %parallel_loop3A_231 = arith.constant 0 : i32
        %parallel_loop3A_232 = arith.constant 80 : i32
        %parallel_loop3A_233 = arith.constant 1 : i32
        scf.for %parallel_loop3A_247 = %parallel_loop3A_231 to %parallel_loop3A_232 step %parallel_loop3A_233  : i32 {
          %parallel_loop3A_248 = vector.broadcast %parallel_loop3A_247 : i32 to vector<16xi32>
          %parallel_loop3A_249 = tpu.vector_load_idx %arg12[%broadcast_in_dim3A_230, %parallel_loop3A_248] : memref<50x80xf32, #tpu.memory_space<vmem>>[vector<16xi32>, vector<16xi32>], vector<16xf32>,
          %parallel_loop3A_250 = arith.index_cast %parallel_loop3A_247 : i32 to index
          %parallel_loop3A_251 = arith.constant 0 : index
          %parallel_loop3A_252 = tpu.vector_load %arg14[%parallel_loop3A_250, %parallel_loop3A_251] {strides = array<i32>} : memref<80x64xf32, #tpu.memory_space<vmem>>, vector<16xf32>,
          %parallel_loop3A_253 = arith.mulf %parallel_loop3A_249, %get3A_4 : vector<16xf32>
          %parallel_loop3A_254 = arith.addf %parallel_loop3A_252, %parallel_loop3A_253 : vector<16xf32>
          %parallel_loop3A_255 = arith.addf %parallel_loop3A_254, %get3A_28 : vector<16xf32>
          %parallel_loop3A_256 = arith.constant 0.000000e+00 : f32
          %parallel_loop3A_257 = vector.broadcast %parallel_loop3A_256 : f32 to vector<16xf32>
          %parallel_loop3A_258 = arith.maximumf %parallel_loop3A_255, %parallel_loop3A_257 : vector<16xf32>
          %parallel_loop3A_259 = arith.index_cast %parallel_loop3A_247 : i32 to index
          %parallel_loop3A_260 = arith.constant 0 : index
          %parallel_loop3A_261 = tpu.vector_load %arg16[%parallel_loop3A_259, %parallel_loop3A_260] {strides = array<i32>} : memref<80x64xf32, #tpu.memory_space<vmem>>, vector<16xf32>,
          tpu.vector_store %arg16[%parallel_loop3A_259, %parallel_loop3A_260], %parallel_loop3A_258 {strides = array<i32>} : memref<80x64xf32, #tpu.memory_space<vmem>>, vector<16xf32>,
          %parallel_loop3A_262 = arith.index_cast %parallel_loop3A_247 : i32 to index
          %parallel_loop3A_263 = arith.constant 16 : index
          %parallel_loop3A_264 = tpu.vector_load %arg14[%parallel_loop3A_262, %parallel_loop3A_263] {strides = array<i32>} : memref<80x64xf32, #tpu.memory_space<vmem>>, vector<16xf32>,
          %parallel_loop3A_265 = arith.mulf %parallel_loop3A_249, %get3A_10 : vector<16xf32>
          %parallel_loop3A_266 = arith.addf %parallel_loop3A_264, %parallel_loop3A_265 : vector<16xf32>
          %parallel_loop3A_267 = arith.addf %parallel_loop3A_266, %get3A_34 : vector<16xf32>
          %parallel_loop3A_268 = arith.constant 0.000000e+00 : f32
          %parallel_loop3A_269 = vector.broadcast %parallel_loop3A_268 : f32 to vector<16xf32>
          %parallel_loop3A_270 = arith.maximumf %parallel_loop3A_267, %parallel_loop3A_269 : vector<16xf32>
          %parallel_loop3A_271 = arith.index_cast %parallel_loop3A_247 : i32 to index
          %parallel_loop3A_272 = arith.constant 16 : index
          %parallel_loop3A_273 = tpu.vector_load %arg16[%parallel_loop3A_271, %parallel_loop3A_272] {strides = array<i32>} : memref<80x64xf32, #tpu.memory_space<vmem>>, vector<16xf32>,
          tpu.vector_store %arg16[%parallel_loop3A_271, %parallel_loop3A_272], %parallel_loop3A_270 {strides = array<i32>} : memref<80x64xf32, #tpu.memory_space<vmem>>, vector<16xf32>,
          %parallel_loop3A_274 = arith.index_cast %parallel_loop3A_247 : i32 to index
          %parallel_loop3A_275 = arith.constant 32 : index
          %parallel_loop3A_276 = tpu.vector_load %arg14[%parallel_loop3A_274, %parallel_loop3A_275] {strides = array<i32>} : memref<80x64xf32, #tpu.memory_space<vmem>>, vector<16xf32>,
          %parallel_loop3A_277 = arith.mulf %parallel_loop3A_249, %get3A_16 : vector<16xf32>
          %parallel_loop3A_278 = arith.addf %parallel_loop3A_276, %parallel_loop3A_277 : vector<16xf32>
          %parallel_loop3A_279 = arith.addf %parallel_loop3A_278, %get3A_40 : vector<16xf32>
          %parallel_loop3A_280 = arith.constant 0.000000e+00 : f32
          %parallel_loop3A_281 = vector.broadcast %parallel_loop3A_280 : f32 to vector<16xf32>
          %parallel_loop3A_282 = arith.maximumf %parallel_loop3A_279, %parallel_loop3A_281 : vector<16xf32>
          %parallel_loop3A_283 = arith.index_cast %parallel_loop3A_247 : i32 to index
          %parallel_loop3A_284 = arith.constant 32 : index
          %parallel_loop3A_285 = tpu.vector_load %arg16[%parallel_loop3A_283, %parallel_loop3A_284] {strides = array<i32>} : memref<80x64xf32, #tpu.memory_space<vmem>>, vector<16xf32>,
          tpu.vector_store %arg16[%parallel_loop3A_283, %parallel_loop3A_284], %parallel_loop3A_282 {strides = array<i32>} : memref<80x64xf32, #tpu.memory_space<vmem>>, vector<16xf32>,
          %parallel_loop3A_286 = arith.index_cast %parallel_loop3A_247 : i32 to index
          %parallel_loop3A_287 = arith.constant 48 : index
          %parallel_loop3A_288 = tpu.vector_load %arg14[%parallel_loop3A_286, %parallel_loop3A_287] {strides = array<i32>} : memref<80x64xf32, #tpu.memory_space<vmem>>, vector<16xf32>,
          %parallel_loop3A_289 = arith.mulf %parallel_loop3A_249, %get3A_22 : vector<16xf32>
          %parallel_loop3A_290 = arith.addf %parallel_loop3A_288, %parallel_loop3A_289 : vector<16xf32>
          %parallel_loop3A_291 = arith.addf %parallel_loop3A_290, %get3A_46 : vector<16xf32>
          %parallel_loop3A_292 = arith.constant 0.000000e+00 : f32
          %parallel_loop3A_293 = vector.broadcast %parallel_loop3A_292 : f32 to vector<16xf32>
          %parallel_loop3A_294 = arith.maximumf %parallel_loop3A_291, %parallel_loop3A_293 : vector<16xf32>
          %parallel_loop3A_295 = arith.index_cast %parallel_loop3A_247 : i32 to index
          %parallel_loop3A_296 = arith.constant 48 : index
          %parallel_loop3A_297 = tpu.vector_load %arg16[%parallel_loop3A_295, %parallel_loop3A_296] {strides = array<i32>} : memref<80x64xf32, #tpu.memory_space<vmem>>, vector<16xf32>,
          tpu.vector_store %arg16[%parallel_loop3A_295, %parallel_loop3A_296], %parallel_loop3A_294 {strides = array<i32>} : memref<80x64xf32, #tpu.memory_space<vmem>>, vector<16xf32>,
        } {sc.loop_unroll_factor = 2 : i64, sc.parallel_access}
        %add3A_234 = arith.constant 2 : i32
        %add3A_235 = arith.addi %add3A_213, %add3A_234 : i32
        %lt3A_236 = arith.constant 50 : i32
        %lt3A_237 = arith.cmpi slt, %add3A_235, %lt3A_236 : i32
        %convert_element_type3A_238 = arith.extui %lt3A_237 : i1 to i32
        %cond3A_239 = arith.constant 0 : i32
        %cond3A_240 = arith.cmpi ne, %convert_element_type3A_238, %cond3A_239 : i32
        scf.if %cond3A_240 {
          %add3A_247 = arith.constant 2 : i32
          %add3A_248 = arith.addi %add3A_213, %add3A_247 : i32
          %eq3A_249 = arith.constant 0 : i32
          %eq3A_250 = arith.cmpi eq, %arg0, %eq3A_249 : i32
          %convert_element_type3A_251 = arith.extui %eq3A_250 : i1 to i32
          %cond3A_252 = arith.constant 0 : i32
          %cond3A_253 = arith.cmpi ne, %convert_element_type3A_251, %cond3A_252 : i32
          scf.if %cond3A_253 {
            %dma_start3A_259 = arith.constant 0 : i32
            %dma_start3A_260 = tpu.memref_slice %arg10[%add3A_248, %dma_start3A_259] : memref<50x80xi32, #tpu.memory_space<vmem>> -> memref<1x80xi32, #tpu.memory_space<vmem>>
            %dma_start3A_261 = tpu.memref_squeeze %dma_start3A_260 : memref<1x80xi32, #tpu.memory_space<vmem>> -> memref<80xi32, #tpu.memory_space<vmem>>
            %dma_start3A_262 = arith.constant 0 : i32
            %dma_start3A_263 = arith.constant 0 : i32
            %dma_start3A_264 = tpu.memref_slice %arg2[%dma_start3A_262, %dma_start3A_263] : memref<10000x64xf32, #tpu.memory_space<hbm>> -> memref<10000x64xf32, #tpu.memory_space<hbm>>
            tpu.enqueue_indirect_dma source(%dma_start3A_264 : memref<10000x64xf32, #tpu.memory_space<hbm>>) target(%arg14 : memref<80x64xf32, #tpu.memory_space<vmem>>) offsets(%dma_start3A_261 : memref<80xi32, #tpu.memory_space<vmem>>) semaphore(%arg20 : memref<!tpu.dma_semaphore, #tpu.memory_space<semaphore_mem>>)
          } else {
          }
          %eq3A_254 = arith.constant 1 : i32
          %eq3A_255 = arith.cmpi eq, %arg0, %eq3A_254 : i32
          %convert_element_type3A_256 = arith.extui %eq3A_255 : i1 to i32
          %cond3A_257 = arith.constant 0 : i32
          %cond3A_258 = arith.cmpi ne, %convert_element_type3A_256, %cond3A_257 : i32
          scf.if %cond3A_258 {
            %dma_start3A_259 = arith.constant 0 : i32
            %dma_start3A_260 = tpu.memref_slice %arg10[%add3A_248, %dma_start3A_259] : memref<50x80xi32, #tpu.memory_space<vmem>> -> memref<1x80xi32, #tpu.memory_space<vmem>>
            %dma_start3A_261 = tpu.memref_squeeze %dma_start3A_260 : memref<1x80xi32, #tpu.memory_space<vmem>> -> memref<80xi32, #tpu.memory_space<vmem>>
            %dma_start3A_262 = arith.constant 0 : i32
            %dma_start3A_263 = arith.constant 0 : i32
            %dma_start3A_264 = tpu.memref_slice %arg3[%dma_start3A_262, %dma_start3A_263] : memref<10000x64xf32, #tpu.memory_space<hbm>> -> memref<10000x64xf32, #tpu.memory_space<hbm>>
            tpu.enqueue_indirect_dma source(%dma_start3A_264 : memref<10000x64xf32, #tpu.memory_space<hbm>>) target(%arg14 : memref<80x64xf32, #tpu.memory_space<vmem>>) offsets(%dma_start3A_261 : memref<80xi32, #tpu.memory_space<vmem>>) semaphore(%arg20 : memref<!tpu.dma_semaphore, #tpu.memory_space<semaphore_mem>>)
          } else {
          }
        } else {
        }
        %dma_start3A_241 = arith.constant 0 : i32
        %dma_start3A_242 = tpu.memref_slice %arg11[%add3A_213, %dma_start3A_241] : memref<50x80xi32, #tpu.memory_space<vmem>> -> memref<1x80xi32, #tpu.memory_space<vmem>>
        %dma_start3A_243 = tpu.memref_squeeze %dma_start3A_242 : memref<1x80xi32, #tpu.memory_space<vmem>> -> memref<80xi32, #tpu.memory_space<vmem>>
        %dma_start3A_244 = arith.constant 0 : i32
        %dma_start3A_245 = arith.constant 0 : i32
        %dma_start3A_246 = tpu.memref_slice %arg18[%dma_start3A_244, %dma_start3A_245] : memref<10240x64xf32, #tpu.memory_space<vmem_shared>> -> memref<10240x64xf32, #tpu.memory_space<vmem_shared>>
        tpu.enqueue_indirect_dma source(%arg16 : memref<80x64xf32, #tpu.memory_space<vmem>>) target(%dma_start3A_246 : memref<10240x64xf32, #tpu.memory_space<vmem_shared>>) offsets(%dma_start3A_243 : memref<80xi32, #tpu.memory_space<vmem>>) semaphore(%arg22 : memref<!tpu.dma_semaphore, #tpu.memory_space<semaphore_mem>>) {add = true}
      }
      %scan3A_159 = arith.constant 24 : i32
      %dma_wait3A = arith.constant 0 : i32
      %dma_wait3A_160 = arith.constant 0 : i32
      %dma_wait3A_161 = tpu.memref_slice %arg11[%dma_wait3A, %dma_wait3A_160] : memref<50x80xi32, #tpu.memory_space<vmem>> -> memref<1x80xi32, #tpu.memory_space<vmem>>
      %dma_wait3A_162 = tpu.memref_squeeze %dma_wait3A_161 : memref<1x80xi32, #tpu.memory_space<vmem>> -> memref<80xi32, #tpu.memory_space<vmem>>
      %dma_wait3A_163 = arith.constant 0 : i32
      %dma_wait3A_164 = arith.constant 0 : i32
      %dma_wait3A_165 = tpu.memref_slice %arg18[%dma_wait3A_163, %dma_wait3A_164] : memref<10240x64xf32, #tpu.memory_space<vmem_shared>> -> memref<10240x64xf32, #tpu.memory_space<vmem_shared>>
      tpu.wait_indirect_dma semaphore(%arg21 : memref<!tpu.dma_semaphore, #tpu.memory_space<semaphore_mem>>) src(%arg15 : memref<80x64xf32, #tpu.memory_space<vmem>>) dst(%dma_wait3A_165 : memref<10240x64xf32, #tpu.memory_space<vmem_shared>>)
      %dma_wait3A_166 = arith.constant 1 : i32
      %dma_wait3A_167 = arith.constant 0 : i32
      %dma_wait3A_168 = tpu.memref_slice %arg11[%dma_wait3A_166, %dma_wait3A_167] : memref<50x80xi32, #tpu.memory_space<vmem>> -> memref<1x80xi32, #tpu.memory_space<vmem>>
      %dma_wait3A_169 = tpu.memref_squeeze %dma_wait3A_168 : memref<1x80xi32, #tpu.memory_space<vmem>> -> memref<80xi32, #tpu.memory_space<vmem>>
      %dma_wait3A_170 = arith.constant 0 : i32
      %dma_wait3A_171 = arith.constant 0 : i32
      %dma_wait3A_172 = tpu.memref_slice %arg18[%dma_wait3A_170, %dma_wait3A_171] : memref<10240x64xf32, #tpu.memory_space<vmem_shared>> -> memref<10240x64xf32, #tpu.memory_space<vmem_shared>>
      tpu.wait_indirect_dma semaphore(%arg22 : memref<!tpu.dma_semaphore, #tpu.memory_space<semaphore_mem>>) src(%arg16 : memref<80x64xf32, #tpu.memory_space<vmem>>) dst(%dma_wait3A_172 : memref<10240x64xf32, #tpu.memory_space<vmem_shared>>)
    }
    %scan3A_60 = arith.constant 5 : i32
    %barrier3A_61 = arith.constant 0 : index
    tpu.barrier barrier_id(%barrier3A_61)
    %eq3A = arith.constant 0 : i32
    %eq3A_62 = arith.cmpi eq, %arg0, %eq3A : i32
    %convert_element_type3A = arith.extui %eq3A_62 : i1 to i32
    %cond3A = arith.constant 0 : i32
    %cond3A_63 = arith.cmpi ne, %convert_element_type3A, %cond3A : i32
    scf.if %cond3A_63 {
      %mul3A_69 = arith.constant 640 : i32
      %mul3A_70 = arith.muli %arg1, %mul3A_69 : i32
      %mul3A_71 = arith.constant 640 : i32
      %mul3A_72 = arith.muli %arg1, %mul3A_71 : i32
      "tpu.region"() ({
        %run_scoped3A = tpu.sem_alloc : memref<!tpu.dma_semaphore, #tpu.memory_space<semaphore_mem>>
        %dma_start3A = arith.constant 0 : i32
        %dma_start3A_73 = tpu.memref_slice %arg8[%mul3A_72, %dma_start3A] : memref<10240x64xf32, #tpu.memory_space<hbm>> -> memref<640x64xf32, #tpu.memory_space<hbm>>
        %dma_start3A_74 = arith.constant 0 : i32
        %dma_start3A_75 = tpu.memref_slice %arg18[%mul3A_70, %dma_start3A_74] : memref<10240x64xf32, #tpu.memory_space<vmem_shared>> -> memref<640x64xf32, #tpu.memory_space<vmem_shared>>
        tpu.enqueue_dma source(%dma_start3A_75 : memref<640x64xf32, #tpu.memory_space<vmem_shared>>) target(%dma_start3A_73 : memref<640x64xf32, #tpu.memory_space<hbm>>) target_semaphore(%run_scoped3A : memref<!tpu.dma_semaphore, #tpu.memory_space<semaphore_mem>>)
        %dma_wait3A = arith.constant 0 : i32
        %dma_wait3A_76 = tpu.memref_slice %arg8[%mul3A_72, %dma_wait3A] : memref<10240x64xf32, #tpu.memory_space<hbm>> -> memref<640x64xf32, #tpu.memory_space<hbm>>
        %dma_wait3A_77 = arith.constant 0 : i32
        %dma_wait3A_78 = tpu.memref_slice %arg18[%mul3A_70, %dma_wait3A_77] : memref<10240x64xf32, #tpu.memory_space<vmem_shared>> -> memref<640x64xf32, #tpu.memory_space<vmem_shared>>
        tpu.wait_dma2 semaphore(%run_scoped3A : memref<!tpu.dma_semaphore, #tpu.memory_space<semaphore_mem>>) src(%dma_wait3A_78 : memref<640x64xf32, #tpu.memory_space<vmem_shared>>) dst(%dma_wait3A_76 : memref<640x64xf32, #tpu.memory_space<hbm>>)
        tpu.yield
      }) : () -> ()
    } else {
    }
    %eq3A_64 = arith.constant 1 : i32
    %eq3A_65 = arith.cmpi eq, %arg0, %eq3A_64 : i32
    %convert_element_type3A_66 = arith.extui %eq3A_65 : i1 to i32
    %cond3A_67 = arith.constant 0 : i32
    %cond3A_68 = arith.cmpi ne, %convert_element_type3A_66, %cond3A_67 : i32
    scf.if %cond3A_68 {
      %mul3A_69 = arith.constant 640 : i32
      %mul3A_70 = arith.muli %arg1, %mul3A_69 : i32
      %mul3A_71 = arith.constant 640 : i32
      %mul3A_72 = arith.muli %arg1, %mul3A_71 : i32
      "tpu.region"() ({
        %run_scoped3A = tpu.sem_alloc : memref<!tpu.dma_semaphore, #tpu.memory_space<semaphore_mem>>
        %dma_start3A = arith.constant 0 : i32
        %dma_start3A_73 = tpu.memref_slice %arg9[%mul3A_72, %dma_start3A] : memref<10240x64xf32, #tpu.memory_space<hbm>> -> memref<640x64xf32, #tpu.memory_space<hbm>>
        %dma_start3A_74 = arith.constant 0 : i32
        %dma_start3A_75 = tpu.memref_slice %arg18[%mul3A_70, %dma_start3A_74] : memref<10240x64xf32, #tpu.memory_space<vmem_shared>> -> memref<640x64xf32, #tpu.memory_space<vmem_shared>>
        tpu.enqueue_dma source(%dma_start3A_75 : memref<640x64xf32, #tpu.memory_space<vmem_shared>>) target(%dma_start3A_73 : memref<640x64xf32, #tpu.memory_space<hbm>>) target_semaphore(%run_scoped3A : memref<!tpu.dma_semaphore, #tpu.memory_space<semaphore_mem>>)
        %dma_wait3A = arith.constant 0 : i32
        %dma_wait3A_76 = tpu.memref_slice %arg9[%mul3A_72, %dma_wait3A] : memref<10240x64xf32, #tpu.memory_space<hbm>> -> memref<640x64xf32, #tpu.memory_space<hbm>>
        %dma_wait3A_77 = arith.constant 0 : i32
        %dma_wait3A_78 = tpu.memref_slice %arg18[%mul3A_70, %dma_wait3A_77] : memref<10240x64xf32, #tpu.memory_space<vmem_shared>> -> memref<640x64xf32, #tpu.memory_space<vmem_shared>>
        tpu.wait_dma2 semaphore(%run_scoped3A : memref<!tpu.dma_semaphore, #tpu.memory_space<semaphore_mem>>) src(%dma_wait3A_78 : memref<640x64xf32, #tpu.memory_space<vmem_shared>>) dst(%dma_wait3A_76 : memref<640x64xf32, #tpu.memory_space<hbm>>)
        tpu.yield
      }) : () -> ()
    } else {
    }
    return
  }
}

#map = affine_map<(d0, d1) -> (0)>
#map1 = affine_map<(d0, d1) -> (0, 0, 0, 0)>
#map2 = affine_map<(d0, d1) -> (0, 0)>
module attributes {stable_mosaic.version = 14 : i64} {
  func.func @_sc1_body(%arg0: i32, %arg1: i32, %arg2: memref<10000xf32, #tpu.memory_space<hbm>>, %arg3: memref<16x5x50x80xi32, #tpu.memory_space<hbm>>, %arg4: memref<16x5x50x80xi32, #tpu.memory_space<hbm>>, %arg5: memref<16x5x50x80xf32, #tpu.memory_space<hbm>>, %arg6: memref<8x128xf32, #tpu.memory_space<hbm>>, %arg7: memref<10240x64xf32, #tpu.memory_space<hbm>>, %arg8: memref<10240x64xf32, #tpu.memory_space<hbm>>, %arg9: memref<10000xf32, #tpu.memory_space<vmem>>, %arg10: memref<50x80xi32, #tpu.memory_space<vmem>>, %arg11: memref<50x80xi32, #tpu.memory_space<vmem>>, %arg12: memref<50x80xf32, #tpu.memory_space<vmem>>, %arg13: memref<80xf32, #tpu.memory_space<vmem>>, %arg14: memref<80x64xf32, #tpu.memory_space<vmem>>, %arg15: memref<80x64xf32, #tpu.memory_space<vmem>>, %arg16: memref<8x128xf32, #tpu.memory_space<vmem>>, %arg17: memref<10240x64xf32, #tpu.memory_space<vmem_shared>>, %arg18: memref<!tpu.dma_semaphore, #tpu.memory_space<semaphore_mem>>, %arg19: memref<!tpu.dma_semaphore, #tpu.memory_space<semaphore_mem>>) attributes {dimension_semantics = [#tpu.dimension_semantics<core_parallel>, #tpu.dimension_semantics<subcore_parallel>], iteration_bounds = array<i64: 2, 16>, scalar_prefetch = 0 : i64, scratch_operands = 11 : i64, tpu.core_type = #tpu.core_type<sc_vector_subcore>, window_params = [{transform_indices = #map}, {transform_indices = #map1}, {transform_indices = #map1}, {transform_indices = #map1}, {transform_indices = #map2}, {transform_indices = #map2}, {transform_indices = #map2}]} {
    "tpu.region"() ({
      %run_scoped3A = tpu.sem_alloc : memref<!tpu.dma_semaphore, #tpu.memory_space<semaphore_mem>>
      tpu.enqueue_dma source(%arg2 : memref<10000xf32, #tpu.memory_space<hbm>>) target(%arg9 : memref<10000xf32, #tpu.memory_space<vmem>>) target_semaphore(%run_scoped3A : memref<!tpu.dma_semaphore, #tpu.memory_space<semaphore_mem>>)
      tpu.wait_dma2 semaphore(%run_scoped3A : memref<!tpu.dma_semaphore, #tpu.memory_space<semaphore_mem>>) src(%arg2 : memref<10000xf32, #tpu.memory_space<hbm>>) dst(%arg9 : memref<10000xf32, #tpu.memory_space<vmem>>)
      tpu.yield
    }) : () -> ()
    "tpu.region"() ({
      %run_scoped3A = tpu.sem_alloc : memref<!tpu.dma_semaphore, #tpu.memory_space<semaphore_mem>>
      tpu.enqueue_dma source(%arg6 : memref<8x128xf32, #tpu.memory_space<hbm>>) target(%arg16 : memref<8x128xf32, #tpu.memory_space<vmem>>) target_semaphore(%run_scoped3A : memref<!tpu.dma_semaphore, #tpu.memory_space<semaphore_mem>>)
      tpu.wait_dma2 semaphore(%run_scoped3A : memref<!tpu.dma_semaphore, #tpu.memory_space<semaphore_mem>>) src(%arg6 : memref<8x128xf32, #tpu.memory_space<hbm>>) dst(%arg16 : memref<8x128xf32, #tpu.memory_space<vmem>>)
      tpu.yield
    }) : () -> ()
    %mul3A = arith.constant 64 : i32
    %mul3A_0 = arith.muli %arg0, %mul3A : i32
    %add3A = arith.constant 0 : i32
    %add3A_1 = arith.addi %mul3A_0, %add3A : i32
    %get3A = arith.constant 0 : i32
    %get3A_2 = arith.index_cast %get3A : i32 to index
    %get3A_3 = arith.index_cast %add3A_1 : i32 to index
    %get3A_4 = tpu.vector_load %arg16[%get3A_2, %get3A_3] {strides = array<i32>} : memref<8x128xf32, #tpu.memory_space<vmem>>, vector<16xf32>,
    %add3A_5 = arith.constant 16 : i32
    %add3A_6 = arith.addi %mul3A_0, %add3A_5 : i32
    %get3A_7 = arith.constant 0 : i32
    %get3A_8 = arith.index_cast %get3A_7 : i32 to index
    %get3A_9 = arith.index_cast %add3A_6 : i32 to index
    %get3A_10 = tpu.vector_load %arg16[%get3A_8, %get3A_9] {strides = array<i32>} : memref<8x128xf32, #tpu.memory_space<vmem>>, vector<16xf32>,
    %add3A_11 = arith.constant 32 : i32
    %add3A_12 = arith.addi %mul3A_0, %add3A_11 : i32
    %get3A_13 = arith.constant 0 : i32
    %get3A_14 = arith.index_cast %get3A_13 : i32 to index
    %get3A_15 = arith.index_cast %add3A_12 : i32 to index
    %get3A_16 = tpu.vector_load %arg16[%get3A_14, %get3A_15] {strides = array<i32>} : memref<8x128xf32, #tpu.memory_space<vmem>>, vector<16xf32>,
    %add3A_17 = arith.constant 48 : i32
    %add3A_18 = arith.addi %mul3A_0, %add3A_17 : i32
    %get3A_19 = arith.constant 0 : i32
    %get3A_20 = arith.index_cast %get3A_19 : i32 to index
    %get3A_21 = arith.index_cast %add3A_18 : i32 to index
    %get3A_22 = tpu.vector_load %arg16[%get3A_20, %get3A_21] {strides = array<i32>} : memref<8x128xf32, #tpu.memory_space<vmem>>, vector<16xf32>,
    %add3A_23 = arith.constant 0 : i32
    %add3A_24 = arith.addi %mul3A_0, %add3A_23 : i32
    %get3A_25 = arith.constant 1 : i32
    %get3A_26 = arith.index_cast %get3A_25 : i32 to index
    %get3A_27 = arith.index_cast %add3A_24 : i32 to index
    %get3A_28 = tpu.vector_load %arg16[%get3A_26, %get3A_27] {strides = array<i32>} : memref<8x128xf32, #tpu.memory_space<vmem>>, vector<16xf32>,
    %add3A_29 = arith.constant 16 : i32
    %add3A_30 = arith.addi %mul3A_0, %add3A_29 : i32
    %get3A_31 = arith.constant 1 : i32
    %get3A_32 = arith.index_cast %get3A_31 : i32 to index
    %get3A_33 = arith.index_cast %add3A_30 : i32 to index
    %get3A_34 = tpu.vector_load %arg16[%get3A_32, %get3A_33] {strides = array<i32>} : memref<8x128xf32, #tpu.memory_space<vmem>>, vector<16xf32>,
    %add3A_35 = arith.constant 32 : i32
    %add3A_36 = arith.addi %mul3A_0, %add3A_35 : i32
    %get3A_37 = arith.constant 1 : i32
    %get3A_38 = arith.index_cast %get3A_37 : i32 to index
    %get3A_39 = arith.index_cast %add3A_36 : i32 to index
    %get3A_40 = tpu.vector_load %arg16[%get3A_38, %get3A_39] {strides = array<i32>} : memref<8x128xf32, #tpu.memory_space<vmem>>, vector<16xf32>,
    %add3A_41 = arith.constant 48 : i32
    %add3A_42 = arith.addi %mul3A_0, %add3A_41 : i32
    %get3A_43 = arith.constant 1 : i32
    %get3A_44 = arith.index_cast %get3A_43 : i32 to index
    %get3A_45 = arith.index_cast %add3A_42 : i32 to index
    %get3A_46 = tpu.vector_load %arg16[%get3A_44, %get3A_45] {strides = array<i32>} : memref<8x128xf32, #tpu.memory_space<vmem>>, vector<16xf32>,
    %add3A_47 = arith.constant 0 : i32
    %add3A_48 = arith.addi %mul3A_0, %add3A_47 : i32
    %get3A_49 = arith.constant 2 : i32
    %get3A_50 = arith.index_cast %get3A_49 : i32 to index
    %get3A_51 = arith.index_cast %add3A_48 : i32 to index
    %get3A_52 = tpu.vector_load %arg16[%get3A_50, %get3A_51] {strides = array<i32>} : memref<8x128xf32, #tpu.memory_space<vmem>>, vector<16xf32>,
    %add3A_53 = arith.constant 16 : i32
    %add3A_54 = arith.addi %mul3A_0, %add3A_53 : i32
    %get3A_55 = arith.constant 2 : i32
    %get3A_56 = arith.index_cast %get3A_55 : i32 to index
    %get3A_57 = arith.index_cast %add3A_54 : i32 to index
    %get3A_58 = tpu.vector_load %arg16[%get3A_56, %get3A_57] {strides = array<i32>} : memref<8x128xf32, #tpu.memory_space<vmem>>, vector<16xf32>,
    %add3A_59 = arith.constant 32 : i32
    %add3A_60 = arith.addi %mul3A_0, %add3A_59 : i32
    %get3A_61 = arith.constant 2 : i32
    %get3A_62 = arith.index_cast %get3A_61 : i32 to index
    %get3A_63 = arith.index_cast %add3A_60 : i32 to index
    %get3A_64 = tpu.vector_load %arg16[%get3A_62, %get3A_63] {strides = array<i32>} : memref<8x128xf32, #tpu.memory_space<vmem>>, vector<16xf32>,
    %add3A_65 = arith.constant 48 : i32
    %add3A_66 = arith.addi %mul3A_0, %add3A_65 : i32
    %get3A_67 = arith.constant 2 : i32
    %get3A_68 = arith.index_cast %get3A_67 : i32 to index
    %get3A_69 = arith.index_cast %add3A_66 : i32 to index
    %get3A_70 = tpu.vector_load %arg16[%get3A_68, %get3A_69] {strides = array<i32>} : memref<8x128xf32, #tpu.memory_space<vmem>>, vector<16xf32>,
    %scan3A = arith.constant 0 : i32
    %scan3A_71 = arith.constant 80 : i32
    %scan3A_72 = arith.addi %scan3A, %scan3A_71 : i32
    %scan3A_73 = arith.constant 1 : i32
    scf.for %scan3A_93 = %scan3A to %scan3A_72 step %scan3A_73  : i32 {
      %mul3A_94 = arith.constant 1 : i32
      %mul3A_95 = arith.muli %scan3A_93, %mul3A_94 : i32
      %add3A_96 = arith.constant 0 : i32
      %add3A_97 = arith.addi %add3A_96, %mul3A_95 : i32
      %broadcast_in_dim3A = arith.constant 0.000000e+00 : f32
      %broadcast_in_dim3A_98 = vector.broadcast %broadcast_in_dim3A : f32 to vector<16xf32>
      %swap3A = arith.index_cast %add3A_97 : i32 to index
      %swap3A_99 = arith.constant 0 : index
      %swap3A_100 = tpu.vector_load %arg14[%swap3A, %swap3A_99] {strides = array<i32>} : memref<80x64xf32, #tpu.memory_space<vmem>>, vector<16xf32>,
      tpu.vector_store %arg14[%swap3A, %swap3A_99], %broadcast_in_dim3A_98 {strides = array<i32>} : memref<80x64xf32, #tpu.memory_space<vmem>>, vector<16xf32>,
      %broadcast_in_dim3A_101 = arith.constant 0.000000e+00 : f32
      %broadcast_in_dim3A_102 = vector.broadcast %broadcast_in_dim3A_101 : f32 to vector<16xf32>
      %swap3A_103 = arith.index_cast %add3A_97 : i32 to index
      %swap3A_104 = arith.constant 16 : index
      %swap3A_105 = tpu.vector_load %arg14[%swap3A_103, %swap3A_104] {strides = array<i32>} : memref<80x64xf32, #tpu.memory_space<vmem>>, vector<16xf32>,
      tpu.vector_store %arg14[%swap3A_103, %swap3A_104], %broadcast_in_dim3A_102 {strides = array<i32>} : memref<80x64xf32, #tpu.memory_space<vmem>>, vector<16xf32>,
      %broadcast_in_dim3A_106 = arith.constant 0.000000e+00 : f32
      %broadcast_in_dim3A_107 = vector.broadcast %broadcast_in_dim3A_106 : f32 to vector<16xf32>
      %swap3A_108 = arith.index_cast %add3A_97 : i32 to index
      %swap3A_109 = arith.constant 32 : index
      %swap3A_110 = tpu.vector_load %arg14[%swap3A_108, %swap3A_109] {strides = array<i32>} : memref<80x64xf32, #tpu.memory_space<vmem>>, vector<16xf32>,
      tpu.vector_store %arg14[%swap3A_108, %swap3A_109], %broadcast_in_dim3A_107 {strides = array<i32>} : memref<80x64xf32, #tpu.memory_space<vmem>>, vector<16xf32>,
      %broadcast_in_dim3A_111 = arith.constant 0.000000e+00 : f32
      %broadcast_in_dim3A_112 = vector.broadcast %broadcast_in_dim3A_111 : f32 to vector<16xf32>
      %swap3A_113 = arith.index_cast %add3A_97 : i32 to index
      %swap3A_114 = arith.constant 48 : index
      %swap3A_115 = tpu.vector_load %arg14[%swap3A_113, %swap3A_114] {strides = array<i32>} : memref<80x64xf32, #tpu.memory_space<vmem>>, vector<16xf32>,
      tpu.vector_store %arg14[%swap3A_113, %swap3A_114], %broadcast_in_dim3A_112 {strides = array<i32>} : memref<80x64xf32, #tpu.memory_space<vmem>>, vector<16xf32>,
    }
    %scan3A_74 = arith.constant 80 : i32
    %scan3A_75 = arith.constant 0 : i32
    %scan3A_76 = arith.constant 8 : i32
    %scan3A_77 = arith.addi %scan3A_75, %scan3A_76 : i32
    %scan3A_78 = arith.constant 1 : i32
    scf.for %scan3A_93 = %scan3A_75 to %scan3A_77 step %scan3A_78  : i32 {
      %mul3A_94 = arith.constant 1 : i32
      %mul3A_95 = arith.muli %scan3A_93, %mul3A_94 : i32
      %add3A_96 = arith.constant 0 : i32
      %add3A_97 = arith.addi %add3A_96, %mul3A_95 : i32
      %mul3A_98 = arith.constant 640 : i32
      %mul3A_99 = arith.muli %arg1, %mul3A_98 : i32
      %mul3A_100 = arith.constant 80 : i32
      %mul3A_101 = arith.muli %add3A_97, %mul3A_100 : i32
      %add3A_102 = arith.addi %mul3A_99, %mul3A_101 : i32
      "tpu.region"() ({
        %run_scoped3A = tpu.sem_alloc : memref<!tpu.dma_semaphore, #tpu.memory_space<semaphore_mem>>
        %dma_start3A = arith.constant 0 : i32
        %dma_start3A_103 = tpu.memref_slice %arg17[%add3A_102, %dma_start3A] : memref<10240x64xf32, #tpu.memory_space<vmem_shared>> -> memref<80x64xf32, #tpu.memory_space<vmem_shared>>
        %dma_start3A_104 = arith.constant 0 : i32
        %dma_start3A_105 = tpu.memref_slice %arg17[%add3A_102, %dma_start3A_104] : memref<10240x64xf32, #tpu.memory_space<vmem_shared>> -> memref<80x64xf32, #tpu.memory_space<vmem_shared>>
        tpu.enqueue_dma source(%arg14 : memref<80x64xf32, #tpu.memory_space<vmem>>) target(%dma_start3A_105 : memref<80x64xf32, #tpu.memory_space<vmem_shared>>) target_semaphore(%run_scoped3A : memref<!tpu.dma_semaphore, #tpu.memory_space<semaphore_mem>>)
        %dma_wait3A = arith.constant 0 : i32
        %dma_wait3A_106 = tpu.memref_slice %arg17[%add3A_102, %dma_wait3A] : memref<10240x64xf32, #tpu.memory_space<vmem_shared>> -> memref<80x64xf32, #tpu.memory_space<vmem_shared>>
        %dma_wait3A_107 = arith.constant 0 : i32
        %dma_wait3A_108 = tpu.memref_slice %arg17[%add3A_102, %dma_wait3A_107] : memref<10240x64xf32, #tpu.memory_space<vmem_shared>> -> memref<80x64xf32, #tpu.memory_space<vmem_shared>>
        tpu.wait_dma2 semaphore(%run_scoped3A : memref<!tpu.dma_semaphore, #tpu.memory_space<semaphore_mem>>) src(%arg14 : memref<80x64xf32, #tpu.memory_space<vmem>>) dst(%dma_wait3A_108 : memref<80x64xf32, #tpu.memory_space<vmem_shared>>)
        tpu.yield
      }) : () -> ()
    }
    %scan3A_79 = arith.constant 8 : i32
    %barrier3A = arith.constant 0 : index
    tpu.barrier barrier_id(%barrier3A)
    %scan3A_80 = arith.constant 0 : i32
    %scan3A_81 = arith.constant 5 : i32
    %scan3A_82 = arith.addi %scan3A_80, %scan3A_81 : i32
    %scan3A_83 = arith.constant 1 : i32
    scf.for %scan3A_93 = %scan3A_80 to %scan3A_82 step %scan3A_83  : i32 {
      %mul3A_94 = arith.constant 1 : i32
      %mul3A_95 = arith.muli %scan3A_93, %mul3A_94 : i32
      %add3A_96 = arith.constant 0 : i32
      %add3A_97 = arith.addi %add3A_96, %mul3A_95 : i32
      "tpu.region"() ({
        %run_scoped3A = tpu.sem_alloc : memref<!tpu.dma_semaphore, #tpu.memory_space<semaphore_mem>>
        %dma_start3A_205 = arith.constant 0 : i32
        %dma_start3A_206 = arith.constant 0 : i32
        %dma_start3A_207 = tpu.memref_slice %arg3[%arg1, %add3A_97, %dma_start3A_205, %dma_start3A_206] : memref<16x5x50x80xi32, #tpu.memory_space<hbm>> -> memref<1x1x50x80xi32, #tpu.memory_space<hbm>>
        %dma_start3A_208 = tpu.memref_squeeze %dma_start3A_207 : memref<1x1x50x80xi32, #tpu.memory_space<hbm>> -> memref<50x80xi32, #tpu.memory_space<hbm>>
        %dma_start3A_209 = arith.constant 0 : i32
        %dma_start3A_210 = arith.constant 0 : i32
        %dma_start3A_211 = tpu.memref_slice %arg3[%arg1, %add3A_97, %dma_start3A_209, %dma_start3A_210] : memref<16x5x50x80xi32, #tpu.memory_space<hbm>> -> memref<1x1x50x80xi32, #tpu.memory_space<hbm>>
        %dma_start3A_212 = tpu.memref_squeeze %dma_start3A_211 : memref<1x1x50x80xi32, #tpu.memory_space<hbm>> -> memref<50x80xi32, #tpu.memory_space<hbm>>
        tpu.enqueue_dma source(%dma_start3A_212 : memref<50x80xi32, #tpu.memory_space<hbm>>) target(%arg10 : memref<50x80xi32, #tpu.memory_space<vmem>>) target_semaphore(%run_scoped3A : memref<!tpu.dma_semaphore, #tpu.memory_space<semaphore_mem>>)
        %dma_wait3A_213 = arith.constant 0 : i32
        %dma_wait3A_214 = arith.constant 0 : i32
        %dma_wait3A_215 = tpu.memref_slice %arg3[%arg1, %add3A_97, %dma_wait3A_213, %dma_wait3A_214] : memref<16x5x50x80xi32, #tpu.memory_space<hbm>> -> memref<1x1x50x80xi32, #tpu.memory_space<hbm>>
        %dma_wait3A_216 = tpu.memref_squeeze %dma_wait3A_215 : memref<1x1x50x80xi32, #tpu.memory_space<hbm>> -> memref<50x80xi32, #tpu.memory_space<hbm>>
        %dma_wait3A_217 = arith.constant 0 : i32
        %dma_wait3A_218 = arith.constant 0 : i32
        %dma_wait3A_219 = tpu.memref_slice %arg3[%arg1, %add3A_97, %dma_wait3A_217, %dma_wait3A_218] : memref<16x5x50x80xi32, #tpu.memory_space<hbm>> -> memref<1x1x50x80xi32, #tpu.memory_space<hbm>>
        %dma_wait3A_220 = tpu.memref_squeeze %dma_wait3A_219 : memref<1x1x50x80xi32, #tpu.memory_space<hbm>> -> memref<50x80xi32, #tpu.memory_space<hbm>>
        tpu.wait_dma2 semaphore(%run_scoped3A : memref<!tpu.dma_semaphore, #tpu.memory_space<semaphore_mem>>) src(%dma_wait3A_220 : memref<50x80xi32, #tpu.memory_space<hbm>>) dst(%arg10 : memref<50x80xi32, #tpu.memory_space<vmem>>)
        tpu.yield
      }) : () -> ()
      "tpu.region"() ({
        %run_scoped3A = tpu.sem_alloc : memref<!tpu.dma_semaphore, #tpu.memory_space<semaphore_mem>>
        %dma_start3A_205 = arith.constant 0 : i32
        %dma_start3A_206 = arith.constant 0 : i32
        %dma_start3A_207 = tpu.memref_slice %arg4[%arg1, %add3A_97, %dma_start3A_205, %dma_start3A_206] : memref<16x5x50x80xi32, #tpu.memory_space<hbm>> -> memref<1x1x50x80xi32, #tpu.memory_space<hbm>>
        %dma_start3A_208 = tpu.memref_squeeze %dma_start3A_207 : memref<1x1x50x80xi32, #tpu.memory_space<hbm>> -> memref<50x80xi32, #tpu.memory_space<hbm>>
        %dma_start3A_209 = arith.constant 0 : i32
        %dma_start3A_210 = arith.constant 0 : i32
        %dma_start3A_211 = tpu.memref_slice %arg4[%arg1, %add3A_97, %dma_start3A_209, %dma_start3A_210] : memref<16x5x50x80xi32, #tpu.memory_space<hbm>> -> memref<1x1x50x80xi32, #tpu.memory_space<hbm>>
        %dma_start3A_212 = tpu.memref_squeeze %dma_start3A_211 : memref<1x1x50x80xi32, #tpu.memory_space<hbm>> -> memref<50x80xi32, #tpu.memory_space<hbm>>
        tpu.enqueue_dma source(%dma_start3A_212 : memref<50x80xi32, #tpu.memory_space<hbm>>) target(%arg11 : memref<50x80xi32, #tpu.memory_space<vmem>>) target_semaphore(%run_scoped3A : memref<!tpu.dma_semaphore, #tpu.memory_space<semaphore_mem>>)
        %dma_wait3A_213 = arith.constant 0 : i32
        %dma_wait3A_214 = arith.constant 0 : i32
        %dma_wait3A_215 = tpu.memref_slice %arg4[%arg1, %add3A_97, %dma_wait3A_213, %dma_wait3A_214] : memref<16x5x50x80xi32, #tpu.memory_space<hbm>> -> memref<1x1x50x80xi32, #tpu.memory_space<hbm>>
        %dma_wait3A_216 = tpu.memref_squeeze %dma_wait3A_215 : memref<1x1x50x80xi32, #tpu.memory_space<hbm>> -> memref<50x80xi32, #tpu.memory_space<hbm>>
        %dma_wait3A_217 = arith.constant 0 : i32
        %dma_wait3A_218 = arith.constant 0 : i32
        %dma_wait3A_219 = tpu.memref_slice %arg4[%arg1, %add3A_97, %dma_wait3A_217, %dma_wait3A_218] : memref<16x5x50x80xi32, #tpu.memory_space<hbm>> -> memref<1x1x50x80xi32, #tpu.memory_space<hbm>>
        %dma_wait3A_220 = tpu.memref_squeeze %dma_wait3A_219 : memref<1x1x50x80xi32, #tpu.memory_space<hbm>> -> memref<50x80xi32, #tpu.memory_space<hbm>>
        tpu.wait_dma2 semaphore(%run_scoped3A : memref<!tpu.dma_semaphore, #tpu.memory_space<semaphore_mem>>) src(%dma_wait3A_220 : memref<50x80xi32, #tpu.memory_space<hbm>>) dst(%arg11 : memref<50x80xi32, #tpu.memory_space<vmem>>)
        tpu.yield
      }) : () -> ()
      "tpu.region"() ({
        %run_scoped3A = tpu.sem_alloc : memref<!tpu.dma_semaphore, #tpu.memory_space<semaphore_mem>>
        %dma_start3A_205 = arith.constant 0 : i32
        %dma_start3A_206 = arith.constant 0 : i32
        %dma_start3A_207 = tpu.memref_slice %arg5[%arg1, %add3A_97, %dma_start3A_205, %dma_start3A_206] : memref<16x5x50x80xf32, #tpu.memory_space<hbm>> -> memref<1x1x50x80xf32, #tpu.memory_space<hbm>>
        %dma_start3A_208 = tpu.memref_squeeze %dma_start3A_207 : memref<1x1x50x80xf32, #tpu.memory_space<hbm>> -> memref<50x80xf32, #tpu.memory_space<hbm>>
        %dma_start3A_209 = arith.constant 0 : i32
        %dma_start3A_210 = arith.constant 0 : i32
        %dma_start3A_211 = tpu.memref_slice %arg5[%arg1, %add3A_97, %dma_start3A_209, %dma_start3A_210] : memref<16x5x50x80xf32, #tpu.memory_space<hbm>> -> memref<1x1x50x80xf32, #tpu.memory_space<hbm>>
        %dma_start3A_212 = tpu.memref_squeeze %dma_start3A_211 : memref<1x1x50x80xf32, #tpu.memory_space<hbm>> -> memref<50x80xf32, #tpu.memory_space<hbm>>
        tpu.enqueue_dma source(%dma_start3A_212 : memref<50x80xf32, #tpu.memory_space<hbm>>) target(%arg12 : memref<50x80xf32, #tpu.memory_space<vmem>>) target_semaphore(%run_scoped3A : memref<!tpu.dma_semaphore, #tpu.memory_space<semaphore_mem>>)
        %dma_wait3A_213 = arith.constant 0 : i32
        %dma_wait3A_214 = arith.constant 0 : i32
        %dma_wait3A_215 = tpu.memref_slice %arg5[%arg1, %add3A_97, %dma_wait3A_213, %dma_wait3A_214] : memref<16x5x50x80xf32, #tpu.memory_space<hbm>> -> memref<1x1x50x80xf32, #tpu.memory_space<hbm>>
        %dma_wait3A_216 = tpu.memref_squeeze %dma_wait3A_215 : memref<1x1x50x80xf32, #tpu.memory_space<hbm>> -> memref<50x80xf32, #tpu.memory_space<hbm>>
        %dma_wait3A_217 = arith.constant 0 : i32
        %dma_wait3A_218 = arith.constant 0 : i32
        %dma_wait3A_219 = tpu.memref_slice %arg5[%arg1, %add3A_97, %dma_wait3A_217, %dma_wait3A_218] : memref<16x5x50x80xf32, #tpu.memory_space<hbm>> -> memref<1x1x50x80xf32, #tpu.memory_space<hbm>>
        %dma_wait3A_220 = tpu.memref_squeeze %dma_wait3A_219 : memref<1x1x50x80xf32, #tpu.memory_space<hbm>> -> memref<50x80xf32, #tpu.memory_space<hbm>>
        tpu.wait_dma2 semaphore(%run_scoped3A : memref<!tpu.dma_semaphore, #tpu.memory_space<semaphore_mem>>) src(%dma_wait3A_220 : memref<50x80xf32, #tpu.memory_space<hbm>>) dst(%arg12 : memref<50x80xf32, #tpu.memory_space<vmem>>)
        tpu.yield
      }) : () -> ()
      %broadcast_in_dim3A = arith.constant 0 : i32
      %broadcast_in_dim3A_98 = vector.broadcast %broadcast_in_dim3A : i32 to vector<16xi32>
      %get3A_99 = arith.constant 0 : i32
      %get3A_100 = arith.index_cast %get3A_99 : i32 to index
      %get3A_101 = arith.constant 0 : index
      %get3A_102 = tpu.vector_load %arg10[%get3A_100, %get3A_101] {strides = array<i32>} : memref<50x80xi32, #tpu.memory_space<vmem>>, vector<16xi32>,
      %gather3A = tpu.vector_load_idx %arg9[%get3A_102] : memref<10000xf32, #tpu.memory_space<vmem>>[vector<16xi32>], vector<16xf32>,
      %swap3A = arith.constant 0 : index
      %swap3A_103 = tpu.vector_load %arg13[%swap3A] {strides = array<i32>} : memref<80xf32, #tpu.memory_space<vmem>>, vector<16xf32>,
      tpu.vector_store %arg13[%swap3A], %gather3A {strides = array<i32>} : memref<80xf32, #tpu.memory_space<vmem>>, vector<16xf32>,
      %get3A_104 = arith.constant 0 : i32
      %get3A_105 = arith.index_cast %get3A_104 : i32 to index
      %get3A_106 = arith.constant 16 : index
      %get3A_107 = tpu.vector_load %arg10[%get3A_105, %get3A_106] {strides = array<i32>} : memref<50x80xi32, #tpu.memory_space<vmem>>, vector<16xi32>,
      %gather3A_108 = tpu.vector_load_idx %arg9[%get3A_107] : memref<10000xf32, #tpu.memory_space<vmem>>[vector<16xi32>], vector<16xf32>,
      %swap3A_109 = arith.constant 16 : index
      %swap3A_110 = tpu.vector_load %arg13[%swap3A_109] {strides = array<i32>} : memref<80xf32, #tpu.memory_space<vmem>>, vector<16xf32>,
      tpu.vector_store %arg13[%swap3A_109], %gather3A_108 {strides = array<i32>} : memref<80xf32, #tpu.memory_space<vmem>>, vector<16xf32>,
      %get3A_111 = arith.constant 0 : i32
      %get3A_112 = arith.index_cast %get3A_111 : i32 to index
      %get3A_113 = arith.constant 32 : index
      %get3A_114 = tpu.vector_load %arg10[%get3A_112, %get3A_113] {strides = array<i32>} : memref<50x80xi32, #tpu.memory_space<vmem>>, vector<16xi32>,
      %gather3A_115 = tpu.vector_load_idx %arg9[%get3A_114] : memref<10000xf32, #tpu.memory_space<vmem>>[vector<16xi32>], vector<16xf32>,
      %swap3A_116 = arith.constant 32 : index
      %swap3A_117 = tpu.vector_load %arg13[%swap3A_116] {strides = array<i32>} : memref<80xf32, #tpu.memory_space<vmem>>, vector<16xf32>,
      tpu.vector_store %arg13[%swap3A_116], %gather3A_115 {strides = array<i32>} : memref<80xf32, #tpu.memory_space<vmem>>, vector<16xf32>,
      %get3A_118 = arith.constant 0 : i32
      %get3A_119 = arith.index_cast %get3A_118 : i32 to index
      %get3A_120 = arith.constant 48 : index
      %get3A_121 = tpu.vector_load %arg10[%get3A_119, %get3A_120] {strides = array<i32>} : memref<50x80xi32, #tpu.memory_space<vmem>>, vector<16xi32>,
      %gather3A_122 = tpu.vector_load_idx %arg9[%get3A_121] : memref<10000xf32, #tpu.memory_space<vmem>>[vector<16xi32>], vector<16xf32>,
      %swap3A_123 = arith.constant 48 : index
      %swap3A_124 = tpu.vector_load %arg13[%swap3A_123] {strides = array<i32>} : memref<80xf32, #tpu.memory_space<vmem>>, vector<16xf32>,
      tpu.vector_store %arg13[%swap3A_123], %gather3A_122 {strides = array<i32>} : memref<80xf32, #tpu.memory_space<vmem>>, vector<16xf32>,
      %get3A_125 = arith.constant 0 : i32
      %get3A_126 = arith.index_cast %get3A_125 : i32 to index
      %get3A_127 = arith.constant 64 : index
      %get3A_128 = tpu.vector_load %arg10[%get3A_126, %get3A_127] {strides = array<i32>} : memref<50x80xi32, #tpu.memory_space<vmem>>, vector<16xi32>,
      %gather3A_129 = tpu.vector_load_idx %arg9[%get3A_128] : memref<10000xf32, #tpu.memory_space<vmem>>[vector<16xi32>], vector<16xf32>,
      %swap3A_130 = arith.constant 64 : index
      %swap3A_131 = tpu.vector_load %arg13[%swap3A_130] {strides = array<i32>} : memref<80xf32, #tpu.memory_space<vmem>>, vector<16xf32>,
      tpu.vector_store %arg13[%swap3A_130], %gather3A_129 {strides = array<i32>} : memref<80xf32, #tpu.memory_space<vmem>>, vector<16xf32>,
      %parallel_loop3A = arith.constant 0 : i32
      %parallel_loop3A_132 = arith.constant 80 : i32
      %parallel_loop3A_133 = arith.constant 1 : i32
      scf.for %parallel_loop3A_205 = %parallel_loop3A to %parallel_loop3A_132 step %parallel_loop3A_133  : i32 {
        %parallel_loop3A_206 = vector.broadcast %parallel_loop3A_205 : i32 to vector<16xi32>
        %parallel_loop3A_207 = tpu.vector_load_idx %arg13[%parallel_loop3A_206] : memref<80xf32, #tpu.memory_space<vmem>>[vector<16xi32>], vector<16xf32>,
        %parallel_loop3A_208 = tpu.vector_load_idx %arg12[%broadcast_in_dim3A_98, %parallel_loop3A_206] : memref<50x80xf32, #tpu.memory_space<vmem>>[vector<16xi32>, vector<16xi32>], vector<16xf32>,
        %parallel_loop3A_209 = arith.mulf %parallel_loop3A_207, %get3A_4 : vector<16xf32>
        %parallel_loop3A_210 = arith.mulf %parallel_loop3A_208, %get3A_28 : vector<16xf32>
        %parallel_loop3A_211 = arith.addf %parallel_loop3A_209, %parallel_loop3A_210 : vector<16xf32>
        %parallel_loop3A_212 = arith.addf %parallel_loop3A_211, %get3A_52 : vector<16xf32>
        %parallel_loop3A_213 = arith.constant 0.000000e+00 : f32
        %parallel_loop3A_214 = vector.broadcast %parallel_loop3A_213 : f32 to vector<16xf32>
        %parallel_loop3A_215 = arith.maximumf %parallel_loop3A_212, %parallel_loop3A_214 : vector<16xf32>
        %parallel_loop3A_216 = arith.index_cast %parallel_loop3A_205 : i32 to index
        %parallel_loop3A_217 = arith.constant 0 : index
        %parallel_loop3A_218 = tpu.vector_load %arg14[%parallel_loop3A_216, %parallel_loop3A_217] {strides = array<i32>} : memref<80x64xf32, #tpu.memory_space<vmem>>, vector<16xf32>,
        tpu.vector_store %arg14[%parallel_loop3A_216, %parallel_loop3A_217], %parallel_loop3A_215 {strides = array<i32>} : memref<80x64xf32, #tpu.memory_space<vmem>>, vector<16xf32>,
        %parallel_loop3A_219 = arith.mulf %parallel_loop3A_207, %get3A_10 : vector<16xf32>
        %parallel_loop3A_220 = arith.mulf %parallel_loop3A_208, %get3A_34 : vector<16xf32>
        %parallel_loop3A_221 = arith.addf %parallel_loop3A_219, %parallel_loop3A_220 : vector<16xf32>
        %parallel_loop3A_222 = arith.addf %parallel_loop3A_221, %get3A_58 : vector<16xf32>
        %parallel_loop3A_223 = arith.constant 0.000000e+00 : f32
        %parallel_loop3A_224 = vector.broadcast %parallel_loop3A_223 : f32 to vector<16xf32>
        %parallel_loop3A_225 = arith.maximumf %parallel_loop3A_222, %parallel_loop3A_224 : vector<16xf32>
        %parallel_loop3A_226 = arith.index_cast %parallel_loop3A_205 : i32 to index
        %parallel_loop3A_227 = arith.constant 16 : index
        %parallel_loop3A_228 = tpu.vector_load %arg14[%parallel_loop3A_226, %parallel_loop3A_227] {strides = array<i32>} : memref<80x64xf32, #tpu.memory_space<vmem>>, vector<16xf32>,
        tpu.vector_store %arg14[%parallel_loop3A_226, %parallel_loop3A_227], %parallel_loop3A_225 {strides = array<i32>} : memref<80x64xf32, #tpu.memory_space<vmem>>, vector<16xf32>,
        %parallel_loop3A_229 = arith.mulf %parallel_loop3A_207, %get3A_16 : vector<16xf32>
        %parallel_loop3A_230 = arith.mulf %parallel_loop3A_208, %get3A_40 : vector<16xf32>
        %parallel_loop3A_231 = arith.addf %parallel_loop3A_229, %parallel_loop3A_230 : vector<16xf32>
        %parallel_loop3A_232 = arith.addf %parallel_loop3A_231, %get3A_64 : vector<16xf32>
        %parallel_loop3A_233 = arith.constant 0.000000e+00 : f32
        %parallel_loop3A_234 = vector.broadcast %parallel_loop3A_233 : f32 to vector<16xf32>
        %parallel_loop3A_235 = arith.maximumf %parallel_loop3A_232, %parallel_loop3A_234 : vector<16xf32>
        %parallel_loop3A_236 = arith.index_cast %parallel_loop3A_205 : i32 to index
        %parallel_loop3A_237 = arith.constant 32 : index
        %parallel_loop3A_238 = tpu.vector_load %arg14[%parallel_loop3A_236, %parallel_loop3A_237] {strides = array<i32>} : memref<80x64xf32, #tpu.memory_space<vmem>>, vector<16xf32>,
        tpu.vector_store %arg14[%parallel_loop3A_236, %parallel_loop3A_237], %parallel_loop3A_235 {strides = array<i32>} : memref<80x64xf32, #tpu.memory_space<vmem>>, vector<16xf32>,
        %parallel_loop3A_239 = arith.mulf %parallel_loop3A_207, %get3A_22 : vector<16xf32>
        %parallel_loop3A_240 = arith.mulf %parallel_loop3A_208, %get3A_46 : vector<16xf32>
        %parallel_loop3A_241 = arith.addf %parallel_loop3A_239, %parallel_loop3A_240 : vector<16xf32>
        %parallel_loop3A_242 = arith.addf %parallel_loop3A_241, %get3A_70 : vector<16xf32>
        %parallel_loop3A_243 = arith.constant 0.000000e+00 : f32
        %parallel_loop3A_244 = vector.broadcast %parallel_loop3A_243 : f32 to vector<16xf32>
        %parallel_loop3A_245 = arith.maximumf %parallel_loop3A_242, %parallel_loop3A_244 : vector<16xf32>
        %parallel_loop3A_246 = arith.index_cast %parallel_loop3A_205 : i32 to index
        %parallel_loop3A_247 = arith.constant 48 : index
        %parallel_loop3A_248 = tpu.vector_load %arg14[%parallel_loop3A_246, %parallel_loop3A_247] {strides = array<i32>} : memref<80x64xf32, #tpu.memory_space<vmem>>, vector<16xf32>,
        tpu.vector_store %arg14[%parallel_loop3A_246, %parallel_loop3A_247], %parallel_loop3A_245 {strides = array<i32>} : memref<80x64xf32, #tpu.memory_space<vmem>>, vector<16xf32>,
      } {sc.loop_unroll_factor = 2 : i64, sc.parallel_access}
      %dma_start3A = arith.constant 0 : i32
      %dma_start3A_134 = arith.constant 0 : i32
      %dma_start3A_135 = tpu.memref_slice %arg11[%dma_start3A, %dma_start3A_134] : memref<50x80xi32, #tpu.memory_space<vmem>> -> memref<1x80xi32, #tpu.memory_space<vmem>>
      %dma_start3A_136 = tpu.memref_squeeze %dma_start3A_135 : memref<1x80xi32, #tpu.memory_space<vmem>> -> memref<80xi32, #tpu.memory_space<vmem>>
      %dma_start3A_137 = arith.constant 0 : i32
      %dma_start3A_138 = arith.constant 0 : i32
      %dma_start3A_139 = tpu.memref_slice %arg17[%dma_start3A_137, %dma_start3A_138] : memref<10240x64xf32, #tpu.memory_space<vmem_shared>> -> memref<10240x64xf32, #tpu.memory_space<vmem_shared>>
      tpu.enqueue_indirect_dma source(%arg14 : memref<80x64xf32, #tpu.memory_space<vmem>>) target(%dma_start3A_139 : memref<10240x64xf32, #tpu.memory_space<vmem_shared>>) offsets(%dma_start3A_136 : memref<80xi32, #tpu.memory_space<vmem>>) semaphore(%arg18 : memref<!tpu.dma_semaphore, #tpu.memory_space<semaphore_mem>>) {add = true}
      %broadcast_in_dim3A_140 = arith.constant 1 : i32
      %broadcast_in_dim3A_141 = vector.broadcast %broadcast_in_dim3A_140 : i32 to vector<16xi32>
      %get3A_142 = arith.constant 1 : i32
      %get3A_143 = arith.index_cast %get3A_142 : i32 to index
      %get3A_144 = arith.constant 0 : index
      %get3A_145 = tpu.vector_load %arg10[%get3A_143, %get3A_144] {strides = array<i32>} : memref<50x80xi32, #tpu.memory_space<vmem>>, vector<16xi32>,
      %gather3A_146 = tpu.vector_load_idx %arg9[%get3A_145] : memref<10000xf32, #tpu.memory_space<vmem>>[vector<16xi32>], vector<16xf32>,
      %swap3A_147 = arith.constant 0 : index
      %swap3A_148 = tpu.vector_load %arg13[%swap3A_147] {strides = array<i32>} : memref<80xf32, #tpu.memory_space<vmem>>, vector<16xf32>,
      tpu.vector_store %arg13[%swap3A_147], %gather3A_146 {strides = array<i32>} : memref<80xf32, #tpu.memory_space<vmem>>, vector<16xf32>,
      %get3A_149 = arith.constant 1 : i32
      %get3A_150 = arith.index_cast %get3A_149 : i32 to index
      %get3A_151 = arith.constant 16 : index
      %get3A_152 = tpu.vector_load %arg10[%get3A_150, %get3A_151] {strides = array<i32>} : memref<50x80xi32, #tpu.memory_space<vmem>>, vector<16xi32>,
      %gather3A_153 = tpu.vector_load_idx %arg9[%get3A_152] : memref<10000xf32, #tpu.memory_space<vmem>>[vector<16xi32>], vector<16xf32>,
      %swap3A_154 = arith.constant 16 : index
      %swap3A_155 = tpu.vector_load %arg13[%swap3A_154] {strides = array<i32>} : memref<80xf32, #tpu.memory_space<vmem>>, vector<16xf32>,
      tpu.vector_store %arg13[%swap3A_154], %gather3A_153 {strides = array<i32>} : memref<80xf32, #tpu.memory_space<vmem>>, vector<16xf32>,
      %get3A_156 = arith.constant 1 : i32
      %get3A_157 = arith.index_cast %get3A_156 : i32 to index
      %get3A_158 = arith.constant 32 : index
      %get3A_159 = tpu.vector_load %arg10[%get3A_157, %get3A_158] {strides = array<i32>} : memref<50x80xi32, #tpu.memory_space<vmem>>, vector<16xi32>,
      %gather3A_160 = tpu.vector_load_idx %arg9[%get3A_159] : memref<10000xf32, #tpu.memory_space<vmem>>[vector<16xi32>], vector<16xf32>,
      %swap3A_161 = arith.constant 32 : index
      %swap3A_162 = tpu.vector_load %arg13[%swap3A_161] {strides = array<i32>} : memref<80xf32, #tpu.memory_space<vmem>>, vector<16xf32>,
      tpu.vector_store %arg13[%swap3A_161], %gather3A_160 {strides = array<i32>} : memref<80xf32, #tpu.memory_space<vmem>>, vector<16xf32>,
      %get3A_163 = arith.constant 1 : i32
      %get3A_164 = arith.index_cast %get3A_163 : i32 to index
      %get3A_165 = arith.constant 48 : index
      %get3A_166 = tpu.vector_load %arg10[%get3A_164, %get3A_165] {strides = array<i32>} : memref<50x80xi32, #tpu.memory_space<vmem>>, vector<16xi32>,
      %gather3A_167 = tpu.vector_load_idx %arg9[%get3A_166] : memref<10000xf32, #tpu.memory_space<vmem>>[vector<16xi32>], vector<16xf32>,
      %swap3A_168 = arith.constant 48 : index
      %swap3A_169 = tpu.vector_load %arg13[%swap3A_168] {strides = array<i32>} : memref<80xf32, #tpu.memory_space<vmem>>, vector<16xf32>,
      tpu.vector_store %arg13[%swap3A_168], %gather3A_167 {strides = array<i32>} : memref<80xf32, #tpu.memory_space<vmem>>, vector<16xf32>,
      %get3A_170 = arith.constant 1 : i32
      %get3A_171 = arith.index_cast %get3A_170 : i32 to index
      %get3A_172 = arith.constant 64 : index
      %get3A_173 = tpu.vector_load %arg10[%get3A_171, %get3A_172] {strides = array<i32>} : memref<50x80xi32, #tpu.memory_space<vmem>>, vector<16xi32>,
      %gather3A_174 = tpu.vector_load_idx %arg9[%get3A_173] : memref<10000xf32, #tpu.memory_space<vmem>>[vector<16xi32>], vector<16xf32>,
      %swap3A_175 = arith.constant 64 : index
      %swap3A_176 = tpu.vector_load %arg13[%swap3A_175] {strides = array<i32>} : memref<80xf32, #tpu.memory_space<vmem>>, vector<16xf32>,
      tpu.vector_store %arg13[%swap3A_175], %gather3A_174 {strides = array<i32>} : memref<80xf32, #tpu.memory_space<vmem>>, vector<16xf32>,
      %parallel_loop3A_177 = arith.constant 0 : i32
      %parallel_loop3A_178 = arith.constant 80 : i32
      %parallel_loop3A_179 = arith.constant 1 : i32
      scf.for %parallel_loop3A_205 = %parallel_loop3A_177 to %parallel_loop3A_178 step %parallel_loop3A_179  : i32 {
        %parallel_loop3A_206 = vector.broadcast %parallel_loop3A_205 : i32 to vector<16xi32>
        %parallel_loop3A_207 = tpu.vector_load_idx %arg13[%parallel_loop3A_206] : memref<80xf32, #tpu.memory_space<vmem>>[vector<16xi32>], vector<16xf32>,
        %parallel_loop3A_208 = tpu.vector_load_idx %arg12[%broadcast_in_dim3A_141, %parallel_loop3A_206] : memref<50x80xf32, #tpu.memory_space<vmem>>[vector<16xi32>, vector<16xi32>], vector<16xf32>,
        %parallel_loop3A_209 = arith.mulf %parallel_loop3A_207, %get3A_4 : vector<16xf32>
        %parallel_loop3A_210 = arith.mulf %parallel_loop3A_208, %get3A_28 : vector<16xf32>
        %parallel_loop3A_211 = arith.addf %parallel_loop3A_209, %parallel_loop3A_210 : vector<16xf32>
        %parallel_loop3A_212 = arith.addf %parallel_loop3A_211, %get3A_52 : vector<16xf32>
        %parallel_loop3A_213 = arith.constant 0.000000e+00 : f32
        %parallel_loop3A_214 = vector.broadcast %parallel_loop3A_213 : f32 to vector<16xf32>
        %parallel_loop3A_215 = arith.maximumf %parallel_loop3A_212, %parallel_loop3A_214 : vector<16xf32>
        %parallel_loop3A_216 = arith.index_cast %parallel_loop3A_205 : i32 to index
        %parallel_loop3A_217 = arith.constant 0 : index
        %parallel_loop3A_218 = tpu.vector_load %arg15[%parallel_loop3A_216, %parallel_loop3A_217] {strides = array<i32>} : memref<80x64xf32, #tpu.memory_space<vmem>>, vector<16xf32>,
        tpu.vector_store %arg15[%parallel_loop3A_216, %parallel_loop3A_217], %parallel_loop3A_215 {strides = array<i32>} : memref<80x64xf32, #tpu.memory_space<vmem>>, vector<16xf32>,
        %parallel_loop3A_219 = arith.mulf %parallel_loop3A_207, %get3A_10 : vector<16xf32>
        %parallel_loop3A_220 = arith.mulf %parallel_loop3A_208, %get3A_34 : vector<16xf32>
        %parallel_loop3A_221 = arith.addf %parallel_loop3A_219, %parallel_loop3A_220 : vector<16xf32>
        %parallel_loop3A_222 = arith.addf %parallel_loop3A_221, %get3A_58 : vector<16xf32>
        %parallel_loop3A_223 = arith.constant 0.000000e+00 : f32
        %parallel_loop3A_224 = vector.broadcast %parallel_loop3A_223 : f32 to vector<16xf32>
        %parallel_loop3A_225 = arith.maximumf %parallel_loop3A_222, %parallel_loop3A_224 : vector<16xf32>
        %parallel_loop3A_226 = arith.index_cast %parallel_loop3A_205 : i32 to index
        %parallel_loop3A_227 = arith.constant 16 : index
        %parallel_loop3A_228 = tpu.vector_load %arg15[%parallel_loop3A_226, %parallel_loop3A_227] {strides = array<i32>} : memref<80x64xf32, #tpu.memory_space<vmem>>, vector<16xf32>,
        tpu.vector_store %arg15[%parallel_loop3A_226, %parallel_loop3A_227], %parallel_loop3A_225 {strides = array<i32>} : memref<80x64xf32, #tpu.memory_space<vmem>>, vector<16xf32>,
        %parallel_loop3A_229 = arith.mulf %parallel_loop3A_207, %get3A_16 : vector<16xf32>
        %parallel_loop3A_230 = arith.mulf %parallel_loop3A_208, %get3A_40 : vector<16xf32>
        %parallel_loop3A_231 = arith.addf %parallel_loop3A_229, %parallel_loop3A_230 : vector<16xf32>
        %parallel_loop3A_232 = arith.addf %parallel_loop3A_231, %get3A_64 : vector<16xf32>
        %parallel_loop3A_233 = arith.constant 0.000000e+00 : f32
        %parallel_loop3A_234 = vector.broadcast %parallel_loop3A_233 : f32 to vector<16xf32>
        %parallel_loop3A_235 = arith.maximumf %parallel_loop3A_232, %parallel_loop3A_234 : vector<16xf32>
        %parallel_loop3A_236 = arith.index_cast %parallel_loop3A_205 : i32 to index
        %parallel_loop3A_237 = arith.constant 32 : index
        %parallel_loop3A_238 = tpu.vector_load %arg15[%parallel_loop3A_236, %parallel_loop3A_237] {strides = array<i32>} : memref<80x64xf32, #tpu.memory_space<vmem>>, vector<16xf32>,
        tpu.vector_store %arg15[%parallel_loop3A_236, %parallel_loop3A_237], %parallel_loop3A_235 {strides = array<i32>} : memref<80x64xf32, #tpu.memory_space<vmem>>, vector<16xf32>,
        %parallel_loop3A_239 = arith.mulf %parallel_loop3A_207, %get3A_22 : vector<16xf32>
        %parallel_loop3A_240 = arith.mulf %parallel_loop3A_208, %get3A_46 : vector<16xf32>
        %parallel_loop3A_241 = arith.addf %parallel_loop3A_239, %parallel_loop3A_240 : vector<16xf32>
        %parallel_loop3A_242 = arith.addf %parallel_loop3A_241, %get3A_70 : vector<16xf32>
        %parallel_loop3A_243 = arith.constant 0.000000e+00 : f32
        %parallel_loop3A_244 = vector.broadcast %parallel_loop3A_243 : f32 to vector<16xf32>
        %parallel_loop3A_245 = arith.maximumf %parallel_loop3A_242, %parallel_loop3A_244 : vector<16xf32>
        %parallel_loop3A_246 = arith.index_cast %parallel_loop3A_205 : i32 to index
        %parallel_loop3A_247 = arith.constant 48 : index
        %parallel_loop3A_248 = tpu.vector_load %arg15[%parallel_loop3A_246, %parallel_loop3A_247] {strides = array<i32>} : memref<80x64xf32, #tpu.memory_space<vmem>>, vector<16xf32>,
        tpu.vector_store %arg15[%parallel_loop3A_246, %parallel_loop3A_247], %parallel_loop3A_245 {strides = array<i32>} : memref<80x64xf32, #tpu.memory_space<vmem>>, vector<16xf32>,
      } {sc.loop_unroll_factor = 2 : i64, sc.parallel_access}
      %dma_start3A_180 = arith.constant 1 : i32
      %dma_start3A_181 = arith.constant 0 : i32
      %dma_start3A_182 = tpu.memref_slice %arg11[%dma_start3A_180, %dma_start3A_181] : memref<50x80xi32, #tpu.memory_space<vmem>> -> memref<1x80xi32, #tpu.memory_space<vmem>>
      %dma_start3A_183 = tpu.memref_squeeze %dma_start3A_182 : memref<1x80xi32, #tpu.memory_space<vmem>> -> memref<80xi32, #tpu.memory_space<vmem>>
      %dma_start3A_184 = arith.constant 0 : i32
      %dma_start3A_185 = arith.constant 0 : i32
      %dma_start3A_186 = tpu.memref_slice %arg17[%dma_start3A_184, %dma_start3A_185] : memref<10240x64xf32, #tpu.memory_space<vmem_shared>> -> memref<10240x64xf32, #tpu.memory_space<vmem_shared>>
      tpu.enqueue_indirect_dma source(%arg15 : memref<80x64xf32, #tpu.memory_space<vmem>>) target(%dma_start3A_186 : memref<10240x64xf32, #tpu.memory_space<vmem_shared>>) offsets(%dma_start3A_183 : memref<80xi32, #tpu.memory_space<vmem>>) semaphore(%arg19 : memref<!tpu.dma_semaphore, #tpu.memory_space<semaphore_mem>>) {add = true}
      %scan3A_187 = arith.constant 0 : i32
      %scan3A_188 = arith.constant 24 : i32
      %scan3A_189 = arith.addi %scan3A_187, %scan3A_188 : i32
      %scan3A_190 = arith.constant 1 : i32
      scf.for %scan3A_205 = %scan3A_187 to %scan3A_189 step %scan3A_190  : i32 {
        %mul3A_206 = arith.constant 2 : i32
        %mul3A_207 = arith.muli %scan3A_205, %mul3A_206 : i32
        %add3A_208 = arith.constant 2 : i32
        %add3A_209 = arith.addi %add3A_208, %mul3A_207 : i32
        %add3A_210 = arith.constant 0 : i32
        %add3A_211 = arith.addi %add3A_209, %add3A_210 : i32
        %dma_wait3A_212 = arith.constant 0 : i32
        %dma_wait3A_213 = tpu.memref_slice %arg11[%add3A_211, %dma_wait3A_212] : memref<50x80xi32, #tpu.memory_space<vmem>> -> memref<1x80xi32, #tpu.memory_space<vmem>>
        %dma_wait3A_214 = tpu.memref_squeeze %dma_wait3A_213 : memref<1x80xi32, #tpu.memory_space<vmem>> -> memref<80xi32, #tpu.memory_space<vmem>>
        %dma_wait3A_215 = arith.constant 0 : i32
        %dma_wait3A_216 = arith.constant 0 : i32
        %dma_wait3A_217 = tpu.memref_slice %arg17[%dma_wait3A_215, %dma_wait3A_216] : memref<10240x64xf32, #tpu.memory_space<vmem_shared>> -> memref<10240x64xf32, #tpu.memory_space<vmem_shared>>
        tpu.wait_indirect_dma semaphore(%arg18 : memref<!tpu.dma_semaphore, #tpu.memory_space<semaphore_mem>>) src(%arg14 : memref<80x64xf32, #tpu.memory_space<vmem>>) dst(%dma_wait3A_217 : memref<10240x64xf32, #tpu.memory_space<vmem_shared>>)
        %broadcast_in_dim3A_218 = vector.broadcast %add3A_211 : i32 to vector<16xi32>
        %get3A_219 = arith.index_cast %add3A_211 : i32 to index
        %get3A_220 = arith.constant 0 : index
        %get3A_221 = tpu.vector_load %arg10[%get3A_219, %get3A_220] {strides = array<i32>} : memref<50x80xi32, #tpu.memory_space<vmem>>, vector<16xi32>,
        %gather3A_222 = tpu.vector_load_idx %arg9[%get3A_221] : memref<10000xf32, #tpu.memory_space<vmem>>[vector<16xi32>], vector<16xf32>,
        %swap3A_223 = arith.constant 0 : index
        %swap3A_224 = tpu.vector_load %arg13[%swap3A_223] {strides = array<i32>} : memref<80xf32, #tpu.memory_space<vmem>>, vector<16xf32>,
        tpu.vector_store %arg13[%swap3A_223], %gather3A_222 {strides = array<i32>} : memref<80xf32, #tpu.memory_space<vmem>>, vector<16xf32>,
        %get3A_225 = arith.index_cast %add3A_211 : i32 to index
        %get3A_226 = arith.constant 16 : index
        %get3A_227 = tpu.vector_load %arg10[%get3A_225, %get3A_226] {strides = array<i32>} : memref<50x80xi32, #tpu.memory_space<vmem>>, vector<16xi32>,
        %gather3A_228 = tpu.vector_load_idx %arg9[%get3A_227] : memref<10000xf32, #tpu.memory_space<vmem>>[vector<16xi32>], vector<16xf32>,
        %swap3A_229 = arith.constant 16 : index
        %swap3A_230 = tpu.vector_load %arg13[%swap3A_229] {strides = array<i32>} : memref<80xf32, #tpu.memory_space<vmem>>, vector<16xf32>,
        tpu.vector_store %arg13[%swap3A_229], %gather3A_228 {strides = array<i32>} : memref<80xf32, #tpu.memory_space<vmem>>, vector<16xf32>,
        %get3A_231 = arith.index_cast %add3A_211 : i32 to index
        %get3A_232 = arith.constant 32 : index
        %get3A_233 = tpu.vector_load %arg10[%get3A_231, %get3A_232] {strides = array<i32>} : memref<50x80xi32, #tpu.memory_space<vmem>>, vector<16xi32>,
        %gather3A_234 = tpu.vector_load_idx %arg9[%get3A_233] : memref<10000xf32, #tpu.memory_space<vmem>>[vector<16xi32>], vector<16xf32>,
        %swap3A_235 = arith.constant 32 : index
        %swap3A_236 = tpu.vector_load %arg13[%swap3A_235] {strides = array<i32>} : memref<80xf32, #tpu.memory_space<vmem>>, vector<16xf32>,
        tpu.vector_store %arg13[%swap3A_235], %gather3A_234 {strides = array<i32>} : memref<80xf32, #tpu.memory_space<vmem>>, vector<16xf32>,
        %get3A_237 = arith.index_cast %add3A_211 : i32 to index
        %get3A_238 = arith.constant 48 : index
        %get3A_239 = tpu.vector_load %arg10[%get3A_237, %get3A_238] {strides = array<i32>} : memref<50x80xi32, #tpu.memory_space<vmem>>, vector<16xi32>,
        %gather3A_240 = tpu.vector_load_idx %arg9[%get3A_239] : memref<10000xf32, #tpu.memory_space<vmem>>[vector<16xi32>], vector<16xf32>,
        %swap3A_241 = arith.constant 48 : index
        %swap3A_242 = tpu.vector_load %arg13[%swap3A_241] {strides = array<i32>} : memref<80xf32, #tpu.memory_space<vmem>>, vector<16xf32>,
        tpu.vector_store %arg13[%swap3A_241], %gather3A_240 {strides = array<i32>} : memref<80xf32, #tpu.memory_space<vmem>>, vector<16xf32>,
        %get3A_243 = arith.index_cast %add3A_211 : i32 to index
        %get3A_244 = arith.constant 64 : index
        %get3A_245 = tpu.vector_load %arg10[%get3A_243, %get3A_244] {strides = array<i32>} : memref<50x80xi32, #tpu.memory_space<vmem>>, vector<16xi32>,
        %gather3A_246 = tpu.vector_load_idx %arg9[%get3A_245] : memref<10000xf32, #tpu.memory_space<vmem>>[vector<16xi32>], vector<16xf32>,
        %swap3A_247 = arith.constant 64 : index
        %swap3A_248 = tpu.vector_load %arg13[%swap3A_247] {strides = array<i32>} : memref<80xf32, #tpu.memory_space<vmem>>, vector<16xf32>,
        tpu.vector_store %arg13[%swap3A_247], %gather3A_246 {strides = array<i32>} : memref<80xf32, #tpu.memory_space<vmem>>, vector<16xf32>,
        %parallel_loop3A_249 = arith.constant 0 : i32
        %parallel_loop3A_250 = arith.constant 80 : i32
        %parallel_loop3A_251 = arith.constant 1 : i32
        scf.for %parallel_loop3A_306 = %parallel_loop3A_249 to %parallel_loop3A_250 step %parallel_loop3A_251  : i32 {
          %parallel_loop3A_307 = vector.broadcast %parallel_loop3A_306 : i32 to vector<16xi32>
          %parallel_loop3A_308 = tpu.vector_load_idx %arg13[%parallel_loop3A_307] : memref<80xf32, #tpu.memory_space<vmem>>[vector<16xi32>], vector<16xf32>,
          %parallel_loop3A_309 = tpu.vector_load_idx %arg12[%broadcast_in_dim3A_218, %parallel_loop3A_307] : memref<50x80xf32, #tpu.memory_space<vmem>>[vector<16xi32>, vector<16xi32>], vector<16xf32>,
          %parallel_loop3A_310 = arith.mulf %parallel_loop3A_308, %get3A_4 : vector<16xf32>
          %parallel_loop3A_311 = arith.mulf %parallel_loop3A_309, %get3A_28 : vector<16xf32>
          %parallel_loop3A_312 = arith.addf %parallel_loop3A_310, %parallel_loop3A_311 : vector<16xf32>
          %parallel_loop3A_313 = arith.addf %parallel_loop3A_312, %get3A_52 : vector<16xf32>
          %parallel_loop3A_314 = arith.constant 0.000000e+00 : f32
          %parallel_loop3A_315 = vector.broadcast %parallel_loop3A_314 : f32 to vector<16xf32>
          %parallel_loop3A_316 = arith.maximumf %parallel_loop3A_313, %parallel_loop3A_315 : vector<16xf32>
          %parallel_loop3A_317 = arith.index_cast %parallel_loop3A_306 : i32 to index
          %parallel_loop3A_318 = arith.constant 0 : index
          %parallel_loop3A_319 = tpu.vector_load %arg14[%parallel_loop3A_317, %parallel_loop3A_318] {strides = array<i32>} : memref<80x64xf32, #tpu.memory_space<vmem>>, vector<16xf32>,
          tpu.vector_store %arg14[%parallel_loop3A_317, %parallel_loop3A_318], %parallel_loop3A_316 {strides = array<i32>} : memref<80x64xf32, #tpu.memory_space<vmem>>, vector<16xf32>,
          %parallel_loop3A_320 = arith.mulf %parallel_loop3A_308, %get3A_10 : vector<16xf32>
          %parallel_loop3A_321 = arith.mulf %parallel_loop3A_309, %get3A_34 : vector<16xf32>
          %parallel_loop3A_322 = arith.addf %parallel_loop3A_320, %parallel_loop3A_321 : vector<16xf32>
          %parallel_loop3A_323 = arith.addf %parallel_loop3A_322, %get3A_58 : vector<16xf32>
          %parallel_loop3A_324 = arith.constant 0.000000e+00 : f32
          %parallel_loop3A_325 = vector.broadcast %parallel_loop3A_324 : f32 to vector<16xf32>
          %parallel_loop3A_326 = arith.maximumf %parallel_loop3A_323, %parallel_loop3A_325 : vector<16xf32>
          %parallel_loop3A_327 = arith.index_cast %parallel_loop3A_306 : i32 to index
          %parallel_loop3A_328 = arith.constant 16 : index
          %parallel_loop3A_329 = tpu.vector_load %arg14[%parallel_loop3A_327, %parallel_loop3A_328] {strides = array<i32>} : memref<80x64xf32, #tpu.memory_space<vmem>>, vector<16xf32>,
          tpu.vector_store %arg14[%parallel_loop3A_327, %parallel_loop3A_328], %parallel_loop3A_326 {strides = array<i32>} : memref<80x64xf32, #tpu.memory_space<vmem>>, vector<16xf32>,
          %parallel_loop3A_330 = arith.mulf %parallel_loop3A_308, %get3A_16 : vector<16xf32>
          %parallel_loop3A_331 = arith.mulf %parallel_loop3A_309, %get3A_40 : vector<16xf32>
          %parallel_loop3A_332 = arith.addf %parallel_loop3A_330, %parallel_loop3A_331 : vector<16xf32>
          %parallel_loop3A_333 = arith.addf %parallel_loop3A_332, %get3A_64 : vector<16xf32>
          %parallel_loop3A_334 = arith.constant 0.000000e+00 : f32
          %parallel_loop3A_335 = vector.broadcast %parallel_loop3A_334 : f32 to vector<16xf32>
          %parallel_loop3A_336 = arith.maximumf %parallel_loop3A_333, %parallel_loop3A_335 : vector<16xf32>
          %parallel_loop3A_337 = arith.index_cast %parallel_loop3A_306 : i32 to index
          %parallel_loop3A_338 = arith.constant 32 : index
          %parallel_loop3A_339 = tpu.vector_load %arg14[%parallel_loop3A_337, %parallel_loop3A_338] {strides = array<i32>} : memref<80x64xf32, #tpu.memory_space<vmem>>, vector<16xf32>,
          tpu.vector_store %arg14[%parallel_loop3A_337, %parallel_loop3A_338], %parallel_loop3A_336 {strides = array<i32>} : memref<80x64xf32, #tpu.memory_space<vmem>>, vector<16xf32>,
          %parallel_loop3A_340 = arith.mulf %parallel_loop3A_308, %get3A_22 : vector<16xf32>
          %parallel_loop3A_341 = arith.mulf %parallel_loop3A_309, %get3A_46 : vector<16xf32>
          %parallel_loop3A_342 = arith.addf %parallel_loop3A_340, %parallel_loop3A_341 : vector<16xf32>
          %parallel_loop3A_343 = arith.addf %parallel_loop3A_342, %get3A_70 : vector<16xf32>
          %parallel_loop3A_344 = arith.constant 0.000000e+00 : f32
          %parallel_loop3A_345 = vector.broadcast %parallel_loop3A_344 : f32 to vector<16xf32>
          %parallel_loop3A_346 = arith.maximumf %parallel_loop3A_343, %parallel_loop3A_345 : vector<16xf32>
          %parallel_loop3A_347 = arith.index_cast %parallel_loop3A_306 : i32 to index
          %parallel_loop3A_348 = arith.constant 48 : index
          %parallel_loop3A_349 = tpu.vector_load %arg14[%parallel_loop3A_347, %parallel_loop3A_348] {strides = array<i32>} : memref<80x64xf32, #tpu.memory_space<vmem>>, vector<16xf32>,
          tpu.vector_store %arg14[%parallel_loop3A_347, %parallel_loop3A_348], %parallel_loop3A_346 {strides = array<i32>} : memref<80x64xf32, #tpu.memory_space<vmem>>, vector<16xf32>,
        } {sc.loop_unroll_factor = 2 : i64, sc.parallel_access}
        %dma_start3A_252 = arith.constant 0 : i32
        %dma_start3A_253 = tpu.memref_slice %arg11[%add3A_211, %dma_start3A_252] : memref<50x80xi32, #tpu.memory_space<vmem>> -> memref<1x80xi32, #tpu.memory_space<vmem>>
        %dma_start3A_254 = tpu.memref_squeeze %dma_start3A_253 : memref<1x80xi32, #tpu.memory_space<vmem>> -> memref<80xi32, #tpu.memory_space<vmem>>
        %dma_start3A_255 = arith.constant 0 : i32
        %dma_start3A_256 = arith.constant 0 : i32
        %dma_start3A_257 = tpu.memref_slice %arg17[%dma_start3A_255, %dma_start3A_256] : memref<10240x64xf32, #tpu.memory_space<vmem_shared>> -> memref<10240x64xf32, #tpu.memory_space<vmem_shared>>
        tpu.enqueue_indirect_dma source(%arg14 : memref<80x64xf32, #tpu.memory_space<vmem>>) target(%dma_start3A_257 : memref<10240x64xf32, #tpu.memory_space<vmem_shared>>) offsets(%dma_start3A_254 : memref<80xi32, #tpu.memory_space<vmem>>) semaphore(%arg18 : memref<!tpu.dma_semaphore, #tpu.memory_space<semaphore_mem>>) {add = true}
        %add3A_258 = arith.constant 1 : i32
        %add3A_259 = arith.addi %add3A_209, %add3A_258 : i32
        %dma_wait3A_260 = arith.constant 0 : i32
        %dma_wait3A_261 = tpu.memref_slice %arg11[%add3A_259, %dma_wait3A_260] : memref<50x80xi32, #tpu.memory_space<vmem>> -> memref<1x80xi32, #tpu.memory_space<vmem>>
        %dma_wait3A_262 = tpu.memref_squeeze %dma_wait3A_261 : memref<1x80xi32, #tpu.memory_space<vmem>> -> memref<80xi32, #tpu.memory_space<vmem>>
        %dma_wait3A_263 = arith.constant 0 : i32
        %dma_wait3A_264 = arith.constant 0 : i32
        %dma_wait3A_265 = tpu.memref_slice %arg17[%dma_wait3A_263, %dma_wait3A_264] : memref<10240x64xf32, #tpu.memory_space<vmem_shared>> -> memref<10240x64xf32, #tpu.memory_space<vmem_shared>>
        tpu.wait_indirect_dma semaphore(%arg19 : memref<!tpu.dma_semaphore, #tpu.memory_space<semaphore_mem>>) src(%arg15 : memref<80x64xf32, #tpu.memory_space<vmem>>) dst(%dma_wait3A_265 : memref<10240x64xf32, #tpu.memory_space<vmem_shared>>)
        %broadcast_in_dim3A_266 = vector.broadcast %add3A_259 : i32 to vector<16xi32>
        %get3A_267 = arith.index_cast %add3A_259 : i32 to index
        %get3A_268 = arith.constant 0 : index
        %get3A_269 = tpu.vector_load %arg10[%get3A_267, %get3A_268] {strides = array<i32>} : memref<50x80xi32, #tpu.memory_space<vmem>>, vector<16xi32>,
        %gather3A_270 = tpu.vector_load_idx %arg9[%get3A_269] : memref<10000xf32, #tpu.memory_space<vmem>>[vector<16xi32>], vector<16xf32>,
        %swap3A_271 = arith.constant 0 : index
        %swap3A_272 = tpu.vector_load %arg13[%swap3A_271] {strides = array<i32>} : memref<80xf32, #tpu.memory_space<vmem>>, vector<16xf32>,
        tpu.vector_store %arg13[%swap3A_271], %gather3A_270 {strides = array<i32>} : memref<80xf32, #tpu.memory_space<vmem>>, vector<16xf32>,
        %get3A_273 = arith.index_cast %add3A_259 : i32 to index
        %get3A_274 = arith.constant 16 : index
        %get3A_275 = tpu.vector_load %arg10[%get3A_273, %get3A_274] {strides = array<i32>} : memref<50x80xi32, #tpu.memory_space<vmem>>, vector<16xi32>,
        %gather3A_276 = tpu.vector_load_idx %arg9[%get3A_275] : memref<10000xf32, #tpu.memory_space<vmem>>[vector<16xi32>], vector<16xf32>,
        %swap3A_277 = arith.constant 16 : index
        %swap3A_278 = tpu.vector_load %arg13[%swap3A_277] {strides = array<i32>} : memref<80xf32, #tpu.memory_space<vmem>>, vector<16xf32>,
        tpu.vector_store %arg13[%swap3A_277], %gather3A_276 {strides = array<i32>} : memref<80xf32, #tpu.memory_space<vmem>>, vector<16xf32>,
        %get3A_279 = arith.index_cast %add3A_259 : i32 to index
        %get3A_280 = arith.constant 32 : index
        %get3A_281 = tpu.vector_load %arg10[%get3A_279, %get3A_280] {strides = array<i32>} : memref<50x80xi32, #tpu.memory_space<vmem>>, vector<16xi32>,
        %gather3A_282 = tpu.vector_load_idx %arg9[%get3A_281] : memref<10000xf32, #tpu.memory_space<vmem>>[vector<16xi32>], vector<16xf32>,
        %swap3A_283 = arith.constant 32 : index
        %swap3A_284 = tpu.vector_load %arg13[%swap3A_283] {strides = array<i32>} : memref<80xf32, #tpu.memory_space<vmem>>, vector<16xf32>,
        tpu.vector_store %arg13[%swap3A_283], %gather3A_282 {strides = array<i32>} : memref<80xf32, #tpu.memory_space<vmem>>, vector<16xf32>,
        %get3A_285 = arith.index_cast %add3A_259 : i32 to index
        %get3A_286 = arith.constant 48 : index
        %get3A_287 = tpu.vector_load %arg10[%get3A_285, %get3A_286] {strides = array<i32>} : memref<50x80xi32, #tpu.memory_space<vmem>>, vector<16xi32>,
        %gather3A_288 = tpu.vector_load_idx %arg9[%get3A_287] : memref<10000xf32, #tpu.memory_space<vmem>>[vector<16xi32>], vector<16xf32>,
        %swap3A_289 = arith.constant 48 : index
        %swap3A_290 = tpu.vector_load %arg13[%swap3A_289] {strides = array<i32>} : memref<80xf32, #tpu.memory_space<vmem>>, vector<16xf32>,
        tpu.vector_store %arg13[%swap3A_289], %gather3A_288 {strides = array<i32>} : memref<80xf32, #tpu.memory_space<vmem>>, vector<16xf32>,
        %get3A_291 = arith.index_cast %add3A_259 : i32 to index
        %get3A_292 = arith.constant 64 : index
        %get3A_293 = tpu.vector_load %arg10[%get3A_291, %get3A_292] {strides = array<i32>} : memref<50x80xi32, #tpu.memory_space<vmem>>, vector<16xi32>,
        %gather3A_294 = tpu.vector_load_idx %arg9[%get3A_293] : memref<10000xf32, #tpu.memory_space<vmem>>[vector<16xi32>], vector<16xf32>,
        %swap3A_295 = arith.constant 64 : index
        %swap3A_296 = tpu.vector_load %arg13[%swap3A_295] {strides = array<i32>} : memref<80xf32, #tpu.memory_space<vmem>>, vector<16xf32>,
        tpu.vector_store %arg13[%swap3A_295], %gather3A_294 {strides = array<i32>} : memref<80xf32, #tpu.memory_space<vmem>>, vector<16xf32>,
        %parallel_loop3A_297 = arith.constant 0 : i32
        %parallel_loop3A_298 = arith.constant 80 : i32
        %parallel_loop3A_299 = arith.constant 1 : i32
        scf.for %parallel_loop3A_306 = %parallel_loop3A_297 to %parallel_loop3A_298 step %parallel_loop3A_299  : i32 {
          %parallel_loop3A_307 = vector.broadcast %parallel_loop3A_306 : i32 to vector<16xi32>
          %parallel_loop3A_308 = tpu.vector_load_idx %arg13[%parallel_loop3A_307] : memref<80xf32, #tpu.memory_space<vmem>>[vector<16xi32>], vector<16xf32>,
          %parallel_loop3A_309 = tpu.vector_load_idx %arg12[%broadcast_in_dim3A_266, %parallel_loop3A_307] : memref<50x80xf32, #tpu.memory_space<vmem>>[vector<16xi32>, vector<16xi32>], vector<16xf32>,
          %parallel_loop3A_310 = arith.mulf %parallel_loop3A_308, %get3A_4 : vector<16xf32>
          %parallel_loop3A_311 = arith.mulf %parallel_loop3A_309, %get3A_28 : vector<16xf32>
          %parallel_loop3A_312 = arith.addf %parallel_loop3A_310, %parallel_loop3A_311 : vector<16xf32>
          %parallel_loop3A_313 = arith.addf %parallel_loop3A_312, %get3A_52 : vector<16xf32>
          %parallel_loop3A_314 = arith.constant 0.000000e+00 : f32
          %parallel_loop3A_315 = vector.broadcast %parallel_loop3A_314 : f32 to vector<16xf32>
          %parallel_loop3A_316 = arith.maximumf %parallel_loop3A_313, %parallel_loop3A_315 : vector<16xf32>
          %parallel_loop3A_317 = arith.index_cast %parallel_loop3A_306 : i32 to index
          %parallel_loop3A_318 = arith.constant 0 : index
          %parallel_loop3A_319 = tpu.vector_load %arg15[%parallel_loop3A_317, %parallel_loop3A_318] {strides = array<i32>} : memref<80x64xf32, #tpu.memory_space<vmem>>, vector<16xf32>,
          tpu.vector_store %arg15[%parallel_loop3A_317, %parallel_loop3A_318], %parallel_loop3A_316 {strides = array<i32>} : memref<80x64xf32, #tpu.memory_space<vmem>>, vector<16xf32>,
          %parallel_loop3A_320 = arith.mulf %parallel_loop3A_308, %get3A_10 : vector<16xf32>
          %parallel_loop3A_321 = arith.mulf %parallel_loop3A_309, %get3A_34 : vector<16xf32>
          %parallel_loop3A_322 = arith.addf %parallel_loop3A_320, %parallel_loop3A_321 : vector<16xf32>
          %parallel_loop3A_323 = arith.addf %parallel_loop3A_322, %get3A_58 : vector<16xf32>
          %parallel_loop3A_324 = arith.constant 0.000000e+00 : f32
          %parallel_loop3A_325 = vector.broadcast %parallel_loop3A_324 : f32 to vector<16xf32>
          %parallel_loop3A_326 = arith.maximumf %parallel_loop3A_323, %parallel_loop3A_325 : vector<16xf32>
          %parallel_loop3A_327 = arith.index_cast %parallel_loop3A_306 : i32 to index
          %parallel_loop3A_328 = arith.constant 16 : index
          %parallel_loop3A_329 = tpu.vector_load %arg15[%parallel_loop3A_327, %parallel_loop3A_328] {strides = array<i32>} : memref<80x64xf32, #tpu.memory_space<vmem>>, vector<16xf32>,
          tpu.vector_store %arg15[%parallel_loop3A_327, %parallel_loop3A_328], %parallel_loop3A_326 {strides = array<i32>} : memref<80x64xf32, #tpu.memory_space<vmem>>, vector<16xf32>,
          %parallel_loop3A_330 = arith.mulf %parallel_loop3A_308, %get3A_16 : vector<16xf32>
          %parallel_loop3A_331 = arith.mulf %parallel_loop3A_309, %get3A_40 : vector<16xf32>
          %parallel_loop3A_332 = arith.addf %parallel_loop3A_330, %parallel_loop3A_331 : vector<16xf32>
          %parallel_loop3A_333 = arith.addf %parallel_loop3A_332, %get3A_64 : vector<16xf32>
          %parallel_loop3A_334 = arith.constant 0.000000e+00 : f32
          %parallel_loop3A_335 = vector.broadcast %parallel_loop3A_334 : f32 to vector<16xf32>
          %parallel_loop3A_336 = arith.maximumf %parallel_loop3A_333, %parallel_loop3A_335 : vector<16xf32>
          %parallel_loop3A_337 = arith.index_cast %parallel_loop3A_306 : i32 to index
          %parallel_loop3A_338 = arith.constant 32 : index
          %parallel_loop3A_339 = tpu.vector_load %arg15[%parallel_loop3A_337, %parallel_loop3A_338] {strides = array<i32>} : memref<80x64xf32, #tpu.memory_space<vmem>>, vector<16xf32>,
          tpu.vector_store %arg15[%parallel_loop3A_337, %parallel_loop3A_338], %parallel_loop3A_336 {strides = array<i32>} : memref<80x64xf32, #tpu.memory_space<vmem>>, vector<16xf32>,
          %parallel_loop3A_340 = arith.mulf %parallel_loop3A_308, %get3A_22 : vector<16xf32>
          %parallel_loop3A_341 = arith.mulf %parallel_loop3A_309, %get3A_46 : vector<16xf32>
          %parallel_loop3A_342 = arith.addf %parallel_loop3A_340, %parallel_loop3A_341 : vector<16xf32>
          %parallel_loop3A_343 = arith.addf %parallel_loop3A_342, %get3A_70 : vector<16xf32>
          %parallel_loop3A_344 = arith.constant 0.000000e+00 : f32
          %parallel_loop3A_345 = vector.broadcast %parallel_loop3A_344 : f32 to vector<16xf32>
          %parallel_loop3A_346 = arith.maximumf %parallel_loop3A_343, %parallel_loop3A_345 : vector<16xf32>
          %parallel_loop3A_347 = arith.index_cast %parallel_loop3A_306 : i32 to index
          %parallel_loop3A_348 = arith.constant 48 : index
          %parallel_loop3A_349 = tpu.vector_load %arg15[%parallel_loop3A_347, %parallel_loop3A_348] {strides = array<i32>} : memref<80x64xf32, #tpu.memory_space<vmem>>, vector<16xf32>,
          tpu.vector_store %arg15[%parallel_loop3A_347, %parallel_loop3A_348], %parallel_loop3A_346 {strides = array<i32>} : memref<80x64xf32, #tpu.memory_space<vmem>>, vector<16xf32>,
        } {sc.loop_unroll_factor = 2 : i64, sc.parallel_access}
        %dma_start3A_300 = arith.constant 0 : i32
        %dma_start3A_301 = tpu.memref_slice %arg11[%add3A_259, %dma_start3A_300] : memref<50x80xi32, #tpu.memory_space<vmem>> -> memref<1x80xi32, #tpu.memory_space<vmem>>
        %dma_start3A_302 = tpu.memref_squeeze %dma_start3A_301 : memref<1x80xi32, #tpu.memory_space<vmem>> -> memref<80xi32, #tpu.memory_space<vmem>>
        %dma_start3A_303 = arith.constant 0 : i32
        %dma_start3A_304 = arith.constant 0 : i32
        %dma_start3A_305 = tpu.memref_slice %arg17[%dma_start3A_303, %dma_start3A_304] : memref<10240x64xf32, #tpu.memory_space<vmem_shared>> -> memref<10240x64xf32, #tpu.memory_space<vmem_shared>>
        tpu.enqueue_indirect_dma source(%arg15 : memref<80x64xf32, #tpu.memory_space<vmem>>) target(%dma_start3A_305 : memref<10240x64xf32, #tpu.memory_space<vmem_shared>>) offsets(%dma_start3A_302 : memref<80xi32, #tpu.memory_space<vmem>>) semaphore(%arg19 : memref<!tpu.dma_semaphore, #tpu.memory_space<semaphore_mem>>) {add = true}
      }
      %scan3A_191 = arith.constant 24 : i32
      %dma_wait3A = arith.constant 0 : i32
      %dma_wait3A_192 = arith.constant 0 : i32
      %dma_wait3A_193 = tpu.memref_slice %arg11[%dma_wait3A, %dma_wait3A_192] : memref<50x80xi32, #tpu.memory_space<vmem>> -> memref<1x80xi32, #tpu.memory_space<vmem>>
      %dma_wait3A_194 = tpu.memref_squeeze %dma_wait3A_193 : memref<1x80xi32, #tpu.memory_space<vmem>> -> memref<80xi32, #tpu.memory_space<vmem>>
      %dma_wait3A_195 = arith.constant 0 : i32
      %dma_wait3A_196 = arith.constant 0 : i32
      %dma_wait3A_197 = tpu.memref_slice %arg17[%dma_wait3A_195, %dma_wait3A_196] : memref<10240x64xf32, #tpu.memory_space<vmem_shared>> -> memref<10240x64xf32, #tpu.memory_space<vmem_shared>>
      tpu.wait_indirect_dma semaphore(%arg18 : memref<!tpu.dma_semaphore, #tpu.memory_space<semaphore_mem>>) src(%arg14 : memref<80x64xf32, #tpu.memory_space<vmem>>) dst(%dma_wait3A_197 : memref<10240x64xf32, #tpu.memory_space<vmem_shared>>)
      %dma_wait3A_198 = arith.constant 1 : i32
      %dma_wait3A_199 = arith.constant 0 : i32
      %dma_wait3A_200 = tpu.memref_slice %arg11[%dma_wait3A_198, %dma_wait3A_199] : memref<50x80xi32, #tpu.memory_space<vmem>> -> memref<1x80xi32, #tpu.memory_space<vmem>>
      %dma_wait3A_201 = tpu.memref_squeeze %dma_wait3A_200 : memref<1x80xi32, #tpu.memory_space<vmem>> -> memref<80xi32, #tpu.memory_space<vmem>>
      %dma_wait3A_202 = arith.constant 0 : i32
      %dma_wait3A_203 = arith.constant 0 : i32
      %dma_wait3A_204 = tpu.memref_slice %arg17[%dma_wait3A_202, %dma_wait3A_203] : memref<10240x64xf32, #tpu.memory_space<vmem_shared>> -> memref<10240x64xf32, #tpu.memory_space<vmem_shared>>
      tpu.wait_indirect_dma semaphore(%arg19 : memref<!tpu.dma_semaphore, #tpu.memory_space<semaphore_mem>>) src(%arg15 : memref<80x64xf32, #tpu.memory_space<vmem>>) dst(%dma_wait3A_204 : memref<10240x64xf32, #tpu.memory_space<vmem_shared>>)
    }
    %scan3A_84 = arith.constant 5 : i32
    %barrier3A_85 = arith.constant 0 : index
    tpu.barrier barrier_id(%barrier3A_85)
    %eq3A = arith.constant 0 : i32
    %eq3A_86 = arith.cmpi eq, %arg0, %eq3A : i32
    %convert_element_type3A = arith.extui %eq3A_86 : i1 to i32
    %cond3A = arith.constant 0 : i32
    %cond3A_87 = arith.cmpi ne, %convert_element_type3A, %cond3A : i32
    scf.if %cond3A_87 {
      %mul3A_93 = arith.constant 640 : i32
      %mul3A_94 = arith.muli %arg1, %mul3A_93 : i32
      %mul3A_95 = arith.constant 640 : i32
      %mul3A_96 = arith.muli %arg1, %mul3A_95 : i32
      "tpu.region"() ({
        %run_scoped3A = tpu.sem_alloc : memref<!tpu.dma_semaphore, #tpu.memory_space<semaphore_mem>>
        %dma_start3A = arith.constant 0 : i32
        %dma_start3A_97 = tpu.memref_slice %arg7[%mul3A_96, %dma_start3A] : memref<10240x64xf32, #tpu.memory_space<hbm>> -> memref<640x64xf32, #tpu.memory_space<hbm>>
        %dma_start3A_98 = arith.constant 0 : i32
        %dma_start3A_99 = tpu.memref_slice %arg17[%mul3A_94, %dma_start3A_98] : memref<10240x64xf32, #tpu.memory_space<vmem_shared>> -> memref<640x64xf32, #tpu.memory_space<vmem_shared>>
        tpu.enqueue_dma source(%dma_start3A_99 : memref<640x64xf32, #tpu.memory_space<vmem_shared>>) target(%dma_start3A_97 : memref<640x64xf32, #tpu.memory_space<hbm>>) target_semaphore(%run_scoped3A : memref<!tpu.dma_semaphore, #tpu.memory_space<semaphore_mem>>)
        %dma_wait3A = arith.constant 0 : i32
        %dma_wait3A_100 = tpu.memref_slice %arg7[%mul3A_96, %dma_wait3A] : memref<10240x64xf32, #tpu.memory_space<hbm>> -> memref<640x64xf32, #tpu.memory_space<hbm>>
        %dma_wait3A_101 = arith.constant 0 : i32
        %dma_wait3A_102 = tpu.memref_slice %arg17[%mul3A_94, %dma_wait3A_101] : memref<10240x64xf32, #tpu.memory_space<vmem_shared>> -> memref<640x64xf32, #tpu.memory_space<vmem_shared>>
        tpu.wait_dma2 semaphore(%run_scoped3A : memref<!tpu.dma_semaphore, #tpu.memory_space<semaphore_mem>>) src(%dma_wait3A_102 : memref<640x64xf32, #tpu.memory_space<vmem_shared>>) dst(%dma_wait3A_100 : memref<640x64xf32, #tpu.memory_space<hbm>>)
        tpu.yield
      }) : () -> ()
    } else {
    }
    %eq3A_88 = arith.constant 1 : i32
    %eq3A_89 = arith.cmpi eq, %arg0, %eq3A_88 : i32
    %convert_element_type3A_90 = arith.extui %eq3A_89 : i1 to i32
    %cond3A_91 = arith.constant 0 : i32
    %cond3A_92 = arith.cmpi ne, %convert_element_type3A_90, %cond3A_91 : i32
    scf.if %cond3A_92 {
      %mul3A_93 = arith.constant 640 : i32
      %mul3A_94 = arith.muli %arg1, %mul3A_93 : i32
      %mul3A_95 = arith.constant 640 : i32
      %mul3A_96 = arith.muli %arg1, %mul3A_95 : i32
      "tpu.region"() ({
        %run_scoped3A = tpu.sem_alloc : memref<!tpu.dma_semaphore, #tpu.memory_space<semaphore_mem>>
        %dma_start3A = arith.constant 0 : i32
        %dma_start3A_97 = tpu.memref_slice %arg8[%mul3A_96, %dma_start3A] : memref<10240x64xf32, #tpu.memory_space<hbm>> -> memref<640x64xf32, #tpu.memory_space<hbm>>
        %dma_start3A_98 = arith.constant 0 : i32
        %dma_start3A_99 = tpu.memref_slice %arg17[%mul3A_94, %dma_start3A_98] : memref<10240x64xf32, #tpu.memory_space<vmem_shared>> -> memref<640x64xf32, #tpu.memory_space<vmem_shared>>
        tpu.enqueue_dma source(%dma_start3A_99 : memref<640x64xf32, #tpu.memory_space<vmem_shared>>) target(%dma_start3A_97 : memref<640x64xf32, #tpu.memory_space<hbm>>) target_semaphore(%run_scoped3A : memref<!tpu.dma_semaphore, #tpu.memory_space<semaphore_mem>>)
        %dma_wait3A = arith.constant 0 : i32
        %dma_wait3A_100 = tpu.memref_slice %arg8[%mul3A_96, %dma_wait3A] : memref<10240x64xf32, #tpu.memory_space<hbm>> -> memref<640x64xf32, #tpu.memory_space<hbm>>
        %dma_wait3A_101 = arith.constant 0 : i32
        %dma_wait3A_102 = tpu.memref_slice %arg17[%mul3A_94, %dma_wait3A_101] : memref<10240x64xf32, #tpu.memory_space<vmem_shared>> -> memref<640x64xf32, #tpu.memory_space<vmem_shared>>
        tpu.wait_dma2 semaphore(%run_scoped3A : memref<!tpu.dma_semaphore, #tpu.memory_space<semaphore_mem>>) src(%dma_wait3A_102 : memref<640x64xf32, #tpu.memory_space<vmem_shared>>) dst(%dma_wait3A_100 : memref<640x64xf32, #tpu.memory_space<hbm>>)
        tpu.yield
      }) : () -> ()
    } else {
    }
    return
  }
}

module attributes {stable_mosaic.version = 14 : i64} {
  func.func @_fold_body(%arg0: memref<1x128xf32, #tpu.memory_space<vmem>>, %arg1: memref<1x128xf32, #tpu.memory_space<vmem>>, %arg2: memref<1x128xf32, #tpu.memory_space<vmem>>, %arg3: memref<1x128xf32, #tpu.memory_space<vmem>>, %arg4: memref<128x128xf32, #tpu.memory_space<vmem>>, %arg5: memref<1x128xf32, #tpu.memory_space<vmem>>, %arg6: memref<128x128xf32, #tpu.memory_space<vmem>>, %arg7: memref<1x128xf32, #tpu.memory_space<vmem>>, %arg8: memref<8x128xf32, #tpu.memory_space<vmem>>) attributes {dimension_semantics = [], scalar_prefetch = 0 : i64, scratch_operands = 0 : i64, tpu.core_type = #tpu.core_type<tc>} {
    %get3A = arith.constant 0 : index
    %get3A_0 = arith.constant 0 : index
    %get3A_1 = vector.load %arg2[%get3A, %get3A_0] : memref<1x128xf32, #tpu.memory_space<vmem>>, vector<1x128xf32>
    %get3A_2 = arith.constant 0 : index
    %get3A_3 = arith.constant 0 : index
    %get3A_4 = vector.load %arg4[%get3A_2, %get3A_3] : memref<128x128xf32, #tpu.memory_space<vmem>>, vector<128x128xf32>
    %dot_general3A = arith.constant dense<0.000000e+00> : vector<1x128xf32>
    %dot_general3A_5 = tpu.matmul %get3A_1, %get3A_4, %dot_general3A {dimension_numbers = #tpu.dot_dimension_numbers<[1], [0], [0], [1], [0, 0, 1, 1], [], []>, transpose_lhs_hint = false} : vector<1x128xf32>, vector<128x128xf32>, vector<1x128xf32> -> vector<1x128xf32>
    %get3A_6 = arith.constant 0 : index
    %get3A_7 = arith.constant 0 : index
    %get3A_8 = vector.load %arg3[%get3A_6, %get3A_7] : memref<1x128xf32, #tpu.memory_space<vmem>>, vector<1x128xf32>
    %get3A_9 = arith.constant 0 : index
    %get3A_10 = arith.constant 0 : index
    %get3A_11 = vector.load %arg4[%get3A_9, %get3A_10] : memref<128x128xf32, #tpu.memory_space<vmem>>, vector<128x128xf32>
    %dot_general3A_12 = arith.constant dense<0.000000e+00> : vector<1x128xf32>
    %dot_general3A_13 = tpu.matmul %get3A_8, %get3A_11, %dot_general3A_12 {dimension_numbers = #tpu.dot_dimension_numbers<[1], [0], [0], [1], [0, 0, 1, 1], [], []>, transpose_lhs_hint = false} : vector<1x128xf32>, vector<128x128xf32>, vector<1x128xf32> -> vector<1x128xf32>
    %get3A_14 = arith.constant 0 : index
    %get3A_15 = arith.constant 0 : index
    %get3A_16 = vector.load %arg5[%get3A_14, %get3A_15] : memref<1x128xf32, #tpu.memory_space<vmem>>, vector<1x128xf32>
    %add3A = arith.addf %dot_general3A_13, %get3A_16 : vector<1x128xf32>
    %get3A_17 = arith.constant 0 : index
    %get3A_18 = arith.constant 0 : index
    %get3A_19 = vector.load %arg2[%get3A_17, %get3A_18] : memref<1x128xf32, #tpu.memory_space<vmem>>, vector<1x128xf32>
    %get3A_20 = arith.constant 0 : index
    %get3A_21 = arith.constant 0 : index
    %get3A_22 = vector.load %arg6[%get3A_20, %get3A_21] : memref<128x128xf32, #tpu.memory_space<vmem>>, vector<128x128xf32>
    %dot_general3A_23 = arith.constant dense<0.000000e+00> : vector<1x128xf32>
    %dot_general3A_24 = tpu.matmul %get3A_19, %get3A_22, %dot_general3A_23 {dimension_numbers = #tpu.dot_dimension_numbers<[1], [0], [0], [1], [0, 0, 1, 1], [], []>, transpose_lhs_hint = false} : vector<1x128xf32>, vector<128x128xf32>, vector<1x128xf32> -> vector<1x128xf32>
    %get3A_25 = arith.constant 0 : index
    %get3A_26 = arith.constant 0 : index
    %get3A_27 = vector.load %arg3[%get3A_25, %get3A_26] : memref<1x128xf32, #tpu.memory_space<vmem>>, vector<1x128xf32>
    %get3A_28 = arith.constant 0 : index
    %get3A_29 = arith.constant 0 : index
    %get3A_30 = vector.load %arg6[%get3A_28, %get3A_29] : memref<128x128xf32, #tpu.memory_space<vmem>>, vector<128x128xf32>
    %dot_general3A_31 = arith.constant dense<0.000000e+00> : vector<1x128xf32>
    %dot_general3A_32 = tpu.matmul %get3A_27, %get3A_30, %dot_general3A_31 {dimension_numbers = #tpu.dot_dimension_numbers<[1], [0], [0], [1], [0, 0, 1, 1], [], []>, transpose_lhs_hint = false} : vector<1x128xf32>, vector<128x128xf32>, vector<1x128xf32> -> vector<1x128xf32>
    %get3A_33 = arith.constant 0 : index
    %get3A_34 = arith.constant 0 : index
    %get3A_35 = vector.load %arg7[%get3A_33, %get3A_34] : memref<1x128xf32, #tpu.memory_space<vmem>>, vector<1x128xf32>
    %add3A_36 = arith.addf %dot_general3A_32, %get3A_35 : vector<1x128xf32>
    %broadcast_in_dim3A = arith.constant 0.000000e+00 : f32
    %broadcast_in_dim3A_37 = vector.broadcast %broadcast_in_dim3A : f32 to vector<2x128xf32>
    %get3A_38 = arith.constant 0 : index
    %get3A_39 = arith.constant 0 : index
    %get3A_40 = vector.load %arg0[%get3A_38, %get3A_39] : memref<1x128xf32, #tpu.memory_space<vmem>>, vector<1x128xf32>
    %get3A_41 = arith.constant 0 : index
    %get3A_42 = arith.constant 0 : index
    %get3A_43 = vector.load %arg1[%get3A_41, %get3A_42] : memref<1x128xf32, #tpu.memory_space<vmem>>, vector<1x128xf32>
    %add3A_44 = arith.addf %add3A, %get3A_43 : vector<1x128xf32>
    %get3A_45 = arith.constant 0 : index
    %get3A_46 = arith.constant 0 : index
    %get3A_47 = vector.load %arg1[%get3A_45, %get3A_46] : memref<1x128xf32, #tpu.memory_space<vmem>>, vector<1x128xf32>
    %concatenate3A = tpu.concatenate %get3A_40, %dot_general3A_5, %add3A_44, %get3A_47, %dot_general3A_24, %add3A_36, %broadcast_in_dim3A_37 in 0 : vector<1x128xf32>, vector<1x128xf32>, vector<1x128xf32>, vector<1x128xf32>, vector<1x128xf32>, vector<1x128xf32>, vector<2x128xf32> -> vector<8x128xf32>
    %swap3A = arith.constant 0 : index
    %swap3A_48 = arith.constant 0 : index
    %swap3A_49 = vector.load %arg8[%swap3A, %swap3A_48] : memref<8x128xf32, #tpu.memory_space<vmem>>, vector<8x128xf32>
    tpu.vector_store %arg8[%swap3A, %swap3A_48], %concatenate3A {strides = array<i32>} : memref<8x128xf32, #tpu.memory_space<vmem>>, vector<8x128xf32>,
    return
  }
}

module attributes {stable_mosaic.version = 14 : i64} {
  func.func @_mlp_body(%arg0: i32, %arg1: memref<2000x1xf32, #tpu.memory_space<vmem>>, %arg2: memref<2000x64xf32, #tpu.memory_space<vmem>>, %arg3: memref<2000x64xf32, #tpu.memory_space<vmem>>, %arg4: memref<8x128xf32, #tpu.memory_space<vmem>>, %arg5: memref<128x128xf32, #tpu.memory_space<vmem>>, %arg6: memref<1x128xf32, #tpu.memory_space<vmem>>, %arg7: memref<128x128xf32, #tpu.memory_space<vmem>>, %arg8: memref<1x128xf32, #tpu.memory_space<vmem>>, %arg9: memref<2000x64xf32, #tpu.memory_space<vmem>>, %arg10: memref<2000x64xf32, #tpu.memory_space<vmem>>) attributes {dimension_semantics = [#tpu.dimension_semantics<arbitrary>], iteration_bounds = array<i64: 5>, scalar_prefetch = 0 : i64, scratch_operands = 0 : i64, tpu.core_type = #tpu.core_type<tc>, window_params = [{transform_indices = @transform_0, window_bounds = array<i64: 2000, 1>}, {transform_indices = @transform_1, window_bounds = array<i64: 2000, 64>}, {transform_indices = @transform_2, window_bounds = array<i64: 2000, 64>}, {pipeline_mode = #tpu.pipeline_mode<synchronous>, transform_indices = @transform_3, window_bounds = array<i64: 8, 128>}, {pipeline_mode = #tpu.pipeline_mode<synchronous>, transform_indices = @transform_4, window_bounds = array<i64: 128, 128>}, {pipeline_mode = #tpu.pipeline_mode<synchronous>, transform_indices = @transform_5, window_bounds = array<i64: 1, 128>}, {pipeline_mode = #tpu.pipeline_mode<synchronous>, transform_indices = @transform_6, window_bounds = array<i64: 128, 128>}, {pipeline_mode = #tpu.pipeline_mode<synchronous>, transform_indices = @transform_7, window_bounds = array<i64: 1, 128>}, {transform_indices = @transform_8, window_bounds = array<i64: 2000, 64>}, {transform_indices = @transform_9, window_bounds = array<i64: 2000, 64>}]} {
    %get3A = arith.constant 0 : index
    %get3A_0 = arith.constant 0 : index
    %get3A_1 = vector.load %arg1[%get3A, %get3A_0] : memref<2000x1xf32, #tpu.memory_space<vmem>>, vector<2000x1xf32>
    %get3A_2 = arith.constant 0 : index
    %get3A_3 = arith.constant 0 : index
    %get3A_4 = vector.load %arg4[%get3A_2, %get3A_3] : memref<8x128xf32, #tpu.memory_space<vmem>>, vector<1x128xf32>
    %mul3A = vector.broadcast %get3A_1 : vector<2000x1xf32> to vector<2000x128xf32>
    %mul3A_5 = vector.broadcast %get3A_4 : vector<1x128xf32> to vector<2000x128xf32>
    %mul3A_6 = arith.mulf %mul3A, %mul3A_5 : vector<2000x128xf32>
    %get3A_7 = arith.constant 3 : index
    %get3A_8 = arith.constant 0 : index
    %get3A_9 = vector.load %arg4[%get3A_7, %get3A_8] : memref<8x128xf32, #tpu.memory_space<vmem>>, vector<1x128xf32>
    %add3A = vector.broadcast %get3A_9 : vector<1x128xf32> to vector<2000x128xf32>
    %add3A_10 = arith.addf %mul3A_6, %add3A : vector<2000x128xf32>
    %get3A_11 = arith.constant 0 : index
    %get3A_12 = arith.constant 0 : index
    %get3A_13 = vector.load %arg2[%get3A_11, %get3A_12] : memref<2000x64xf32, #tpu.memory_space<vmem>>, vector<2000x64xf32>
    %get3A_14 = arith.constant 0 : index
    %get3A_15 = arith.constant 0 : index
    %get3A_16 = vector.load %arg3[%get3A_14, %get3A_15] : memref<2000x64xf32, #tpu.memory_space<vmem>>, vector<2000x64xf32>
    %concatenate3A = tpu.concatenate %get3A_13, %get3A_16 in 1 : vector<2000x64xf32>, vector<2000x64xf32> -> vector<2000x128xf32>
    %add3A_17 = arith.addf %add3A_10, %concatenate3A : vector<2000x128xf32>
    %get3A_18 = arith.constant 0 : index
    %get3A_19 = arith.constant 0 : index
    %get3A_20 = vector.load %arg5[%get3A_18, %get3A_19] : memref<128x128xf32, #tpu.memory_space<vmem>>, vector<128x128xf32>
    %dot_general3A = arith.constant dense<0.000000e+00> : vector<2000x128xf32>
    %dot_general3A_21 = tpu.matmul %add3A_17, %get3A_20, %dot_general3A {dimension_numbers = #tpu.dot_dimension_numbers<[1], [0], [0], [1], [0, 0, 1, 1], [], []>, transpose_lhs_hint = false} : vector<2000x128xf32>, vector<128x128xf32>, vector<2000x128xf32> -> vector<2000x128xf32>
    %get3A_22 = arith.constant 0 : index
    %get3A_23 = arith.constant 0 : index
    %get3A_24 = vector.load %arg6[%get3A_22, %get3A_23] : memref<1x128xf32, #tpu.memory_space<vmem>>, vector<1x128xf32>
    %add3A_25 = vector.broadcast %get3A_24 : vector<1x128xf32> to vector<2000x128xf32>
    %add3A_26 = arith.addf %dot_general3A_21, %add3A_25 : vector<2000x128xf32>
    %max3A = arith.constant 0.000000e+00 : f32
    %max3A_27 = vector.broadcast %max3A : f32 to vector<2000x128xf32>
    %max3A_28 = arith.maximumf %add3A_26, %max3A_27 : vector<2000x128xf32>
    %get3A_29 = arith.constant 0 : index
    %get3A_30 = arith.constant 0 : index
    %get3A_31 = vector.load %arg7[%get3A_29, %get3A_30] : memref<128x128xf32, #tpu.memory_space<vmem>>, vector<128x128xf32>
    %dot_general3A_32 = arith.constant dense<0.000000e+00> : vector<2000x128xf32>
    %dot_general3A_33 = tpu.matmul %max3A_28, %get3A_31, %dot_general3A_32 {dimension_numbers = #tpu.dot_dimension_numbers<[1], [0], [0], [1], [0, 0, 1, 1], [], []>, transpose_lhs_hint = false} : vector<2000x128xf32>, vector<128x128xf32>, vector<2000x128xf32> -> vector<2000x128xf32>
    %get3A_34 = arith.constant 0 : index
    %get3A_35 = arith.constant 0 : index
    %get3A_36 = vector.load %arg8[%get3A_34, %get3A_35] : memref<1x128xf32, #tpu.memory_space<vmem>>, vector<1x128xf32>
    %add3A_37 = vector.broadcast %get3A_36 : vector<1x128xf32> to vector<2000x128xf32>
    %add3A_38 = arith.addf %dot_general3A_33, %add3A_37 : vector<2000x128xf32>
    %max3A_39 = arith.constant 0.000000e+00 : f32
    %max3A_40 = vector.broadcast %max3A_39 : f32 to vector<2000x128xf32>
    %max3A_41 = arith.maximumf %add3A_38, %max3A_40 : vector<2000x128xf32>
    %slice3A = vector.extract_strided_slice %max3A_41 {offsets = [0, 0], sizes = [2000, 64], strides = [1, 1]} : vector<2000x128xf32> to vector<2000x64xf32>
    %swap3A = arith.constant 0 : index
    %swap3A_42 = arith.constant 0 : index
    %swap3A_43 = vector.load %arg9[%swap3A, %swap3A_42] : memref<2000x64xf32, #tpu.memory_space<vmem>>, vector<2000x64xf32>
    tpu.vector_store %arg9[%swap3A, %swap3A_42], %slice3A {strides = array<i32>} : memref<2000x64xf32, #tpu.memory_space<vmem>>, vector<2000x64xf32>,
    %slice3A_44 = vector.extract_strided_slice %max3A_41 {offsets = [0, 64], sizes = [2000, 64], strides = [1, 1]} : vector<2000x128xf32> to vector<2000x64xf32>
    %swap3A_45 = arith.constant 0 : index
    %swap3A_46 = arith.constant 0 : index
    %swap3A_47 = vector.load %arg10[%swap3A_45, %swap3A_46] : memref<2000x64xf32, #tpu.memory_space<vmem>>, vector<2000x64xf32>
    tpu.vector_store %arg10[%swap3A_45, %swap3A_46], %slice3A_44 {strides = array<i32>} : memref<2000x64xf32, #tpu.memory_space<vmem>>, vector<2000x64xf32>,
    return
  }
  func.func @transform_0(%arg0: i32) -> (i32, i32) {
    %c0_i32 = arith.constant 0 : i32
    %c0_i32_0 = arith.constant 0 : i32
    return %arg0, %c0_i32 : i32, i32
  }
  func.func @transform_1(%arg0: i32) -> (i32, i32) {
    %c0_i32 = arith.constant 0 : i32
    %c0_i32_0 = arith.constant 0 : i32
    return %arg0, %c0_i32 : i32, i32
  }
  func.func @transform_2(%arg0: i32) -> (i32, i32) {
    %c0_i32 = arith.constant 0 : i32
    %c0_i32_0 = arith.constant 0 : i32
    return %arg0, %c0_i32 : i32, i32
  }
  func.func @transform_3(%arg0: i32) -> (i32, i32) {
    %c0_i32 = arith.constant 0 : i32
    %c0_i32_0 = arith.constant 0 : i32
    %c0_i32_1 = arith.constant 0 : i32
    return %c0_i32, %c0_i32_0 : i32, i32
  }
  func.func @transform_4(%arg0: i32) -> (i32, i32) {
    %c0_i32 = arith.constant 0 : i32
    %c0_i32_0 = arith.constant 0 : i32
    %c0_i32_1 = arith.constant 0 : i32
    return %c0_i32, %c0_i32_0 : i32, i32
  }
  func.func @transform_5(%arg0: i32) -> (i32, i32) {
    %c0_i32 = arith.constant 0 : i32
    %c0_i32_0 = arith.constant 0 : i32
    %c0_i32_1 = arith.constant 0 : i32
    return %c0_i32, %c0_i32_0 : i32, i32
  }
  func.func @transform_6(%arg0: i32) -> (i32, i32) {
    %c0_i32 = arith.constant 0 : i32
    %c0_i32_0 = arith.constant 0 : i32
    %c0_i32_1 = arith.constant 0 : i32
    return %c0_i32, %c0_i32_0 : i32, i32
  }
  func.func @transform_7(%arg0: i32) -> (i32, i32) {
    %c0_i32 = arith.constant 0 : i32
    %c0_i32_0 = arith.constant 0 : i32
    %c0_i32_1 = arith.constant 0 : i32
    return %c0_i32, %c0_i32_0 : i32, i32
  }
  func.func @transform_8(%arg0: i32) -> (i32, i32) {
    %c0_i32 = arith.constant 0 : i32
    %c0_i32_0 = arith.constant 0 : i32
    return %arg0, %c0_i32 : i32, i32
  }
  func.func @transform_9(%arg0: i32) -> (i32, i32) {
    %c0_i32 = arith.constant 0 : i32
    %c0_i32_0 = arith.constant 0 : i32
    return %arg0, %c0_i32 : i32, i32
  }
}

module attributes {stable_mosaic.version = 14 : i64} {
  func.func @_mlp_pool_body(%arg0: i32, %arg1: memref<2000x64xf32, #tpu.memory_space<vmem>>, %arg2: memref<2000x64xf32, #tpu.memory_space<vmem>>, %arg3: memref<2000x64xf32, #tpu.memory_space<vmem>>, %arg4: memref<2000x64xf32, #tpu.memory_space<vmem>>, %arg5: memref<1x1x2000xi32, #tpu.memory_space<vmem>>, %arg6: memref<128x128xf32, #tpu.memory_space<vmem>>, %arg7: memref<1x128xf32, #tpu.memory_space<vmem>>, %arg8: memref<128x128xf32, #tpu.memory_space<vmem>>, %arg9: memref<1x128xf32, #tpu.memory_space<vmem>>, %arg10: memref<64x128xf32, #tpu.memory_space<vmem>>, %arg11: memref<64x128xf32, #tpu.memory_space<vmem>>, %arg12: memref<64x128xf32, #tpu.memory_space<vmem>>) attributes {dimension_semantics = [#tpu.dimension_semantics<arbitrary>], iteration_bounds = array<i64: 5>, scalar_prefetch = 0 : i64, scratch_operands = 2 : i64, tpu.core_type = #tpu.core_type<tc>, window_params = [{transform_indices = @transform_0, window_bounds = array<i64: 2000, 64>}, {transform_indices = @transform_1, window_bounds = array<i64: 2000, 64>}, {transform_indices = @transform_2, window_bounds = array<i64: 2000, 64>}, {transform_indices = @transform_3, window_bounds = array<i64: 2000, 64>}, {transform_indices = @transform_4, window_bounds = array<i64: 1, 1, 2000>}, {pipeline_mode = #tpu.pipeline_mode<synchronous>, transform_indices = @transform_5, window_bounds = array<i64: 128, 128>}, {pipeline_mode = #tpu.pipeline_mode<synchronous>, transform_indices = @transform_6, window_bounds = array<i64: 1, 128>}, {pipeline_mode = #tpu.pipeline_mode<synchronous>, transform_indices = @transform_7, window_bounds = array<i64: 128, 128>}, {pipeline_mode = #tpu.pipeline_mode<synchronous>, transform_indices = @transform_8, window_bounds = array<i64: 1, 128>}, {pipeline_mode = #tpu.pipeline_mode<synchronous>, transform_indices = @transform_9, window_bounds = array<i64: 64, 128>}]} {
    %eq3A = arith.constant 0 : i32
    %eq3A_0 = arith.cmpi eq, %arg0, %eq3A : i32
    %convert_element_type3A = arith.extui %eq3A_0 : i1 to i32
    %cond3A = arith.constant 0 : i32
    %cond3A_1 = arith.cmpi ne, %convert_element_type3A, %cond3A : i32
    scf.if %cond3A_1 {
      %broadcast_in_dim3A_71 = arith.constant 0.000000e+00 : f32
      %broadcast_in_dim3A_72 = vector.broadcast %broadcast_in_dim3A_71 : f32 to vector<64x128xf32>
      %swap3A_73 = arith.constant 0 : index
      %swap3A_74 = arith.constant 0 : index
      %swap3A_75 = vector.load %arg11[%swap3A_73, %swap3A_74] : memref<64x128xf32, #tpu.memory_space<vmem>>, vector<64x128xf32>
      tpu.vector_store %arg11[%swap3A_73, %swap3A_74], %broadcast_in_dim3A_72 {strides = array<i32>} : memref<64x128xf32, #tpu.memory_space<vmem>>, vector<64x128xf32>,
      %broadcast_in_dim3A_76 = arith.constant 0.000000e+00 : f32
      %broadcast_in_dim3A_77 = vector.broadcast %broadcast_in_dim3A_76 : f32 to vector<64x128xf32>
      %swap3A_78 = arith.constant 0 : index
      %swap3A_79 = arith.constant 0 : index
      %swap3A_80 = vector.load %arg12[%swap3A_78, %swap3A_79] : memref<64x128xf32, #tpu.memory_space<vmem>>, vector<64x128xf32>
      tpu.vector_store %arg12[%swap3A_78, %swap3A_79], %broadcast_in_dim3A_77 {strides = array<i32>} : memref<64x128xf32, #tpu.memory_space<vmem>>, vector<64x128xf32>,
    } else {
    }
    %get3A = arith.constant 0 : index
    %get3A_2 = arith.constant 0 : index
    %get3A_3 = vector.load %arg1[%get3A, %get3A_2] : memref<2000x64xf32, #tpu.memory_space<vmem>>, vector<2000x64xf32>
    %get3A_4 = arith.constant 0 : index
    %get3A_5 = arith.constant 0 : index
    %get3A_6 = vector.load %arg3[%get3A_4, %get3A_5] : memref<2000x64xf32, #tpu.memory_space<vmem>>, vector<2000x64xf32>
    %add3A = arith.addf %get3A_3, %get3A_6 : vector<2000x64xf32>
    %get3A_7 = arith.constant 0 : index
    %get3A_8 = arith.constant 0 : index
    %get3A_9 = vector.load %arg2[%get3A_7, %get3A_8] : memref<2000x64xf32, #tpu.memory_space<vmem>>, vector<2000x64xf32>
    %get3A_10 = arith.constant 0 : index
    %get3A_11 = arith.constant 0 : index
    %get3A_12 = vector.load %arg4[%get3A_10, %get3A_11] : memref<2000x64xf32, #tpu.memory_space<vmem>>, vector<2000x64xf32>
    %add3A_13 = arith.addf %get3A_9, %get3A_12 : vector<2000x64xf32>
    %concatenate3A = tpu.concatenate %add3A, %add3A_13 in 1 : vector<2000x64xf32>, vector<2000x64xf32> -> vector<2000x128xf32>
    %get3A_14 = arith.constant 0 : index
    %get3A_15 = arith.constant 0 : index
    %get3A_16 = vector.load %arg6[%get3A_14, %get3A_15] : memref<128x128xf32, #tpu.memory_space<vmem>>, vector<128x128xf32>
    %dot_general3A = arith.constant dense<0.000000e+00> : vector<2000x128xf32>
    %dot_general3A_17 = tpu.matmul %concatenate3A, %get3A_16, %dot_general3A {dimension_numbers = #tpu.dot_dimension_numbers<[1], [0], [0], [1], [0, 0, 1, 1], [], []>, transpose_lhs_hint = false} : vector<2000x128xf32>, vector<128x128xf32>, vector<2000x128xf32> -> vector<2000x128xf32>
    %get3A_18 = arith.constant 0 : index
    %get3A_19 = arith.constant 0 : index
    %get3A_20 = vector.load %arg7[%get3A_18, %get3A_19] : memref<1x128xf32, #tpu.memory_space<vmem>>, vector<1x128xf32>
    %add3A_21 = vector.broadcast %get3A_20 : vector<1x128xf32> to vector<2000x128xf32>
    %add3A_22 = arith.addf %dot_general3A_17, %add3A_21 : vector<2000x128xf32>
    %max3A = arith.constant 0.000000e+00 : f32
    %max3A_23 = vector.broadcast %max3A : f32 to vector<2000x128xf32>
    %max3A_24 = arith.maximumf %add3A_22, %max3A_23 : vector<2000x128xf32>
    %get3A_25 = arith.constant 0 : index
    %get3A_26 = arith.constant 0 : index
    %get3A_27 = vector.load %arg8[%get3A_25, %get3A_26] : memref<128x128xf32, #tpu.memory_space<vmem>>, vector<128x128xf32>
    %dot_general3A_28 = arith.constant dense<0.000000e+00> : vector<2000x128xf32>
    %dot_general3A_29 = tpu.matmul %max3A_24, %get3A_27, %dot_general3A_28 {dimension_numbers = #tpu.dot_dimension_numbers<[1], [0], [0], [1], [0, 0, 1, 1], [], []>, transpose_lhs_hint = false} : vector<2000x128xf32>, vector<128x128xf32>, vector<2000x128xf32> -> vector<2000x128xf32>
    %get3A_30 = arith.constant 0 : index
    %get3A_31 = arith.constant 0 : index
    %get3A_32 = vector.load %arg9[%get3A_30, %get3A_31] : memref<1x128xf32, #tpu.memory_space<vmem>>, vector<1x128xf32>
    %add3A_33 = vector.broadcast %get3A_32 : vector<1x128xf32> to vector<2000x128xf32>
    %add3A_34 = arith.addf %dot_general3A_29, %add3A_33 : vector<2000x128xf32>
    %max3A_35 = arith.constant 0.000000e+00 : f32
    %max3A_36 = vector.broadcast %max3A_35 : f32 to vector<2000x128xf32>
    %max3A_37 = arith.maximumf %add3A_34, %max3A_36 : vector<2000x128xf32>
    %get3A_38 = arith.constant 0 : index
    %get3A_39 = arith.constant 0 : index
    %get3A_40 = arith.constant 0 : index
    %get3A_41 = vector.load %arg5[%get3A_38, %get3A_39, %get3A_40] : memref<1x1x2000xi32, #tpu.memory_space<vmem>>, vector<1x1x2000xi32>
    %get3A_42 = vector.shape_cast %get3A_41 : vector<1x1x2000xi32> to vector<2000xi32>
    %iota3A = tpu.iota {dimensions = array<i32: 0>} : vector<64x2000xi32>
    %broadcast_in_dim3A = vector.shape_cast %get3A_42 : vector<2000xi32> to vector<1x2000xi32>
    %eq3A_43 = vector.broadcast %broadcast_in_dim3A : vector<1x2000xi32> to vector<64x2000xi32>
    %eq3A_44 = arith.cmpi eq, %iota3A, %eq3A_43 : vector<64x2000xi32>
    %convert_element_type3A_45 = arith.extui %eq3A_44 : vector<64x2000xi1> to vector<64x2000xi32>
    %convert_element_type3A_46 = arith.sitofp %convert_element_type3A_45 : vector<64x2000xi32> to vector<64x2000xf32>
    %get3A_47 = arith.constant 0 : index
    %get3A_48 = arith.constant 0 : index
    %get3A_49 = vector.load %arg11[%get3A_47, %get3A_48] : memref<64x128xf32, #tpu.memory_space<vmem>>, vector<64x128xf32>
    %dot_general3A_50 = arith.constant dense<0.000000e+00> : vector<64x128xf32>
    %dot_general3A_51 = tpu.matmul %convert_element_type3A_46, %max3A_37, %dot_general3A_50 {dimension_numbers = #tpu.dot_dimension_numbers<[1], [0], [0], [1], [0, 0, 1, 1], [], []>, transpose_lhs_hint = false} : vector<64x2000xf32>, vector<2000x128xf32>, vector<64x128xf32> -> vector<64x128xf32>
    %add3A_52 = arith.addf %get3A_49, %dot_general3A_51 : vector<64x128xf32>
    %swap3A = arith.constant 0 : index
    %swap3A_53 = arith.constant 0 : index
    %swap3A_54 = vector.load %arg11[%swap3A, %swap3A_53] : memref<64x128xf32, #tpu.memory_space<vmem>>, vector<64x128xf32>
    tpu.vector_store %arg11[%swap3A, %swap3A_53], %add3A_52 {strides = array<i32>} : memref<64x128xf32, #tpu.memory_space<vmem>>, vector<64x128xf32>,
    %get3A_55 = arith.constant 0 : index
    %get3A_56 = arith.constant 0 : index
    %get3A_57 = vector.load %arg12[%get3A_55, %get3A_56] : memref<64x128xf32, #tpu.memory_space<vmem>>, vector<64x128xf32>
    %broadcast_in_dim3A_58 = arith.constant 1.000000e+00 : f32
    %broadcast_in_dim3A_59 = vector.broadcast %broadcast_in_dim3A_58 : f32 to vector<2000x128xf32>
    %dot_general3A_60 = arith.constant dense<0.000000e+00> : vector<64x128xf32>
    %dot_general3A_61 = tpu.matmul %convert_element_type3A_46, %broadcast_in_dim3A_59, %dot_general3A_60 {dimension_numbers = #tpu.dot_dimension_numbers<[1], [0], [0], [1], [0, 0, 1, 1], [], []>, transpose_lhs_hint = false} : vector<64x2000xf32>, vector<2000x128xf32>, vector<64x128xf32> -> vector<64x128xf32>
    %add3A_62 = arith.addf %get3A_57, %dot_general3A_61 : vector<64x128xf32>
    %swap3A_63 = arith.constant 0 : index
    %swap3A_64 = arith.constant 0 : index
    %swap3A_65 = vector.load %arg12[%swap3A_63, %swap3A_64] : memref<64x128xf32, #tpu.memory_space<vmem>>, vector<64x128xf32>
    tpu.vector_store %arg12[%swap3A_63, %swap3A_64], %add3A_62 {strides = array<i32>} : memref<64x128xf32, #tpu.memory_space<vmem>>, vector<64x128xf32>,
    %eq3A_66 = arith.constant 4 : i32
    %eq3A_67 = arith.cmpi eq, %arg0, %eq3A_66 : i32
    %convert_element_type3A_68 = arith.extui %eq3A_67 : i1 to i32
    %cond3A_69 = arith.constant 0 : i32
    %cond3A_70 = arith.cmpi ne, %convert_element_type3A_68, %cond3A_69 : i32
    scf.if %cond3A_70 {
      %get3A_71 = arith.constant 0 : index
      %get3A_72 = arith.constant 0 : index
      %get3A_73 = vector.load %arg11[%get3A_71, %get3A_72] : memref<64x128xf32, #tpu.memory_space<vmem>>, vector<64x128xf32>
      %get3A_74 = arith.constant 0 : index
      %get3A_75 = arith.constant 0 : index
      %get3A_76 = vector.load %arg12[%get3A_74, %get3A_75] : memref<64x128xf32, #tpu.memory_space<vmem>>, vector<64x128xf32>
      %max3A_77 = arith.constant 1.000000e+00 : f32
      %max3A_78 = vector.broadcast %max3A_77 : f32 to vector<64x128xf32>
      %max3A_79 = arith.maximumf %get3A_76, %max3A_78 : vector<64x128xf32>
      %div3A = arith.divf %get3A_73, %max3A_79 : vector<64x128xf32>
      %swap3A_80 = arith.constant 0 : index
      %swap3A_81 = arith.constant 0 : index
      %swap3A_82 = vector.load %arg10[%swap3A_80, %swap3A_81] : memref<64x128xf32, #tpu.memory_space<vmem>>, vector<64x128xf32>
      tpu.vector_store %arg10[%swap3A_80, %swap3A_81], %div3A {strides = array<i32>} : memref<64x128xf32, #tpu.memory_space<vmem>>, vector<64x128xf32>,
    } else {
    }
    return
  }
  func.func @transform_0(%arg0: i32) -> (i32, i32) {
    %c0_i32 = arith.constant 0 : i32
    %c0_i32_0 = arith.constant 0 : i32
    return %arg0, %c0_i32 : i32, i32
  }
  func.func @transform_1(%arg0: i32) -> (i32, i32) {
    %c0_i32 = arith.constant 0 : i32
    %c0_i32_0 = arith.constant 0 : i32
    return %arg0, %c0_i32 : i32, i32
  }
  func.func @transform_2(%arg0: i32) -> (i32, i32) {
    %c0_i32 = arith.constant 0 : i32
    %c0_i32_0 = arith.constant 0 : i32
    return %arg0, %c0_i32 : i32, i32
  }
  func.func @transform_3(%arg0: i32) -> (i32, i32) {
    %c0_i32 = arith.constant 0 : i32
    %c0_i32_0 = arith.constant 0 : i32
    return %arg0, %c0_i32 : i32, i32
  }
  func.func @transform_4(%arg0: i32) -> (i32, i32, i32) {
    %c0_i32 = arith.constant 0 : i32
    %c0_i32_0 = arith.constant 0 : i32
    %c0_i32_1 = arith.constant 0 : i32
    return %arg0, %c0_i32, %c0_i32_0 : i32, i32, i32
  }
  func.func @transform_5(%arg0: i32) -> (i32, i32) {
    %c0_i32 = arith.constant 0 : i32
    %c0_i32_0 = arith.constant 0 : i32
    %c0_i32_1 = arith.constant 0 : i32
    return %c0_i32, %c0_i32_0 : i32, i32
  }
  func.func @transform_6(%arg0: i32) -> (i32, i32) {
    %c0_i32 = arith.constant 0 : i32
    %c0_i32_0 = arith.constant 0 : i32
    %c0_i32_1 = arith.constant 0 : i32
    return %c0_i32, %c0_i32_0 : i32, i32
  }
  func.func @transform_7(%arg0: i32) -> (i32, i32) {
    %c0_i32 = arith.constant 0 : i32
    %c0_i32_0 = arith.constant 0 : i32
    %c0_i32_1 = arith.constant 0 : i32
    return %c0_i32, %c0_i32_0 : i32, i32
  }
  func.func @transform_8(%arg0: i32) -> (i32, i32) {
    %c0_i32 = arith.constant 0 : i32
    %c0_i32_0 = arith.constant 0 : i32
    %c0_i32_1 = arith.constant 0 : i32
    return %c0_i32, %c0_i32_0 : i32, i32
  }
  func.func @transform_9(%arg0: i32) -> (i32, i32) {
    %c0_i32 = arith.constant 0 : i32
    %c0_i32_0 = arith.constant 0 : i32
    %c0_i32_1 = arith.constant 0 : i32
    return %c0_i32, %c0_i32_0 : i32, i32
  }
}

</mosaic_0001>

<sc_bundles>
// kernel: kernel.10.cloned.1.call-start
scs
__scs_entry_jumppad:
0x0: {  	(pc) =	sbr.rel $0x88, $3  }
0x1: {  	(tag) =	ssettag $0x0;
	lr =	simm.s32 $0x1  }
0x2: {  	[smem:$0x3F8D] =	sst lr;
	_ =	strace $0xD0000000  }
0x3: {  	_ = 	snop  }
0x4: {  	_ = 	snop  }
0x5: {  	_ = 	snop  }
0x6: {  	_ = 	snop  }
0x7: {  	_ = 	snop  }
__scs_overlays_trampoline_lowered:
0x8: {  	[smem:$0x3F9C] =	sst s0  }
0x9: {  	[smem:$0x3F9D] =	sst s1  }
0xa: {  	[smem:$0x3F9E] =	sst s2  }
0xb: {  	[smem:$0x3F9F] =	sst s3  }
0xc: {  	[smem:$0x3FA0] =	sst s4  }
0xd: {  	[smem:$0x3FA1] =	sst s5  }
0xe: {  	[smem:$0x3FA2] =	sst s6  }
0xf: {  	[smem:$0x3FA3] =	sst s7  }
0x10: {  	[smem:$0x3FA4] =	sst s8  }
0x11: {  	[smem:$0x3FA5] =	sst s9;
	s0 =	simm.s32 @!p0 $0x0  }
0x12: {  	s1 =	sld [smem:$0x3F8B];
	s0 =	simm.s32 @p0 $0x1  }
0x13: {  	[smem:$0x3FA6] =	sst s0;
	s0 =	simm.s32 @!p1 $0x0  }
0x14: {  	s2 =	sld [smem:$0x3F8A];
	s0 =	simm.s32 @p1 $0x1  }
0x15: {  	[smem:$0x3FA7] =	sst s0;
	s0 =	simm.s32 @!p2 $0x0  }
0x16: {  	s3 =	sld [smem:$0x3FDB];
	s0 =	simm.s32 @p2 $0x1  }
0x17: {  	s4 =	simm.s32 $0x1BF5;
	[smem:$0x3FA9] =	sst s0  }
0x18: {  	s0 =	sld [smem:$0x3F8C];
	_ =	swait.ge [sflag:s4], $0x0  }
0x19: {  	s7 =	sld [smem:$0x3F8D]  }
0x1a: {  	s8 =	sadd.s32 $0xFFFFE003, lr  }
0x1b: {  	s9 =	sadd.s32 $0xFFFFFEF7, lr;
	s5 =	simm.s32 $0xFFFFFFFF;
	p2 =	slt.u32 s8, $0xFFFFF086  }
0x1c: {  	p1 =	slt.u32 s9, $0xF7A;
	s5 =	simm.s32 @!p2 $0x0  }
0x1d: {  	s5 =	simm.s32 @p1 $0x1;
	p0 =	seq.s32 s7, s2  }
0x1e: {  	s7 =	smul.u32 @!p0 $0xF7A, s2;
	p2 =	seq.s32 @!p0 s5, $0x0  }
0x1f: {  	s9 =	smul.u32 $0xF7A, s1;
	s8 =	simm.s32 @!p0 $0x1BF5;
	p2 =	por !p2, p0  }
0x20: {  	[sflag:s8] =	ssyncset.s32 @!p0 $0xFFFFF086;
	s6 =	sadd.s32 @!p0 s3, s7;
	s7 =	simm.s32 @!p0 $0x108  }
0x21: {  	s3 =	sadd.s32 s3, s9;
	s6 =	sadd.s32 @!p0 $0x88, s6;
	s7 =	simm.s32 @p2 $0x1082  }
0x22: {  	[simem:s7], [sflag:s8] =	dma.local @!p0 [hbm:s6], $0xF7A  }
0x23: {  	s9 =	sor.u32 $0xD0000000, s2;
	s6 =	simm.s32 $0x108;
	_ =	swait.ge @!p0 [sflag:s8], $0x0  }
0x24: {  	s3 =	sadd.s32 $0x88, s3;
	s6 =	simm.s32 @!p1 $0x1082;
	[sflag:s4] =	ssyncset.s32 $0xFFFFF086  }
0x25: {  	[simem:s6], [sflag:s4] =	dma.local [hbm:s3], $0xF7A  }
0x26: {  	[smem:$0x3F8D] =	sst s1;
	(tag) =	ssettag s2;
	_ =	strace s9  }
0x27: {  	s1 =	sld [smem:$0x3F9D]  }
0x28: {  	s2 =	sld [smem:$0x3F9E]  }
0x29: {  	s4 =	sld [smem:$0x3FA0]  }
0x2a: {  	p0 =	seq.s32 s5, $0x0;
	s5 =	sld [smem:$0x3FA1]  }
0x2b: {  	s6 =	sld [smem:$0x3FA2]  }
0x2c: {  	s7 =	sld [smem:$0x3FA3]  }
0x2d: {  	s3 =	simm.s32 $0x108;
	s8 =	sld [smem:$0x3FA4]  }
0x2e: {  	s3 =	simm.s32 @!p0 $0x1082;
	s9 =	sld [smem:$0x3FA5]  }
0x2f: {  	lr =	sadd.s32 s0, s3;
	s0 =	sld [smem:$0x3F9C]  }
0x30: {  	s3 =	sld [smem:$0x3F9F]  }
0x31: {  	[smem:$0x3FA8] =	sst s10  }
0x32: {  	s10 =	sld [smem:$0x3FA6];
	_ =	sdelay $0x3  }
0x33: {  	p0 =	seq.s32 s10, $0x1;
	s10 =	sld [smem:$0x3FA8];
	_ =	sdelay $0x3  }
0x34: {  	[smem:$0x3FA8] =	sst s10  }
0x35: {  	s10 =	sld [smem:$0x3FA7];
	_ =	sdelay $0x3  }
0x36: {  	p1 =	seq.s32 s10, $0x1;
	s10 =	sld [smem:$0x3FA8];
	_ =	sdelay $0x3  }
0x37: {  	[smem:$0x3FA8] =	sst s10  }
0x38: {  	s10 =	sld [smem:$0x3FA9]  }
0x39: {  	_ = 	snop;
	(pc) =	sbr.ind lr, $3  }
0x3a: {  	_ = 	snop  }
0x3b: {  	_ = 	snop  }
0x3c: {  	p2 =	seq.s32 s10, $0x1;
	s10 =	sld [smem:$0x3FA8]  }
0x3d: {  	_ =	shalt  }
0x3e: {  	_ =	shalt  }
0x3f: {  	_ =	shalt  }
0x40: {  	_ =	shalt  }
0x41: {  	_ =	shalt  }
0x42: {  	_ =	shalt  }
0x43: {  	_ =	shalt  }
0x44: {  	_ =	shalt  }
0x45: {  	_ =	shalt  }
0x46: {  	_ =	shalt  }
0x47: {  	_ =	shalt  }
0x48: {  	_ =	shalt  }
0x49: {  	_ =	shalt  }
0x4a: {  	_ =	shalt  }
0x4b: {  	_ =	shalt  }
0x4c: {  	_ =	shalt  }
0x4d: {  	_ =	shalt  }
0x4e: {  	_ =	shalt  }
0x4f: {  	_ =	shalt  }
0x50: {  	_ =	shalt  }
0x51: {  	_ =	shalt  }
0x52: {  	_ =	shalt  }
0x53: {  	_ =	shalt  }
0x54: {  	_ =	shalt  }
0x55: {  	_ =	shalt  }
0x56: {  	_ =	shalt  }
0x57: {  	_ =	shalt  }
0x58: {  	_ =	shalt  }
0x59: {  	_ =	shalt  }
0x5a: {  	_ =	shalt  }
0x5b: {  	_ =	shalt  }
0x5c: {  	_ =	shalt  }
0x5d: {  	_ =	shalt  }
0x5e: {  	_ =	shalt  }
0x5f: {  	_ =	shalt  }
0x60: {  	_ =	shalt  }
0x61: {  	_ =	shalt  }
0x62: {  	_ =	shalt  }
0x63: {  	_ =	shalt  }
0x64: {  	_ =	shalt  }
0x65: {  	_ =	shalt  }
0x66: {  	_ =	shalt  }
0x67: {  	_ =	shalt  }
0x68: {  	_ =	shalt  }
0x69: {  	_ =	shalt  }
0x6a: {  	_ =	shalt  }
0x6b: {  	_ =	shalt  }
0x6c: {  	_ =	shalt  }
0x6d: {  	_ =	shalt  }
0x6e: {  	_ =	shalt  }
0x6f: {  	_ =	shalt  }
0x70: {  	_ =	shalt  }
0x71: {  	_ =	shalt  }
0x72: {  	_ =	shalt  }
0x73: {  	_ =	shalt  }
0x74: {  	_ =	shalt  }
0x75: {  	_ =	shalt  }
0x76: {  	_ =	shalt  }
0x77: {  	_ =	shalt  }
0x78: {  	_ =	shalt  }
0x79: {  	_ =	shalt  }
0x7a: {  	_ =	shalt  }
0x7b: {  	_ =	shalt  }
0x7c: {  	_ =	shalt  }
0x7d: {  	_ =	shalt  }
0x7e: {  	_ =	shalt  }
0x7f: {  	_ =	shalt  }
0x80: {  	_ =	shalt  }
0x81: {  	_ =	shalt  }
0x82: {  	_ =	shalt  }
0x83: {  	_ =	shalt  }
0x84: {  	_ =	shalt  }
0x85: {  	_ =	shalt  }
0x86: {  	_ =	shalt  }
0x87: {  	_ =	shalt  }
.Lfunc_end0:
.L_simem_size_0:
called_computation.1_lowered:
.L_overlay_start_0:
0x88: {  	s2 =	sld [smem:$0x3FD9]  }
0x89: {  	s3 =	sld [smem:$0x3FFE];
	_ =	sdelay $0x1  }
0x8a: {  	s1 =	srdreg.scid  }
0x8b: {  	s0 =	sand.u32 $0x1, s1  }
0x8c: {  	s17 =	sshll.u32 s0, $0xA;
	s2 =	sadd.s32 s3, s2  }
0x8d: {  	s2 =	sadd.s32 s2, s17  }
0x8e: {  	[smem:$0x3FB4] =	sst s2  }
0x8f: {  	_ = 	snop  }
0x90: {  	s2 =	sld [smem:$0x3FD0];
	(tm) =	ssettm $0x1  }
0x91: {  	s18 =	sld [smem:$0x3FFB];
	_ =	sdelay $0x3  }
0x92: {  	_ =	strace s18  }
0x93: {  	s3 =	sld [smem:$0x3FFC];
	_ =	sdelay $0x3  }
0x94: {  	_ =	strace s3  }
0x95: {  	s3 =	sld [smem:$0x3FFD];
	_ =	sdelay $0x3  }
0x96: {  	_ =	strace s3  }
0x97: {  	_ =	strace $0x8FFFFFFF  }
0x98: {  	s19 =	sld [smem:$0x3FDB];
	_ =	sdelay $0x1  }
0x99: {  	s4 =	simm.s32 $_scs_section_size  }
0x9a: {  	s5 =	simm.s32 $_size__tile_overlayer_lowered;
	s6 =	simm.s32 $_tile_overlayer_lowered  }
0x9b: {  	s22 =	simm.s32 $0x1BFF;
	s21 =	sshll.u32 s6, $0x1;
	s3 =	sadd.s32 s4, s19  }
0x9c: {  	s7 =	simm.s32 $0x0;
	s20 =	sshll.u32 s5, $0x1;
	s5 =	sadd.s32 s21, s3  }
0x9d: {  	[timem:s7], [sflag:s22] =	dma.local [hbm:s5], s20  }
0x9e: {  	_ =	swait.ge [sflag:s22], s20  }
0x9f: {  	s4 =	ssub.s32 $0x0, s20;
	[sflag:s22] =	ssyncset.done $0x0  }
0xa0: {  	[sflag:s22] =	ssyncadd.s32 s4;
	_ =	sdelay $0x1  }
0xa1: {  	s23 =	simm.s32 $0x1B8B  }
0xa2: {  	_ =	swait.ge [sflag:s23], $0x1  }
0xa3: {  	[sflag:s23] =	ssyncset.done $0x0  }
0xa4: {  	s25 =	simm.s32 $0x1B8E;
	s24 =	sld [smem:$0x3FFE];
	[sflag:s23] =	ssyncadd.s32 $0xFFFFFFFF  }
0xa5: {  	s26 =	simm.s32 $execute0_lowered;
	[smem:$0x3FD2] =	sst s25  }
0xa6: {  	s5 =	sshll.u32 s26, $0x1;
	_ =	strace $0x80000049;
	[dreg:$0x1] =	wrdreg $0xFFFFFFFF  }
0xa7: {  	s28 =	simm.s32 $_size_execute0_lowered;
	s3 =	sadd.s32 s3, s5;
	[dreg:$0x0] =	wrdreg $0x0  }
0xa8: {  	s5 =	sshll.u32 s28, $0x1;
	[dreg:$0x2] =	wrdreg s3  }
0xa9: {  	[dreg:$0x3] =	wrdreg s5  }
0xaa: {  	[dreg:$0x4] =	wrdreg $0xC0  }
0xab: {  	_ =	task [dreg:s7], $0x5FFFF  }
0xac: {  	[dreg:$0x1] =	wrdreg $0xFFFFFFFF  }
0xad: {  	[dreg:$0x0] =	wrdreg $0x60  }
0xae: {  	[dreg:$0x2] =	wrdreg s24  }
0xaf: {  	[dreg:$0x3] =	wrdreg s2  }
0xb0: {  	[dreg:$0x4] =	wrdreg $0x82E00  }
0xb1: {  	[dreg:$0x5] =	wrdreg $0x9  }
0xb2: {  	_ =	task.clear_ibuf [dreg:s7], $0x6FFFF;
	_ =	strace $0x90000049  }
0xb3: {  	s29 =	simm.s32 $0x9;
	_ =	strace $0x8000004B  }
0xb4: {  	_ =	swait.ge [sflag:s29], $0x1  }
0xb5: {  	[sflag:s29] =	ssyncadd.s32 $0xFFFFFFFF  }
0xb6: {  	_ =	strace $0x9000004B  }
0xb7: {  	_ =	sfence  }
0xb8: {  	s30 =	sld [smem:$0x0];
	_ =	sdelay $0x2  }
0xb9: {  	s31 =	sshll.u32 s1, $0xD;
	s1 =	sshrl.u32 s1, $0x2  }
0xba: {  	s3 =	sand.u32 $0x4000, s31;
	s1 =	sadd.s32 s1, s30  }
0xbb: {  	s0 =	sor.u32 s3, s0;
	s1 =	sshll.u32 s1, $0x11  }
0xbc: {  	s0 =	sor.u32 s1, s0  }
0xbd: {  	s0 =	sadd.s32 $0x8F2B, s0  }
0xbe: {  	[sflag:s0] =	ssyncadd.remote.s32 $0x1  }
0xbf: {  	_ =	sfence.sel $0xFFFF  }
0xc0: {  	[dreg:$0x0] =	wrdreg $0xFFFFFFFF;
	(pc) =	sbr.abs _section_cstart, $3  }
0xc1: {  	[dreg:$0x1] =	wrdreg $0xFFFFFFFF  }
0xc2: {  	_ =	task.clear_ibuf [dreg:s7], $0x2FFFF;
	_ =	strace $0x9FFFFFFF  }
0xc3: {  	(tm) =	ssettm $0x7FFFFFFF  }
tec
execute0_lowered:
.L_overlay_start_1:
0x0: {  	(tag) =	ssettag $0x1  }
0x1: {  	s0 =	rddreg [dreg:$0x0]  }
0x2: {  	s2 =	rddreg [dreg:$0x2];
	s1 =	simm.s32 $0x0;
	s10 =	srdreg.scid  }
0x3: {  	s6 =	stileid.u32;
	s28 =	simm.s32 $0x50;
	s29 =	simm.s32 $0x2EE0  }
0x4: {  	s30 =	simm.s32 $0x42E0;
	s31 =	simm.s32 $0x1;
	[smem:$0x7FF] =	sst s1  }
0x5: {  	s3 =	sadd.s32 $0xD000, s0;
	s1 =	sand.u32 $0x1, s10;
	s4 =	smul.u32 $0x4E20, s6  }
0x6: {  	s11 =	sadd.s32 $0x3200, s0;
	s8 =	sadd.s32 $0x16E00, s0;
	s5 =	smul.u32 $0x28000, s6  }
0x7: {  	s15 =	smul.u32 $0xA000, s6;
	_ =	strace $0x8000004A;
	[dreg:$0x4] =	wrdreg s3  }
0x8: {  	[dreg:$0x5] =	wrdreg s11;
	s12 =	ssub.s32 $0x2, s1;
	s14 =	sshll.u32 s1, $0x6  }
0x9: {  	p0 =	seq.s32 s1, $0x0;
	p1 =	seq.s32 s1, $0x1;
	s1 =	simm.s32 $0x48000  }
0xa: {  	s11 =	simm.s32 $0x3;
	[dreg:$0x6] =	wrdreg s4;
	s13 =	sshrl.u32 s12, $0x1  }
0xb: {  	[dreg:$0x7] =	wrdreg s14;
	s16 =	sshrl.u32 s5, $0x2;
	s17 =	sshrl.u32 s15, $0x3  }
0xc: {  	s4 =	sadd.s32 s15, s2;
	s1 =	simm.s32 @!p1 $0x5C000;
	s18 =	sadd.s32 s16, s2  }
0xd: {  	s3 =	ssub.s32 s12, s13;
	s26 =	sshrl.u32 s4, $0x3;
	[dreg:$0x8] =	wrdreg s18  }
0xe: {  	s14 =	simm.s32 $0x0;
	s19 =	smax.u32 s3, $0x1;
	[dreg:$0x12] =	wrdreg s26  }
0xf: {  	s1 =	sadd.s32 s1, s0;
	s20 =	sadd.s32 $0x1400, s18;
	[dreg:$0x9] =	wrdreg s19  }
0x10: {  	s4 =	simm.s32 $0x6AE0;
	s21 =	sadd.s32 $0x2800, s18;
	[dreg:$0xa] =	wrdreg s20  }
0x11: {  	s12 =	simm.s32 $0x4;
	s22 =	sadd.s32 $0x3C00, s18;
	[dreg:$0xb] =	wrdreg s21  }
0x12: {  	s23 =	sadd.s32 $0x5000, s18;
	s24 =	sadd.s32 $0x6400, s18;
	[dreg:$0xc] =	wrdreg s22  }
0x13: {  	s3 =	simm.s32 $0x34600;
	s7 =	sadd.s32 $0x7800, s18;
	[dreg:$0xd] =	wrdreg s23  }
.Ltmp0:
0x14: {  	s6 =	sadd.s32 $0x8C00, s18;
	[dreg:$0xe] =	wrdreg s24;
	(pc) =	sbr.rel .LBB2_1-.Ltmp0, $4  }
0x15: {  	s25 =	sadd.s32 s1, s17;
	s26 =	simm.s32 $0x1F40;
	[dreg:$0xf] =	wrdreg s7  }
0x16: {  	s1 =	simm.s32 $0x2;
	s3 =	simm.s32 @!p0 $0x20C00;
	[dreg:$0x10] =	wrdreg s6  }
0x17: {  	[dreg:$0x11] =	wrdreg s25;
	s22 =	simm.s32 $0x5;
	s23 =	simm.s32 $0x56E0  }
0x18: {  	v0 =	vimm.f32 $0.0e+00;
	s24 =	simm.s32 $0xFA0;
	s19 =	sadd.s32 s3, s0;
	s3 =	simm.s32 $0x0  }
.LBB2_16:
0x19: {  	s0 =	stileid.u32;
	[bflag:$0x0] =	sbarrier.arrive $0xFFFF  }
0x1a: {  	s0 =	sshll.u32 s0, $0x6;
	s3 =	rddreg [dreg:$0x11]  }
0x1b: {  	s5 =	rddreg [dreg:$0x12];
	s0 =	sor.u32 $0x1C05, s0  }
0x1c: {  	[hbm:s3], [sflag:s0] =	dma.local [spmem:s5], $0x1400  }
0x1d: {  	_ =	swait.ge [sflag:s22], $0x1400  }
0x1e: {  	s21 =	rddreg [dreg:$0x13]  }
0x1f: {  	s25 =	rddreg [dreg:$0x9];
	s3 =	sadd.s32 $0x1, s21  }
0x20: {  	p0 =	sne.s32 s3, s25  }
.Ltmp1:
0x21: {  	_ = 	snop;
	(pc) =	sbr.rel @!p0 .LBB2_17-.Ltmp1, $3  }
0x22: {  	_ =	sdelay $0x1  }
0x23: {  	[sflag:s22] =	ssyncset.done $0x0  }
0x24: {  	[sflag:s22] =	ssyncadd.s32 $0xFFFFEC00  }
.LBB2_1:
0x25: {  	[dreg:$0x13] =	wrdreg s3  }
0x26: {  	s0 =	rddreg [dreg:$0x1];
	s21 =	simm.s32 $0x0;
	s5 =	simm.s32 $0x7EE0  }
0x27: {  	[tilespmem:s5], [sflag:$0x5] =	stream.linear.gather [hbm4b:s0+s21], $0x400, $0x38;
	[tilespmem:$0x122E0] =	vst v63  }
0x28: {  	_ =	swait.ge [sflag:s22], $0x400  }
0x29: {  	[sflag:s22] =	ssyncset.done $0x0  }
0x2a: {  	s25 =	rddreg [dreg:$0x7];
	[sflag:s22] =	ssyncadd.s32 $0xFFFFFC00  }
0x2b: {  	v1 =	vld [tilespmem:s25+$0x80E0]  }
0x2c: {  	v2 =	vld [tilespmem:s25+$0x80F0]  }
0x2d: {  	v3 =	vld [tilespmem:s25+$0x8100]  }
0x2e: {  	v7 =	vld [tilespmem:s25+$0x8180]  }
0x2f: {  	v6 =	vld [tilespmem:s25+$0x8170]  }
0x30: {  	v8 =	vld [tilespmem:s25+$0x8190]  }
0x31: {  	v4 =	vld [tilespmem:s25+$0x8110]  }
0x32: {  	s3 =	simm.s32 $0x100;
	s0 =	simm.s32 $0x0;
	v5 =	vld [tilespmem:s25+$0x8160]  }
.LBB2_2:
0x33: {  	p0 =	sne.s32 s3, $0x4F00;
	[tilespmem:s0+$0x5710] =	vst v0;
	s5 =	smov.u32 s3;
	s3 =	sadd.s32 $0x100, s3  }
.Ltmp2:
0x34: {  	[tilespmem:s0+$0x5700] =	vst v0;
	(pc) =	sbr.rel @p0 .LBB2_2-.Ltmp2, $3  }
0x35: {  	[tilespmem:s0+$0x56E0] =	vst v0  }
0x36: {  	[tilespmem:s0+$0x56F0] =	vst v0;
	_ =	sdelay $0x1  }
0x37: {  	s0 =	sshra.s32 s5, $0x2  }
0x38: {  	[tilespmem:s0+$0x5710] =	vst v0  }
0x39: {  	[tilespmem:s0+$0x5700] =	vst v0  }
0x3a: {  	[tilespmem:s0+$0x56E0] =	vst v0  }
0x3b: {  	[tilespmem:s0+$0x56F0] =	vst v0;
	s13 =	rddreg [dreg:$0x8]  }
0x3c: {  	[spmem:s13] =	stream.linear.scatter [tilespmem:s23], [sflag:$0x5], $0x1400, $0x38;
	[tilespmem:$0x122E0] =	vst v63  }
0x3d: {  	_ =	swait.ge [sflag:s22], $0x1400  }
0x3e: {  	[sflag:s22] =	ssyncset.done $0x0  }
0x3f: {  	s15 =	rddreg [dreg:$0xa];
	[sflag:s22] =	ssyncadd.s32 $0xFFFFEC00  }
0x40: {  	[spmem:s15] =	stream.linear.scatter [tilespmem:s23], [sflag:$0x5], $0x1400, $0x38;
	[tilespmem:$0x122E0] =	vst v63  }
0x41: {  	_ =	swait.ge [sflag:s22], $0x1400  }
0x42: {  	[sflag:s22] =	ssyncset.done $0x0  }
0x43: {  	s16 =	rddreg [dreg:$0xb];
	[sflag:s22] =	ssyncadd.s32 $0xFFFFEC00  }
0x44: {  	[spmem:s16] =	stream.linear.scatter [tilespmem:s23], [sflag:$0x5], $0x1400, $0x38;
	[tilespmem:$0x122E0] =	vst v63  }
0x45: {  	_ =	swait.ge [sflag:s22], $0x1400  }
0x46: {  	[sflag:s22] =	ssyncset.done $0x0  }
0x47: {  	s17 =	rddreg [dreg:$0xc];
	[sflag:s22] =	ssyncadd.s32 $0xFFFFEC00  }
0x48: {  	[spmem:s17] =	stream.linear.scatter [tilespmem:s23], [sflag:$0x5], $0x1400, $0x38;
	[tilespmem:$0x122E0] =	vst v63  }
0x49: {  	_ =	swait.ge [sflag:s22], $0x1400  }
0x4a: {  	[sflag:s22] =	ssyncset.done $0x0  }
0x4b: {  	s18 =	rddreg [dreg:$0xd];
	[sflag:s22] =	ssyncadd.s32 $0xFFFFEC00  }
0x4c: {  	[spmem:s18] =	stream.linear.scatter [tilespmem:s23], [sflag:$0x5], $0x1400, $0x38;
	[tilespmem:$0x122E0] =	vst v63  }
0x4d: {  	_ =	swait.ge [sflag:s22], $0x1400  }
0x4e: {  	[sflag:s22] =	ssyncset.done $0x0  }
0x4f: {  	s20 =	rddreg [dreg:$0xe];
	[sflag:s22] =	ssyncadd.s32 $0xFFFFEC00  }
0x50: {  	[spmem:s20] =	stream.linear.scatter [tilespmem:s23], [sflag:$0x5], $0x1400, $0x38;
	[tilespmem:$0x122E0] =	vst v63  }
0x51: {  	_ =	swait.ge [sflag:s22], $0x1400  }
0x52: {  	[sflag:s22] =	ssyncset.done $0x0  }
0x53: {  	s21 =	rddreg [dreg:$0xf];
	[sflag:s22] =	ssyncadd.s32 $0xFFFFEC00  }
0x54: {  	[spmem:s21] =	stream.linear.scatter [tilespmem:s23], [sflag:$0x5], $0x1400, $0x38;
	[tilespmem:$0x122E0] =	vst v63  }
0x55: {  	_ =	swait.ge [sflag:s22], $0x1400  }
0x56: {  	[sflag:s22] =	ssyncset.done $0x0  }
0x57: {  	s25 =	rddreg [dreg:$0x10];
	[sflag:s22] =	ssyncadd.s32 $0xFFFFEC00  }
0x58: {  	[spmem:s25] =	stream.linear.scatter [tilespmem:s23], [sflag:$0x5], $0x1400, $0x38;
	[tilespmem:$0x122E0] =	vst v63  }
.Ltmp3:
0x59: {  	_ =	swait.ge [sflag:s22], $0x1400;
	(pc) =	sbr.rel .LBB2_4-.Ltmp3, $4  }
0x5a: {  	[sflag:s22] =	ssyncset.done $0x0  }
0x5b: {  	[sflag:s22] =	ssyncadd.s32 $0xFFFFEC00  }
0x5c: {  	[bflag:$0x0] =	sbarrier.arrive $0xFFFF  }
0x5d: {  	s15 =	simm.s32 $0x0  }
.LBB2_15:
0x5e: {  	s0 =	sadd.s32 $0xFA0, s0;
	s15 =	sadd.s32 $0x1, s15  }
0x5f: {  	[spmem:s2] =	stream.indirect.scatter.add.f32 [tilespmem:s4], [sflag:$0x4], $0x40, s0, s28, $0xb8;
	[tilespmem:$0x122E0] =	vst v63  }
0x60: {  	p0 =	sne.s32 s15, $0x5;
	_ =	swait.ge [sflag:s11], $0x1400  }
.Ltmp4:
0x61: {  	[sflag:s11] =	ssyncset.done $0x0;
	(pc) =	sbr.rel @!p0 .LBB2_16-.Ltmp4, $4  }
0x62: {  	[sflag:s11] =	ssyncadd.s32 $0xFFFFEC00  }
0x63: {  	_ =	swait.ge [sflag:s12], $0x1400  }
0x64: {  	[sflag:s12] =	ssyncset.done $0x0  }
0x65: {  	[sflag:s12] =	ssyncadd.s32 $0xFFFFEC00  }
.LBB2_4:
0x66: {  	s0 =	smul.u32 $0xFA0, s15  }
0x67: {  	s3 =	rddreg [dreg:$0x6]  }
0x68: {  	s0 =	sadd.s32 s3, s0  }
0x69: {  	s16 =	rddreg [dreg:$0x4];
	s0 =	sshrl.u32 s0, $0x3  }
0x6a: {  	s3 =	sadd.s32 s16, s0  }
0x6b: {  	[tilespmem:s14], [sflag:$0x5] =	stream.linear.gather [hbm4b:s3+s14], $0xFA0, $0x38;
	[tilespmem:$0x122E0] =	vst v63  }
0x6c: {  	_ =	swait.ge [sflag:s22], $0xFA0  }
0x6d: {  	[sflag:s22] =	ssyncset.done $0x0;
	s17 =	rddreg [dreg:$0x5]  }
0x6e: {  	[sflag:s22] =	ssyncadd.s32 $0xFFFFF060;
	s3 =	sadd.s32 s17, s0  }
0x6f: {  	[tilespmem:s24], [sflag:$0x5] =	stream.linear.gather [hbm4b:s3+s14], $0xFA0, $0x38;
	[tilespmem:$0x122E0] =	vst v63  }
0x70: {  	_ =	swait.ge [sflag:s22], $0xFA0  }
0x71: {  	[sflag:s22] =	ssyncset.done $0x0  }
0x72: {  	s0 =	sadd.s32 s8, s0;
	[sflag:s22] =	ssyncadd.s32 $0xFFFFF060  }
0x73: {  	[tilespmem:s26], [sflag:$0x5] =	stream.linear.gather [hbm4b:s0+s14], $0xFA0, $0x38;
	[tilespmem:$0x122E0] =	vst v63  }
0x74: {  	_ =	swait.ge [sflag:s22], $0xFA0  }
0x75: {  	v9 =	vmov s14;
	[sflag:s22] =	ssyncset.done $0x0  }
0x76: {  	v9 =	vand.u32 $0xFFFFFFFE, v9;
	[sflag:s22] =	ssyncadd.s32 $0xFFFFF060  }
0x77: {  	v9 =	vbroadcast v9, $0x0;
	[tilespmem:s29], [sflag:$0x1] =	stream.indirect.gather [hbm4b:s19+s28], $0x40, s14, s28, $0xb8;
	[tilespmem:$0x122E0] =	vst v63  }
0x78: {  	_ = 	snop  }
0x79: {  	[tilespmem:s30], [sflag:$0x2] =	stream.indirect.gather [hbm4b:s19+s28], $0x40, s28, s28, $0xb8;
	[tilespmem:$0x122E0] =	vst v63  }
0x7a: {  	_ =	swait.ge [sflag:s31], $0x1400  }
0x7b: {  	[sflag:s31] =	ssyncset.done $0x0  }
0x7c: {  	[sflag:s31] =	ssyncadd.s32 $0xFFFFEC00  }
0x7d: {  	s18 =	simm.s32 $0x1;
	v13 =	vld.idx.msk [tilespmem:v9+s26+$0x0], $0xffff  }
0x7e: {  	s0 =	simm.s32 $0x2F20;
	v9 =	vmov s18  }
0x7f: {  	v10 =	vld [tilespmem:s0+$0xFFFFFFC0]  }
0x80: {  	s20 =	simm.s32 $0x2  }
0x81: {  	v11 =	vmov s20  }
0x82: {  	v11 =	vand.u32 $0xFFFFFFFE, v11;
	v12 =	vmul.f32 v13, v1  }
0x83: {  	v14 =	vld.idx.msk [tilespmem:v9+s26+$0x0], $0xffff;
	v9 =	vbroadcast v11, $0x0  }
0x84: {  	v10 =	vadd.f32 v12, v10  }
0x85: {  	v11 =	vld [tilespmem:s0+$0x0]  }
0x86: {  	s21 =	simm.s32 $0x3;
	v10 =	vadd.f32 v10, v5  }
0x87: {  	v12 =	vmov s21  }
0x88: {  	s16 =	simm.s32 $0x5720;
	v15 =	vmul.f32 v14, v1;
	v10 =	vmax.f32 v10, $0.0e+00  }
0x89: {  	v16 =	vld.idx.msk [tilespmem:v9+s26+$0x0], $0xffff;
	[tilespmem:s16+$0xFFFFFFC0] =	vst v10  }
0x8a: {  	s18 =	simm.s32 $0x2FA0;
	v9 =	vadd.f32 v15, v11;
	v10 =	vld [tilespmem:s0+$0xFFFFFFD0]  }
0x8b: {  	s25 =	simm.s32 $0x4;
	v11 =	vld [tilespmem:s18+$0xFFFFFFC0]  }
0x8c: {  	s5 =	simm.s32 $0x5;
	v15 =	vld.idx.msk [tilespmem:v12+s26+$0x0], $0xffff;
	v12 =	vmov s25;
	v9 =	vadd.f32 v9, v5  }
0x8d: {  	v17 =	vmov s5;
	v18 =	vmul.f32 v13, v2;
	v12 =	vand.u32 $0xFFFFFFFE, v12  }
0x8e: {  	v19 =	vld [tilespmem:s18+$0x0];
	v12 =	vbroadcast v12, $0x0;
	v9 =	vmax.f32 v9, $0.0e+00;
	v20 =	vmul.f32 v16, v1  }
0x8f: {  	[tilespmem:s16+$0x0] =	vst v9;
	v9 =	vadd.f32 v10, v18  }
0x90: {  	v18 =	vld [tilespmem:s0+$0x10];
	v10 =	vadd.f32 v20, v11  }
0x91: {  	v11 =	vmul.f32 v15, v1;
	v20 =	vadd.f32 v9, v6  }
0x92: {  	v21 =	vadd.f32 v10, v5  }
0x93: {  	v22 =	vmul.f32 v14, v2;
	v11 =	vadd.f32 v11, v19;
	v9 =	vld.idx.msk [tilespmem:v17+s26+$0x0], $0xffff;
	v17 =	vmax.f32 v20, $0.0e+00  }
0x94: {  	s17 =	simm.s32 $0x57A0;
	v10 =	vld.idx.msk [tilespmem:v12+s26+$0x0], $0xffff;
	v12 =	vmax.f32 v21, $0.0e+00;
	[tilespmem:s16+$0xFFFFFFD0] =	vst v17  }
0x95: {  	v11 =	vadd.f32 v11, v5;
	v17 =	vadd.f32 v18, v22;
	[tilespmem:s17+$0xFFFFFFC0] =	vst v12;
	v12 =	vld [tilespmem:s0+$0xFFFFFFE0]  }
0x96: {  	s13 =	simm.s32 $0x3020;
	s5 =	simm.s32 $0x6;
	v18 =	vld [tilespmem:s18+$0xFFFFFFD0]  }
0x97: {  	s6 =	simm.s32 $0x7;
	v19 =	vmov s5;
	v20 =	vld [tilespmem:s13+$0xFFFFFFC0];
	v11 =	vmax.f32 v11, $0.0e+00;
	v17 =	vadd.f32 v17, v6  }
0x98: {  	v21 =	vmov s6;
	v22 =	vmul.f32 v13, v3;
	[tilespmem:s17+$0x0] =	vst v11;
	v11 =	vand.u32 $0xFFFFFFFE, v19;
	v19 =	vld [tilespmem:s13+$0x0]  }
0x99: {  	v23 =	vbroadcast v11, $0x0;
	v11 =	vmul.f32 v16, v2;
	v17 =	vmax.f32 v17, $0.0e+00  }
0x9a: {  	v24 =	vld [tilespmem:s18+$0x10];
	[tilespmem:s16+$0x10] =	vst v17;
	v17 =	vmul.f32 v10, v1;
	v12 =	vadd.f32 v12, v22  }
0x9b: {  	v25 =	vmul.f32 v9, v1;
	v22 =	vld [tilespmem:s0+$0x20];
	v11 =	vadd.f32 v18, v11  }
0x9c: {  	v17 =	vadd.f32 v17, v20;
	v12 =	vadd.f32 v12, v7  }
0x9d: {  	v18 =	vmul.f32 v15, v2;
	v19 =	vadd.f32 v25, v19;
	v25 =	vadd.f32 v11, v6  }
0x9e: {  	v20 =	vmul.f32 v14, v3;
	v11 =	vld.idx.msk [tilespmem:v21+s26+$0x0], $0xffff;
	v17 =	vadd.f32 v17, v5;
	v21 =	vmax.f32 v12, $0.0e+00  }
0x9f: {  	v12 =	vld.idx.msk [tilespmem:v23+s26+$0x0], $0xffff;
	v23 =	vmax.f32 v25, $0.0e+00;
	[tilespmem:s16+$0xFFFFFFE0] =	vst v21  }
0xa0: {  	s10 =	simm.s32 $0x5820;
	v18 =	vadd.f32 v24, v18;
	v20 =	vadd.f32 v22, v20;
	v17 =	vmax.f32 v17, $0.0e+00;
	[tilespmem:s17+$0xFFFFFFD0] =	vst v23;
	v21 =	vld [tilespmem:s0+$0xFFFFFFF0]  }
0xa1: {  	s9 =	simm.s32 $0x8;
	v26 =	vmul.f32 v16, v3;
	v24 =	vmul.f32 v14, v4;
	v19 =	vadd.f32 v19, v5;
	[tilespmem:s10+$0xFFFFFFC0] =	vst v17;
	v17 =	vld [tilespmem:s18+$0xFFFFFFE0]  }
0xa2: {  	s20 =	simm.s32 $0x30A0;
	v14 =	vmov s9;
	v18 =	vadd.f32 v18, v6;
	v20 =	vadd.f32 v20, v7;
	v23 =	vld [tilespmem:s13+$0xFFFFFFD0]  }
0xa3: {  	v13 =	vmul.f32 v13, v4;
	v14 =	vand.u32 $0xFFFFFFFE, v14;
	v25 =	vld [tilespmem:s20+$0xFFFFFFC0];
	v19 =	vmax.f32 v19, $0.0e+00  }
0xa4: {  	s7 =	simm.s32 $0x9;
	v14 =	vbroadcast v14, $0x0;
	v18 =	vmax.f32 v18, $0.0e+00;
	[tilespmem:s10+$0x0] =	vst v19;
	v19 =	vmax.f32 v20, $0.0e+00;
	v20 =	vld [tilespmem:s20+$0x0]  }
0xa5: {  	v22 =	vmov s7;
	[tilespmem:s17+$0x10] =	vst v18;
	v18 =	vmul.f32 v10, v2;
	v27 =	vld [tilespmem:s13+$0x10];
	v13 =	vadd.f32 v21, v13  }
0xa6: {  	v28 =	vmul.f32 v11, v1;
	[tilespmem:s16+$0x20] =	vst v19;
	v19 =	vmul.f32 v12, v1;
	v17 =	vadd.f32 v17, v26;
	v21 =	vld [tilespmem:s18+$0x20]  }
0xa7: {  	v26 =	vmul.f32 v15, v3;
	v18 =	vadd.f32 v23, v18;
	v23 =	vld [tilespmem:s0+$0x30];
	v13 =	vadd.f32 v13, v8  }
0xa8: {  	v19 =	vadd.f32 v19, v25;
	v25 =	vmul.f32 v9, v2;
	v17 =	vadd.f32 v17, v7  }
0xa9: {  	v20 =	vadd.f32 v28, v20;
	v18 =	vadd.f32 v18, v6;
	v63 =	vmax.f32 v13, $0.0e+00  }
0xaa: {  	v19 =	vadd.f32 v19, v5;
	v13 =	vld.idx.msk [tilespmem:v22+s26+$0x0], $0xffff;
	v22 =	vadd.f32 v27, v25;
	v17 =	vmax.f32 v17, $0.0e+00;
	[tilespmem:s16+$0xFFFFFFF0] =	vst v63  }
0xab: {  	v14 =	vld.idx.msk [tilespmem:v14+s26+$0x0], $0xffff;
	v25 =	vadd.f32 v20, v5;
	v18 =	vmax.f32 v18, $0.0e+00;
	[tilespmem:s17+$0xFFFFFFE0] =	vst v17;
	v17 =	vadd.f32 v21, v26  }
0xac: {  	s9 =	simm.s32 $0x58A0;
	v19 =	vmax.f32 v19, $0.0e+00;
	[tilespmem:s10+$0xFFFFFFD0] =	vst v18;
	v18 =	vadd.f32 v22, v6;
	v20 =	vld [tilespmem:s18+$0xFFFFFFF0];
	v23 =	vadd.f32 v23, v24  }
0xad: {  	s21 =	simm.s32 $0xB;
	v15 =	vmul.f32 v15, v4;
	[tilespmem:s9+$0xFFFFFFC0] =	vst v19;
	v24 =	vmax.f32 v25, $0.0e+00;
	v19 =	vld [tilespmem:s13+$0xFFFFFFE0];
	v17 =	vadd.f32 v17, v7  }
0xae: {  	s25 =	simm.s32 $0xA;
	s0 =	simm.s32 $0x3120;
	v22 =	vmov s21;
	v21 =	vld [tilespmem:s20+$0xFFFFFFD0];
	[tilespmem:s9+$0x0] =	vst v24;
	v18 =	vmax.f32 v18, $0.0e+00;
	v27 =	vadd.f32 v23, v8  }
0xaf: {  	v25 =	vld [tilespmem:s0+$0xFFFFFFC0];
	v23 =	vmov s25;
	v24 =	vmul.f32 v16, v4;
	[tilespmem:s10+$0x10] =	vst v18;
	v17 =	vmax.f32 v17, $0.0e+00  }
0xb0: {  	s3 =	simm.s32 $0xC;
	v26 =	vld [tilespmem:s0+$0x0];
	v16 =	vand.u32 $0xFFFFFFFE, v23;
	v23 =	vmul.f32 v10, v3;
	[tilespmem:s17+$0x20] =	vst v17;
	v17 =	vmax.f32 v27, $0.0e+00  }
.LBB2_5:
0xb1: {  	p0 =	slt.u32 s3, $0x4E;
	v16 =	vbroadcast v16, $0x0;
	v18 =	vmul.f32 v12, v2;
	v27 =	vld [tilespmem:s20+$0x10];
	v20 =	vadd.f32 v20, v24;
	[tilespmem:s16+$0x30] =	vst v17;
	v28 =	vmovc v14;
	s16 =	smov.u32 s17;
	s17 =	smov.u32 s10  }
0xb2: {  	s10 =	smov.u32 s9;
	v14 =	vmul.f32 v28, v1;
	v17 =	vadd.f32 v19, v23;
	v19 =	vld [tilespmem:s13+$0x20];
	v23 =	vmul.f32 v9, v3  }
0xb3: {  	v24 =	vmul.f32 v13, v1;
	v18 =	vadd.f32 v21, v18;
	v20 =	vadd.f32 v20, v8;
	v21 =	vld [tilespmem:s18+$0x30];
	s18 =	smov.u32 s13;
	s13 =	smov.u32 s20;
	s20 =	smov.u32 s0  }
0xb4: {  	v14 =	vadd.f32 v14, v25;
	v25 =	vmul.f32 v11, v2;
	v17 =	vadd.f32 v17, v7  }
0xb5: {  	v24 =	vadd.f32 v24, v26;
	v18 =	vadd.f32 v18, v6;
	v20 =	vmax.f32 v20, $0.0e+00  }
0xb6: {  	v29 =	vld.idx.msk [tilespmem:v22+s26+$0x0], $0xffff;
	v22 =	vadd.f32 v14, v5;
	v25 =	vadd.f32 v27, v25;
	v17 =	vmax.f32 v17, $0.0e+00;
	[tilespmem:s16+$0xFFFFFFF0] =	vst v20  }
0xb7: {  	v14 =	vld.idx.msk [tilespmem:v16+s26+$0x0], $0xffff;
	v16 =	vadd.f32 v24, v5;
	v18 =	vmax.f32 v18, $0.0e+00;
	[tilespmem:s17+$0xFFFFFFE0] =	vst v17;
	v17 =	vadd.f32 v19, v23  }
.Ltmp5:
0xb8: {  	s5 =	sadd.s32 $0x1, s3;
	s9 =	sadd.s32 $0x80, s9;
	v19 =	vmax.f32 v22, $0.0e+00;
	[tilespmem:s10+$0xFFFFFFD0] =	vst v18;
	v18 =	vadd.f32 v25, v6;
	v20 =	vld [tilespmem:s18+$0xFFFFFFF0];
	v23 =	vadd.f32 v21, v15;
	(pc) =	sbr.rel @p0 .LBB2_5-.Ltmp5, $4  }
0xb9: {  	v22 =	vmov s5;
	[tilespmem:s9+$0xFFFFFFC0] =	vst v19;
	v15 =	vmax.f32 v16, $0.0e+00;
	v19 =	vld [tilespmem:s13+$0xFFFFFFE0];
	v16 =	vadd.f32 v17, v7  }
0xba: {  	s0 =	sadd.s32 $0x80, s0;
	v21 =	vld [tilespmem:s20+$0xFFFFFFD0];
	[tilespmem:s9+$0x0] =	vst v15;
	v17 =	vmax.f32 v18, $0.0e+00;
	v15 =	vmul.f32 v9, v4;
	v18 =	vadd.f32 v23, v8;
	v9 =	vmovc v11  }
0xbb: {  	v24 =	vmul.f32 v10, v4;
	v10 =	vmovc v12;
	v23 =	vmov s3;
	v11 =	vmovc v13;
	v25 =	vld [tilespmem:s0+$0xFFFFFFC0];
	[tilespmem:s10+$0x10] =	vst v17;
	v17 =	vmax.f32 v16, $0.0e+00  }
0xbc: {  	v12 =	vmovc v28;
	s3 =	sadd.s32 $0x2, s3;
	v16 =	vand.u32 $0xFFFFFFFE, v23;
	v23 =	vmul.f32 v10, v3;
	v13 =	vmovc v29;
	v26 =	vld [tilespmem:s0+$0x0];
	[tilespmem:s17+$0x20] =	vst v17;
	v17 =	vmax.f32 v18, $0.0e+00  }
0xbd: {  	v16 =	vbroadcast v16, $0x0;
	_ =	sdelay $0x5  }
0xbe: {  	v18 =	vld.idx.msk [tilespmem:v16+s26+$0x0], $0xffff  }
0xbf: {  	s5 =	sadd.s32 $0x80, s0;
	v16 =	vld.idx.msk [tilespmem:v22+s26+$0x0], $0xffff  }
0xc0: {  	v22 =	vld [tilespmem:s5+$0xFFFFFFC0]  }
0xc1: {  	v27 =	vmul.f32 v14, v1  }
0xc2: {  	v28 =	vmul.f32 v13, v1;
	v29 =	vld [tilespmem:s5+$0x0]  }
0xc3: {  	v25 =	vadd.f32 v27, v25;
	v27 =	vmul.f32 v18, v1  }
0xc4: {  	v26 =	vadd.f32 v28, v26  }
0xc5: {  	v25 =	vadd.f32 v25, v5;
	v28 =	vmul.f32 v16, v1;
	v22 =	vadd.f32 v27, v22  }
0xc6: {  	v26 =	vadd.f32 v26, v5  }
0xc7: {  	s3 =	sadd.s32 $0x80, s9;
	v25 =	vmax.f32 v25, $0.0e+00;
	v27 =	vadd.f32 v28, v29;
	v22 =	vadd.f32 v22, v5  }
0xc8: {  	[tilespmem:s3+$0xFFFFFFC0] =	vst v25;
	v25 =	vmax.f32 v26, $0.0e+00;
	v28 =	vld [tilespmem:s20+$0x10]  }
0xc9: {  	s21 =	sadd.s32 $0x80, s3;
	v26 =	vmul.f32 v12, v2;
	[tilespmem:s3+$0x0] =	vst v25;
	v29 =	vld [tilespmem:s0+$0xFFFFFFD0];
	v25 =	vadd.f32 v27, v5;
	v22 =	vmax.f32 v22, $0.0e+00  }
0xca: {  	v27 =	vld [tilespmem:s0+$0x10];
	[tilespmem:s21+$0xFFFFFFC0] =	vst v22  }
0xcb: {  	v21 =	vadd.f32 v21, v26;
	v25 =	vmax.f32 v25, $0.0e+00;
	v22 =	vmul.f32 v11, v2;
	v26 =	vld [tilespmem:s5+$0xFFFFFFD0]  }
0xcc: {  	v30 =	vmul.f32 v14, v2;
	[tilespmem:s21+$0x0] =	vst v25  }
0xcd: {  	v21 =	vadd.f32 v21, v6;
	v25 =	vmul.f32 v13, v2;
	v22 =	vadd.f32 v28, v22;
	v28 =	vld [tilespmem:s5+$0x10]  }
0xce: {  	v20 =	vadd.f32 v20, v24;
	v24 =	vadd.f32 v29, v30;
	v29 =	vmul.f32 v18, v2  }
0xcf: {  	v21 =	vmax.f32 v21, $0.0e+00;
	v30 =	vld [tilespmem:s18+$0x30];
	v25 =	vadd.f32 v27, v25;
	v22 =	vadd.f32 v22, v6  }
0xd0: {  	v27 =	vld [tilespmem:s13+$0x20];
	v24 =	vadd.f32 v24, v6;
	v26 =	vadd.f32 v26, v29;
	v29 =	vmul.f32 v16, v2  }
0xd1: {  	v19 =	vadd.f32 v19, v23;
	[tilespmem:s9+$0xFFFFFFD0] =	vst v21;
	v21 =	vmax.f32 v22, $0.0e+00;
	v22 =	vadd.f32 v25, v6  }
0xd2: {  	v23 =	vld [tilespmem:s20+$0xFFFFFFE0];
	[tilespmem:s9+$0x10] =	vst v21;
	v21 =	vmax.f32 v24, $0.0e+00;
	v24 =	vadd.f32 v26, v6;
	v25 =	vadd.f32 v28, v29  }
0xd3: {  	v20 =	vadd.f32 v20, v8;
	v26 =	vmul.f32 v9, v3;
	v28 =	vld [tilespmem:s20+$0x20];
	[tilespmem:s3+$0xFFFFFFD0] =	vst v21;
	v21 =	vmax.f32 v22, $0.0e+00  }
0xd4: {  	v19 =	vadd.f32 v19, v7;
	[tilespmem:s3+$0x10] =	vst v21;
	v21 =	vmax.f32 v24, $0.0e+00;
	v24 =	vadd.f32 v25, v6  }
0xd5: {  	v10 =	vmul.f32 v10, v4;
	v15 =	vadd.f32 v30, v15;
	v22 =	vld [tilespmem:s0+$0xFFFFFFE0];
	v25 =	vadd.f32 v27, v26  }
0xd6: {  	v26 =	vld [tilespmem:s0+$0x20];
	v27 =	vmul.f32 v11, v3;
	[tilespmem:s21+$0xFFFFFFD0] =	vst v21;
	v21 =	vmul.f32 v12, v3;
	v24 =	vmax.f32 v24, $0.0e+00  }
0xd7: {  	v19 =	vmax.f32 v19, $0.0e+00;
	v15 =	vadd.f32 v15, v8;
	v29 =	vld [tilespmem:s5+$0xFFFFFFE0];
	v25 =	vadd.f32 v25, v7;
	[tilespmem:s21+$0x10] =	vst v24  }
0xd8: {  	v24 =	vmul.f32 v14, v3;
	v21 =	vadd.f32 v23, v21;
	v23 =	vadd.f32 v28, v27;
	v28 =	vld [tilespmem:s5+$0x20]  }
0xd9: {  	[tilespmem:s10+$0xFFFFFFE0] =	vst v19;
	v15 =	vmax.f32 v15, $0.0e+00;
	v27 =	vmul.f32 v13, v3;
	v19 =	vmax.f32 v25, $0.0e+00  }
0xda: {  	v22 =	vadd.f32 v22, v24;
	v24 =	vmul.f32 v18, v3;
	[tilespmem:s10+$0x20] =	vst v19;
	v19 =	vld [tilespmem:s13+$0xFFFFFFF0];
	v21 =	vadd.f32 v21, v7  }
0xdb: {  	v25 =	vadd.f32 v26, v27;
	v23 =	vadd.f32 v23, v7;
	v27 =	vmul.f32 v16, v3  }
0xdc: {  	[tilespmem:s17+$0x30] =	vst v15;
	v26 =	vld [tilespmem:s13+$0x30];
	v24 =	vadd.f32 v29, v24;
	v21 =	vmax.f32 v21, $0.0e+00;
	v22 =	vadd.f32 v22, v7  }
0xdd: {  	[tilespmem:s9+$0xFFFFFFE0] =	vst v21;
	v21 =	vmax.f32 v23, $0.0e+00;
	v23 =	vadd.f32 v25, v7;
	v25 =	vadd.f32 v28, v27  }
0xde: {  	v9 =	vmul.f32 v9, v4;
	v27 =	vld [tilespmem:s20+$0xFFFFFFF0];
	[tilespmem:s9+$0x20] =	vst v21;
	v21 =	vmax.f32 v22, $0.0e+00;
	v22 =	vadd.f32 v24, v7  }
0xdf: {  	v24 =	vld [tilespmem:s20+$0x30];
	v10 =	vadd.f32 v19, v10;
	[tilespmem:s3+$0xFFFFFFE0] =	vst v21;
	v19 =	vmax.f32 v23, $0.0e+00;
	v21 =	vadd.f32 v25, v7  }
0xe0: {  	v20 =	vmax.f32 v20, $0.0e+00;
	v23 =	vld [tilespmem:s0+$0xFFFFFFF0];
	[tilespmem:s3+$0x20] =	vst v19;
	v19 =	vmax.f32 v22, $0.0e+00  }
0xe1: {  	v12 =	vmul.f32 v12, v4;
	v9 =	vadd.f32 v26, v9;
	v22 =	vld [tilespmem:s0+$0x30];
	[tilespmem:s21+$0xFFFFFFE0] =	vst v19;
	v19 =	vmax.f32 v21, $0.0e+00  }
0xe2: {  	v11 =	vmul.f32 v11, v4;
	v15 =	vmul.f32 v18, v4;
	v10 =	vadd.f32 v10, v8;
	v21 =	vld [tilespmem:s5+$0xFFFFFFF0];
	[tilespmem:s21+$0x20] =	vst v19  }
0xe3: {  	[tilespmem:s16+$0x30] =	vst v17;
	v14 =	vmul.f32 v14, v4;
	v9 =	vadd.f32 v9, v8;
	v12 =	vadd.f32 v27, v12;
	v17 =	vld [tilespmem:s5+$0x30]  }
0xe4: {  	v13 =	vmul.f32 v13, v4;
	v10 =	vmax.f32 v10, $0.0e+00;
	v11 =	vadd.f32 v24, v11  }
0xe5: {  	[tilespmem:s17+$0xFFFFFFF0] =	vst v20;
	v9 =	vmax.f32 v9, $0.0e+00;
	v12 =	vadd.f32 v12, v8;
	v14 =	vadd.f32 v23, v14  }
0xe6: {  	[tilespmem:s10+$0xFFFFFFF0] =	vst v10;
	v10 =	vadd.f32 v11, v8;
	v11 =	vadd.f32 v22, v13;
	v13 =	vmul.f32 v16, v4  }
0xe7: {  	[tilespmem:s10+$0x30] =	vst v9;
	v9 =	vmax.f32 v12, $0.0e+00;
	v12 =	vadd.f32 v14, v8;
	v14 =	vadd.f32 v21, v15  }
0xe8: {  	[tilespmem:s9+$0xFFFFFFF0] =	vst v9;
	v9 =	vmax.f32 v10, $0.0e+00;
	v10 =	vadd.f32 v11, v8;
	v11 =	vadd.f32 v17, v13  }
0xe9: {  	[tilespmem:s9+$0x30] =	vst v9;
	v9 =	vmax.f32 v12, $0.0e+00;
	v12 =	vadd.f32 v14, v8  }
0xea: {  	[tilespmem:s3+$0xFFFFFFF0] =	vst v9;
	v9 =	vmax.f32 v10, $0.0e+00;
	v10 =	vadd.f32 v11, v8  }
0xeb: {  	[tilespmem:s3+$0x30] =	vst v9;
	v9 =	vmax.f32 v12, $0.0e+00  }
0xec: {  	s25 =	simm.s32 $0x1;
	[tilespmem:s21+$0xFFFFFFF0] =	vst v9;
	v9 =	vmax.f32 v10, $0.0e+00  }
0xed: {  	s3 =	simm.s32 $0xA0;
	[tilespmem:s21+$0x30] =	vst v9;
	v9 =	vmov s25  }
0xee: {  	[tilespmem:s29], [sflag:$0x1] =	stream.indirect.gather [hbm4b:s19+s28], $0x40, s3, s28, $0xb8;
	v9 =	vand.u32 $0x7F, v9;
	[tilespmem:$0x122E0] =	vst v63  }
0xef: {  	v9 =	vadd.s32 $0x50, v9  }
0xf0: {  	[spmem:s2] =	stream.indirect.scatter.add.f32 [tilespmem:s23], [sflag:$0x3], $0x40, s24, s28, $0xb8;
	[tilespmem:$0x122E0] =	vst v63  }
0xf1: {  	_ =	swait.ge [sflag:s1], $0x1400  }
0xf2: {  	s5 =	simm.s32 $0x0;
	[sflag:s1] =	ssyncset.done $0x0  }
0xf3: {  	v10 =	vmov s5;
	[sflag:s1] =	ssyncadd.s32 $0xFFFFEC00  }
0xf4: {  	v10 =	vand.u32 $0x7E, v10;
	v15 =	vld.idx.msk [tilespmem:v9+s26+$0x0], $0xffff  }
0xf5: {  	s6 =	simm.s32 $0x4320;
	v9 =	vadd.s32 $0x50, v10  }
0xf6: {  	v10 =	vld [tilespmem:s6+$0x0];
	_ =	sdelay $0x1  }
0xf7: {  	s7 =	simm.s32 $0x3  }
0xf8: {  	v11 =	vmov s7;
	v12 =	vmul.f32 v15, v1  }
0xf9: {  	s9 =	simm.s32 $0x2;
	v17 =	vld.idx.msk [tilespmem:v9+s26+$0x0], $0xffff;
	v9 =	vand.u32 $0x7F, v11  }
0xfa: {  	v11 =	vmov s9;
	v9 =	vadd.s32 $0x50, v9;
	v10 =	vadd.f32 v12, v10  }
0xfb: {  	v11 =	vand.u32 $0x7E, v11;
	v12 =	vld [tilespmem:s6+$0xFFFFFFC0]  }
0xfc: {  	v13 =	vadd.s32 $0x50, v11;
	v10 =	vadd.f32 v10, v5;
	_ =	sdelay $0x1  }
0xfd: {  	s16 =	simm.s32 $0x6B20;
	v14 =	vmul.f32 v17, v1;
	v10 =	vmax.f32 v10, $0.0e+00  }
0xfe: {  	v11 =	vld.idx.msk [tilespmem:v9+s26+$0x0], $0xffff;
	[tilespmem:s16+$0x0] =	vst v10  }
0xff: {  	v10 =	vadd.f32 v14, v12;
	v12 =	vld [tilespmem:s6+$0x10]  }
0x100: {  	s13 =	simm.s32 $0x43A0;
	s10 =	simm.s32 $0x4;
	v9 =	vld.idx.msk [tilespmem:v13+s26+$0x0], $0xffff  }
0x101: {  	v13 =	vmov s10;
	v14 =	vld [tilespmem:s13+$0x0];
	v10 =	vadd.f32 v10, v5  }
0x102: {  	v16 =	vld [tilespmem:s13+$0xFFFFFFC0];
	v18 =	vmul.f32 v15, v2;
	v13 =	vand.u32 $0x7E, v13  }
0x103: {  	s17 =	simm.s32 $0x5;
	v13 =	vadd.s32 $0x50, v13;
	v10 =	vmax.f32 v10, $0.0e+00  }
0x104: {  	v19 =	vmul.f32 v11, v1;
	[tilespmem:s16+$0xFFFFFFC0] =	vst v10;
	v10 =	vmov s17;
	v12 =	vadd.f32 v12, v18  }
0x105: {  	v20 =	vmul.f32 v9, v1;
	v18 =	vld [tilespmem:s6+$0xFFFFFFD0];
	v10 =	vand.u32 $0x7F, v10  }
0x106: {  	v21 =	vadd.s32 $0x50, v10;
	v10 =	vadd.f32 v19, v14;
	v12 =	vadd.f32 v12, v6  }
0x107: {  	v14 =	vadd.f32 v20, v16  }
0x108: {  	v16 =	vmul.f32 v17, v2;
	v19 =	vadd.f32 v10, v5;
	v12 =	vmax.f32 v12, $0.0e+00  }
0x109: {  	v10 =	vld.idx.msk [tilespmem:v13+s26+$0x0], $0xffff;
	v13 =	vadd.f32 v14, v5;
	[tilespmem:s16+$0x10] =	vst v12  }
0x10a: {  	s10 =	simm.s32 $0x6BA0;
	v14 =	vadd.f32 v18, v16;
	v16 =	vmax.f32 v19, $0.0e+00;
	v18 =	vld [tilespmem:s6+$0x20]  }
0x10b: {  	v13 =	vmax.f32 v13, $0.0e+00;
	v12 =	vld.idx.msk [tilespmem:v21+s26+$0x0], $0xffff;
	[tilespmem:s10+$0x0] =	vst v16  }
0x10c: {  	s18 =	simm.s32 $0x6;
	[tilespmem:s10+$0xFFFFFFC0] =	vst v13;
	v14 =	vadd.f32 v14, v6;
	v13 =	vld [tilespmem:s13+$0x10]  }
0x10d: {  	s20 =	simm.s32 $0x7;
	s9 =	simm.s32 $0x4420;
	v23 =	vmul.f32 v11, v2;
	v20 =	vmul.f32 v15, v3;
	v16 =	vmov s18;
	v19 =	vld [tilespmem:s13+$0xFFFFFFD0]  }
0x10e: {  	v22 =	vld [tilespmem:s9+$0x0];
	v21 =	vmov s20;
	v16 =	vand.u32 $0x7E, v16;
	v14 =	vmax.f32 v14, $0.0e+00  }
0x10f: {  	v16 =	vadd.s32 $0x50, v16;
	[tilespmem:s16+$0xFFFFFFD0] =	vst v14;
	v14 =	vand.u32 $0x7F, v21;
	v21 =	vld [tilespmem:s9+$0xFFFFFFC0];
	v18 =	vadd.f32 v18, v20  }
0x110: {  	v24 =	vmul.f32 v9, v2;
	v20 =	vld [tilespmem:s6+$0xFFFFFFE0];
	v14 =	vadd.s32 $0x50, v14  }
0x111: {  	v25 =	vmul.f32 v12, v1;
	v13 =	vadd.f32 v13, v23;
	v18 =	vadd.f32 v18, v7  }
0x112: {  	v26 =	vmul.f32 v10, v1;
	v23 =	vmul.f32 v17, v3;
	v19 =	vadd.f32 v19, v24  }
0x113: {  	v22 =	vadd.f32 v25, v22;
	v24 =	vadd.f32 v13, v6;
	v18 =	vmax.f32 v18, $0.0e+00  }
0x114: {  	v13 =	vld.idx.msk [tilespmem:v16+s26+$0x0], $0xffff;
	v19 =	vadd.f32 v19, v6;
	v16 =	vadd.f32 v26, v21;
	[tilespmem:s16+$0x20] =	vst v18  }
0x115: {  	v18 =	vadd.f32 v20, v23;
	v20 =	vadd.f32 v22, v5;
	v21 =	vmax.f32 v24, $0.0e+00;
	v22 =	vld [tilespmem:s6+$0x30]  }
0x116: {  	s21 =	simm.s32 $0x8;
	v14 =	vld.idx.msk [tilespmem:v14+s26+$0x0], $0xffff;
	v19 =	vmax.f32 v19, $0.0e+00;
	v16 =	vadd.f32 v16, v5;
	[tilespmem:s10+$0x10] =	vst v21  }
0x117: {  	s3 =	simm.s32 $0x6C20;
	v30 =	vmul.f32 v9, v3;
	v21 =	vmov s21;
	[tilespmem:s10+$0xFFFFFFD0] =	vst v19;
	v20 =	vmax.f32 v20, $0.0e+00;
	v23 =	vld [tilespmem:s13+$0x20]  }
0x118: {  	v24 =	vmul.f32 v15, v4;
	v19 =	vand.u32 $0x7E, v21;
	v29 =	vld [tilespmem:s13+$0xFFFFFFE0];
	v21 =	vmax.f32 v16, $0.0e+00;
	[tilespmem:s3+$0x0] =	vst v20  }
0x119: {  	s25 =	simm.s32 $0x9;
	v15 =	vmul.f32 v17, v4;
	v18 =	vadd.f32 v18, v7;
	v16 =	vadd.s32 $0x50, v19;
	[tilespmem:s3+$0xFFFFFFC0] =	vst v21;
	v19 =	vld [tilespmem:s9+$0x10]  }
0x11a: {  	s17 =	simm.s32 $0x44A0;
	v17 =	vmov s25;
	v21 =	vmul.f32 v11, v3;
	v20 =	vld [tilespmem:s9+$0xFFFFFFD0];
	v28 =	vadd.f32 v22, v24  }
0x11b: {  	v25 =	vmul.f32 v12, v2;
	v26 =	vld [tilespmem:s17+$0x0];
	v17 =	vand.u32 $0x7F, v17;
	v18 =	vmax.f32 v18, $0.0e+00  }
0x11c: {  	v27 =	vld [tilespmem:s17+$0xFFFFFFC0];
	v17 =	vadd.s32 $0x50, v17;
	[tilespmem:s16+$0xFFFFFFE0] =	vst v18;
	v22 =	vadd.f32 v23, v21;
	v21 =	vadd.f32 v28, v8  }
0x11d: {  	s0 =	simm.s32 $0x6C20;
	s5 =	simm.s32 $0xA;
	v24 =	vmul.f32 v10, v2;
	v18 =	vld [tilespmem:s6+$0xFFFFFFF0];
	v23 =	vadd.f32 v29, v30;
	v28 =	vmul.f32 v14, v1  }
.LBB2_7:
0x11e: {  	p0 =	slt.u32 s5, $0x4E;
	v19 =	vadd.f32 v19, v25;
	v22 =	vadd.f32 v22, v7;
	v21 =	vmax.f32 v21, $0.0e+00;
	s6 =	smov.u32 s17  }
0x11f: {  	v25 =	vmul.f32 v13, v1;
	v20 =	vadd.f32 v20, v24;
	v23 =	vadd.f32 v23, v7;
	[tilespmem:s16+$0x30] =	vst v21  }
0x120: {  	v21 =	vadd.f32 v28, v26;
	v19 =	vadd.f32 v19, v6;
	v22 =	vmax.f32 v22, $0.0e+00  }
0x121: {  	v24 =	vld.idx.msk [tilespmem:v16+s26+$0x0], $0xffff;
	v16 =	vadd.f32 v25, v27;
	v20 =	vadd.f32 v20, v6;
	v23 =	vmax.f32 v23, $0.0e+00;
	[tilespmem:s10+$0x20] =	vst v22  }
0x122: {  	v21 =	vadd.f32 v21, v5;
	v19 =	vmax.f32 v19, $0.0e+00;
	[tilespmem:s10+$0xFFFFFFE0] =	vst v23;
	v22 =	vld [tilespmem:s13+$0x30];
	v15 =	vadd.f32 v18, v15  }
0x123: {  	v17 =	vld.idx.msk [tilespmem:v17+s26+$0x0], $0xffff;
	v16 =	vadd.f32 v16, v5;
	v18 =	vmax.f32 v20, $0.0e+00;
	[tilespmem:s3+$0x10] =	vst v19  }
0x124: {  	v19 =	vmov s5;
	s3 =	sadd.s32 $0x80, s3;
	v20 =	vmax.f32 v21, $0.0e+00;
	[tilespmem:s0+$0xFFFFFFD0] =	vst v18;
	v18 =	vld [tilespmem:s9+$0x20];
	v21 =	vadd.f32 v15, v8  }
0x125: {  	v25 =	vmul.f32 v11, v4;
	v11 =	vmovc v12;
	v12 =	vmovc v14;
	v15 =	vand.u32 $0x7E, v19;
	v19 =	vmax.f32 v16, $0.0e+00;
	[tilespmem:s3+$0x0] =	vst v20;
	v23 =	vld [tilespmem:s9+$0xFFFFFFE0]  }
.Ltmp6:
0x126: {  	s7 =	sadd.s32 $0x1, s5;
	v16 =	vadd.s32 $0x50, v15;
	v15 =	vmul.f32 v9, v4;
	v9 =	vmovc v10;
	v10 =	vmovc v13;
	[tilespmem:s3+$0xFFFFFFC0] =	vst v19;
	v19 =	vld [tilespmem:s17+$0x10];
	v14 =	vmax.f32 v21, $0.0e+00;
	(pc) =	sbr.rel @p0 .LBB2_7-.Ltmp6, $4  }
0x127: {  	v28 =	vmul.f32 v11, v3;
	v21 =	vmov s7;
	s17 =	sadd.s32 $0x80, s17;
	v13 =	vmovc v24;
	v20 =	vld [tilespmem:s6+$0xFFFFFFD0];
	v29 =	vadd.f32 v22, v25;
	[tilespmem:s16+$0xFFFFFFF0] =	vst v14;
	s16 =	smov.u32 s10;
	s10 =	smov.u32 s0  }
0x128: {  	v24 =	vmul.f32 v10, v2;
	v31 =	vmul.f32 v9, v3;
	v30 =	vand.u32 $0x7F, v21;
	s0 =	smov.u32 s3;
	v26 =	vld [tilespmem:s17+$0x0]  }
0x129: {  	v25 =	vmul.f32 v12, v2;
	v27 =	vld [tilespmem:s17+$0xFFFFFFC0];
	v22 =	vadd.f32 v18, v28;
	v21 =	vadd.f32 v29, v8;
	v14 =	vmovc v17  }
0x12a: {  	s5 =	sadd.s32 $0x2, s5;
	v17 =	vadd.s32 $0x50, v30;
	v28 =	vmul.f32 v14, v1;
	v23 =	vadd.f32 v23, v31;
	v18 =	vld [tilespmem:s13+$0xFFFFFFF0];
	s13 =	smov.u32 s9;
	s9 =	smov.u32 s6  }
0x12b: {  	_ =	sdelay $0x3  }
0x12c: {  	v17 =	vld.idx.msk [tilespmem:v17+s26+$0x0], $0xffff  }
0x12d: {  	v16 =	vld.idx.msk [tilespmem:v16+s26+$0x0], $0xffff;
	s18 =	sadd.s32 $0x80, s17  }
0x12e: {  	v29 =	vld [tilespmem:s18+$0x0]  }
0x12f: {  	v30 =	vld [tilespmem:s18+$0xFFFFFFC0]  }
0x130: {  	v31 =	vmul.f32 v13, v1  }
0x131: {  	v26 =	vadd.f32 v28, v26;
	v47 =	vmul.f32 v17, v1  }
0x132: {  	v27 =	vadd.f32 v31, v27;
	v48 =	vmul.f32 v16, v1  }
0x133: {  	v26 =	vadd.f32 v26, v5;
	v28 =	vadd.f32 v47, v29  }
0x134: {  	v27 =	vadd.f32 v27, v5;
	v49 =	vadd.f32 v48, v30  }
0x135: {  	s5 =	sadd.s32 $0x80, s3;
	v26 =	vmax.f32 v26, $0.0e+00;
	v28 =	vadd.f32 v28, v5  }
0x136: {  	v27 =	vmax.f32 v27, $0.0e+00;
	[tilespmem:s5+$0x0] =	vst v26;
	v50 =	vadd.f32 v49, v5  }
0x137: {  	s6 =	sadd.s32 $0x80, s5;
	[tilespmem:s5+$0xFFFFFFC0] =	vst v27;
	v51 =	vld [tilespmem:s17+$0x10];
	v28 =	vmax.f32 v28, $0.0e+00  }
0x138: {  	v52 =	vld [tilespmem:s17+$0xFFFFFFD0];
	v26 =	vmax.f32 v50, $0.0e+00;
	[tilespmem:s6+$0x0] =	vst v28  }
0x139: {  	[tilespmem:s6+$0xFFFFFFC0] =	vst v26;
	v53 =	vld [tilespmem:s18+$0x10]  }
0x13a: {  	v19 =	vadd.f32 v19, v25;
	v54 =	vmul.f32 v14, v2;
	v55 =	vld [tilespmem:s18+$0xFFFFFFD0]  }
0x13b: {  	v56 =	vmul.f32 v13, v2;
	v20 =	vadd.f32 v20, v24  }
0x13c: {  	v19 =	vadd.f32 v19, v6;
	v57 =	vmul.f32 v17, v2;
	v25 =	vadd.f32 v51, v54  }
0x13d: {  	v20 =	vadd.f32 v20, v6;
	v58 =	vmul.f32 v16, v2;
	v24 =	vadd.f32 v52, v56  }
0x13e: {  	v19 =	vmax.f32 v19, $0.0e+00;
	v25 =	vadd.f32 v25, v6;
	v26 =	vadd.f32 v53, v57  }
0x13f: {  	[tilespmem:s3+$0x10] =	vst v19;
	v59 =	vmax.f32 v20, $0.0e+00;
	v60 =	vadd.f32 v24, v6;
	v61 =	vadd.f32 v55, v58  }
0x140: {  	[tilespmem:s0+$0xFFFFFFD0] =	vst v59;
	v62 =	vld [tilespmem:s9+$0x20];
	v25 =	vmax.f32 v25, $0.0e+00;
	v26 =	vadd.f32 v26, v6  }
0x141: {  	v63 =	vld [tilespmem:s9+$0xFFFFFFE0];
	v20 =	vmax.f32 v60, $0.0e+00;
	[tilespmem:s5+$0x10] =	vst v25;
	v24 =	vadd.f32 v61, v6  }
0x142: {  	v22 =	vadd.f32 v22, v7;
	v21 =	vmax.f32 v21, $0.0e+00;
	[tilespmem:s5+$0xFFFFFFD0] =	vst v20;
	v32 =	vld [tilespmem:s17+$0x20];
	v33 =	vmax.f32 v26, $0.0e+00  }
0x143: {  	v34 =	vmul.f32 v12, v3;
	v36 =	vmul.f32 v10, v3;
	v35 =	vld [tilespmem:s17+$0xFFFFFFE0];
	v24 =	vmax.f32 v24, $0.0e+00;
	[tilespmem:s6+$0x10] =	vst v33  }
0x144: {  	v39 =	vmul.f32 v14, v3;
	v11 =	vmul.f32 v11, v4;
	v23 =	vadd.f32 v23, v7;
	[tilespmem:s6+$0xFFFFFFD0] =	vst v24;
	v37 =	vld [tilespmem:s18+$0x20]  }
0x145: {  	v42 =	vmul.f32 v13, v3;
	v22 =	vmax.f32 v22, $0.0e+00;
	v38 =	vadd.f32 v62, v34;
	v40 =	vld [tilespmem:s18+$0xFFFFFFE0]  }
0x146: {  	v23 =	vmax.f32 v23, $0.0e+00;
	v15 =	vadd.f32 v18, v15;
	v41 =	vadd.f32 v63, v36  }
0x147: {  	[tilespmem:s10+$0x20] =	vst v22;
	v44 =	vmul.f32 v17, v3;
	v18 =	vadd.f32 v38, v7;
	v19 =	vadd.f32 v32, v39  }
0x148: {  	[tilespmem:s10+$0xFFFFFFE0] =	vst v23;
	v43 =	vld [tilespmem:s13+$0x30];
	v46 =	vmul.f32 v16, v3;
	v22 =	vadd.f32 v41, v7;
	v25 =	vadd.f32 v35, v42  }
0x149: {  	v45 =	vld [tilespmem:s13+$0xFFFFFFF0];
	v18 =	vmax.f32 v18, $0.0e+00;
	v19 =	vadd.f32 v19, v7;
	v20 =	vadd.f32 v37, v44  }
0x14a: {  	v22 =	vmax.f32 v22, $0.0e+00;
	[tilespmem:s0+$0x20] =	vst v18;
	v47 =	vadd.f32 v25, v7;
	v48 =	vadd.f32 v40, v46  }
0x14b: {  	v9 =	vmul.f32 v9, v4;
	[tilespmem:s0+$0xFFFFFFE0] =	vst v22;
	v49 =	vld [tilespmem:s9+$0x30];
	v19 =	vmax.f32 v19, $0.0e+00;
	v20 =	vadd.f32 v20, v7  }
0x14c: {  	v10 =	vmul.f32 v10, v4;
	v50 =	vld [tilespmem:s9+$0xFFFFFFF0];
	v18 =	vmax.f32 v47, $0.0e+00;
	[tilespmem:s5+$0x20] =	vst v19;
	v51 =	vadd.f32 v48, v7  }
0x14d: {  	v15 =	vadd.f32 v15, v8;
	v11 =	vadd.f32 v43, v11;
	[tilespmem:s5+$0xFFFFFFE0] =	vst v18;
	v52 =	vld [tilespmem:s17+$0x30];
	v20 =	vmax.f32 v20, $0.0e+00  }
0x14e: {  	v9 =	vadd.f32 v45, v9;
	v53 =	vmul.f32 v12, v4;
	v54 =	vld [tilespmem:s17+$0xFFFFFFF0];
	v19 =	vmax.f32 v51, $0.0e+00;
	[tilespmem:s6+$0x20] =	vst v20  }
0x14f: {  	v59 =	vmul.f32 v17, v4;
	v15 =	vmax.f32 v15, $0.0e+00;
	v11 =	vadd.f32 v11, v8;
	[tilespmem:s6+$0xFFFFFFE0] =	vst v19;
	v55 =	vld [tilespmem:s18+$0x30]  }
0x150: {  	v9 =	vadd.f32 v9, v8;
	v56 =	vmul.f32 v14, v4;
	v12 =	vadd.f32 v49, v53;
	v57 =	vld [tilespmem:s18+$0xFFFFFFF0]  }
0x151: {  	[tilespmem:s16+$0x30] =	vst v21;
	v11 =	vmax.f32 v11, $0.0e+00;
	v58 =	vmul.f32 v13, v4;
	v10 =	vadd.f32 v50, v10  }
0x152: {  	[tilespmem:s16+$0xFFFFFFF0] =	vst v15;
	v9 =	vmax.f32 v9, $0.0e+00;
	v12 =	vadd.f32 v12, v8;
	v14 =	vadd.f32 v52, v56  }
0x153: {  	[tilespmem:s10+$0x30] =	vst v11;
	v60 =	vmul.f32 v16, v4;
	v10 =	vadd.f32 v10, v8;
	v11 =	vadd.f32 v54, v58  }
0x154: {  	[tilespmem:s10+$0xFFFFFFF0] =	vst v9;
	v9 =	vmax.f32 v12, $0.0e+00;
	v61 =	vadd.f32 v14, v8;
	v62 =	vadd.f32 v55, v59  }
0x155: {  	[tilespmem:s0+$0x30] =	vst v9;
	v9 =	vmax.f32 v10, $0.0e+00;
	v10 =	vadd.f32 v11, v8;
	v11 =	vadd.f32 v57, v60  }
0x156: {  	[tilespmem:s0+$0xFFFFFFF0] =	vst v9;
	v9 =	vmax.f32 v61, $0.0e+00;
	v63 =	vadd.f32 v62, v8  }
0x157: {  	[tilespmem:s5+$0x30] =	vst v9;
	v9 =	vmax.f32 v10, $0.0e+00;
	v10 =	vadd.f32 v11, v8  }
0x158: {  	[tilespmem:s5+$0xFFFFFFF0] =	vst v9;
	v9 =	vmax.f32 v63, $0.0e+00  }
0x159: {  	[tilespmem:s6+$0x30] =	vst v9;
	v9 =	vmax.f32 v10, $0.0e+00  }
0x15a: {  	s21 =	simm.s32 $0xF0;
	[tilespmem:s6+$0xFFFFFFF0] =	vst v9  }
0x15b: {  	[tilespmem:s30], [sflag:$0x2] =	stream.indirect.gather [hbm4b:s19+s28], $0x40, s21, s28, $0xb8;
	[tilespmem:$0x122E0] =	vst v63  }
0x15c: {  	s25 =	simm.s32 $0xFF0;
	s16 =	simm.s32 $0x0;
	s17 =	simm.s32 $0x0  }
0x15d: {  	[spmem:s2] =	stream.indirect.scatter.add.f32 [tilespmem:s4], [sflag:$0x4], $0x40, s25, s28, $0xb8;
	[tilespmem:$0x122E0] =	vst v63  }
.LBB2_9:
0x15e: {  	s18 =	sshll.u32 s17, $0x1  }
0x15f: {  	s20 =	sadd.s32 $0x2, s18  }
0x160: {  	v9 =	vmov s20  }
0x161: {  	v9 =	vmul.u32 $0x50, v9  }
0x162: {  	s0 =	simm.s32 $0x1  }
0x163: {  	v14 =	vbroadcast v9, $0x0;
	v9 =	vmov s0  }
0x164: {  	v10 =	vand.u32 $0x78, v9  }
0x165: {  	_ =	swait.ge [sflag:s31], $0x1400;
	v9 =	vand.u32 $0x7, v9;
	v10 =	vadd.s32 v14, v10  }
0x166: {  	[sflag:s31] =	ssyncset.done $0x0;
	v9 =	vor.u32 v9, v10  }
0x167: {  	[sflag:s31] =	ssyncadd.s32 $0xFFFFEC00  }
0x168: {  	_ =	swait.ge [sflag:s11], $0x1400  }
0x169: {  	[sflag:s11] =	ssyncset.done $0x0  }
0x16a: {  	[sflag:s11] =	ssyncadd.s32 $0xFFFFEC00;
	v10 =	vmov s16  }
0x16b: {  	v11 =	vand.u32 $0x78, v10;
	v15 =	vld.idx.msk [tilespmem:v9+s26+$0x0], $0xffff  }
0x16c: {  	s0 =	simm.s32 $0x2F20;
	v9 =	vand.u32 $0x6, v10;
	v10 =	vadd.s32 v14, v11  }
0x16d: {  	v9 =	vor.u32 v9, v10;
	v10 =	vld [tilespmem:s0+$0x0];
	_ =	sdelay $0x2  }
0x16e: {  	s3 =	simm.s32 $0x3;
	v12 =	vmul.f32 v15, v1  }
0x16f: {  	v13 =	vmov s3  }
0x170: {  	v11 =	vld.idx.msk [tilespmem:v9+s26+$0x0], $0xffff;
	v9 =	vand.u32 $0x78, v13;
	v10 =	vadd.f32 v12, v10  }
0x171: {  	v12 =	vand.u32 $0x7, v13;
	v9 =	vadd.s32 v14, v9  }
0x172: {  	s9 =	simm.s32 $0x2;
	v13 =	vld [tilespmem:s0+$0xFFFFFFC0];
	v9 =	vor.u32 v12, v9;
	v10 =	vadd.f32 v10, v5  }
0x173: {  	v12 =	vmov s9  }
0x174: {  	s25 =	simm.s32 $0x5720;
	v16 =	vand.u32 $0x78, v12;
	v10 =	vmax.f32 v10, $0.0e+00  }
0x175: {  	v12 =	vand.u32 $0x6, v12;
	v16 =	vadd.s32 v14, v16;
	v17 =	vmul.f32 v11, v1;
	[tilespmem:s25+$0x0] =	vst v10  }
0x176: {  	v10 =	vor.u32 v12, v16;
	v16 =	vld [tilespmem:s0+$0x10]  }
0x177: {  	v13 =	vadd.f32 v17, v13;
	v12 =	vld.idx.msk [tilespmem:v9+s26+$0x0], $0xffff  }
0x178: {  	s13 =	simm.s32 $0x2FA0  }
0x179: {  	v18 =	vmul.f32 v15, v2;
	v17 =	vld [tilespmem:s13+$0x0];
	v13 =	vadd.f32 v13, v5  }
0x17a: {  	s10 =	simm.s32 $0x4  }
0x17b: {  	s21 =	simm.s32 $0x5;
	v9 =	vld.idx.msk [tilespmem:v10+s26+$0x0], $0xffff;
	v10 =	vmax.f32 v13, $0.0e+00;
	v13 =	vmov s10;
	v16 =	vadd.f32 v16, v18  }
0x17c: {  	v20 =	vmov s21;
	v18 =	vand.u32 $0x78, v13;
	v19 =	vmul.f32 v12, v1  }
0x17d: {  	v13 =	vand.u32 $0x6, v13;
	[tilespmem:s25+$0xFFFFFFC0] =	vst v10;
	v10 =	vadd.s32 v14, v18;
	v18 =	vld [tilespmem:s13+$0xFFFFFFC0];
	v16 =	vadd.f32 v16, v6  }
0x17e: {  	v21 =	vld [tilespmem:s0+$0xFFFFFFD0];
	v10 =	vor.u32 v13, v10;
	v13 =	vand.u32 $0x78, v20;
	v17 =	vadd.f32 v19, v17  }
0x17f: {  	v19 =	vand.u32 $0x7, v20;
	v13 =	vadd.s32 v14, v13;
	v16 =	vmax.f32 v16, $0.0e+00  }
0x180: {  	v20 =	vmul.f32 v9, v1;
	v13 =	vor.u32 v19, v13;
	v17 =	vadd.f32 v17, v5;
	[tilespmem:s25+$0x10] =	vst v16  }
0x181: {  	v16 =	vmul.f32 v11, v2;
	v19 =	vld [tilespmem:s0+$0x20]  }
0x182: {  	s10 =	simm.s32 $0x57A0;
	v18 =	vadd.f32 v20, v18;
	v17 =	vmax.f32 v17, $0.0e+00  }
0x183: {  	v16 =	vadd.f32 v21, v16;
	v10 =	vld.idx.msk [tilespmem:v10+s26+$0x0], $0xffff;
	[tilespmem:s10+$0x0] =	vst v17  }
0x184: {  	s5 =	simm.s32 $0x6;
	v20 =	vmul.f32 v15, v3;
	v17 =	vadd.f32 v18, v5;
	v18 =	vld [tilespmem:s13+$0x10]  }
0x185: {  	v23 =	vmul.f32 v12, v2;
	v21 =	vmov s5;
	v16 =	vadd.f32 v16, v6;
	v13 =	vld.idx.msk [tilespmem:v13+s26+$0x0], $0xffff  }
0x186: {  	s9 =	simm.s32 $0x3020;
	v22 =	vand.u32 $0x78, v21;
	v17 =	vmax.f32 v17, $0.0e+00;
	v19 =	vadd.f32 v19, v20  }
0x187: {  	s6 =	simm.s32 $0x7;
	v20 =	vand.u32 $0x6, v21;
	v21 =	vadd.s32 v14, v22;
	v22 =	vld [tilespmem:s9+$0x0];
	v16 =	vmax.f32 v16, $0.0e+00;
	[tilespmem:s10+$0xFFFFFFC0] =	vst v17  }
0x188: {  	v17 =	vor.u32 v20, v21;
	v20 =	vld [tilespmem:s9+$0xFFFFFFC0];
	[tilespmem:s25+$0xFFFFFFD0] =	vst v16;
	v16 =	vmov s6  }
0x189: {  	v21 =	vld [tilespmem:s13+$0xFFFFFFD0];
	v24 =	vmul.f32 v10, v1;
	v19 =	vadd.f32 v19, v7;
	v18 =	vadd.f32 v18, v23  }
0x18a: {  	v23 =	vld [tilespmem:s0+$0xFFFFFFE0];
	v25 =	vand.u32 $0x78, v16;
	v16 =	vand.u32 $0x7, v16;
	v26 =	vmul.f32 v13, v1  }
0x18b: {  	v25 =	vadd.s32 v14, v25;
	v19 =	vmax.f32 v19, $0.0e+00;
	v18 =	vadd.f32 v18, v6  }
0x18c: {  	v16 =	vor.u32 v16, v25;
	[tilespmem:s25+$0x20] =	vst v19;
	v19 =	vmul.f32 v9, v2;
	v22 =	vadd.f32 v26, v22  }
0x18d: {  	v26 =	vmul.f32 v11, v3;
	v25 =	vld [tilespmem:s0+$0x30];
	v20 =	vadd.f32 v24, v20;
	v18 =	vmax.f32 v18, $0.0e+00  }
0x18e: {  	v19 =	vadd.f32 v21, v19;
	v21 =	vadd.f32 v22, v5;
	[tilespmem:s10+$0x10] =	vst v18  }
0x18f: {  	v18 =	vadd.f32 v23, v26;
	v20 =	vadd.f32 v20, v5;
	v22 =	vld [tilespmem:s13+$0x20]  }
0x190: {  	s3 =	simm.s32 $0x5820;
	v29 =	vmul.f32 v13, v2;
	v23 =	vmul.f32 v15, v4;
	v15 =	vld.idx.msk [tilespmem:v17+s26+$0x0], $0xffff;
	v17 =	vmax.f32 v21, $0.0e+00  }
0x191: {  	s5 =	simm.s32 $0x8;
	v19 =	vadd.f32 v19, v6;
	v18 =	vadd.f32 v18, v7;
	v16 =	vld.idx.msk [tilespmem:v16+s26+$0x0], $0xffff;
	v20 =	vmax.f32 v20, $0.0e+00;
	[tilespmem:s3+$0x0] =	vst v17  }
0x192: {  	s21 =	simm.s32 $0x30A0;
	v17 =	vadd.f32 v25, v23;
	v23 =	vmov s5;
	[tilespmem:s3+$0xFFFFFFC0] =	vst v20;
	v26 =	vld [tilespmem:s9+$0x10];
	v20 =	vmul.f32 v12, v3  }
0x193: {  	v21 =	vmax.f32 v19, $0.0e+00;
	v25 =	vld [tilespmem:s21+$0xFFFFFFC0];
	v24 =	vand.u32 $0x78, v23;
	v23 =	vand.u32 $0x6, v23  }
0x194: {  	v19 =	vld [tilespmem:s9+$0xFFFFFFD0];
	[tilespmem:s10+$0xFFFFFFD0] =	vst v21;
	v21 =	vadd.f32 v17, v8;
	v24 =	vadd.s32 v14, v24;
	v27 =	vadd.f32 v22, v20  }
0x195: {  	v18 =	vmax.f32 v18, $0.0e+00;
	v20 =	vmul.f32 v9, v3;
	v22 =	vor.u32 v23, v24;
	v24 =	vld [tilespmem:s21+$0x0]  }
0x196: {  	s7 =	simm.s32 $0x9;
	[tilespmem:s25+$0xFFFFFFE0] =	vst v18;
	v17 =	vld [tilespmem:s13+$0xFFFFFFE0];
	v23 =	vmul.f32 v10, v2;
	v28 =	vmax.f32 v21, $0.0e+00;
	v21 =	vadd.f32 v27, v7  }
0x197: {  	s5 =	simm.s32 $0xA;
	v18 =	vld [tilespmem:s0+$0xFFFFFFF0];
	s0 =	simm.s32 $0x5820;
	v27 =	vmul.f32 v15, v1;
	[tilespmem:s25+$0x30] =	vst v28;
	v28 =	vmov s7;
	v26 =	vadd.f32 v26, v29  }
.LBB2_10:
0x198: {  	p0 =	slt.u32 s5, $0x4E;
	v29 =	vand.u32 $0x78, v28;
	v30 =	vmul.f32 v16, v1;
	v21 =	vmax.f32 v21, $0.0e+00;
	s6 =	smov.u32 s21  }
0x199: {  	v28 =	vand.u32 $0x7, v28;
	v29 =	vadd.s32 v14, v29;
	v26 =	vadd.f32 v26, v6;
	[tilespmem:s10+$0x20] =	vst v21  }
0x19a: {  	v19 =	vadd.f32 v19, v23;
	v21 =	vor.u32 v28, v29;
	v24 =	vadd.f32 v30, v24;
	v23 =	vld [tilespmem:s13+$0x30]  }
0x19b: {  	v17 =	vadd.f32 v17, v20;
	v25 =	vadd.f32 v27, v25;
	v26 =	vmax.f32 v26, $0.0e+00  }
0x19c: {  	v19 =	vadd.f32 v19, v6;
	v20 =	vadd.f32 v24, v5;
	[tilespmem:s3+$0x10] =	vst v26;
	v24 =	vmul.f32 v11, v4  }
0x19d: {  	v28 =	vmul.f32 v12, v4;
	v17 =	vadd.f32 v17, v7;
	v11 =	vmovc v9;
	v25 =	vadd.f32 v25, v5;
	v26 =	vld [tilespmem:s9+$0x20]  }
0x19e: {  	v27 =	vmax.f32 v19, $0.0e+00;
	s3 =	sadd.s32 $0x80, s3;
	v9 =	vmovc v10;
	v10 =	vmovc v15;
	v20 =	vmax.f32 v20, $0.0e+00;
	v18 =	vadd.f32 v18, v24;
	v15 =	vld.idx.msk [tilespmem:v22+s26+$0x0], $0xffff  }
0x19f: {  	v12 =	vmovc v13;
	v29 =	vld.idx.msk [tilespmem:v21+s26+$0x0], $0xffff;
	v19 =	vmax.f32 v25, $0.0e+00;
	[tilespmem:s3+$0x0] =	vst v20;
	v20 =	vmax.f32 v17, $0.0e+00;
	v17 =	vadd.f32 v23, v28  }
0x1a0: {  	v13 =	vmovc v16;
	v22 =	vmul.f32 v12, v3;
	v21 =	vmov s5;
	[tilespmem:s3+$0xFFFFFFC0] =	vst v19;
	v30 =	vld [tilespmem:s21+$0x10];
	v18 =	vadd.f32 v18, v8  }
.Ltmp7:
0x1a1: {  	v16 =	vand.u32 $0x78, v21;
	v21 =	vand.u32 $0x6, v21;
	v19 =	vld [tilespmem:s21+$0xFFFFFFD0];
	[tilespmem:s0+$0xFFFFFFD0] =	vst v27;
	v23 =	vadd.f32 v17, v8;
	(pc) =	sbr.rel @p0 .LBB2_10-.Ltmp7, $4  }
0x1a2: {  	v16 =	vadd.s32 v14, v16;
	s21 =	sadd.s32 $0x80, s21;
	v17 =	vld [tilespmem:s9+$0xFFFFFFE0];
	v26 =	vadd.f32 v26, v22;
	[tilespmem:s10+$0xFFFFFFE0] =	vst v20;
	v18 =	vmax.f32 v18, $0.0e+00  }
0x1a3: {  	v31 =	vmul.f32 v13, v2;
	v22 =	vor.u32 v21, v16;
	v24 =	vld [tilespmem:s21+$0x0];
	v27 =	vmax.f32 v23, $0.0e+00;
	[tilespmem:s25+$0xFFFFFFF0] =	vst v18;
	s25 =	smov.u32 s10;
	s10 =	smov.u32 s0;
	s0 =	smov.u32 s3  }
0x1a4: {  	s7 =	sadd.s32 $0x1, s5;
	v20 =	vmul.f32 v9, v3;
	v23 =	vmul.f32 v10, v2;
	v25 =	vld [tilespmem:s21+$0xFFFFFFC0];
	v21 =	vadd.f32 v26, v7;
	[tilespmem:s25+$0x30] =	vst v27  }
0x1a5: {  	v28 =	vmov s7;
	s5 =	sadd.s32 $0x2, s5;
	v27 =	vmul.f32 v15, v1;
	v16 =	vmovc v29;
	v26 =	vadd.f32 v30, v31;
	v18 =	vld [tilespmem:s13+$0xFFFFFFF0];
	s13 =	smov.u32 s9;
	s9 =	smov.u32 s6  }
0x1a6: {  	v29 =	vand.u32 $0x78, v28  }
0x1a7: {  	v28 =	vand.u32 $0x7, v28;
	v14 =	vadd.s32 v14, v29  }
0x1a8: {  	v14 =	vor.u32 v28, v14;
	_ =	sdelay $0x4  }
0x1a9: {  	v28 =	vld.idx.msk [tilespmem:v14+s26+$0x0], $0xffff  }
0x1aa: {  	s7 =	sadd.s32 $0x80, s21;
	v14 =	vld.idx.msk [tilespmem:v22+s26+$0x0], $0xffff  }
0x1ab: {  	v22 =	vld [tilespmem:s7+$0x0]  }
0x1ac: {  	v29 =	vmul.f32 v16, v1;
	v30 =	vld [tilespmem:s7+$0xFFFFFFC0];
	_ =	sdelay $0x1  }
0x1ad: {  	v24 =	vadd.f32 v29, v24;
	v29 =	vmul.f32 v28, v1  }
0x1ae: {  	v25 =	vadd.f32 v27, v25;
	v27 =	vmul.f32 v14, v1  }
0x1af: {  	v24 =	vadd.f32 v24, v5;
	v22 =	vadd.f32 v29, v22  }
0x1b0: {  	v25 =	vadd.f32 v25, v5;
	v27 =	vadd.f32 v27, v30  }
0x1b1: {  	s5 =	sadd.s32 $0x80, s3;
	v24 =	vmax.f32 v24, $0.0e+00;
	v22 =	vadd.f32 v22, v5  }
0x1b2: {  	v25 =	vmax.f32 v25, $0.0e+00;
	[tilespmem:s5+$0x0] =	vst v24;
	v24 =	vadd.f32 v27, v5  }
0x1b3: {  	s6 =	sadd.s32 $0x80, s5;
	[tilespmem:s5+$0xFFFFFFC0] =	vst v25;
	v25 =	vld [tilespmem:s21+$0x10];
	v22 =	vmax.f32 v22, $0.0e+00  }
0x1b4: {  	v27 =	vld [tilespmem:s21+$0xFFFFFFD0];
	v24 =	vmax.f32 v24, $0.0e+00;
	[tilespmem:s6+$0x0] =	vst v22  }
0x1b5: {  	[tilespmem:s6+$0xFFFFFFC0] =	vst v24;
	v22 =	vld [tilespmem:s7+$0x10]  }
0x1b6: {  	v24 =	vadd.f32 v26, v6;
	v26 =	vmul.f32 v16, v2;
	v29 =	vld [tilespmem:s7+$0xFFFFFFD0]  }
0x1b7: {  	v19 =	vadd.f32 v19, v23;
	v23 =	vmul.f32 v15, v2  }
0x1b8: {  	v24 =	vmax.f32 v24, $0.0e+00;
	v25 =	vadd.f32 v25, v26;
	v26 =	vmul.f32 v28, v2  }
0x1b9: {  	v19 =	vadd.f32 v19, v6;
	v23 =	vadd.f32 v27, v23;
	[tilespmem:s3+$0x10] =	vst v24;
	v24 =	vmul.f32 v14, v2  }
0x1ba: {  	v27 =	vld [tilespmem:s9+$0x20];
	v25 =	vadd.f32 v25, v6;
	v22 =	vadd.f32 v22, v26  }
0x1bb: {  	v19 =	vmax.f32 v19, $0.0e+00;
	v23 =	vadd.f32 v23, v6;
	v24 =	vadd.f32 v29, v24  }
0x1bc: {  	[tilespmem:s0+$0xFFFFFFD0] =	vst v19;
	v19 =	vmax.f32 v25, $0.0e+00;
	v22 =	vadd.f32 v22, v6  }
0x1bd: {  	v25 =	vmul.f32 v13, v3;
	v26 =	vld [tilespmem:s9+$0xFFFFFFE0];
	[tilespmem:s5+$0x10] =	vst v19;
	v19 =	vmax.f32 v23, $0.0e+00;
	v23 =	vadd.f32 v24, v6  }
0x1be: {  	v17 =	vadd.f32 v17, v20;
	v20 =	vld [tilespmem:s21+$0x20];
	[tilespmem:s5+$0xFFFFFFD0] =	vst v19;
	v19 =	vmax.f32 v22, $0.0e+00  }
0x1bf: {  	v11 =	vmul.f32 v11, v4;
	v24 =	vld [tilespmem:s21+$0xFFFFFFE0];
	v22 =	vadd.f32 v27, v25;
	[tilespmem:s6+$0x10] =	vst v19;
	v19 =	vmax.f32 v23, $0.0e+00  }
0x1c0: {  	v21 =	vmax.f32 v21, $0.0e+00;
	v17 =	vadd.f32 v17, v7;
	v23 =	vmul.f32 v10, v3;
	v25 =	vld [tilespmem:s7+$0x20];
	[tilespmem:s6+$0xFFFFFFD0] =	vst v19  }
0x1c1: {  	[tilespmem:s10+$0x20] =	vst v21;
	v11 =	vadd.f32 v18, v11;
	v18 =	vadd.f32 v22, v7;
	v19 =	vmul.f32 v16, v3;
	v21 =	vld [tilespmem:s7+$0xFFFFFFE0]  }
0x1c2: {  	v17 =	vmax.f32 v17, $0.0e+00;
	v23 =	vadd.f32 v26, v23;
	v26 =	vmul.f32 v15, v3  }
0x1c3: {  	v18 =	vmax.f32 v18, $0.0e+00;
	v19 =	vadd.f32 v20, v19;
	v20 =	vmul.f32 v28, v3  }
0x1c4: {  	[tilespmem:s10+$0xFFFFFFE0] =	vst v17;
	v22 =	vld [tilespmem:s13+$0x30];
	v17 =	vadd.f32 v23, v7;
	v23 =	vadd.f32 v24, v26;
	v24 =	vmul.f32 v14, v3  }
0x1c5: {  	v12 =	vmul.f32 v12, v4;
	v26 =	vld [tilespmem:s13+$0xFFFFFFF0];
	[tilespmem:s0+$0x20] =	vst v18;
	v18 =	vadd.f32 v19, v7;
	v19 =	vadd.f32 v25, v20  }
0x1c6: {  	v20 =	vld [tilespmem:s9+$0x30];
	v17 =	vmax.f32 v17, $0.0e+00;
	v23 =	vadd.f32 v23, v7;
	v21 =	vadd.f32 v21, v24  }
0x1c7: {  	v9 =	vmul.f32 v9, v4;
	[tilespmem:s0+$0xFFFFFFE0] =	vst v17;
	v17 =	vmax.f32 v18, $0.0e+00;
	v18 =	vadd.f32 v19, v7  }
0x1c8: {  	v11 =	vadd.f32 v11, v8;
	v19 =	vld [tilespmem:s9+$0xFFFFFFF0];
	[tilespmem:s5+$0x20] =	vst v17;
	v17 =	vmax.f32 v23, $0.0e+00;
	v21 =	vadd.f32 v21, v7  }
0x1c9: {  	v13 =	vmul.f32 v13, v4;
	v12 =	vadd.f32 v22, v12;
	v22 =	vld [tilespmem:s21+$0x30];
	[tilespmem:s5+$0xFFFFFFE0] =	vst v17;
	v17 =	vmax.f32 v18, $0.0e+00  }
0x1ca: {  	v11 =	vmax.f32 v11, $0.0e+00;
	v18 =	vld [tilespmem:s21+$0xFFFFFFF0];
	[tilespmem:s6+$0x20] =	vst v17;
	v17 =	vmax.f32 v21, $0.0e+00  }
0x1cb: {  	v10 =	vmul.f32 v10, v4;
	v9 =	vadd.f32 v26, v9;
	v13 =	vadd.f32 v20, v13;
	v20 =	vld [tilespmem:s7+$0x30];
	[tilespmem:s6+$0xFFFFFFE0] =	vst v17  }
0x1cc: {  	v16 =	vmul.f32 v16, v4;
	v15 =	vmul.f32 v15, v4;
	v12 =	vadd.f32 v12, v8;
	v17 =	vld [tilespmem:s7+$0xFFFFFFF0]  }
0x1cd: {  	v14 =	vmul.f32 v14, v4;
	v9 =	vadd.f32 v9, v8;
	v10 =	vadd.f32 v19, v10  }
0x1ce: {  	[tilespmem:s25+$0xFFFFFFF0] =	vst v11;
	v12 =	vmax.f32 v12, $0.0e+00;
	v13 =	vadd.f32 v13, v8;
	v11 =	vadd.f32 v22, v16  }
0x1cf: {  	[tilespmem:s10+$0x30] =	vst v12;
	v9 =	vmax.f32 v9, $0.0e+00;
	v16 =	vmul.f32 v28, v4;
	v10 =	vadd.f32 v10, v8  }
0x1d0: {  	[tilespmem:s10+$0xFFFFFFF0] =	vst v9;
	v12 =	vadd.f32 v18, v15;
	v13 =	vmax.f32 v13, $0.0e+00;
	v9 =	vadd.f32 v11, v8  }
0x1d1: {  	[tilespmem:s0+$0x30] =	vst v13;
	v11 =	vadd.f32 v20, v16;
	v13 =	vadd.f32 v17, v14  }
0x1d2: {  	v10 =	vmax.f32 v10, $0.0e+00;
	v12 =	vadd.f32 v12, v8  }
0x1d3: {  	p0 =	seq.s32 s17, $0x17;
	v9 =	vmax.f32 v9, $0.0e+00;
	[tilespmem:s0+$0xFFFFFFF0] =	vst v10;
	v10 =	vadd.f32 v11, v8;
	v11 =	vadd.f32 v13, v8  }
0x1d4: {  	s18 =	sadd.s32 @!p0 $0x3, s18;
	s0 =	smul.u32 @!p0 $0x280, s17;
	[tilespmem:s5+$0x30] =	vst v9;
	v9 =	vmax.f32 v12, $0.0e+00  }
0x1d5: {  	s18 =	simm.s32 @p0 $0x31;
	s7 =	smul.u32 $0x140, s20;
	[tilespmem:s5+$0xFFFFFFF0] =	vst v9;
	v9 =	vmax.f32 v11, $0.0e+00  }
0x1d6: {  	s3 =	simm.s32 @!p0 $0x50;
	s10 =	simm.s32 $0x1;
	s0 =	sshra.s32 @!p0 s0, $0x2;
	v10 =	vmax.f32 v10, $0.0e+00;
	[tilespmem:s6+$0xFFFFFFF0] =	vst v9;
	v9 =	vmov s18  }
0x1d7: {  	s9 =	sshra.s32 s7, $0x2;
	s5 =	simm.s32 @!p0 $0x2EE0;
	s0 =	sadd.s32 @!p0 $0x140, s0;
	[tilespmem:s6+$0x30] =	vst v10;
	v9 =	vmul.u32 $0x50, v9  }
0x1d8: {  	[tilespmem:s5], [sflag:$0x1] =	stream.indirect.gather @!p0 [hbm4b:s19+s3], $0x40, s0, s3, $0xb8;
	[tilespmem:$0x122E0] =	vst v63  }
0x1d9: {  	s0 =	sadd.s32 $0xFA0, s9;
	v14 =	vbroadcast v9, $0x0;
	v9 =	vmov s10  }
0x1da: {  	[spmem:s2] =	stream.indirect.scatter.add.f32 [tilespmem:s23], [sflag:$0x3], $0x40, s0, s28, $0xb8;
	v10 =	vand.u32 $0x78, v9;
	[tilespmem:$0x122E0] =	vst v63  }
0x1db: {  	_ =	swait.ge [sflag:s1], $0x1400;
	v9 =	vand.u32 $0x7, v9;
	v10 =	vadd.s32 v14, v10  }
0x1dc: {  	[sflag:s1] =	ssyncset.done $0x0;
	v9 =	vor.u32 v9, v10  }
0x1dd: {  	[sflag:s1] =	ssyncadd.s32 $0xFFFFEC00  }
0x1de: {  	_ =	swait.ge [sflag:s12], $0x1400  }
0x1df: {  	s13 =	simm.s32 $0x0;
	[sflag:s12] =	ssyncset.done $0x0  }
0x1e0: {  	v10 =	vmov s13;
	[sflag:s12] =	ssyncadd.s32 $0xFFFFEC00  }
0x1e1: {  	v11 =	vand.u32 $0x78, v10;
	v15 =	vld.idx.msk [tilespmem:v9+s26+$0x0], $0xffff  }
0x1e2: {  	s0 =	simm.s32 $0x4320;
	v9 =	vand.u32 $0x6, v10;
	v10 =	vadd.s32 v14, v11  }
0x1e3: {  	v9 =	vor.u32 v9, v10;
	v10 =	vld [tilespmem:s0+$0x0];
	_ =	sdelay $0x2  }
0x1e4: {  	s20 =	simm.s32 $0x3;
	v12 =	vmul.f32 v15, v1  }
0x1e5: {  	v13 =	vmov s20  }
0x1e6: {  	v11 =	vld.idx.msk [tilespmem:v9+s26+$0x0], $0xffff;
	v9 =	vand.u32 $0x78, v13;
	v10 =	vadd.f32 v12, v10  }
0x1e7: {  	v12 =	vand.u32 $0x7, v13;
	v9 =	vadd.s32 v14, v9  }
0x1e8: {  	s21 =	simm.s32 $0x2;
	v13 =	vld [tilespmem:s0+$0xFFFFFFC0];
	v9 =	vor.u32 v12, v9;
	v10 =	vadd.f32 v10, v5  }
0x1e9: {  	v12 =	vmov s21  }
0x1ea: {  	s20 =	simm.s32 $0x6B20;
	v16 =	vand.u32 $0x78, v12;
	v10 =	vmax.f32 v10, $0.0e+00  }
0x1eb: {  	v12 =	vand.u32 $0x6, v12;
	v16 =	vadd.s32 v14, v16;
	v17 =	vmul.f32 v11, v1;
	[tilespmem:s20+$0x0] =	vst v10  }
0x1ec: {  	v10 =	vor.u32 v12, v16;
	v16 =	vld [tilespmem:s0+$0x10]  }
0x1ed: {  	v13 =	vadd.f32 v17, v13;
	v12 =	vld.idx.msk [tilespmem:v9+s26+$0x0], $0xffff  }
0x1ee: {  	s13 =	simm.s32 $0x43A0  }
0x1ef: {  	v18 =	vmul.f32 v15, v2;
	v17 =	vld [tilespmem:s13+$0x0];
	v13 =	vadd.f32 v13, v5  }
0x1f0: {  	s25 =	simm.s32 $0x4  }
0x1f1: {  	s5 =	simm.s32 $0x5;
	v9 =	vld.idx.msk [tilespmem:v10+s26+$0x0], $0xffff;
	v10 =	vmax.f32 v13, $0.0e+00;
	v13 =	vmov s25;
	v16 =	vadd.f32 v16, v18  }
0x1f2: {  	v20 =	vmov s5;
	v18 =	vand.u32 $0x78, v13;
	v19 =	vmul.f32 v12, v1  }
0x1f3: {  	v13 =	vand.u32 $0x6, v13;
	[tilespmem:s20+$0xFFFFFFC0] =	vst v10;
	v10 =	vadd.s32 v14, v18;
	v18 =	vld [tilespmem:s13+$0xFFFFFFC0];
	v16 =	vadd.f32 v16, v6  }
0x1f4: {  	v21 =	vld [tilespmem:s0+$0xFFFFFFD0];
	v10 =	vor.u32 v13, v10;
	v13 =	vand.u32 $0x78, v20;
	v17 =	vadd.f32 v19, v17  }
0x1f5: {  	v19 =	vand.u32 $0x7, v20;
	v13 =	vadd.s32 v14, v13;
	v16 =	vmax.f32 v16, $0.0e+00  }
0x1f6: {  	v20 =	vmul.f32 v9, v1;
	v13 =	vor.u32 v19, v13;
	v17 =	vadd.f32 v17, v5;
	[tilespmem:s20+$0x10] =	vst v16  }
0x1f7: {  	v16 =	vmul.f32 v11, v2;
	v19 =	vld [tilespmem:s0+$0x20]  }
0x1f8: {  	s10 =	simm.s32 $0x6BA0;
	v18 =	vadd.f32 v20, v18;
	v17 =	vmax.f32 v17, $0.0e+00  }
0x1f9: {  	v16 =	vadd.f32 v21, v16;
	v10 =	vld.idx.msk [tilespmem:v10+s26+$0x0], $0xffff;
	[tilespmem:s10+$0x0] =	vst v17  }
0x1fa: {  	s6 =	simm.s32 $0x6;
	v20 =	vmul.f32 v15, v3;
	v17 =	vadd.f32 v18, v5;
	v18 =	vld [tilespmem:s13+$0x10]  }
0x1fb: {  	v23 =	vmul.f32 v12, v2;
	v21 =	vmov s6;
	v16 =	vadd.f32 v16, v6;
	v13 =	vld.idx.msk [tilespmem:v13+s26+$0x0], $0xffff  }
0x1fc: {  	s9 =	simm.s32 $0x4420;
	v22 =	vand.u32 $0x78, v21;
	v17 =	vmax.f32 v17, $0.0e+00;
	v19 =	vadd.f32 v19, v20  }
0x1fd: {  	s7 =	simm.s32 $0x7;
	v20 =	vand.u32 $0x6, v21;
	v21 =	vadd.s32 v14, v22;
	v22 =	vld [tilespmem:s9+$0x0];
	v16 =	vmax.f32 v16, $0.0e+00;
	[tilespmem:s10+$0xFFFFFFC0] =	vst v17  }
0x1fe: {  	v17 =	vor.u32 v20, v21;
	v20 =	vld [tilespmem:s9+$0xFFFFFFC0];
	[tilespmem:s20+$0xFFFFFFD0] =	vst v16;
	v16 =	vmov s7  }
0x1ff: {  	v21 =	vld [tilespmem:s13+$0xFFFFFFD0];
	v24 =	vmul.f32 v10, v1;
	v19 =	vadd.f32 v19, v7;
	v18 =	vadd.f32 v18, v23  }
0x200: {  	v23 =	vld [tilespmem:s0+$0xFFFFFFE0];
	v25 =	vand.u32 $0x78, v16;
	v16 =	vand.u32 $0x7, v16;
	v26 =	vmul.f32 v13, v1  }
0x201: {  	v25 =	vadd.s32 v14, v25;
	v19 =	vmax.f32 v19, $0.0e+00;
	v18 =	vadd.f32 v18, v6  }
0x202: {  	v16 =	vor.u32 v16, v25;
	[tilespmem:s20+$0x20] =	vst v19;
	v19 =	vmul.f32 v9, v2;
	v22 =	vadd.f32 v26, v22  }
0x203: {  	v26 =	vmul.f32 v11, v3;
	v25 =	vld [tilespmem:s0+$0x30];
	v20 =	vadd.f32 v24, v20;
	v18 =	vmax.f32 v18, $0.0e+00  }
0x204: {  	v19 =	vadd.f32 v21, v19;
	v21 =	vadd.f32 v22, v5;
	[tilespmem:s10+$0x10] =	vst v18  }
0x205: {  	v18 =	vadd.f32 v23, v26;
	v20 =	vadd.f32 v20, v5;
	v22 =	vld [tilespmem:s13+$0x20]  }
0x206: {  	s3 =	simm.s32 $0x6C20;
	v29 =	vmul.f32 v13, v2;
	v23 =	vmul.f32 v15, v4;
	v15 =	vld.idx.msk [tilespmem:v17+s26+$0x0], $0xffff;
	v17 =	vmax.f32 v21, $0.0e+00  }
0x207: {  	s21 =	simm.s32 $0x8;
	v19 =	vadd.f32 v19, v6;
	v18 =	vadd.f32 v18, v7;
	v16 =	vld.idx.msk [tilespmem:v16+s26+$0x0], $0xffff;
	v20 =	vmax.f32 v20, $0.0e+00;
	[tilespmem:s3+$0x0] =	vst v17  }
0x208: {  	v17 =	vadd.f32 v25, v23;
	v23 =	vmov s21;
	[tilespmem:s3+$0xFFFFFFC0] =	vst v20;
	v26 =	vld [tilespmem:s9+$0x10];
	v20 =	vmul.f32 v12, v3  }
0x209: {  	v21 =	vmax.f32 v19, $0.0e+00;
	s21 =	simm.s32 $0x44A0;
	v24 =	vand.u32 $0x78, v23;
	v19 =	vld [tilespmem:s9+$0xFFFFFFD0];
	v23 =	vand.u32 $0x6, v23  }
0x20a: {  	[tilespmem:s10+$0xFFFFFFD0] =	vst v21;
	v25 =	vld [tilespmem:s21+$0xFFFFFFC0];
	v21 =	vadd.f32 v17, v8;
	v24 =	vadd.s32 v14, v24;
	v27 =	vadd.f32 v22, v20  }
0x20b: {  	v18 =	vmax.f32 v18, $0.0e+00;
	v20 =	vmul.f32 v9, v3;
	v22 =	vor.u32 v23, v24;
	v24 =	vld [tilespmem:s21+$0x0]  }
0x20c: {  	s25 =	simm.s32 $0x9;
	[tilespmem:s20+$0xFFFFFFE0] =	vst v18;
	v17 =	vld [tilespmem:s13+$0xFFFFFFE0];
	v23 =	vmul.f32 v10, v2;
	v28 =	vmax.f32 v21, $0.0e+00;
	v21 =	vadd.f32 v27, v7  }
0x20d: {  	s5 =	simm.s32 $0xA;
	v18 =	vld [tilespmem:s0+$0xFFFFFFF0];
	s0 =	simm.s32 $0x6C20;
	v27 =	vmul.f32 v15, v1;
	[tilespmem:s20+$0x30] =	vst v28;
	v28 =	vmov s25;
	v26 =	vadd.f32 v26, v29  }
.LBB2_12:
0x20e: {  	p1 =	slt.u32 s5, $0x4E;
	v29 =	vand.u32 $0x78, v28;
	v30 =	vmul.f32 v16, v1;
	v21 =	vmax.f32 v21, $0.0e+00;
	s6 =	smov.u32 s21  }
0x20f: {  	v28 =	vand.u32 $0x7, v28;
	v29 =	vadd.s32 v14, v29;
	v26 =	vadd.f32 v26, v6;
	[tilespmem:s10+$0x20] =	vst v21  }
0x210: {  	v19 =	vadd.f32 v19, v23;
	v21 =	vor.u32 v28, v29;
	v24 =	vadd.f32 v30, v24;
	v23 =	vld [tilespmem:s13+$0x30]  }
0x211: {  	v17 =	vadd.f32 v17, v20;
	v25 =	vadd.f32 v27, v25;
	v26 =	vmax.f32 v26, $0.0e+00  }
0x212: {  	v19 =	vadd.f32 v19, v6;
	v20 =	vadd.f32 v24, v5;
	[tilespmem:s3+$0x10] =	vst v26;
	v24 =	vmul.f32 v11, v4  }
0x213: {  	v28 =	vmul.f32 v12, v4;
	v17 =	vadd.f32 v17, v7;
	v11 =	vmovc v9;
	v25 =	vadd.f32 v25, v5;
	v26 =	vld [tilespmem:s9+$0x20]  }
0x214: {  	v27 =	vmax.f32 v19, $0.0e+00;
	s3 =	sadd.s32 $0x80, s3;
	v9 =	vmovc v10;
	v10 =	vmovc v15;
	v20 =	vmax.f32 v20, $0.0e+00;
	v18 =	vadd.f32 v18, v24;
	v15 =	vld.idx.msk [tilespmem:v22+s26+$0x0], $0xffff  }
0x215: {  	v12 =	vmovc v13;
	v29 =	vld.idx.msk [tilespmem:v21+s26+$0x0], $0xffff;
	v19 =	vmax.f32 v25, $0.0e+00;
	[tilespmem:s3+$0x0] =	vst v20;
	v20 =	vmax.f32 v17, $0.0e+00;
	v17 =	vadd.f32 v23, v28  }
0x216: {  	v13 =	vmovc v16;
	v22 =	vmul.f32 v12, v3;
	v21 =	vmov s5;
	[tilespmem:s3+$0xFFFFFFC0] =	vst v19;
	v30 =	vld [tilespmem:s21+$0x10];
	v18 =	vadd.f32 v18, v8  }
.Ltmp8:
0x217: {  	v16 =	vand.u32 $0x78, v21;
	v21 =	vand.u32 $0x6, v21;
	v19 =	vld [tilespmem:s21+$0xFFFFFFD0];
	[tilespmem:s0+$0xFFFFFFD0] =	vst v27;
	v23 =	vadd.f32 v17, v8;
	(pc) =	sbr.rel @p1 .LBB2_12-.Ltmp8, $4  }
0x218: {  	v16 =	vadd.s32 v14, v16;
	s21 =	sadd.s32 $0x80, s21;
	v17 =	vld [tilespmem:s9+$0xFFFFFFE0];
	v26 =	vadd.f32 v26, v22;
	[tilespmem:s10+$0xFFFFFFE0] =	vst v20;
	v18 =	vmax.f32 v18, $0.0e+00  }
0x219: {  	v31 =	vmul.f32 v13, v2;
	v22 =	vor.u32 v21, v16;
	v24 =	vld [tilespmem:s21+$0x0];
	v27 =	vmax.f32 v23, $0.0e+00;
	[tilespmem:s20+$0xFFFFFFF0] =	vst v18;
	s20 =	smov.u32 s10;
	s10 =	smov.u32 s0;
	s0 =	smov.u32 s3  }
0x21a: {  	s7 =	sadd.s32 $0x1, s5;
	v20 =	vmul.f32 v9, v3;
	v23 =	vmul.f32 v10, v2;
	v25 =	vld [tilespmem:s21+$0xFFFFFFC0];
	v21 =	vadd.f32 v26, v7;
	[tilespmem:s20+$0x30] =	vst v27  }
0x21b: {  	v28 =	vmov s7;
	s5 =	sadd.s32 $0x2, s5;
	v27 =	vmul.f32 v15, v1;
	v16 =	vmovc v29;
	v26 =	vadd.f32 v30, v31;
	v18 =	vld [tilespmem:s13+$0xFFFFFFF0];
	s13 =	smov.u32 s9;
	s9 =	smov.u32 s6  }
0x21c: {  	v29 =	vand.u32 $0x78, v28  }
0x21d: {  	v44 =	vand.u32 $0x7, v28;
	v14 =	vadd.s32 v14, v29  }
0x21e: {  	v14 =	vor.u32 v44, v14;
	_ =	sdelay $0x4  }
0x21f: {  	v28 =	vld.idx.msk [tilespmem:v14+s26+$0x0], $0xffff  }
0x220: {  	s7 =	sadd.s32 $0x80, s21;
	v14 =	vld.idx.msk [tilespmem:v22+s26+$0x0], $0xffff  }
0x221: {  	v46 =	vmul.f32 v16, v1;
	v45 =	vld [tilespmem:s7+$0x0]  }
0x222: {  	v30 =	vld [tilespmem:s7+$0xFFFFFFC0]  }
0x223: {  	v24 =	vadd.f32 v46, v24  }
0x224: {  	v25 =	vadd.f32 v27, v25;
	v47 =	vmul.f32 v28, v1  }
0x225: {  	v24 =	vadd.f32 v24, v5;
	v48 =	vmul.f32 v14, v1  }
0x226: {  	v25 =	vadd.f32 v25, v5;
	v22 =	vadd.f32 v47, v45  }
0x227: {  	s5 =	sadd.s32 $0x80, s3;
	v24 =	vmax.f32 v24, $0.0e+00;
	v27 =	vadd.f32 v48, v30  }
0x228: {  	v25 =	vmax.f32 v25, $0.0e+00;
	[tilespmem:s5+$0x0] =	vst v24;
	v22 =	vadd.f32 v22, v5  }
0x229: {  	[tilespmem:s5+$0xFFFFFFC0] =	vst v25;
	v50 =	vld [tilespmem:s21+$0x10];
	v49 =	vadd.f32 v27, v5  }
0x22a: {  	s6 =	sadd.s32 $0x80, s5;
	v51 =	vld [tilespmem:s21+$0xFFFFFFD0];
	v22 =	vmax.f32 v22, $0.0e+00  }
0x22b: {  	v24 =	vmax.f32 v49, $0.0e+00;
	[tilespmem:s6+$0x0] =	vst v22  }
0x22c: {  	v53 =	vmul.f32 v16, v2;
	v19 =	vadd.f32 v19, v23;
	[tilespmem:s6+$0xFFFFFFC0] =	vst v24;
	v22 =	vld [tilespmem:s7+$0x10]  }
0x22d: {  	v55 =	vmul.f32 v15, v2;
	v54 =	vld [tilespmem:s7+$0xFFFFFFD0]  }
0x22e: {  	v19 =	vadd.f32 v19, v6;
	v25 =	vadd.f32 v50, v53  }
0x22f: {  	v52 =	vadd.f32 v26, v6;
	v56 =	vmul.f32 v28, v2;
	v23 =	vadd.f32 v51, v55  }
0x230: {  	v19 =	vmax.f32 v19, $0.0e+00;
	v57 =	vmul.f32 v14, v2;
	v25 =	vadd.f32 v25, v6  }
0x231: {  	[tilespmem:s0+$0xFFFFFFD0] =	vst v19;
	v23 =	vadd.f32 v23, v6;
	v24 =	vmax.f32 v52, $0.0e+00;
	v22 =	vadd.f32 v22, v56  }
0x232: {  	v59 =	vmax.f32 v25, $0.0e+00;
	[tilespmem:s3+$0x10] =	vst v24;
	v24 =	vadd.f32 v54, v57  }
0x233: {  	v61 =	vld [tilespmem:s9+$0xFFFFFFE0];
	[tilespmem:s5+$0x10] =	vst v59;
	v62 =	vmax.f32 v23, $0.0e+00;
	v22 =	vadd.f32 v22, v6  }
0x234: {  	v29 =	vld [tilespmem:s21+$0x20];
	[tilespmem:s5+$0xFFFFFFD0] =	vst v62;
	v63 =	vadd.f32 v24, v6  }
0x235: {  	v60 =	vmul.f32 v13, v3;
	v17 =	vadd.f32 v17, v20;
	v32 =	vld [tilespmem:s21+$0xFFFFFFE0];
	v30 =	vmax.f32 v22, $0.0e+00  }
0x236: {  	v11 =	vmul.f32 v11, v4;
	v34 =	vmul.f32 v10, v3;
	v58 =	vld [tilespmem:s9+$0x20];
	v33 =	vmax.f32 v63, $0.0e+00;
	[tilespmem:s6+$0x10] =	vst v30  }
0x237: {  	v21 =	vmax.f32 v21, $0.0e+00;
	v37 =	vmul.f32 v16, v3;
	v17 =	vadd.f32 v17, v7;
	[tilespmem:s6+$0xFFFFFFD0] =	vst v33;
	v35 =	vld [tilespmem:s7+$0x20]  }
0x238: {  	v40 =	vmul.f32 v15, v3;
	v12 =	vmul.f32 v12, v4;
	[tilespmem:s10+$0x20] =	vst v21;
	v23 =	vadd.f32 v61, v34;
	v38 =	vld [tilespmem:s7+$0xFFFFFFE0]  }
0x239: {  	v39 =	vld [tilespmem:s13+$0x30];
	v11 =	vadd.f32 v18, v11;
	v17 =	vmax.f32 v17, $0.0e+00;
	v19 =	vadd.f32 v29, v37  }
0x23a: {  	v41 =	vmul.f32 v28, v3;
	v42 =	vadd.f32 v23, v7;
	v43 =	vadd.f32 v32, v40  }
0x23b: {  	[tilespmem:s10+$0xFFFFFFE0] =	vst v17;
	v44 =	vmul.f32 v14, v3;
	v31 =	vadd.f32 v58, v60;
	v46 =	vadd.f32 v19, v7  }
0x23c: {  	v45 =	vld [tilespmem:s13+$0xFFFFFFF0];
	v17 =	vmax.f32 v42, $0.0e+00;
	v23 =	vadd.f32 v43, v7;
	v47 =	vadd.f32 v35, v41  }
0x23d: {  	[tilespmem:s0+$0xFFFFFFE0] =	vst v17;
	v36 =	vadd.f32 v31, v7;
	v49 =	vmax.f32 v46, $0.0e+00;
	v21 =	vadd.f32 v38, v44  }
0x23e: {  	v12 =	vadd.f32 v39, v12;
	v51 =	vld [tilespmem:s9+$0xFFFFFFF0];
	[tilespmem:s5+$0x20] =	vst v49;
	v52 =	vmax.f32 v23, $0.0e+00;
	v50 =	vadd.f32 v47, v7  }
0x23f: {  	v9 =	vmul.f32 v9, v4;
	v18 =	vmax.f32 v36, $0.0e+00;
	v54 =	vld [tilespmem:s21+$0x30];
	[tilespmem:s5+$0xFFFFFFE0] =	vst v52;
	v21 =	vadd.f32 v21, v7  }
0x240: {  	v11 =	vadd.f32 v11, v8;
	v12 =	vadd.f32 v12, v8;
	[tilespmem:s0+$0x20] =	vst v18;
	v56 =	vld [tilespmem:s21+$0xFFFFFFF0];
	v55 =	vmax.f32 v50, $0.0e+00  }
0x241: {  	v10 =	vmul.f32 v10, v4;
	v9 =	vadd.f32 v45, v9;
	v48 =	vld [tilespmem:s9+$0x30];
	v57 =	vmax.f32 v21, $0.0e+00;
	[tilespmem:s6+$0x20] =	vst v55  }
0x242: {  	v11 =	vmax.f32 v11, $0.0e+00;
	v12 =	vmax.f32 v12, $0.0e+00;
	v59 =	vmul.f32 v16, v4;
	[tilespmem:s6+$0xFFFFFFE0] =	vst v57;
	v58 =	vld [tilespmem:s7+$0x30]  }
0x243: {  	v9 =	vadd.f32 v9, v8;
	v60 =	vmul.f32 v15, v4;
	v10 =	vadd.f32 v51, v10;
	v17 =	vld [tilespmem:s7+$0xFFFFFFF0]  }
0x244: {  	[tilespmem:s20+$0xFFFFFFF0] =	vst v11;
	v53 =	vmul.f32 v13, v4;
	v61 =	vmul.f32 v28, v4;
	v11 =	vadd.f32 v54, v59  }
0x245: {  	v9 =	vmax.f32 v9, $0.0e+00;
	v10 =	vadd.f32 v10, v8;
	v62 =	vadd.f32 v56, v60  }
0x246: {  	v14 =	vmul.f32 v14, v4;
	[tilespmem:s10+$0xFFFFFFF0] =	vst v9;
	v13 =	vadd.f32 v48, v53;
	v9 =	vadd.f32 v11, v8  }
0x247: {  	[tilespmem:s10+$0x30] =	vst v12;
	v10 =	vmax.f32 v10, $0.0e+00;
	v12 =	vadd.f32 v62, v8;
	v11 =	vadd.f32 v58, v61  }
0x248: {  	[tilespmem:s0+$0xFFFFFFF0] =	vst v10;
	v13 =	vadd.f32 v13, v8;
	v9 =	vmax.f32 v9, $0.0e+00;
	v63 =	vadd.f32 v17, v14  }
.Ltmp9:
0x249: {  	[tilespmem:s5+$0x30] =	vst v9;
	v9 =	vmax.f32 v12, $0.0e+00;
	v10 =	vadd.f32 v11, v8;
	(pc) =	sbr.rel @p0 .LBB2_15-.Ltmp9, $4  }
0x24a: {  	v13 =	vmax.f32 v13, $0.0e+00;
	[tilespmem:s5+$0xFFFFFFF0] =	vst v9;
	v11 =	vadd.f32 v63, v8  }
0x24b: {  	s25 =	smul.u32 $0x140, s18;
	[tilespmem:s0+$0x30] =	vst v13;
	v10 =	vmax.f32 v10, $0.0e+00  }
0x24c: {  	v9 =	vmax.f32 v11, $0.0e+00;
	[tilespmem:s6+$0x30] =	vst v10  }
0x24d: {  	s0 =	sshra.s32 s25, $0x2;
	[tilespmem:s6+$0xFFFFFFF0] =	vst v9  }
0x24e: {  	s3 =	smul.u32 $0x280, s17;
	_ =	sdelay $0x1  }
.Ltmp10:
0x24f: {  	s3 =	sshra.s32 s3, $0x2;
	(pc) =	sbr.rel .LBB2_9-.Ltmp10, $4  }
0x250: {  	s3 =	sadd.s32 $0x190, s3  }
0x251: {  	[tilespmem:s30], [sflag:$0x2] =	stream.indirect.gather [hbm4b:s19+s28], $0x40, s3, s28, $0xb8;
	[tilespmem:$0x122E0] =	vst v63  }
0x252: {  	s0 =	sadd.s32 $0xFA0, s0;
	s17 =	sadd.s32 $0x1, s17  }
0x253: {  	[spmem:s2] =	stream.indirect.scatter.add.f32 [tilespmem:s4], [sflag:$0x4], $0x40, s0, s28, $0xb8;
	[tilespmem:$0x122E0] =	vst v63  }
.LBB2_17:
0x254: {  	_ =	sfence.sel $0x180000  }
0x255: {  	[bflag:$0x0] =	sbarrier.arrive $0xFFFF  }
0x256: {  	_ =	strace $0x9000004A  }
0x257: {  	s0 =	stileid.u32;
	[bflag:$0x2] =	sbarrier.arrive $0xFFFF  }
0x258: {  	p0 =	sne.s32 s0, $0x0;
	s0 =	rddreg [dreg:$0x3]  }
0x259: {  	s0 =	sadd.s32 @!p0 $0x100000, s0  }
0x25a: {  	[sflag:s0] =	ssyncadd.tile.s32 @!p0 $0x1;
	_ =	shalt  }
.Lfunc_end2:
_tile_overlayer_lowered:
.L_overlay_start_2:
0x25b: {  	(tag) =	ssettag $0x2  }
0x25c: {  	s0 =	rddreg [dreg:$0x0];
	s2 =	stileid.u32  }
0x25d: {  	s1 =	rddreg [dreg:$0x1];
	p0 =	sne.s32 s2, $0x0  }
0x25e: {  	s3 =	rddreg [dreg:$0x2];
	[bflag:$0x3] =	sbarrier.arrive $0xFFFF;
	s2 =	simm.s32 @!p0 $0x1C05  }
0x25f: {  	[timem:s3], [sflag:s2] =	dma.local @!p0 [hbm:s0], s1  }
0x260: {  	s0 =	simm.s32 @!p0 $0x5  }
0x261: {  	_ =	swait.ge @!p0 [sflag:s0], s1  }
0x262: {  	s1 =	ssub.s32 @!p0 $0x0, s1;
	[sflag:s0] =	ssyncset.done @!p0 $0x0  }
0x263: {  	[sflag:s0] =	ssyncadd.s32 @!p0 s1  }
0x264: {  	[bflag:$0x3] =	sbarrier.arrive $0xFFFF  }
0x265: {  	_ =	shalt  }

// kernel: kernel.7.cloned.1.call-start
scs
__scs_entry_jumppad:
0x0: {  	(pc) =	sbr.rel $0x88, $3  }
0x1: {  	(tag) =	ssettag $0x0;
	lr =	simm.s32 $0x1  }
0x2: {  	[smem:$0x3F8D] =	sst lr;
	_ =	strace $0xD0000000  }
0x3: {  	_ = 	snop  }
0x4: {  	_ = 	snop  }
0x5: {  	_ = 	snop  }
0x6: {  	_ = 	snop  }
0x7: {  	_ = 	snop  }
__scs_overlays_trampoline_lowered:
0x8: {  	[smem:$0x3F9C] =	sst s0  }
0x9: {  	[smem:$0x3F9D] =	sst s1  }
0xa: {  	[smem:$0x3F9E] =	sst s2  }
0xb: {  	[smem:$0x3F9F] =	sst s3  }
0xc: {  	[smem:$0x3FA0] =	sst s4  }
0xd: {  	[smem:$0x3FA1] =	sst s5  }
0xe: {  	[smem:$0x3FA2] =	sst s6  }
0xf: {  	[smem:$0x3FA3] =	sst s7  }
0x10: {  	[smem:$0x3FA4] =	sst s8  }
0x11: {  	[smem:$0x3FA5] =	sst s9;
	s0 =	simm.s32 @!p0 $0x0  }
0x12: {  	s1 =	sld [smem:$0x3F8B];
	s0 =	simm.s32 @p0 $0x1  }
0x13: {  	[smem:$0x3FA6] =	sst s0;
	s0 =	simm.s32 @!p1 $0x0  }
0x14: {  	s2 =	sld [smem:$0x3F8A];
	s0 =	simm.s32 @p1 $0x1  }
0x15: {  	[smem:$0x3FA7] =	sst s0;
	s0 =	simm.s32 @!p2 $0x0  }
0x16: {  	s3 =	sld [smem:$0x3FDB];
	s0 =	simm.s32 @p2 $0x1  }
0x17: {  	s4 =	simm.s32 $0x1BF5;
	[smem:$0x3FA9] =	sst s0  }
0x18: {  	s0 =	sld [smem:$0x3F8C];
	_ =	swait.ge [sflag:s4], $0x0  }
0x19: {  	s7 =	sld [smem:$0x3F8D]  }
0x1a: {  	s8 =	sadd.s32 $0xFFFFE003, lr  }
0x1b: {  	s9 =	sadd.s32 $0xFFFFFEF7, lr;
	s5 =	simm.s32 $0xFFFFFFFF;
	p2 =	slt.u32 s8, $0xFFFFF086  }
0x1c: {  	p1 =	slt.u32 s9, $0xF7A;
	s5 =	simm.s32 @!p2 $0x0  }
0x1d: {  	s5 =	simm.s32 @p1 $0x1;
	p0 =	seq.s32 s7, s2  }
0x1e: {  	s7 =	smul.u32 @!p0 $0xF7A, s2;
	p2 =	seq.s32 @!p0 s5, $0x0  }
0x1f: {  	s9 =	smul.u32 $0xF7A, s1;
	s8 =	simm.s32 @!p0 $0x1BF5;
	p2 =	por !p2, p0  }
0x20: {  	[sflag:s8] =	ssyncset.s32 @!p0 $0xFFFFF086;
	s6 =	sadd.s32 @!p0 s3, s7;
	s7 =	simm.s32 @!p0 $0x108  }
0x21: {  	s3 =	sadd.s32 s3, s9;
	s6 =	sadd.s32 @!p0 $0x88, s6;
	s7 =	simm.s32 @p2 $0x1082  }
0x22: {  	[simem:s7], [sflag:s8] =	dma.local @!p0 [hbm:s6], $0xF7A  }
0x23: {  	s9 =	sor.u32 $0xD0000000, s2;
	s6 =	simm.s32 $0x108;
	_ =	swait.ge @!p0 [sflag:s8], $0x0  }
0x24: {  	s3 =	sadd.s32 $0x88, s3;
	s6 =	simm.s32 @!p1 $0x1082;
	[sflag:s4] =	ssyncset.s32 $0xFFFFF086  }
0x25: {  	[simem:s6], [sflag:s4] =	dma.local [hbm:s3], $0xF7A  }
0x26: {  	[smem:$0x3F8D] =	sst s1;
	(tag) =	ssettag s2;
	_ =	strace s9  }
0x27: {  	s1 =	sld [smem:$0x3F9D]  }
0x28: {  	s2 =	sld [smem:$0x3F9E]  }
0x29: {  	s4 =	sld [smem:$0x3FA0]  }
0x2a: {  	p0 =	seq.s32 s5, $0x0;
	s5 =	sld [smem:$0x3FA1]  }
0x2b: {  	s6 =	sld [smem:$0x3FA2]  }
0x2c: {  	s7 =	sld [smem:$0x3FA3]  }
0x2d: {  	s3 =	simm.s32 $0x108;
	s8 =	sld [smem:$0x3FA4]  }
0x2e: {  	s3 =	simm.s32 @!p0 $0x1082;
	s9 =	sld [smem:$0x3FA5]  }
0x2f: {  	lr =	sadd.s32 s0, s3;
	s0 =	sld [smem:$0x3F9C]  }
0x30: {  	s3 =	sld [smem:$0x3F9F]  }
0x31: {  	[smem:$0x3FA8] =	sst s10  }
0x32: {  	s10 =	sld [smem:$0x3FA6];
	_ =	sdelay $0x3  }
0x33: {  	p0 =	seq.s32 s10, $0x1;
	s10 =	sld [smem:$0x3FA8];
	_ =	sdelay $0x3  }
0x34: {  	[smem:$0x3FA8] =	sst s10  }
0x35: {  	s10 =	sld [smem:$0x3FA7];
	_ =	sdelay $0x3  }
0x36: {  	p1 =	seq.s32 s10, $0x1;
	s10 =	sld [smem:$0x3FA8];
	_ =	sdelay $0x3  }
0x37: {  	[smem:$0x3FA8] =	sst s10  }
0x38: {  	s10 =	sld [smem:$0x3FA9]  }
0x39: {  	_ = 	snop;
	(pc) =	sbr.ind lr, $3  }
0x3a: {  	_ = 	snop  }
0x3b: {  	_ = 	snop  }
0x3c: {  	p2 =	seq.s32 s10, $0x1;
	s10 =	sld [smem:$0x3FA8]  }
0x3d: {  	_ =	shalt  }
0x3e: {  	_ =	shalt  }
0x3f: {  	_ =	shalt  }
0x40: {  	_ =	shalt  }
0x41: {  	_ =	shalt  }
0x42: {  	_ =	shalt  }
0x43: {  	_ =	shalt  }
0x44: {  	_ =	shalt  }
0x45: {  	_ =	shalt  }
0x46: {  	_ =	shalt  }
0x47: {  	_ =	shalt  }
0x48: {  	_ =	shalt  }
0x49: {  	_ =	shalt  }
0x4a: {  	_ =	shalt  }
0x4b: {  	_ =	shalt  }
0x4c: {  	_ =	shalt  }
0x4d: {  	_ =	shalt  }
0x4e: {  	_ =	shalt  }
0x4f: {  	_ =	shalt  }
0x50: {  	_ =	shalt  }
0x51: {  	_ =	shalt  }
0x52: {  	_ =	shalt  }
0x53: {  	_ =	shalt  }
0x54: {  	_ =	shalt  }
0x55: {  	_ =	shalt  }
0x56: {  	_ =	shalt  }
0x57: {  	_ =	shalt  }
0x58: {  	_ =	shalt  }
0x59: {  	_ =	shalt  }
0x5a: {  	_ =	shalt  }
0x5b: {  	_ =	shalt  }
0x5c: {  	_ =	shalt  }
0x5d: {  	_ =	shalt  }
0x5e: {  	_ =	shalt  }
0x5f: {  	_ =	shalt  }
0x60: {  	_ =	shalt  }
0x61: {  	_ =	shalt  }
0x62: {  	_ =	shalt  }
0x63: {  	_ =	shalt  }
0x64: {  	_ =	shalt  }
0x65: {  	_ =	shalt  }
0x66: {  	_ =	shalt  }
0x67: {  	_ =	shalt  }
0x68: {  	_ =	shalt  }
0x69: {  	_ =	shalt  }
0x6a: {  	_ =	shalt  }
0x6b: {  	_ =	shalt  }
0x6c: {  	_ =	shalt  }
0x6d: {  	_ =	shalt  }
0x6e: {  	_ =	shalt  }
0x6f: {  	_ =	shalt  }
0x70: {  	_ =	shalt  }
0x71: {  	_ =	shalt  }
0x72: {  	_ =	shalt  }
0x73: {  	_ =	shalt  }
0x74: {  	_ =	shalt  }
0x75: {  	_ =	shalt  }
0x76: {  	_ =	shalt  }
0x77: {  	_ =	shalt  }
0x78: {  	_ =	shalt  }
0x79: {  	_ =	shalt  }
0x7a: {  	_ =	shalt  }
0x7b: {  	_ =	shalt  }
0x7c: {  	_ =	shalt  }
0x7d: {  	_ =	shalt  }
0x7e: {  	_ =	shalt  }
0x7f: {  	_ =	shalt  }
0x80: {  	_ =	shalt  }
0x81: {  	_ =	shalt  }
0x82: {  	_ =	shalt  }
0x83: {  	_ =	shalt  }
0x84: {  	_ =	shalt  }
0x85: {  	_ =	shalt  }
0x86: {  	_ =	shalt  }
0x87: {  	_ =	shalt  }
.Lfunc_end0:
.L_simem_size_0:
called_computation_lowered:
.L_overlay_start_0:
0x88: {  	s2 =	sld [smem:$0x3FD9]  }
0x89: {  	s3 =	sld [smem:$0x3FFE];
	_ =	sdelay $0x1  }
0x8a: {  	s1 =	srdreg.scid  }
0x8b: {  	s0 =	sand.u32 $0x1, s1  }
0x8c: {  	s17 =	sshll.u32 s0, $0xA;
	s2 =	sadd.s32 s3, s2  }
0x8d: {  	s2 =	sadd.s32 s2, s17  }
0x8e: {  	[smem:$0x3FB4] =	sst s2  }
0x8f: {  	_ = 	snop  }
0x90: {  	s2 =	sld [smem:$0x3FC9]  }
0x91: {  	s18 =	sld [smem:$0x3FD0];
	(tm) =	ssettm $0x1  }
0x92: {  	s4 =	sld [smem:$0x3FFB];
	_ =	sdelay $0x3  }
0x93: {  	_ =	strace s4  }
0x94: {  	s4 =	sld [smem:$0x3FFC];
	_ =	sdelay $0x3  }
0x95: {  	_ =	strace s4  }
0x96: {  	s4 =	sld [smem:$0x3FFD];
	_ =	sdelay $0x3  }
0x97: {  	_ =	strace s4  }
0x98: {  	_ =	strace $0x8FFFFFFF  }
0x99: {  	s19 =	sld [smem:$0x3FDB];
	_ =	sdelay $0x1  }
0x9a: {  	s5 =	simm.s32 $_scs_section_size  }
0x9b: {  	s6 =	simm.s32 $_size__tile_overlayer_lowered;
	s7 =	simm.s32 $_tile_overlayer_lowered  }
0x9c: {  	s22 =	simm.s32 $0x1BFF;
	s21 =	sshll.u32 s7, $0x1;
	s4 =	sadd.s32 s5, s19  }
0x9d: {  	s8 =	simm.s32 $0x0;
	s20 =	sshll.u32 s6, $0x1;
	s6 =	sadd.s32 s21, s4  }
0x9e: {  	[timem:s8], [sflag:s22] =	dma.local [hbm:s6], s20  }
0x9f: {  	_ =	swait.ge [sflag:s22], s20  }
0xa0: {  	s5 =	ssub.s32 $0x0, s20;
	[sflag:s22] =	ssyncset.done $0x0  }
0xa1: {  	[sflag:s22] =	ssyncadd.s32 s5;
	_ =	sdelay $0x1  }
0xa2: {  	s23 =	simm.s32 $0x1B8B  }
0xa3: {  	_ =	swait.ge [sflag:s23], $0x1  }
0xa4: {  	[sflag:s23] =	ssyncset.done $0x0  }
0xa5: {  	s25 =	simm.s32 $0x1B8E;
	s24 =	sld [smem:$0x3FFE];
	[sflag:s23] =	ssyncadd.s32 $0xFFFFFFFF  }
0xa6: {  	s26 =	simm.s32 $execute0_lowered;
	[smem:$0x3FD2] =	sst s25  }
0xa7: {  	s6 =	sshll.u32 s26, $0x1;
	_ =	strace $0x80000046;
	[dreg:$0x1] =	wrdreg $0xFFFFFFFF  }
0xa8: {  	s28 =	simm.s32 $_size_execute0_lowered;
	s4 =	sadd.s32 s4, s6;
	[dreg:$0x0] =	wrdreg $0x0  }
0xa9: {  	s6 =	sshll.u32 s28, $0x1;
	[dreg:$0x2] =	wrdreg s4  }
0xaa: {  	[dreg:$0x3] =	wrdreg s6  }
0xab: {  	[dreg:$0x4] =	wrdreg $0xC0  }
0xac: {  	_ =	task [dreg:s8], $0x5FFFF  }
0xad: {  	[dreg:$0x1] =	wrdreg $0xFFFFFFFF  }
0xae: {  	[dreg:$0x0] =	wrdreg $0x60  }
0xaf: {  	[dreg:$0x2] =	wrdreg s2  }
0xb0: {  	[dreg:$0x3] =	wrdreg s24  }
0xb1: {  	[dreg:$0x4] =	wrdreg s18  }
0xb2: {  	[dreg:$0x5] =	wrdreg $0x82400  }
0xb3: {  	[dreg:$0x6] =	wrdreg $0x9  }
0xb4: {  	_ =	task.clear_ibuf [dreg:s8], $0x7FFFF;
	_ =	strace $0x90000046  }
0xb5: {  	s29 =	simm.s32 $0x9;
	_ =	strace $0x80000048  }
0xb6: {  	_ =	swait.ge [sflag:s29], $0x1  }
0xb7: {  	[sflag:s29] =	ssyncadd.s32 $0xFFFFFFFF  }
0xb8: {  	_ =	strace $0x90000048  }
0xb9: {  	_ =	sfence  }
0xba: {  	s30 =	sld [smem:$0x0];
	_ =	sdelay $0x2  }
0xbb: {  	s31 =	sshll.u32 s1, $0xD;
	s1 =	sshrl.u32 s1, $0x2  }
0xbc: {  	s3 =	sand.u32 $0x4000, s31;
	s1 =	sadd.s32 s1, s30  }
0xbd: {  	s0 =	sor.u32 s3, s0;
	s1 =	sshll.u32 s1, $0x11  }
0xbe: {  	s0 =	sor.u32 s1, s0  }
0xbf: {  	s0 =	sadd.s32 $0x8F2B, s0  }
0xc0: {  	[sflag:s0] =	ssyncadd.remote.s32 $0x1  }
0xc1: {  	_ =	sfence.sel $0xFFFF  }
0xc2: {  	[dreg:$0x0] =	wrdreg $0xFFFFFFFF;
	(pc) =	sbr.abs _section_cstart, $3  }
0xc3: {  	[dreg:$0x1] =	wrdreg $0xFFFFFFFF  }
0xc4: {  	_ =	task.clear_ibuf [dreg:s8], $0x2FFFF;
	_ =	strace $0x9FFFFFFF  }
0xc5: {  	(tm) =	ssettm $0x7FFFFFFF  }
tec
execute0_lowered:
.L_overlay_start_1:
0x0: {  	(tag) =	ssettag $0x1  }
0x1: {  	s0 =	rddreg [dreg:$0x1]  }
0x2: {  	s3 =	rddreg [dreg:$0x3];
	s1 =	simm.s32 $0x0;
	s19 =	srdreg.scid  }
0x3: {  	s10 =	stileid.u32;
	s28 =	simm.s32 $0x4650;
	s29 =	simm.s32 $0x55F0  }
0x4: {  	s30 =	simm.s32 $0x50;
	s31 =	simm.s32 $0x3700;
	[smem:$0x7FF] =	sst s1  }
0x5: {  	s1 =	sand.u32 $0x1, s19;
	s6 =	sadd.s32 $0xD000, s0;
	s5 =	smul.u32 $0x28000, s10  }
0x6: {  	s7 =	sadd.s32 $0x3200, s0;
	s20 =	smul.u32 $0xA000, s10;
	s2 =	ssub.s32 $0x2, s1  }
0x7: {  	s8 =	sadd.s32 $0x16E00, s0;
	s10 =	smul.u32 $0x4E20, s10;
	s4 =	sshrl.u32 s2, $0x1  }
0x8: {  	_ =	strace $0x80000047;
	s5 =	sshrl.u32 s5, $0x2;
	s2 =	ssub.s32 s2, s4  }
0x9: {  	s9 =	sshll.u32 s1, $0x6;
	s11 =	sadd.s32 s5, s3;
	s2 =	smax.u32 s2, $0x1  }
0xa: {  	p0 =	seq.s32 s1, $0x1;
	s22 =	sadd.s32 $0x1400, s11;
	[dreg:$0x5] =	wrdreg s2  }
0xb: {  	s1 =	simm.s32 $0x1;
	s23 =	sadd.s32 $0x2800, s11;
	[dreg:$0x6] =	wrdreg s22  }
0xc: {  	s21 =	sshrl.u32 s20, $0x3;
	s24 =	sadd.s32 $0x3C00, s11;
	[dreg:$0x7] =	wrdreg s23  }
0xd: {  	s4 =	sadd.s32 s20, s3;
	s5 =	sadd.s32 $0x5000, s11;
	[dreg:$0x8] =	wrdreg s24  }
0xe: {  	s25 =	sadd.s32 $0x6400, s11;
	s26 =	sadd.s32 $0x7800, s11;
	[dreg:$0x9] =	wrdreg s5  }
0xf: {  	s19 =	sadd.s32 $0x8C00, s11;
	s2 =	simm.s32 $0x20C00;
	[dreg:$0xa] =	wrdreg s25  }
0x10: {  	[dreg:$0xb] =	wrdreg s26;
	s23 =	simm.s32 $0x5640;
	s24 =	simm.s32 $0x2710  }
0x11: {  	s25 =	sshrl.u32 s4, $0x3;
	s26 =	simm.s32 $0x36B0;
	s2 =	simm.s32 @!p0 $0x34C00  }
0x12: {  	s22 =	simm.s32 $0x0;
	s0 =	sadd.s32 s2, s0;
	s2 =	simm.s32 $0x2  }
0x13: {  	v0 =	vimm.f32 $0.0e+00;
	s20 =	sadd.s32 s0, s21;
	s21 =	simm.s32 $0x3;
	s0 =	simm.s32 $0x6A40  }
.LBB2_1:
0x14: {  	s4 =	rddreg [dreg:$0x0];
	s5 =	simm.s32 $0x0  }
0x15: {  	[tilespmem:s5], [sflag:$0x3] =	stream.linear.gather [hbm4b:s4+s5], $0x2710, $0x38;
	[tilespmem:$0x12240] =	vst v63  }
0x16: {  	_ =	swait.ge [sflag:s21], $0x2710  }
0x17: {  	[sflag:s21] =	ssyncset.done $0x0  }
0x18: {  	[sflag:s21] =	ssyncadd.s32 $0xFFFFD8F0  }
0x19: {  	s12 =	simm.s32 $0x7E40;
	s18 =	rddreg [dreg:$0x2]  }
0x1a: {  	[tilespmem:s12], [sflag:$0x3] =	stream.linear.gather [hbm4b:s18+s5], $0x400, $0x38;
	[tilespmem:$0x12240] =	vst v63  }
0x1b: {  	_ =	swait.ge [sflag:s21], $0x400  }
0x1c: {  	[sflag:s21] =	ssyncset.done $0x0  }
0x1d: {  	[sflag:s21] =	ssyncadd.s32 $0xFFFFFC00  }
0x1e: {  	v1 =	vld [tilespmem:s9+$0x7E40]  }
0x1f: {  	v2 =	vld [tilespmem:s9+$0x7E50]  }
0x20: {  	v3 =	vld [tilespmem:s9+$0x7E60]  }
0x21: {  	v4 =	vld [tilespmem:s9+$0x7E70]  }
0x22: {  	v5 =	vld [tilespmem:s9+$0x7EC0]  }
0x23: {  	v7 =	vld [tilespmem:s9+$0x7EE0]  }
0x24: {  	v8 =	vld [tilespmem:s9+$0x7EF0]  }
0x25: {  	v9 =	vld [tilespmem:s9+$0x7F40]  }
0x26: {  	v12 =	vld [tilespmem:s9+$0x7F70]  }
0x27: {  	v10 =	vld [tilespmem:s9+$0x7F50]  }
0x28: {  	v11 =	vld [tilespmem:s9+$0x7F60]  }
0x29: {  	s4 =	simm.s32 $0x0;
	s5 =	simm.s32 $0x100;
	v6 =	vld [tilespmem:s9+$0x7ED0]  }
.LBB2_2:
0x2a: {  	p0 =	sne.s32 s5, $0x4F00;
	[tilespmem:s4+$0x5670] =	vst v0;
	s12 =	smov.u32 s5;
	s5 =	sadd.s32 $0x100, s5  }
.Ltmp0:
0x2b: {  	[tilespmem:s4+$0x5660] =	vst v0;
	(pc) =	sbr.rel @p0 .LBB2_2-.Ltmp0, $3  }
0x2c: {  	[tilespmem:s4+$0x5640] =	vst v0  }
0x2d: {  	[tilespmem:s4+$0x5650] =	vst v0;
	_ =	sdelay $0x1  }
0x2e: {  	s4 =	sshra.s32 s12, $0x2  }
0x2f: {  	[tilespmem:s4+$0x5670] =	vst v0  }
0x30: {  	[tilespmem:s4+$0x5660] =	vst v0  }
0x31: {  	[tilespmem:s4+$0x5640] =	vst v0  }
0x32: {  	[tilespmem:s4+$0x5650] =	vst v0  }
0x33: {  	[spmem:s11] =	stream.linear.scatter [tilespmem:s23], [sflag:$0x3], $0x1400, $0x38;
	[tilespmem:$0x12240] =	vst v63  }
0x34: {  	_ =	swait.ge [sflag:s21], $0x1400  }
0x35: {  	[sflag:s21] =	ssyncset.done $0x0  }
0x36: {  	s13 =	rddreg [dreg:$0x6];
	[sflag:s21] =	ssyncadd.s32 $0xFFFFEC00  }
0x37: {  	[spmem:s13] =	stream.linear.scatter [tilespmem:s23], [sflag:$0x3], $0x1400, $0x38;
	[tilespmem:$0x12240] =	vst v63  }
0x38: {  	_ =	swait.ge [sflag:s21], $0x1400  }
0x39: {  	[sflag:s21] =	ssyncset.done $0x0  }
0x3a: {  	s14 =	rddreg [dreg:$0x7];
	[sflag:s21] =	ssyncadd.s32 $0xFFFFEC00  }
0x3b: {  	[spmem:s14] =	stream.linear.scatter [tilespmem:s23], [sflag:$0x3], $0x1400, $0x38;
	[tilespmem:$0x12240] =	vst v63  }
0x3c: {  	_ =	swait.ge [sflag:s21], $0x1400  }
0x3d: {  	[sflag:s21] =	ssyncset.done $0x0  }
0x3e: {  	s15 =	rddreg [dreg:$0x8];
	[sflag:s21] =	ssyncadd.s32 $0xFFFFEC00  }
0x3f: {  	[spmem:s15] =	stream.linear.scatter [tilespmem:s23], [sflag:$0x3], $0x1400, $0x38;
	[tilespmem:$0x12240] =	vst v63  }
0x40: {  	_ =	swait.ge [sflag:s21], $0x1400  }
0x41: {  	[sflag:s21] =	ssyncset.done $0x0  }
0x42: {  	s16 =	rddreg [dreg:$0x9];
	[sflag:s21] =	ssyncadd.s32 $0xFFFFEC00  }
0x43: {  	[spmem:s16] =	stream.linear.scatter [tilespmem:s23], [sflag:$0x3], $0x1400, $0x38;
	[tilespmem:$0x12240] =	vst v63  }
0x44: {  	_ =	swait.ge [sflag:s21], $0x1400  }
0x45: {  	[sflag:s21] =	ssyncset.done $0x0  }
0x46: {  	s17 =	rddreg [dreg:$0xa];
	[sflag:s21] =	ssyncadd.s32 $0xFFFFEC00  }
0x47: {  	[spmem:s17] =	stream.linear.scatter [tilespmem:s23], [sflag:$0x3], $0x1400, $0x38;
	[tilespmem:$0x12240] =	vst v63  }
0x48: {  	_ =	swait.ge [sflag:s21], $0x1400  }
0x49: {  	[sflag:s21] =	ssyncset.done $0x0  }
0x4a: {  	s18 =	rddreg [dreg:$0xb];
	[sflag:s21] =	ssyncadd.s32 $0xFFFFEC00  }
0x4b: {  	[spmem:s18] =	stream.linear.scatter [tilespmem:s23], [sflag:$0x3], $0x1400, $0x38;
	[tilespmem:$0x12240] =	vst v63  }
0x4c: {  	_ =	swait.ge [sflag:s21], $0x1400  }
0x4d: {  	[sflag:s21] =	ssyncset.done $0x0  }
0x4e: {  	[sflag:s21] =	ssyncadd.s32 $0xFFFFEC00  }
0x4f: {  	[spmem:s19] =	stream.linear.scatter [tilespmem:s23], [sflag:$0x3], $0x1400, $0x38;
	[tilespmem:$0x12240] =	vst v63  }
0x50: {  	_ =	swait.ge [sflag:s21], $0x1400  }
0x51: {  	[sflag:s21] =	ssyncset.done $0x0  }
0x52: {  	[sflag:s21] =	ssyncadd.s32 $0xFFFFEC00  }
0x53: {  	s5 =	simm.s32 $0x0;
	s4 =	simm.s32 $0x0;
	[bflag:$0x0] =	sbarrier.arrive $0xFFFF  }
.LBB2_4:
0x54: {  	s12 =	smul.u32 $0xFA0, s4;
	_ =	sdelay $0x1  }
0x55: {  	s12 =	sadd.s32 s10, s12  }
0x56: {  	s12 =	sshrl.u32 s12, $0x3  }
0x57: {  	s13 =	sadd.s32 s6, s12  }
0x58: {  	[tilespmem:s24], [sflag:$0x3] =	stream.linear.gather [hbm4b:s13+s5], $0xFA0, $0x38;
	[tilespmem:$0x12240] =	vst v63  }
0x59: {  	_ =	swait.ge [sflag:s21], $0xFA0  }
0x5a: {  	[sflag:s21] =	ssyncset.done $0x0  }
0x5b: {  	s14 =	sadd.s32 s7, s12;
	[sflag:s21] =	ssyncadd.s32 $0xFFFFF060  }
0x5c: {  	[tilespmem:s26], [sflag:$0x3] =	stream.linear.gather [hbm4b:s14+s5], $0xFA0, $0x38;
	[tilespmem:$0x12240] =	vst v63  }
0x5d: {  	_ =	swait.ge [sflag:s21], $0xFA0  }
0x5e: {  	[sflag:s21] =	ssyncset.done $0x0  }
0x5f: {  	s12 =	sadd.s32 s8, s12;
	[sflag:s21] =	ssyncadd.s32 $0xFFFFF060  }
0x60: {  	[tilespmem:s28], [sflag:$0x3] =	stream.linear.gather [hbm4b:s12+s5], $0xFA0, $0x38;
	[tilespmem:$0x12240] =	vst v63  }
0x61: {  	_ =	swait.ge [sflag:s21], $0xFA0  }
0x62: {  	[sflag:s21] =	ssyncset.done $0x0  }
0x63: {  	[sflag:s21] =	ssyncadd.s32 $0xFFFFF060  }
0x64: {  	v13 =	vld [tilespmem:$0x2710];
	_ =	sdelay $0x5  }
0x65: {  	v14 =	vld [tilespmem:$0x2720];
	_ =	sdelay $0x1  }
0x66: {  	v13 =	vld.idx.msk [tilespmem:v13+s5+$0x0], $0xffff;
	_ =	sdelay $0x3  }
0x67: {  	v15 =	vld [tilespmem:$0x2730]  }
0x68: {  	[tilespmem:$0x55F0] =	vst v13  }
0x69: {  	v13 =	vld.idx.msk [tilespmem:v14+s5+$0x0], $0xffff;
	_ =	sdelay $0x3  }
0x6a: {  	v14 =	vld [tilespmem:$0x2740]  }
0x6b: {  	[tilespmem:$0x5600] =	vst v13  }
0x6c: {  	v13 =	vld.idx.msk [tilespmem:v15+s5+$0x0], $0xffff;
	_ =	sdelay $0x3  }
0x6d: {  	v15 =	vld [tilespmem:$0x2750]  }
0x6e: {  	[tilespmem:$0x5610] =	vst v13  }
0x6f: {  	v13 =	vld.idx.msk [tilespmem:v14+s5+$0x0], $0xffff;
	_ =	sdelay $0x4  }
0x70: {  	[tilespmem:$0x5620] =	vst v13  }
0x71: {  	s15 =	simm.s32 $0x1;
	v13 =	vld.idx.msk [tilespmem:v15+s5+$0x0], $0xffff;
	v15 =	vmov s5  }
0x72: {  	v14 =	vmov s15;
	v15 =	vand.u32 $0xFFFFFFFE, v15  }
0x73: {  	v15 =	vbroadcast v15, $0x0;
	_ =	sdelay $0x2  }
0x74: {  	[tilespmem:$0x5630] =	vst v13  }
0x75: {  	v13 =	vld.idx.msk [tilespmem:v14+s29+$0x0], $0xffff  }
0x76: {  	v16 =	vld.idx.msk [tilespmem:v14+s28+$0x0], $0xffff  }
0x77: {  	s17 =	simm.s32 $0x2;
	v14 =	vld.idx.msk [tilespmem:v15+s29+$0x0], $0xffff  }
0x78: {  	v24 =	vmov s17;
	v15 =	vld.idx.msk [tilespmem:v15+s28+$0x0], $0xffff  }
0x79: {  	v24 =	vand.u32 $0xFFFFFFFE, v24  }
0x7a: {  	v24 =	vbroadcast v24, $0x0;
	v17 =	vmul.f32 v13, v1  }
0x7b: {  	v18 =	vmul.f32 v16, v5;
	v19 =	vmul.f32 v13, v2  }
0x7c: {  	v20 =	vmul.f32 v16, v6;
	v23 =	vmul.f32 v14, v1  }
0x7d: {  	s16 =	simm.s32 $0x3;
	v25 =	vmul.f32 v14, v4;
	v26 =	vmul.f32 v15, v8  }
0x7e: {  	v22 =	vmov s16;
	v27 =	vmul.f32 v14, v2;
	v28 =	vmul.f32 v15, v5  }
0x7f: {  	v29 =	vmul.f32 v15, v6;
	v14 =	vmul.f32 v14, v3;
	v17 =	vadd.f32 v18, v17  }
0x80: {  	v15 =	vmul.f32 v15, v7;
	v19 =	vadd.f32 v20, v19;
	v25 =	vadd.f32 v26, v25  }
0x81: {  	v21 =	vmul.f32 v13, v3;
	v23 =	vadd.f32 v28, v23;
	v26 =	vadd.f32 v29, v27  }
0x82: {  	v27 =	vmul.f32 v16, v7;
	v15 =	vadd.f32 v15, v14;
	v17 =	vadd.f32 v17, v9  }
0x83: {  	v28 =	vmul.f32 v13, v4;
	v14 =	vld.idx.msk [tilespmem:v22+s29+$0x0], $0xffff;
	v19 =	vadd.f32 v19, v10;
	v25 =	vadd.f32 v25, v12  }
0x84: {  	v16 =	vmul.f32 v16, v8;
	v13 =	vld.idx.msk [tilespmem:v22+s28+$0x0], $0xffff;
	v23 =	vadd.f32 v23, v9;
	v26 =	vadd.f32 v26, v10  }
0x85: {  	s12 =	simm.s32 $0x5680;
	v15 =	vadd.f32 v15, v11;
	v21 =	vadd.f32 v27, v21;
	v18 =	vmax.f32 v25, $0.0e+00  }
0x86: {  	s14 =	simm.s32 $0x4;
	v16 =	vadd.f32 v16, v28;
	v17 =	vmax.f32 v17, $0.0e+00;
	v20 =	vmax.f32 v23, $0.0e+00;
	[tilespmem:s12+$0xFFFFFFF0] =	vst v18;
	v18 =	vld.idx.msk [tilespmem:v24+s29+$0x0], $0xffff  }
0x87: {  	v28 =	vmov s14;
	v22 =	vmax.f32 v26, $0.0e+00;
	v23 =	vmax.f32 v15, $0.0e+00;
	[tilespmem:s12+$0xFFFFFFC0] =	vst v20;
	v20 =	vld.idx.msk [tilespmem:v24+s28+$0x0], $0xffff  }
0x88: {  	v21 =	vadd.f32 v21, v11;
	[tilespmem:s12+$0xFFFFFFD0] =	vst v22;
	v15 =	vmul.f32 v14, v1;
	v22 =	vmax.f32 v19, $0.0e+00  }
0x89: {  	[tilespmem:s12+$0x0] =	vst v17;
	v24 =	vadd.f32 v16, v12;
	v19 =	vmul.f32 v13, v5;
	v16 =	vmul.f32 v14, v2  }
0x8a: {  	[tilespmem:s12+$0xFFFFFFE0] =	vst v23;
	v17 =	vmul.f32 v14, v3;
	v25 =	vmax.f32 v21, $0.0e+00;
	v21 =	vmul.f32 v13, v6  }
0x8b: {  	s18 =	simm.s32 $0x5;
	[tilespmem:s12+$0x10] =	vst v22;
	v27 =	vmax.f32 v24, $0.0e+00;
	v24 =	vmul.f32 v18, v1;
	v23 =	vmul.f32 v18, v2  }
0x8c: {  	v22 =	vmov s18;
	[tilespmem:s12+$0x20] =	vst v25;
	v25 =	vmul.f32 v18, v4;
	v26 =	vmul.f32 v20, v8  }
0x8d: {  	s13 =	simm.s32 $0x6;
	v29 =	vand.u32 $0xFFFFFFFE, v28;
	[tilespmem:s12+$0x30] =	vst v27;
	v28 =	vmul.f32 v20, v5;
	v27 =	vmul.f32 v20, v6  }
.LBB2_5:
0x8e: {  	p0 =	slt.u32 s13, $0x4E;
	v29 =	vbroadcast v29, $0x0;
	v18 =	vmul.f32 v18, v3;
	v25 =	vadd.f32 v26, v25  }
0x8f: {  	v20 =	vmul.f32 v20, v7;
	v24 =	vadd.f32 v28, v24;
	v23 =	vadd.f32 v27, v23  }
0x90: {  	v26 =	vmul.f32 v13, v7;
	v27 =	vmul.f32 v14, v4;
	v25 =	vadd.f32 v25, v12  }
0x91: {  	v28 =	vmul.f32 v13, v8;
	v18 =	vadd.f32 v20, v18;
	v14 =	vld.idx.msk [tilespmem:v22+s29+$0x0], $0xffff;
	v24 =	vadd.f32 v24, v9  }
0x92: {  	v15 =	vadd.f32 v19, v15;
	s12 =	sadd.s32 $0x80, s12;
	v20 =	vadd.f32 v23, v10;
	v13 =	vld.idx.msk [tilespmem:v22+s28+$0x0], $0xffff;
	v22 =	vmax.f32 v25, $0.0e+00  }
0x93: {  	v16 =	vadd.f32 v21, v16;
	v23 =	vadd.f32 v18, v11;
	v19 =	vmax.f32 v24, $0.0e+00;
	[tilespmem:s12+$0xFFFFFFF0] =	vst v22  }
0x94: {  	v15 =	vadd.f32 v15, v9;
	v17 =	vadd.f32 v26, v17;
	v18 =	vld.idx.msk [tilespmem:v29+s29+$0x0], $0xffff;
	[tilespmem:s12+$0xFFFFFFC0] =	vst v19;
	v19 =	vmax.f32 v20, $0.0e+00  }
0x95: {  	v16 =	vadd.f32 v16, v10;
	v21 =	vadd.f32 v28, v27;
	v20 =	vld.idx.msk [tilespmem:v29+s28+$0x0], $0xffff;
	[tilespmem:s12+$0xFFFFFFD0] =	vst v19;
	v19 =	vmax.f32 v23, $0.0e+00  }
0x96: {  	v17 =	vadd.f32 v17, v11;
	[tilespmem:s12+$0xFFFFFFE0] =	vst v19;
	v19 =	vmax.f32 v15, $0.0e+00  }
0x97: {  	v22 =	vmax.f32 v16, $0.0e+00;
	v23 =	vadd.f32 v21, v12;
	v15 =	vmul.f32 v14, v1;
	[tilespmem:s12+$0x0] =	vst v19  }
.Ltmp1:
0x98: {  	v16 =	vmul.f32 v14, v2;
	v19 =	vmul.f32 v13, v5;
	[tilespmem:s12+$0x10] =	vst v22;
	v22 =	vmax.f32 v17, $0.0e+00;
	(pc) =	sbr.rel @p0 .LBB2_5-.Ltmp1, $4  }
0x99: {  	s14 =	sadd.s32 $0x1, s13;
	v21 =	vmul.f32 v13, v6;
	v25 =	vmax.f32 v23, $0.0e+00;
	v17 =	vmul.f32 v14, v3;
	[tilespmem:s12+$0x20] =	vst v22  }
0x9a: {  	v22 =	vmov s14;
	v24 =	vmul.f32 v18, v1;
	v23 =	vmul.f32 v18, v2;
	[tilespmem:s12+$0x30] =	vst v25  }
0x9b: {  	v27 =	vmov s13;
	v25 =	vmul.f32 v18, v4;
	v26 =	vmul.f32 v20, v8  }
0x9c: {  	s13 =	sadd.s32 $0x2, s13;
	v29 =	vand.u32 $0xFFFFFFFE, v27;
	v28 =	vmul.f32 v20, v5;
	v27 =	vmul.f32 v20, v6  }
0x9d: {  	v29 =	vbroadcast v29, $0x0  }
0x9e: {  	v25 =	vadd.f32 v26, v25;
	v18 =	vmul.f32 v18, v3;
	v15 =	vadd.f32 v19, v15  }
0x9f: {  	v20 =	vmul.f32 v20, v7;
	v16 =	vadd.f32 v21, v16;
	v24 =	vadd.f32 v28, v24  }
0xa0: {  	v26 =	vmul.f32 v13, v7;
	v23 =	vadd.f32 v27, v23;
	v25 =	vadd.f32 v25, v12  }
0xa1: {  	v14 =	vmul.f32 v14, v4;
	v27 =	vld.idx.msk [tilespmem:v22+s29+$0x0], $0xffff;
	v18 =	vadd.f32 v20, v18;
	v20 =	vadd.f32 v24, v9  }
0xa2: {  	v13 =	vmul.f32 v13, v8;
	v22 =	vld.idx.msk [tilespmem:v22+s28+$0x0], $0xffff;
	v15 =	vadd.f32 v15, v9;
	v23 =	vadd.f32 v23, v10  }
0xa3: {  	v17 =	vadd.f32 v26, v17;
	v16 =	vadd.f32 v16, v10;
	v19 =	vmax.f32 v20, $0.0e+00;
	v20 =	vld.idx.msk [tilespmem:v29+s29+$0x0], $0xffff  }
0xa4: {  	v13 =	vadd.f32 v13, v14;
	v24 =	vmax.f32 v25, $0.0e+00;
	v21 =	vmax.f32 v23, $0.0e+00;
	v23 =	vld.idx.msk [tilespmem:v29+s28+$0x0], $0xffff  }
0xa5: {  	v18 =	vadd.f32 v18, v11;
	v15 =	vmax.f32 v15, $0.0e+00;
	v17 =	vadd.f32 v17, v11  }
0xa6: {  	v16 =	vmax.f32 v16, $0.0e+00;
	v13 =	vadd.f32 v13, v12;
	v14 =	vmul.f32 v27, v1  }
0xa7: {  	s12 =	sadd.s32 $0x80, s12;
	v18 =	vmax.f32 v18, $0.0e+00;
	v25 =	vmul.f32 v22, v5;
	v26 =	vmul.f32 v27, v2  }
0xa8: {  	[tilespmem:s12+$0xFFFFFFF0] =	vst v24;
	v28 =	vmul.f32 v22, v6;
	v29 =	vmul.f32 v27, v3;
	v17 =	vmax.f32 v17, $0.0e+00  }
0xa9: {  	[tilespmem:s12+$0xFFFFFFC0] =	vst v19;
	v13 =	vmax.f32 v13, $0.0e+00;
	v19 =	vmul.f32 v20, v4;
	v31 =	vmul.f32 v23, v8  }
0xaa: {  	[tilespmem:s12+$0xFFFFFFD0] =	vst v21;
	v14 =	vadd.f32 v25, v14;
	v24 =	vmul.f32 v20, v1;
	v21 =	vmul.f32 v23, v5  }
0xab: {  	[tilespmem:s12+$0x0] =	vst v15;
	v30 =	vmul.f32 v20, v2;
	v32 =	vmul.f32 v23, v6;
	v19 =	vadd.f32 v31, v19  }
0xac: {  	[tilespmem:s12+$0xFFFFFFE0] =	vst v18;
	v18 =	vmul.f32 v20, v3;
	v15 =	vadd.f32 v21, v24;
	v21 =	vmul.f32 v23, v7  }
0xad: {  	[tilespmem:s12+$0x10] =	vst v16;
	v20 =	vadd.f32 v32, v30;
	v23 =	vmul.f32 v27, v4;
	v16 =	vadd.f32 v19, v12  }
0xae: {  	[tilespmem:s12+$0x20] =	vst v17;
	v19 =	vmul.f32 v22, v7;
	v15 =	vadd.f32 v15, v9;
	v17 =	vadd.f32 v21, v18  }
0xaf: {  	[tilespmem:s12+$0x30] =	vst v13;
	s12 =	sadd.s32 $0x80, s12;
	v18 =	vmul.f32 v22, v8;
	v13 =	vadd.f32 v20, v10;
	v16 =	vmax.f32 v16, $0.0e+00  }
0xb0: {  	v15 =	vmax.f32 v15, $0.0e+00;
	v17 =	vadd.f32 v17, v11;
	[tilespmem:s12+$0xFFFFFFF0] =	vst v16;
	v16 =	vadd.f32 v28, v26  }
0xb1: {  	v14 =	vadd.f32 v14, v9;
	v13 =	vmax.f32 v13, $0.0e+00;
	[tilespmem:s12+$0xFFFFFFC0] =	vst v15;
	v15 =	vadd.f32 v19, v29  }
0xb2: {  	[tilespmem:s12+$0xFFFFFFD0] =	vst v13;
	v13 =	vmax.f32 v17, $0.0e+00;
	v17 =	vadd.f32 v18, v23;
	v16 =	vadd.f32 v16, v10  }
0xb3: {  	[tilespmem:s12+$0xFFFFFFE0] =	vst v13;
	v13 =	vmax.f32 v14, $0.0e+00;
	v14 =	vadd.f32 v15, v11  }
0xb4: {  	[tilespmem:s12+$0x0] =	vst v13;
	v15 =	vadd.f32 v17, v12;
	v13 =	vmax.f32 v16, $0.0e+00  }
0xb5: {  	[tilespmem:s12+$0x10] =	vst v13;
	v13 =	vmax.f32 v14, $0.0e+00  }
0xb6: {  	[tilespmem:s12+$0x20] =	vst v13;
	v13 =	vmax.f32 v15, $0.0e+00  }
0xb7: {  	[tilespmem:s12+$0x30] =	vst v13  }
0xb8: {  	[spmem:s3] =	stream.indirect.scatter.add.f32 [tilespmem:s23], [sflag:$0x1], $0x40, s26, s30, $0xb8;
	[tilespmem:$0x12240] =	vst v63  }
0xb9: {  	v13 =	vld [tilespmem:$0x2760];
	_ =	sdelay $0x5  }
0xba: {  	v14 =	vld [tilespmem:$0x2770]  }
0xbb: {  	s15 =	simm.s32 $0x0  }
0xbc: {  	v13 =	vld.idx.msk [tilespmem:v13+s15+$0x0], $0xffff;
	_ =	sdelay $0x3  }
0xbd: {  	v15 =	vld [tilespmem:$0x2780]  }
0xbe: {  	[tilespmem:$0x55F0] =	vst v13  }
0xbf: {  	v13 =	vld.idx.msk [tilespmem:v14+s15+$0x0], $0xffff;
	_ =	sdelay $0x3  }
0xc0: {  	v14 =	vld [tilespmem:$0x2790]  }
0xc1: {  	[tilespmem:$0x5600] =	vst v13  }
0xc2: {  	v13 =	vld.idx.msk [tilespmem:v15+s15+$0x0], $0xffff;
	_ =	sdelay $0x3  }
0xc3: {  	v15 =	vld [tilespmem:$0x27A0]  }
0xc4: {  	[tilespmem:$0x5610] =	vst v13  }
0xc5: {  	v13 =	vld.idx.msk [tilespmem:v14+s15+$0x0], $0xffff;
	_ =	sdelay $0x4  }
0xc6: {  	[tilespmem:$0x5620] =	vst v13  }
0xc7: {  	v13 =	vld.idx.msk [tilespmem:v15+s15+$0x0], $0xffff  }
0xc8: {  	v14 =	vmov s15  }
0xc9: {  	v15 =	vand.u32 $0x7E, v14  }
0xca: {  	v15 =	vadd.s32 $0x50, v15  }
0xcb: {  	s16 =	simm.s32 $0x1  }
0xcc: {  	v16 =	vmov s16;
	[tilespmem:$0x5630] =	vst v13  }
0xcd: {  	v13 =	vand.u32 $0x7F, v16;
	v14 =	vld.idx.msk [tilespmem:v14+s29+$0x0], $0xffff  }
0xce: {  	v13 =	vadd.s32 $0x50, v13  }
0xcf: {  	v15 =	vld.idx.msk [tilespmem:v15+s28+$0x0], $0xffff;
	_ =	sdelay $0x1  }
0xd0: {  	v16 =	vld.idx.msk [tilespmem:v16+s29+$0x0], $0xffff  }
0xd1: {  	v17 =	vmul.f32 v14, v1;
	v18 =	vmul.f32 v14, v2  }
0xd2: {  	s17 =	simm.s32 $0x2;
	v13 =	vld.idx.msk [tilespmem:v13+s28+$0x0], $0xffff;
	v19 =	vmul.f32 v14, v3;
	v14 =	vmul.f32 v14, v4  }
0xd3: {  	v25 =	vmov s17;
	v20 =	vmul.f32 v15, v5;
	v21 =	vmul.f32 v15, v6  }
0xd4: {  	v30 =	vand.u32 $0x7E, v25;
	v22 =	vmul.f32 v15, v7;
	v15 =	vmul.f32 v15, v8  }
0xd5: {  	v30 =	vadd.s32 $0x50, v30;
	v23 =	vmul.f32 v16, v1;
	v24 =	vmul.f32 v16, v2  }
0xd6: {  	v26 =	vmul.f32 v16, v4;
	v16 =	vmul.f32 v16, v3;
	v17 =	vadd.f32 v20, v17  }
0xd7: {  	v18 =	vadd.f32 v21, v18;
	v27 =	vmul.f32 v13, v8;
	v28 =	vmul.f32 v13, v5  }
0xd8: {  	s18 =	simm.s32 $0x3;
	v25 =	vld.idx.msk [tilespmem:v25+s29+$0x0], $0xffff;
	v19 =	vadd.f32 v22, v19;
	v29 =	vmul.f32 v13, v6;
	v13 =	vmul.f32 v13, v7  }
0xd9: {  	v14 =	vadd.f32 v15, v14;
	v26 =	vadd.f32 v27, v26;
	v27 =	vmov s18  }
0xda: {  	v23 =	vadd.f32 v28, v23;
	v13 =	vadd.f32 v13, v16;
	v16 =	vand.u32 $0x7F, v27  }
0xdb: {  	v24 =	vadd.f32 v29, v24;
	v26 =	vadd.f32 v26, v12;
	v16 =	vadd.s32 $0x50, v16  }
0xdc: {  	v21 =	vld.idx.msk [tilespmem:v30+s28+$0x0], $0xffff;
	v23 =	vadd.f32 v23, v9;
	v13 =	vadd.f32 v13, v11  }
0xdd: {  	v15 =	vmul.f32 v25, v1;
	v17 =	vadd.f32 v17, v9;
	v24 =	vadd.f32 v24, v10  }
0xde: {  	v20 =	vmax.f32 v26, $0.0e+00;
	v23 =	vmax.f32 v23, $0.0e+00;
	v22 =	vmax.f32 v13, $0.0e+00  }
0xdf: {  	s12 =	simm.s32 $0x6A80;
	v13 =	vadd.f32 v18, v10;
	v26 =	vmax.f32 v17, $0.0e+00;
	v17 =	vadd.f32 v19, v11;
	v27 =	vld.idx.msk [tilespmem:v27+s29+$0x0], $0xffff  }
0xe0: {  	v24 =	vmax.f32 v24, $0.0e+00;
	v18 =	vadd.f32 v14, v12;
	v14 =	vmul.f32 v25, v3;
	[tilespmem:s12+$0x30] =	vst v20;
	v28 =	vld.idx.msk [tilespmem:v16+s28+$0x0], $0xffff  }
0xe1: {  	v19 =	vmul.f32 v21, v6;
	[tilespmem:s12+$0x0] =	vst v23;
	v20 =	vmul.f32 v21, v5;
	v29 =	vmax.f32 v13, $0.0e+00  }
0xe2: {  	[tilespmem:s12+$0x10] =	vst v24;
	v13 =	vmul.f32 v25, v4;
	v30 =	vmax.f32 v18, $0.0e+00;
	v18 =	vmul.f32 v21, v7  }
0xe3: {  	s13 =	simm.s32 $0x4;
	[tilespmem:s12+$0x20] =	vst v22;
	v16 =	vmul.f32 v25, v2;
	v25 =	vmax.f32 v17, $0.0e+00;
	v17 =	vmul.f32 v21, v8  }
0xe4: {  	[tilespmem:s12+$0xFFFFFFC0] =	vst v26;
	v22 =	vmov s13;
	v23 =	vmul.f32 v27, v1;
	v24 =	vmul.f32 v27, v2  }
0xe5: {  	[tilespmem:s12+$0xFFFFFFD0] =	vst v29;
	v21 =	vand.u32 $0x7E, v22;
	v29 =	vmul.f32 v27, v4;
	v31 =	vmul.f32 v28, v8  }
0xe6: {  	[tilespmem:s12+$0xFFFFFFE0] =	vst v25;
	v21 =	vadd.s32 $0x50, v21;
	v25 =	vmul.f32 v28, v5;
	v26 =	vmul.f32 v28, v6  }
0xe7: {  	s14 =	simm.s32 $0x5;
	s13 =	simm.s32 $0x6;
	[tilespmem:s12+$0xFFFFFFF0] =	vst v30;
	v27 =	vmul.f32 v27, v3;
	v28 =	vmul.f32 v28, v7;
	v29 =	vadd.f32 v31, v29  }
.LBB2_7:
0xe8: {  	p0 =	slt.u32 s13, $0x4E;
	v30 =	vmov s14;
	v23 =	vadd.f32 v25, v23;
	v24 =	vadd.f32 v26, v24  }
0xe9: {  	v22 =	vld.idx.msk [tilespmem:v22+s29+$0x0], $0xffff;
	v25 =	vand.u32 $0x7F, v30;
	v26 =	vadd.f32 v28, v27;
	v27 =	vadd.f32 v29, v12  }
0xea: {  	v25 =	vadd.s32 $0x50, v25;
	v23 =	vadd.f32 v23, v9;
	v24 =	vadd.f32 v24, v10  }
0xeb: {  	v15 =	vadd.f32 v20, v15;
	s12 =	sadd.s32 $0x80, s12;
	v20 =	vadd.f32 v26, v11;
	v26 =	vmax.f32 v27, $0.0e+00  }
0xec: {  	v16 =	vadd.f32 v19, v16;
	v21 =	vld.idx.msk [tilespmem:v21+s28+$0x0], $0xffff;
	v19 =	vmax.f32 v23, $0.0e+00;
	v23 =	vmax.f32 v24, $0.0e+00;
	[tilespmem:s12+$0x30] =	vst v26  }
0xed: {  	v14 =	vadd.f32 v18, v14;
	v24 =	vadd.f32 v15, v9;
	[tilespmem:s12+$0x0] =	vst v19;
	v18 =	vmax.f32 v20, $0.0e+00  }
0xee: {  	v13 =	vadd.f32 v17, v13;
	v19 =	vadd.f32 v16, v10;
	v27 =	vld.idx.msk [tilespmem:v30+s29+$0x0], $0xffff;
	[tilespmem:s12+$0x10] =	vst v23  }
0xef: {  	v20 =	vadd.f32 v14, v11;
	v15 =	vmul.f32 v22, v1;
	v17 =	vmax.f32 v24, $0.0e+00;
	v28 =	vld.idx.msk [tilespmem:v25+s28+$0x0], $0xffff;
	[tilespmem:s12+$0x20] =	vst v18  }
0xf0: {  	v16 =	vmul.f32 v22, v2;
	v18 =	vadd.f32 v13, v12;
	[tilespmem:s12+$0xFFFFFFC0] =	vst v17;
	v17 =	vmax.f32 v19, $0.0e+00  }
0xf1: {  	v14 =	vmul.f32 v22, v3;
	v13 =	vmul.f32 v22, v4;
	[tilespmem:s12+$0xFFFFFFD0] =	vst v17;
	v17 =	vmax.f32 v20, $0.0e+00  }
0xf2: {  	v20 =	vmul.f32 v21, v5;
	v19 =	vmul.f32 v21, v6;
	v22 =	vmax.f32 v18, $0.0e+00;
	[tilespmem:s12+$0xFFFFFFE0] =	vst v17  }
.Ltmp2:
0xf3: {  	v18 =	vmul.f32 v21, v7;
	v17 =	vmul.f32 v21, v8;
	[tilespmem:s12+$0xFFFFFFF0] =	vst v22;
	(pc) =	sbr.rel @p0 .LBB2_7-.Ltmp2, $4  }
0xf4: {  	v22 =	vmov s13;
	v23 =	vmul.f32 v27, v1;
	v24 =	vmul.f32 v27, v2  }
0xf5: {  	v29 =	vmul.f32 v27, v4;
	v21 =	vand.u32 $0x7E, v22;
	v30 =	vmul.f32 v28, v8  }
0xf6: {  	v25 =	vmul.f32 v28, v5;
	v26 =	vmul.f32 v28, v6;
	v21 =	vadd.s32 $0x50, v21  }
0xf7: {  	s14 =	sadd.s32 $0x1, s13;
	s13 =	sadd.s32 $0x2, s13;
	v27 =	vmul.f32 v27, v3;
	v28 =	vmul.f32 v28, v7;
	v29 =	vadd.f32 v30, v29  }
0xf8: {  	v30 =	vmov s14;
	v23 =	vadd.f32 v25, v23  }
0xf9: {  	v24 =	vadd.f32 v26, v24;
	v15 =	vadd.f32 v20, v15;
	v31 =	vand.u32 $0x7F, v30  }
0xfa: {  	v16 =	vadd.f32 v19, v16;
	v14 =	vadd.f32 v18, v14;
	v38 =	vadd.s32 $0x50, v31  }
0xfb: {  	v13 =	vadd.f32 v17, v13;
	v39 =	vadd.f32 v28, v27  }
0xfc: {  	v22 =	vld.idx.msk [tilespmem:v22+s29+$0x0], $0xffff;
	v40 =	vadd.f32 v29, v12;
	v23 =	vadd.f32 v23, v9  }
0xfd: {  	v21 =	vld.idx.msk [tilespmem:v21+s28+$0x0], $0xffff;
	v24 =	vadd.f32 v24, v10;
	v15 =	vadd.f32 v15, v9  }
0xfe: {  	v16 =	vadd.f32 v16, v10;
	v14 =	vadd.f32 v14, v11;
	v45 =	vld.idx.msk [tilespmem:v30+s29+$0x0], $0xffff  }
0xff: {  	v13 =	vadd.f32 v13, v12;
	v41 =	vadd.f32 v39, v11;
	v47 =	vld.idx.msk [tilespmem:v38+s28+$0x0], $0xffff  }
0x100: {  	v42 =	vmax.f32 v40, $0.0e+00;
	v43 =	vmax.f32 v23, $0.0e+00;
	v44 =	vmax.f32 v24, $0.0e+00  }
0x101: {  	v15 =	vmax.f32 v15, $0.0e+00;
	v48 =	vmul.f32 v22, v1;
	v49 =	vmul.f32 v22, v2  }
0x102: {  	s12 =	sadd.s32 $0x80, s12;
	v16 =	vmax.f32 v16, $0.0e+00;
	v50 =	vmul.f32 v22, v3;
	v22 =	vmul.f32 v22, v4  }
0x103: {  	[tilespmem:s12+$0x30] =	vst v42;
	v14 =	vmax.f32 v14, $0.0e+00;
	v51 =	vmul.f32 v21, v5;
	v52 =	vmul.f32 v21, v6  }
0x104: {  	v13 =	vmax.f32 v13, $0.0e+00;
	[tilespmem:s12+$0x0] =	vst v43;
	v53 =	vmul.f32 v45, v4;
	v54 =	vmul.f32 v47, v8  }
0x105: {  	v46 =	vmax.f32 v41, $0.0e+00;
	[tilespmem:s12+$0x10] =	vst v44;
	v55 =	vmul.f32 v45, v1;
	v56 =	vmul.f32 v47, v5  }
0x106: {  	[tilespmem:s12+$0xFFFFFFC0] =	vst v15;
	v57 =	vmul.f32 v45, v2;
	v58 =	vmul.f32 v47, v6;
	v19 =	vadd.f32 v54, v53  }
0x107: {  	[tilespmem:s12+$0xFFFFFFD0] =	vst v16;
	v15 =	vmul.f32 v45, v3;
	v20 =	vmul.f32 v47, v7;
	v23 =	vadd.f32 v56, v55  }
0x108: {  	v59 =	vmul.f32 v21, v7;
	[tilespmem:s12+$0xFFFFFFE0] =	vst v14;
	v18 =	vadd.f32 v58, v57;
	v19 =	vadd.f32 v19, v12  }
0x109: {  	v14 =	vmul.f32 v21, v8;
	[tilespmem:s12+$0xFFFFFFF0] =	vst v13;
	v15 =	vadd.f32 v20, v15;
	v60 =	vadd.f32 v23, v9  }
0x10a: {  	[tilespmem:s12+$0x20] =	vst v46;
	s12 =	sadd.s32 $0x80, s12;
	v17 =	vadd.f32 v51, v48;
	v13 =	vadd.f32 v18, v10;
	v61 =	vmax.f32 v19, $0.0e+00  }
0x10b: {  	v62 =	vadd.f32 v52, v49;
	v15 =	vadd.f32 v15, v11;
	v20 =	vmax.f32 v60, $0.0e+00;
	[tilespmem:s12+$0x30] =	vst v61  }
0x10c: {  	v16 =	vadd.f32 v59, v50;
	v17 =	vadd.f32 v17, v9;
	v13 =	vmax.f32 v13, $0.0e+00;
	[tilespmem:s12+$0x0] =	vst v20  }
0x10d: {  	v14 =	vadd.f32 v14, v22;
	v63 =	vadd.f32 v62, v10;
	v15 =	vmax.f32 v15, $0.0e+00;
	[tilespmem:s12+$0x10] =	vst v13  }
0x10e: {  	v16 =	vadd.f32 v16, v11;
	v13 =	vmax.f32 v17, $0.0e+00;
	[tilespmem:s12+$0x20] =	vst v15  }
0x10f: {  	v14 =	vadd.f32 v14, v12;
	[tilespmem:s12+$0xFFFFFFC0] =	vst v13;
	v13 =	vmax.f32 v63, $0.0e+00  }
0x110: {  	[tilespmem:s12+$0xFFFFFFD0] =	vst v13;
	v13 =	vmax.f32 v16, $0.0e+00  }
0x111: {  	[tilespmem:s12+$0xFFFFFFE0] =	vst v13;
	v13 =	vmax.f32 v14, $0.0e+00  }
0x112: {  	s13 =	simm.s32 $0x0;
	[tilespmem:s12+$0xFFFFFFF0] =	vst v13;
	s12 =	simm.s32 $0x0  }
0x113: {  	[spmem:s3] =	stream.indirect.scatter.add.f32 [tilespmem:s0], [sflag:$0x2], $0x40, s31, s30, $0xb8;
	[tilespmem:$0x12240] =	vst v63  }
.LBB2_9:
0x114: {  	s14 =	sshll.u32 s13, $0x1  }
0x115: {  	_ =	swait.ge [sflag:s1], $0x1400;
	s16 =	sadd.s32 $0x2, s14  }
0x116: {  	[sflag:s1] =	ssyncset.done $0x0;
	s15 =	smul.u32 $0x50, s16  }
0x117: {  	[sflag:s1] =	ssyncadd.s32 $0xFFFFEC00  }
0x118: {  	v13 =	vld [tilespmem:s15+$0x2710];
	_ =	sdelay $0x7  }
0x119: {  	v13 =	vld.idx.msk [tilespmem:v13+s12+$0x0], $0xffff;
	_ =	sdelay $0x4  }
0x11a: {  	[tilespmem:$0x55F0] =	vst v13  }
0x11b: {  	v13 =	vld [tilespmem:s15+$0x2720];
	_ =	sdelay $0x7  }
0x11c: {  	v13 =	vld.idx.msk [tilespmem:v13+s12+$0x0], $0xffff;
	_ =	sdelay $0x4  }
0x11d: {  	[tilespmem:$0x5600] =	vst v13  }
0x11e: {  	v13 =	vld [tilespmem:s15+$0x2730];
	_ =	sdelay $0x7  }
0x11f: {  	v13 =	vld.idx.msk [tilespmem:v13+s12+$0x0], $0xffff;
	_ =	sdelay $0x4  }
0x120: {  	[tilespmem:$0x5610] =	vst v13  }
0x121: {  	v13 =	vld [tilespmem:s15+$0x2740];
	_ =	sdelay $0x7  }
0x122: {  	v13 =	vld.idx.msk [tilespmem:v13+s12+$0x0], $0xffff;
	_ =	sdelay $0x4  }
0x123: {  	[tilespmem:$0x5620] =	vst v13  }
0x124: {  	v13 =	vld [tilespmem:s15+$0x2750];
	_ =	sdelay $0x4  }
0x125: {  	v14 =	vmov s16  }
0x126: {  	v14 =	vmul.u32 $0x50, v14;
	_ =	sdelay $0x1  }
0x127: {  	v15 =	vld.idx.msk [tilespmem:v13+s12+$0x0], $0xffff;
	v13 =	vbroadcast v14, $0x0;
	v14 =	vmov s12  }
0x128: {  	v16 =	vand.u32 $0x78, v14  }
0x129: {  	v17 =	vand.u32 $0x6, v14;
	v16 =	vadd.s32 v13, v16  }
0x12a: {  	v16 =	vor.u32 v17, v16  }
0x12b: {  	s18 =	simm.s32 $0x1  }
0x12c: {  	v17 =	vmov s18;
	[tilespmem:$0x5630] =	vst v15  }
0x12d: {  	v18 =	vand.u32 $0x78, v17;
	v14 =	vld.idx.msk [tilespmem:v14+s29+$0x0], $0xffff  }
0x12e: {  	v15 =	vand.u32 $0x7, v17;
	v18 =	vadd.s32 v13, v18  }
0x12f: {  	v15 =	vor.u32 v15, v18;
	v16 =	vld.idx.msk [tilespmem:v16+s28+$0x0], $0xffff;
	_ =	sdelay $0x1  }
0x130: {  	v17 =	vld.idx.msk [tilespmem:v17+s29+$0x0], $0xffff  }
0x131: {  	s17 =	simm.s32 $0x2;
	v18 =	vmul.f32 v14, v1  }
0x132: {  	v21 =	vmov s17;
	v19 =	vmul.f32 v14, v2;
	v20 =	vmul.f32 v14, v3  }
0x133: {  	v24 =	vand.u32 $0x6, v21;
	v15 =	vld.idx.msk [tilespmem:v15+s28+$0x0], $0xffff;
	v14 =	vmul.f32 v14, v4;
	v22 =	vmul.f32 v16, v5  }
0x134: {  	v26 =	vand.u32 $0x78, v21;
	v23 =	vmul.f32 v16, v6;
	v25 =	vmul.f32 v16, v7  }
0x135: {  	v26 =	vadd.s32 v13, v26;
	v16 =	vmul.f32 v16, v8;
	v27 =	vmul.f32 v17, v1  }
0x136: {  	v24 =	vor.u32 v24, v26;
	v28 =	vmul.f32 v17, v2;
	v29 =	vmul.f32 v17, v4  }
0x137: {  	v17 =	vmul.f32 v17, v3;
	v18 =	vadd.f32 v22, v18;
	v19 =	vadd.f32 v23, v19  }
0x138: {  	v20 =	vadd.f32 v25, v20;
	v30 =	vmul.f32 v15, v8;
	v26 =	vmul.f32 v15, v5  }
0x139: {  	s18 =	simm.s32 $0x3;
	v14 =	vadd.f32 v16, v14;
	v31 =	vmul.f32 v15, v6;
	v15 =	vmul.f32 v15, v7  }
0x13a: {  	v22 =	vadd.f32 v30, v29;
	v29 =	vmov s18;
	v26 =	vadd.f32 v26, v27  }
0x13b: {  	v27 =	vadd.f32 v31, v28;
	v15 =	vadd.f32 v15, v17;
	v28 =	vand.u32 $0x78, v29  }
0x13c: {  	v21 =	vld.idx.msk [tilespmem:v21+s29+$0x0], $0xffff;
	v17 =	vadd.f32 v22, v12;
	v22 =	vand.u32 $0x7, v29;
	v28 =	vadd.s32 v13, v28  }
0x13d: {  	s17 =	simm.s32 $0x4;
	v24 =	vld.idx.msk [tilespmem:v24+s28+$0x0], $0xffff;
	v18 =	vadd.f32 v18, v9;
	v26 =	vadd.f32 v26, v9;
	v22 =	vor.u32 v22, v28  }
0x13e: {  	v16 =	vmov s17;
	v27 =	vadd.f32 v27, v10;
	v15 =	vadd.f32 v15, v11  }
0x13f: {  	v19 =	vadd.f32 v19, v10;
	v17 =	vmax.f32 v17, $0.0e+00;
	v23 =	vmax.f32 v26, $0.0e+00  }
0x140: {  	s16 =	simm.s32 $0x5680;
	v25 =	vmax.f32 v27, $0.0e+00;
	v26 =	vmax.f32 v15, $0.0e+00;
	v15 =	vadd.f32 v20, v11  }
0x141: {  	v27 =	vmax.f32 v18, $0.0e+00;
	v18 =	vadd.f32 v14, v12;
	v14 =	vmul.f32 v21, v4;
	v28 =	vld.idx.msk [tilespmem:v29+s29+$0x0], $0xffff;
	[tilespmem:s16+$0x30] =	vst v17  }
0x142: {  	v20 =	vmul.f32 v24, v6;
	v29 =	vmax.f32 v19, $0.0e+00;
	v17 =	vmul.f32 v21, v2;
	[tilespmem:s16+$0x0] =	vst v23;
	v30 =	vld.idx.msk [tilespmem:v22+s28+$0x0], $0xffff  }
0x143: {  	[tilespmem:s16+$0x10] =	vst v25;
	v25 =	vmul.f32 v24, v5;
	v23 =	vand.u32 $0x78, v16;
	v19 =	vmul.f32 v24, v7  }
0x144: {  	v31 =	vmax.f32 v15, $0.0e+00;
	v15 =	vmul.f32 v21, v3;
	v32 =	vmax.f32 v18, $0.0e+00  }
0x145: {  	[tilespmem:s16+$0x20] =	vst v26;
	v18 =	vmul.f32 v24, v8;
	v26 =	vadd.s32 v13, v23;
	v22 =	vmul.f32 v21, v1  }
0x146: {  	[tilespmem:s16+$0xFFFFFFC0] =	vst v27;
	v21 =	vand.u32 $0x6, v16;
	v24 =	vmul.f32 v28, v1;
	v23 =	vmul.f32 v28, v2  }
0x147: {  	[tilespmem:s16+$0xFFFFFFD0] =	vst v29;
	v21 =	vor.u32 v21, v26;
	v29 =	vmul.f32 v28, v4;
	v33 =	vmul.f32 v30, v8  }
0x148: {  	[tilespmem:s16+$0xFFFFFFE0] =	vst v31;
	v22 =	vadd.f32 v25, v22;
	v26 =	vmul.f32 v30, v5;
	v25 =	vmul.f32 v30, v6  }
0x149: {  	s17 =	simm.s32 $0x6;
	s18 =	simm.s32 $0x5;
	[tilespmem:s16+$0xFFFFFFF0] =	vst v32;
	v27 =	vmul.f32 v28, v3;
	v28 =	vmul.f32 v30, v7;
	v29 =	vadd.f32 v33, v29  }
.LBB2_10:
0x14a: {  	p0 =	slt.u32 s17, $0x4E;
	v30 =	vmov s18;
	v24 =	vadd.f32 v26, v24;
	v23 =	vadd.f32 v25, v23  }
0x14b: {  	v25 =	vand.u32 $0x78, v30;
	v26 =	vadd.f32 v28, v27;
	v27 =	vadd.f32 v29, v12  }
0x14c: {  	v28 =	vand.u32 $0x7, v30;
	v25 =	vadd.s32 v13, v25;
	v24 =	vadd.f32 v24, v9  }
0x14d: {  	s16 =	sadd.s32 $0x80, s16;
	v29 =	vld.idx.msk [tilespmem:v16+s29+$0x0], $0xffff;
	v25 =	vor.u32 v28, v25;
	v16 =	vadd.f32 v23, v10;
	v23 =	vmax.f32 v27, $0.0e+00  }
0x14e: {  	v17 =	vadd.f32 v20, v17;
	v20 =	vmax.f32 v24, $0.0e+00;
	v24 =	vadd.f32 v26, v11;
	[tilespmem:s16+$0x30] =	vst v23  }
0x14f: {  	v22 =	vadd.f32 v22, v9;
	v15 =	vadd.f32 v19, v15;
	v21 =	vld.idx.msk [tilespmem:v21+s28+$0x0], $0xffff;
	[tilespmem:s16+$0x0] =	vst v20;
	v16 =	vmax.f32 v16, $0.0e+00  }
0x150: {  	v14 =	vadd.f32 v18, v14;
	v17 =	vadd.f32 v17, v10;
	[tilespmem:s16+$0x10] =	vst v16;
	v16 =	vmax.f32 v24, $0.0e+00  }
0x151: {  	v18 =	vmax.f32 v22, $0.0e+00;
	v15 =	vadd.f32 v15, v11;
	v27 =	vld.idx.msk [tilespmem:v30+s29+$0x0], $0xffff;
	[tilespmem:s16+$0x20] =	vst v16  }
0x152: {  	v19 =	vadd.f32 v14, v12;
	v16 =	vmov s17;
	v28 =	vld.idx.msk [tilespmem:v25+s28+$0x0], $0xffff;
	[tilespmem:s16+$0xFFFFFFC0] =	vst v18;
	v18 =	vmax.f32 v17, $0.0e+00  }
0x153: {  	v22 =	vmul.f32 v29, v1;
	v17 =	vmul.f32 v29, v2;
	[tilespmem:s16+$0xFFFFFFD0] =	vst v18;
	v18 =	vmax.f32 v15, $0.0e+00  }
0x154: {  	v14 =	vmul.f32 v29, v4;
	v15 =	vmul.f32 v29, v3;
	[tilespmem:s16+$0xFFFFFFE0] =	vst v18;
	v18 =	vmax.f32 v19, $0.0e+00  }
0x155: {  	v25 =	vand.u32 $0x6, v16;
	v26 =	vmul.f32 v21, v5;
	v20 =	vmul.f32 v21, v6;
	[tilespmem:s16+$0xFFFFFFF0] =	vst v18  }
.Ltmp3:
0x156: {  	v23 =	vand.u32 $0x78, v16;
	v19 =	vmul.f32 v21, v7;
	v18 =	vmul.f32 v21, v8;
	(pc) =	sbr.rel @p0 .LBB2_10-.Ltmp3, $4  }
0x157: {  	v21 =	vadd.s32 v13, v23;
	v24 =	vmul.f32 v27, v1;
	v23 =	vmul.f32 v27, v2  }
0x158: {  	v21 =	vor.u32 v25, v21;
	v29 =	vmul.f32 v27, v4;
	v30 =	vmul.f32 v28, v8  }
0x159: {  	v22 =	vadd.f32 v26, v22;
	v26 =	vmul.f32 v28, v5;
	v25 =	vmul.f32 v28, v6  }
0x15a: {  	s18 =	sadd.s32 $0x1, s17;
	s17 =	sadd.s32 $0x2, s17;
	v27 =	vmul.f32 v27, v3;
	v28 =	vmul.f32 v28, v7;
	v29 =	vadd.f32 v30, v29  }
0x15b: {  	v30 =	vmov s18  }
0x15c: {  	v24 =	vadd.f32 v26, v24;
	v23 =	vadd.f32 v25, v23;
	v31 =	vand.u32 $0x78, v30  }
0x15d: {  	v17 =	vadd.f32 v20, v17;
	v13 =	vadd.s32 v13, v31;
	v31 =	vand.u32 $0x7, v30  }
0x15e: {  	v22 =	vadd.f32 v22, v9;
	v15 =	vadd.f32 v19, v15;
	v13 =	vor.u32 v31, v13  }
0x15f: {  	v16 =	vld.idx.msk [tilespmem:v16+s29+$0x0], $0xffff;
	v14 =	vadd.f32 v18, v14;
	v25 =	vadd.f32 v29, v12  }
0x160: {  	v20 =	vld.idx.msk [tilespmem:v21+s28+$0x0], $0xffff;
	v26 =	vadd.f32 v28, v27;
	v24 =	vadd.f32 v24, v9  }
0x161: {  	v23 =	vadd.f32 v23, v10;
	v17 =	vadd.f32 v17, v10  }
0x162: {  	v15 =	vadd.f32 v15, v11;
	v21 =	vmax.f32 v24, $0.0e+00;
	v24 =	vadd.f32 v26, v11;
	v26 =	vld.idx.msk [tilespmem:v30+s29+$0x0], $0xffff  }
0x163: {  	s16 =	sadd.s32 $0x80, s16;
	v14 =	vadd.f32 v14, v12;
	v25 =	vmax.f32 v25, $0.0e+00;
	v19 =	vmax.f32 v23, $0.0e+00;
	v13 =	vld.idx.msk [tilespmem:v13+s28+$0x0], $0xffff  }
0x164: {  	v17 =	vmax.f32 v17, $0.0e+00;
	[tilespmem:s16+$0x30] =	vst v25;
	v23 =	vmul.f32 v16, v1;
	v27 =	vmul.f32 v16, v3  }
0x165: {  	v15 =	vmax.f32 v15, $0.0e+00;
	v25 =	vmul.f32 v20, v5;
	v28 =	vmul.f32 v20, v6;
	[tilespmem:s16+$0xFFFFFFD0] =	vst v17  }
0x166: {  	v14 =	vmax.f32 v14, $0.0e+00;
	v17 =	vmul.f32 v20, v7;
	[tilespmem:s16+$0xFFFFFFE0] =	vst v15;
	v15 =	vmul.f32 v20, v8  }
0x167: {  	[tilespmem:s16+$0xFFFFFFF0] =	vst v14;
	v18 =	vmax.f32 v24, $0.0e+00;
	v24 =	vmul.f32 v16, v2;
	v14 =	vadd.f32 v25, v23  }
0x168: {  	v22 =	vmax.f32 v22, $0.0e+00;
	[tilespmem:s16+$0x0] =	vst v21;
	v21 =	vmul.f32 v26, v4;
	v29 =	vmul.f32 v13, v8  }
0x169: {  	[tilespmem:s16+$0x10] =	vst v19;
	v14 =	vadd.f32 v14, v9;
	v19 =	vmul.f32 v26, v1;
	v30 =	vmul.f32 v13, v5  }
0x16a: {  	[tilespmem:s16+$0x20] =	vst v18;
	v18 =	vmul.f32 v26, v2;
	v31 =	vmul.f32 v13, v6;
	v21 =	vadd.f32 v29, v21  }
0x16b: {  	[tilespmem:s16+$0xFFFFFFC0] =	vst v22;
	v22 =	vmul.f32 v26, v3;
	v13 =	vmul.f32 v13, v7;
	v19 =	vadd.f32 v30, v19  }
0x16c: {  	v16 =	vmul.f32 v16, v4;
	v18 =	vadd.f32 v31, v18;
	v21 =	vadd.f32 v21, v12  }
0x16d: {  	s16 =	sadd.s32 $0x80, s16;
	v14 =	vmax.f32 v14, $0.0e+00;
	v13 =	vadd.f32 v13, v22;
	v19 =	vadd.f32 v19, v9  }
0x16e: {  	[tilespmem:s16+$0xFFFFFFC0] =	vst v14;
	v18 =	vadd.f32 v18, v10;
	v20 =	vmax.f32 v21, $0.0e+00;
	v21 =	vadd.f32 v28, v24  }
0x16f: {  	v17 =	vadd.f32 v17, v27;
	v13 =	vadd.f32 v13, v11;
	v19 =	vmax.f32 v19, $0.0e+00;
	[tilespmem:s16+$0x30] =	vst v20  }
0x170: {  	v15 =	vadd.f32 v15, v16;
	v18 =	vmax.f32 v18, $0.0e+00;
	[tilespmem:s16+$0x0] =	vst v19;
	v19 =	vadd.f32 v21, v10  }
0x171: {  	v16 =	vadd.f32 v17, v11;
	v13 =	vmax.f32 v13, $0.0e+00;
	[tilespmem:s16+$0x10] =	vst v18  }
0x172: {  	v14 =	vadd.f32 v15, v12;
	[tilespmem:s16+$0x20] =	vst v13;
	v13 =	vmax.f32 v19, $0.0e+00  }
0x173: {  	[tilespmem:s16+$0xFFFFFFD0] =	vst v13;
	v13 =	vmax.f32 v16, $0.0e+00  }
0x174: {  	[tilespmem:s16+$0xFFFFFFE0] =	vst v13;
	v13 =	vmax.f32 v14, $0.0e+00  }
0x175: {  	s15 =	sadd.s32 $0x36B0, s15;
	[tilespmem:s16+$0xFFFFFFF0] =	vst v13  }
0x176: {  	[spmem:s3] =	stream.indirect.scatter.add.f32 [tilespmem:s23], [sflag:$0x1], $0x40, s15, s30, $0xb8;
	[tilespmem:$0x12240] =	vst v63  }
0x177: {  	s16 =	sadd.s32 $0x3, s14;
	_ =	swait.ge [sflag:s2], $0x1400  }
0x178: {  	s14 =	smul.u32 $0x50, s16;
	[sflag:s2] =	ssyncset.done $0x0  }
0x179: {  	[sflag:s2] =	ssyncadd.s32 $0xFFFFEC00  }
0x17a: {  	v13 =	vld [tilespmem:s14+$0x2710];
	_ =	sdelay $0x6  }
0x17b: {  	s17 =	simm.s32 $0x0  }
0x17c: {  	v13 =	vld.idx.msk [tilespmem:v13+s17+$0x0], $0xffff;
	_ =	sdelay $0x4  }
0x17d: {  	[tilespmem:$0x55F0] =	vst v13  }
0x17e: {  	v13 =	vld [tilespmem:s14+$0x2720];
	_ =	sdelay $0x7  }
0x17f: {  	v13 =	vld.idx.msk [tilespmem:v13+s17+$0x0], $0xffff;
	_ =	sdelay $0x4  }
0x180: {  	[tilespmem:$0x5600] =	vst v13  }
0x181: {  	v13 =	vld [tilespmem:s14+$0x2730];
	_ =	sdelay $0x7  }
0x182: {  	v13 =	vld.idx.msk [tilespmem:v13+s17+$0x0], $0xffff;
	_ =	sdelay $0x4  }
0x183: {  	[tilespmem:$0x5610] =	vst v13  }
0x184: {  	v13 =	vld [tilespmem:s14+$0x2740];
	_ =	sdelay $0x7  }
0x185: {  	v13 =	vld.idx.msk [tilespmem:v13+s17+$0x0], $0xffff;
	_ =	sdelay $0x4  }
0x186: {  	[tilespmem:$0x5620] =	vst v13  }
0x187: {  	v13 =	vld [tilespmem:s14+$0x2750];
	_ =	sdelay $0x4  }
0x188: {  	v14 =	vmov s16  }
0x189: {  	v14 =	vmul.u32 $0x50, v14;
	_ =	sdelay $0x1  }
0x18a: {  	v15 =	vld.idx.msk [tilespmem:v13+s17+$0x0], $0xffff;
	v13 =	vbroadcast v14, $0x0;
	v14 =	vmov s17  }
0x18b: {  	v16 =	vand.u32 $0x78, v14  }
0x18c: {  	v17 =	vand.u32 $0x6, v14;
	v16 =	vadd.s32 v13, v16  }
0x18d: {  	v16 =	vor.u32 v17, v16  }
0x18e: {  	s18 =	simm.s32 $0x1  }
0x18f: {  	v17 =	vmov s18;
	[tilespmem:$0x5630] =	vst v15  }
0x190: {  	v18 =	vand.u32 $0x78, v17;
	v14 =	vld.idx.msk [tilespmem:v14+s29+$0x0], $0xffff  }
0x191: {  	v15 =	vand.u32 $0x7, v17;
	v18 =	vadd.s32 v13, v18  }
0x192: {  	v15 =	vor.u32 v15, v18;
	v16 =	vld.idx.msk [tilespmem:v16+s28+$0x0], $0xffff;
	_ =	sdelay $0x1  }
0x193: {  	v17 =	vld.idx.msk [tilespmem:v17+s29+$0x0], $0xffff  }
0x194: {  	s16 =	simm.s32 $0x2;
	v18 =	vmul.f32 v14, v1  }
0x195: {  	v21 =	vmov s16;
	v19 =	vmul.f32 v14, v2;
	v20 =	vmul.f32 v14, v3  }
0x196: {  	v24 =	vand.u32 $0x6, v21;
	v15 =	vld.idx.msk [tilespmem:v15+s28+$0x0], $0xffff;
	v14 =	vmul.f32 v14, v4;
	v22 =	vmul.f32 v16, v5  }
0x197: {  	v26 =	vand.u32 $0x78, v21;
	v23 =	vmul.f32 v16, v6;
	v25 =	vmul.f32 v16, v7  }
0x198: {  	v26 =	vadd.s32 v13, v26;
	v16 =	vmul.f32 v16, v8;
	v27 =	vmul.f32 v17, v1  }
0x199: {  	v24 =	vor.u32 v24, v26;
	v28 =	vmul.f32 v17, v2;
	v29 =	vmul.f32 v17, v4  }
0x19a: {  	v17 =	vmul.f32 v17, v3;
	v18 =	vadd.f32 v22, v18;
	v19 =	vadd.f32 v23, v19  }
0x19b: {  	v20 =	vadd.f32 v25, v20;
	v30 =	vmul.f32 v15, v8;
	v26 =	vmul.f32 v15, v5  }
0x19c: {  	s17 =	simm.s32 $0x3;
	v14 =	vadd.f32 v16, v14;
	v31 =	vmul.f32 v15, v6;
	v15 =	vmul.f32 v15, v7  }
0x19d: {  	v22 =	vadd.f32 v30, v29;
	v29 =	vmov s17;
	v26 =	vadd.f32 v26, v27  }
0x19e: {  	v27 =	vadd.f32 v31, v28;
	v15 =	vadd.f32 v15, v17;
	v28 =	vand.u32 $0x78, v29  }
0x19f: {  	v21 =	vld.idx.msk [tilespmem:v21+s29+$0x0], $0xffff;
	v17 =	vadd.f32 v22, v12;
	v22 =	vand.u32 $0x7, v29;
	v28 =	vadd.s32 v13, v28  }
0x1a0: {  	s18 =	simm.s32 $0x4;
	v24 =	vld.idx.msk [tilespmem:v24+s28+$0x0], $0xffff;
	v18 =	vadd.f32 v18, v9;
	v26 =	vadd.f32 v26, v9;
	v22 =	vor.u32 v22, v28  }
0x1a1: {  	v16 =	vmov s18;
	v27 =	vadd.f32 v27, v10;
	v15 =	vadd.f32 v15, v11  }
0x1a2: {  	v19 =	vadd.f32 v19, v10;
	v17 =	vmax.f32 v17, $0.0e+00;
	v23 =	vmax.f32 v26, $0.0e+00  }
0x1a3: {  	s15 =	simm.s32 $0x6A80;
	v25 =	vmax.f32 v27, $0.0e+00;
	v26 =	vmax.f32 v15, $0.0e+00;
	v15 =	vadd.f32 v20, v11  }
0x1a4: {  	v27 =	vmax.f32 v18, $0.0e+00;
	v18 =	vadd.f32 v14, v12;
	v14 =	vmul.f32 v21, v4;
	v28 =	vld.idx.msk [tilespmem:v29+s29+$0x0], $0xffff;
	[tilespmem:s15+$0x30] =	vst v17  }
0x1a5: {  	v20 =	vmul.f32 v24, v6;
	v29 =	vmax.f32 v19, $0.0e+00;
	v17 =	vmul.f32 v21, v2;
	[tilespmem:s15+$0x0] =	vst v23;
	v30 =	vld.idx.msk [tilespmem:v22+s28+$0x0], $0xffff  }
0x1a6: {  	[tilespmem:s15+$0x10] =	vst v25;
	v25 =	vmul.f32 v24, v5;
	v23 =	vand.u32 $0x78, v16;
	v19 =	vmul.f32 v24, v7  }
0x1a7: {  	v31 =	vmax.f32 v15, $0.0e+00;
	v15 =	vmul.f32 v21, v3;
	v32 =	vmax.f32 v18, $0.0e+00  }
0x1a8: {  	[tilespmem:s15+$0x20] =	vst v26;
	v18 =	vmul.f32 v24, v8;
	v26 =	vadd.s32 v13, v23;
	v22 =	vmul.f32 v21, v1  }
0x1a9: {  	[tilespmem:s15+$0xFFFFFFC0] =	vst v27;
	v21 =	vand.u32 $0x6, v16;
	v24 =	vmul.f32 v28, v1;
	v23 =	vmul.f32 v28, v2  }
0x1aa: {  	[tilespmem:s15+$0xFFFFFFD0] =	vst v29;
	v21 =	vor.u32 v21, v26;
	v29 =	vmul.f32 v28, v4;
	v33 =	vmul.f32 v30, v8  }
0x1ab: {  	[tilespmem:s15+$0xFFFFFFE0] =	vst v31;
	v22 =	vadd.f32 v25, v22;
	v26 =	vmul.f32 v30, v5;
	v25 =	vmul.f32 v30, v6  }
0x1ac: {  	s16 =	simm.s32 $0x6;
	s17 =	simm.s32 $0x5;
	[tilespmem:s15+$0xFFFFFFF0] =	vst v32;
	v27 =	vmul.f32 v28, v3;
	v28 =	vmul.f32 v30, v7;
	v29 =	vadd.f32 v33, v29  }
.LBB2_12:
0x1ad: {  	p0 =	slt.u32 s16, $0x4E;
	v30 =	vmov s17;
	v24 =	vadd.f32 v26, v24;
	v23 =	vadd.f32 v25, v23  }
0x1ae: {  	v25 =	vand.u32 $0x78, v30;
	v26 =	vadd.f32 v28, v27;
	v27 =	vadd.f32 v29, v12  }
0x1af: {  	v28 =	vand.u32 $0x7, v30;
	v25 =	vadd.s32 v13, v25;
	v24 =	vadd.f32 v24, v9  }
0x1b0: {  	s15 =	sadd.s32 $0x80, s15;
	v29 =	vld.idx.msk [tilespmem:v16+s29+$0x0], $0xffff;
	v25 =	vor.u32 v28, v25;
	v16 =	vadd.f32 v23, v10;
	v23 =	vmax.f32 v27, $0.0e+00  }
0x1b1: {  	v17 =	vadd.f32 v20, v17;
	v20 =	vmax.f32 v24, $0.0e+00;
	v24 =	vadd.f32 v26, v11;
	[tilespmem:s15+$0x30] =	vst v23  }
0x1b2: {  	v22 =	vadd.f32 v22, v9;
	v15 =	vadd.f32 v19, v15;
	v21 =	vld.idx.msk [tilespmem:v21+s28+$0x0], $0xffff;
	[tilespmem:s15+$0x0] =	vst v20;
	v16 =	vmax.f32 v16, $0.0e+00  }
0x1b3: {  	v14 =	vadd.f32 v18, v14;
	v17 =	vadd.f32 v17, v10;
	[tilespmem:s15+$0x10] =	vst v16;
	v16 =	vmax.f32 v24, $0.0e+00  }
0x1b4: {  	v18 =	vmax.f32 v22, $0.0e+00;
	v15 =	vadd.f32 v15, v11;
	v27 =	vld.idx.msk [tilespmem:v30+s29+$0x0], $0xffff;
	[tilespmem:s15+$0x20] =	vst v16  }
0x1b5: {  	v19 =	vadd.f32 v14, v12;
	v16 =	vmov s16;
	v28 =	vld.idx.msk [tilespmem:v25+s28+$0x0], $0xffff;
	[tilespmem:s15+$0xFFFFFFC0] =	vst v18;
	v18 =	vmax.f32 v17, $0.0e+00  }
0x1b6: {  	v22 =	vmul.f32 v29, v1;
	v17 =	vmul.f32 v29, v2;
	[tilespmem:s15+$0xFFFFFFD0] =	vst v18;
	v18 =	vmax.f32 v15, $0.0e+00  }
0x1b7: {  	v14 =	vmul.f32 v29, v4;
	v15 =	vmul.f32 v29, v3;
	[tilespmem:s15+$0xFFFFFFE0] =	vst v18;
	v18 =	vmax.f32 v19, $0.0e+00  }
0x1b8: {  	v25 =	vand.u32 $0x6, v16;
	v26 =	vmul.f32 v21, v5;
	v20 =	vmul.f32 v21, v6;
	[tilespmem:s15+$0xFFFFFFF0] =	vst v18  }
.Ltmp4:
0x1b9: {  	v23 =	vand.u32 $0x78, v16;
	v19 =	vmul.f32 v21, v7;
	v18 =	vmul.f32 v21, v8;
	(pc) =	sbr.rel @p0 .LBB2_12-.Ltmp4, $4  }
0x1ba: {  	v21 =	vadd.s32 v13, v23;
	v24 =	vmul.f32 v27, v1;
	v23 =	vmul.f32 v27, v2  }
0x1bb: {  	v21 =	vor.u32 v25, v21;
	v29 =	vmul.f32 v27, v4;
	v30 =	vmul.f32 v28, v8  }
0x1bc: {  	v22 =	vadd.f32 v26, v22;
	v26 =	vmul.f32 v28, v5;
	v25 =	vmul.f32 v28, v6  }
0x1bd: {  	s17 =	sadd.s32 $0x1, s16;
	s16 =	sadd.s32 $0x2, s16;
	v27 =	vmul.f32 v27, v3;
	v28 =	vmul.f32 v28, v7;
	v29 =	vadd.f32 v30, v29  }
0x1be: {  	v30 =	vmov s17  }
0x1bf: {  	v24 =	vadd.f32 v26, v24;
	v23 =	vadd.f32 v25, v23;
	v31 =	vand.u32 $0x78, v30  }
0x1c0: {  	v17 =	vadd.f32 v20, v17;
	v38 =	vand.u32 $0x7, v30;
	v13 =	vadd.s32 v13, v31  }
0x1c1: {  	v22 =	vadd.f32 v22, v9;
	v15 =	vadd.f32 v19, v15;
	v13 =	vor.u32 v38, v13  }
0x1c2: {  	v16 =	vld.idx.msk [tilespmem:v16+s29+$0x0], $0xffff;
	v14 =	vadd.f32 v18, v14;
	v39 =	vadd.f32 v29, v12  }
0x1c3: {  	v41 =	vld.idx.msk [tilespmem:v21+s28+$0x0], $0xffff;
	v40 =	vadd.f32 v28, v27;
	v24 =	vadd.f32 v24, v9  }
0x1c4: {  	v23 =	vadd.f32 v23, v10;
	v17 =	vadd.f32 v17, v10  }
0x1c5: {  	v22 =	vmax.f32 v22, $0.0e+00;
	v15 =	vadd.f32 v15, v11;
	v14 =	vadd.f32 v14, v12;
	v44 =	vld.idx.msk [tilespmem:v30+s29+$0x0], $0xffff  }
0x1c6: {  	v25 =	vmax.f32 v39, $0.0e+00;
	v43 =	vadd.f32 v40, v11;
	v42 =	vmax.f32 v24, $0.0e+00;
	v13 =	vld.idx.msk [tilespmem:v13+s28+$0x0], $0xffff  }
0x1c7: {  	v45 =	vmax.f32 v23, $0.0e+00;
	v17 =	vmax.f32 v17, $0.0e+00;
	v47 =	vmul.f32 v16, v1  }
0x1c8: {  	s15 =	sadd.s32 $0x80, s15;
	v15 =	vmax.f32 v15, $0.0e+00;
	v48 =	vmul.f32 v16, v2;
	v50 =	vmul.f32 v41, v5  }
0x1c9: {  	[tilespmem:s15+$0xFFFFFFC0] =	vst v22;
	v14 =	vmax.f32 v14, $0.0e+00;
	v49 =	vmul.f32 v16, v3;
	v16 =	vmul.f32 v16, v4  }
0x1ca: {  	v51 =	vmul.f32 v41, v6;
	v59 =	vmul.f32 v41, v7;
	[tilespmem:s15+$0xFFFFFFF0] =	vst v14;
	v14 =	vadd.f32 v50, v47  }
0x1cb: {  	[tilespmem:s15+$0x30] =	vst v25;
	v46 =	vmax.f32 v43, $0.0e+00;
	v52 =	vmul.f32 v44, v4;
	v53 =	vmul.f32 v13, v8  }
0x1cc: {  	[tilespmem:s15+$0x0] =	vst v42;
	v14 =	vadd.f32 v14, v9;
	v54 =	vmul.f32 v44, v1;
	v55 =	vmul.f32 v13, v5  }
0x1cd: {  	[tilespmem:s15+$0x10] =	vst v45;
	v56 =	vmul.f32 v44, v2;
	v57 =	vmul.f32 v13, v6;
	v21 =	vadd.f32 v53, v52  }
0x1ce: {  	[tilespmem:s15+$0xFFFFFFD0] =	vst v17;
	v58 =	vmul.f32 v44, v3;
	v13 =	vmul.f32 v13, v7;
	v19 =	vadd.f32 v55, v54  }
0x1cf: {  	[tilespmem:s15+$0xFFFFFFE0] =	vst v15;
	v15 =	vmul.f32 v41, v8;
	v18 =	vadd.f32 v57, v56;
	v21 =	vadd.f32 v21, v12  }
0x1d0: {  	[tilespmem:s15+$0x20] =	vst v46;
	s15 =	sadd.s32 $0x80, s15;
	v14 =	vmax.f32 v14, $0.0e+00;
	v13 =	vadd.f32 v13, v58;
	v19 =	vadd.f32 v19, v9  }
0x1d1: {  	v61 =	vadd.f32 v51, v48;
	[tilespmem:s15+$0xFFFFFFC0] =	vst v14;
	v18 =	vadd.f32 v18, v10;
	v60 =	vmax.f32 v21, $0.0e+00  }
0x1d2: {  	v17 =	vadd.f32 v59, v49;
	v13 =	vadd.f32 v13, v11;
	v19 =	vmax.f32 v19, $0.0e+00;
	[tilespmem:s15+$0x30] =	vst v60  }
0x1d3: {  	s13 =	sadd.s32 $0x1, s13;
	v15 =	vadd.f32 v15, v16;
	v62 =	vadd.f32 v61, v10;
	v18 =	vmax.f32 v18, $0.0e+00;
	[tilespmem:s15+$0x0] =	vst v19  }
0x1d4: {  	p0 =	sne.s32 s13, $0x18;
	v63 =	vadd.f32 v17, v11;
	v13 =	vmax.f32 v13, $0.0e+00;
	[tilespmem:s15+$0x10] =	vst v18  }
.Ltmp5:
0x1d5: {  	v14 =	vadd.f32 v15, v12;
	[tilespmem:s15+$0x20] =	vst v13;
	v13 =	vmax.f32 v62, $0.0e+00;
	(pc) =	sbr.rel @p0 .LBB2_9-.Ltmp5, $4  }
0x1d6: {  	[tilespmem:s15+$0xFFFFFFD0] =	vst v13;
	v13 =	vmax.f32 v63, $0.0e+00  }
0x1d7: {  	[tilespmem:s15+$0xFFFFFFE0] =	vst v13;
	v13 =	vmax.f32 v14, $0.0e+00  }
0x1d8: {  	s14 =	sadd.s32 $0x36B0, s14;
	[tilespmem:s15+$0xFFFFFFF0] =	vst v13  }
0x1d9: {  	[spmem:s3] =	stream.indirect.scatter.add.f32 [tilespmem:s0], [sflag:$0x2], $0x40, s14, s30, $0xb8;
	[tilespmem:$0x12240] =	vst v63  }
0x1da: {  	s4 =	sadd.s32 $0x1, s4  }
0x1db: {  	_ =	swait.ge [sflag:s1], $0x1400;
	p0 =	sne.s32 s4, $0x5  }
.Ltmp6:
0x1dc: {  	[sflag:s1] =	ssyncset.done $0x0;
	(pc) =	sbr.rel @p0 .LBB2_4-.Ltmp6, $4  }
0x1dd: {  	[sflag:s1] =	ssyncadd.s32 $0xFFFFEC00  }
0x1de: {  	_ =	swait.ge [sflag:s2], $0x1400  }
0x1df: {  	[sflag:s2] =	ssyncset.done $0x0  }
0x1e0: {  	[sflag:s2] =	ssyncadd.s32 $0xFFFFEC00  }
0x1e1: {  	s4 =	stileid.u32  }
0x1e2: {  	s4 =	sshll.u32 s4, $0x6  }
0x1e3: {  	[bflag:$0x0] =	sbarrier.arrive $0xFFFF;
	s4 =	sor.u32 $0x1C03, s4  }
0x1e4: {  	[hbm:s20], [sflag:s4] =	dma.local [spmem:s25], $0x1400  }
0x1e5: {  	_ =	swait.ge [sflag:s21], $0x1400  }
0x1e6: {  	s22 =	sadd.s32 $0x1, s22;
	s18 =	rddreg [dreg:$0x5]  }
0x1e7: {  	p0 =	sne.s32 s22, s18  }
.Ltmp7:
0x1e8: {  	_ = 	snop;
	(pc) =	sbr.rel @p0 .LBB2_1-.Ltmp7, $3  }
0x1e9: {  	_ =	sdelay $0x1  }
0x1ea: {  	[sflag:s21] =	ssyncset.done $0x0  }
0x1eb: {  	[sflag:s21] =	ssyncadd.s32 $0xFFFFEC00  }
0x1ec: {  	_ =	sfence.sel $0x180000  }
0x1ed: {  	[bflag:$0x0] =	sbarrier.arrive $0xFFFF  }
0x1ee: {  	_ =	strace $0x90000047  }
0x1ef: {  	s0 =	stileid.u32;
	[bflag:$0x2] =	sbarrier.arrive $0xFFFF  }
0x1f0: {  	p0 =	sne.s32 s0, $0x0;
	s0 =	rddreg [dreg:$0x4]  }
0x1f1: {  	s0 =	sadd.s32 @!p0 $0x100000, s0  }
0x1f2: {  	[sflag:s0] =	ssyncadd.tile.s32 @!p0 $0x1;
	_ =	shalt  }
.Lfunc_end2:
_tile_overlayer_lowered:
.L_overlay_start_2:
0x1f3: {  	(tag) =	ssettag $0x2  }
0x1f4: {  	s0 =	rddreg [dreg:$0x0];
	s2 =	stileid.u32  }
0x1f5: {  	s1 =	rddreg [dreg:$0x1];
	p0 =	sne.s32 s2, $0x0  }
0x1f6: {  	s3 =	rddreg [dreg:$0x2];
	[bflag:$0x3] =	sbarrier.arrive $0xFFFF;
	s2 =	simm.s32 @!p0 $0x1C03  }
0x1f7: {  	[timem:s3], [sflag:s2] =	dma.local @!p0 [hbm:s0], s1  }
0x1f8: {  	s0 =	simm.s32 @!p0 $0x3  }
0x1f9: {  	_ =	swait.ge @!p0 [sflag:s0], s1  }
0x1fa: {  	s1 =	ssub.s32 @!p0 $0x0, s1;
	[sflag:s0] =	ssyncset.done @!p0 $0x0  }
0x1fb: {  	[sflag:s0] =	ssyncadd.s32 @!p0 s1  }
0x1fc: {  	[bflag:$0x3] =	sbarrier.arrive $0xFFFF  }
0x1fd: {  	_ =	shalt  }

</sc_bundles>
